<compile_context>
chip_gen: v7x
topology: tpu7x:2x2x1
jax: 0.10.2.dev20260603
libtpu: 0.0.44.dev20260713+nightly
codegen_flags: <defaults>
</compile_context>

<pallas_src>
import functools

import jax
import jax.numpy as jnp
from jax import lax
from jax.experimental import pallas as pl
from jax.experimental.pallas import tpu as pltpu
from jax.experimental.pallas import tpu_sc as plsc

_N = 10000
_E = 320000
_D = 128
_NC = 2
_NS = 16
_NW = _NC * _NS
_EPT = _E // _NW
_KB = 80
_NB = _EPT // _KB
_KB2 = 80
_CAP = _EPT
_NB2 = _CAP // _KB2
_NP = 10240
_HR = _NP // 128
_NH = 5120
_NPH = 5376
_RPH = _NPH // _NS
_DPT = _NH // _NS
_LANE = 16

_MESH = plsc.VectorSubcoreMesh(core_axis_name="c", subcore_axis_name="s")


def _sc_partition_body(src_hbm, dst_hbm, pads_hbm, padd_hbm,
                       ps1_hbm, pd1_hbm, ps2_hbm, pd2_hbm, cnt_hbm,
                       sidx, didx, ps1, pd1, ps2, pd2, cntv):
    c = lax.axis_index("c")
    s = lax.axis_index("s")
    wid = c * _NS + s
    pltpu.sync_copy(src_hbm.at[wid], sidx)
    pltpu.sync_copy(dst_hbm.at[wid], didx)
    pltpu.sync_copy(pads_hbm, ps1)
    pltpu.sync_copy(pads_hbm, ps2)
    pltpu.sync_copy(padd_hbm, pd1)
    pltpu.sync_copy(padd_hbm, pd2)

    zero16 = jnp.zeros((_LANE,), jnp.int32)

    def chunk(i, carry):
        off1, off2 = carry
        for k in range(_KB // _LANE):
            d = didx[i, pl.ds(k * _LANE, _LANE)]
            sv = sidx[i, pl.ds(k * _LANE, _LANE)]
            m1 = d < _NH
            m2 = jnp.logical_not(m1)
            pos1 = off1 + plsc.cumsum(m1.astype(jnp.int32)) - 1
            pos2 = off2 + plsc.cumsum(m2.astype(jnp.int32)) - 1
            plsc.store_scatter(ps1, [pos1], sv, mask=m1)
            plsc.store_scatter(pd1, [pos1], d, mask=m1)
            plsc.store_scatter(ps2, [pos2], sv, mask=m2)
            plsc.store_scatter(pd2, [pos2], d - _NH, mask=m2)
            off1 = off1 + plsc.all_reduce_population_count(m1)
            off2 = off2 + plsc.all_reduce_population_count(m2)
        return off1, off2

    off1, off2 = lax.fori_loop(0, _NB, chunk, (zero16, zero16), unroll=False)
    cntv[0, pl.ds(0, _LANE)] = off1
    cntv[0, pl.ds(_LANE, _LANE)] = off2
    for t in range(2, 8):
        cntv[0, pl.ds(t * _LANE, _LANE)] = zero16

    pltpu.sync_copy(ps1, ps1_hbm.at[wid])
    pltpu.sync_copy(pd1, pd1_hbm.at[wid])
    pltpu.sync_copy(ps2, ps2_hbm.at[wid])
    pltpu.sync_copy(pd2, pd2_hbm.at[wid])
    pltpu.sync_copy(cntv, cnt_hbm.at[wid])


_flat_idx = jax.ShapeDtypeStruct((_NW, _CAP), jnp.int32)

_sc_partition = functools.partial(
    pl.kernel,
    out_type=[_flat_idx, _flat_idx, _flat_idx, _flat_idx,
              jax.ShapeDtypeStruct((_NW, 1, 128), jnp.int32)],
    mesh=_MESH,
    scratch_types=[
        pltpu.VMEM((_NB, _KB), jnp.int32),
        pltpu.VMEM((_NB, _KB), jnp.int32),
        pltpu.VMEM((_CAP,), jnp.int32),
        pltpu.VMEM((_CAP,), jnp.int32),
        pltpu.VMEM((_CAP,), jnp.int32),
        pltpu.VMEM((_CAP,), jnp.int32),
        pltpu.VMEM((1, 128), jnp.int32),
    ],
    compiler_params=pltpu.CompilerParams(needs_layout_passes=False),
)(_sc_partition_body)


def _sc_aggregate_body(h_hbm, ps1_hbm, pd1_hbm, ps2_hbm, pd2_hbm, cnt_hbm,
                       zrows_hbm, out_hbm,
                       sidx, didx, cntv, buf0, buf1, acc, g0, g1):
    c = lax.axis_index("c")
    s = lax.axis_index("s")
    wid = c * _NS + s
    pltpu.sync_copy(cnt_hbm.at[wid], cntv)

    for p, (ps_hbm, pd_hbm) in enumerate(((ps1_hbm, pd1_hbm),
                                          (ps2_hbm, pd2_hbm))):
        pltpu.sync_copy(ps_hbm.at[wid], sidx)
        pltpu.sync_copy(pd_hbm.at[wid], didx)
        pltpu.sync_copy(zrows_hbm, acc.at[pl.ds(s * _RPH, _RPH)])
        plsc.subcore_barrier()

        cntp = jnp.max(cntv[0, pl.ds(p * _LANE, _LANE)])
        nb = (cntp + (_KB2 - 1)) // _KB2

        def body(i, carry):
            j = i * 2
            cp0 = pltpu.async_copy(h_hbm.at[sidx.at[j]], buf0, g0)
            cp1 = pltpu.async_copy(h_hbm.at[sidx.at[j + 1]], buf1, g1)
            cp0.wait()
            pltpu.sync_copy(buf0, acc.at[didx.at[j]], add=True)
            cp1.wait()
            pltpu.sync_copy(buf1, acc.at[didx.at[j + 1]], add=True)
            return carry

        lax.fori_loop(0, nb // 2, body, 0, unroll=False)

        @pl.when(nb % 2 == 1)
        def _():
            cp = pltpu.async_copy(h_hbm.at[sidx.at[nb - 1]], buf0, g0)
            cp.wait()
            pltpu.sync_copy(buf0, acc.at[didx.at[nb - 1]], add=True)

        plsc.subcore_barrier()
        pltpu.sync_copy(acc.at[pl.ds(s * _DPT, _DPT)],
                        out_hbm.at[c, pl.ds(p * _NH + s * _DPT, _DPT)])
        plsc.subcore_barrier()


_sc_aggregate = functools.partial(
    pl.kernel,
    out_type=jax.ShapeDtypeStruct((_NC, _NP, _D), jnp.float32),
    mesh=_MESH,
    scratch_types=[
        pltpu.VMEM((_NB2, _KB2), jnp.int32),
        pltpu.VMEM((_NB2, _KB2), jnp.int32),
        pltpu.VMEM((1, 128), jnp.int32),
        pltpu.VMEM((_KB2, _D), jnp.float32),
        pltpu.VMEM((_KB2, _D), jnp.float32),
        pltpu.VMEM_SHARED((_NPH, _D), jnp.float32),
        pltpu.SemaphoreType.DMA,
        pltpu.SemaphoreType.DMA,
    ],
    compiler_params=pltpu.CompilerParams(needs_layout_passes=False),
)(_sc_aggregate_body)


def _sc_degree_body(dst_hbm, zh_hbm, out_hbm, didx, hist, idv, acc):
    c = lax.axis_index("c")
    s = lax.axis_index("s")
    wid = c * _NS + s
    pltpu.sync_copy(dst_hbm.at[wid], didx)
    pltpu.sync_copy(zh_hbm, hist)

    @pl.when(s == 0)
    def _():
        pltpu.sync_copy(zh_hbm, acc)

    def mkid(k, carry):
        idv[0, pl.ds(k * _LANE, _LANE)] = lax.iota(jnp.int32, _LANE) + k * _LANE
        return carry

    lax.fori_loop(0, _HR // _LANE, mkid, 0, unroll=False)

    ones = jnp.ones((_LANE,), jnp.float32)

    def body(i, carry):
        for k in range(_KB // _LANE):
            d = didx[i, pl.ds(k * _LANE, _LANE)]
            plsc.addupdate_scatter(hist, [d >> 7, d & 127], ones)
        return carry

    lax.fori_loop(0, _NB, body, 0, unroll=False)

    plsc.subcore_barrier()
    pltpu.sync_copy(hist, acc.at[idv.at[0]], add=True)
    plsc.subcore_barrier()

    @pl.when(s < _HR // 8)
    def _():
        pltpu.sync_copy(acc.at[pl.ds(s * 8, 8)],
                        out_hbm.at[c, pl.ds(s * 8, 8)])


_sc_degree = functools.partial(
    pl.kernel,
    out_type=jax.ShapeDtypeStruct((_NC, _HR, _D), jnp.float32),
    mesh=_MESH,
    scratch_types=[
        pltpu.VMEM((_NB, _KB), jnp.int32),
        pltpu.VMEM((_HR, _D), jnp.float32),
        pltpu.VMEM((1, _HR), jnp.int32),
        pltpu.VMEM_SHARED((_HR, _D), jnp.float32),
    ],
    compiler_params=pltpu.CompilerParams(needs_layout_passes=False),
)(_sc_degree_body)



_BM = 1000


def _r_from_deg(dega_ref, degb_ref):
    deg = dega_ref[...] + degb_ref[...] + 1.0
    return lax.rsqrt(deg)


def _tc_scale_matmul_body(dega_ref, degb_ref, x_ref, w_ref, o_ref):
    r = _r_from_deg(dega_ref, degb_ref)
    o_ref[...] = jnp.dot(x_ref[...], w_ref[...],
                         preferred_element_type=jnp.float32,
                         precision=lax.Precision.HIGHEST) * r


def _tc_layer_body(dega_ref, degb_ref, agga_ref, aggb_ref, hp_ref, b_ref,
                   w_ref, o_ref):
    r = _r_from_deg(dega_ref, degb_ref)
    z = jnp.maximum(r * (agga_ref[...] + aggb_ref[...] + hp_ref[...])
                    + b_ref[...], 0.0)
    o_ref[...] = jnp.dot(z, w_ref[...], preferred_element_type=jnp.float32,
                         precision=lax.Precision.HIGHEST) * r


def _tc_final_body(dega_ref, degb_ref, agga_ref, aggb_ref, hp_ref, b_ref,
                   o_ref):
    r = _r_from_deg(dega_ref, degb_ref)
    o_ref[...] = jnp.maximum(r * (agga_ref[...] + aggb_ref[...] + hp_ref[...])
                             + b_ref[...], 0.0)


_deg_spec = pl.BlockSpec((_BM, 1), lambda i: (i, 0))
_row_spec = pl.BlockSpec((_BM, _D), lambda i: (i, 0))
_w_spec = pl.BlockSpec((_D, _D), lambda i: (0, 0))
_b_spec = pl.BlockSpec((1, _D), lambda i: (0, 0))

_tc_scale_matmul = pl.pallas_call(
    _tc_scale_matmul_body,
    grid=(_N // _BM,),
    in_specs=[_deg_spec, _deg_spec, _row_spec, _w_spec],
    out_specs=_row_spec,
    out_shape=jax.ShapeDtypeStruct((_N, _D), jnp.float32),
)

_tc_layer = pl.pallas_call(
    _tc_layer_body,
    grid=(_N // _BM,),
    in_specs=[_deg_spec, _deg_spec, _row_spec, _row_spec, _row_spec, _b_spec,
              _w_spec],
    out_specs=_row_spec,
    out_shape=jax.ShapeDtypeStruct((_N, _D), jnp.float32),
)

_tc_final = pl.pallas_call(
    _tc_final_body,
    grid=(_N // _BM,),
    in_specs=[_deg_spec, _deg_spec, _row_spec, _row_spec, _row_spec, _b_spec],
    out_specs=_row_spec,
    out_shape=jax.ShapeDtypeStruct((_N, _D), jnp.float32),
)


def kernel(x, edge_index, W1, b1, W2, b2):
    src = edge_index[0].reshape(_NW, _NB, _KB)
    dst = edge_index[1].reshape(_NW, _NB, _KB)
    zrows = jnp.zeros((_RPH, _D), jnp.float32)
    zh = jnp.zeros((_HR, _D), jnp.float32)
    b1r = b1.reshape(1, _D)
    b2r = b2.reshape(1, _D)

    pads = jnp.zeros((_CAP,), jnp.int32)
    padd = (_NH + (jnp.arange(_CAP, dtype=jnp.int32) % 256)).astype(jnp.int32)
    ps1f, pd1f, ps2f, pd2f, cnt = _sc_partition(src, dst, pads, padd)
    ps1 = ps1f.reshape(_NW, _NB2, _KB2)
    pd1 = pd1f.reshape(_NW, _NB2, _KB2)
    ps2 = ps2f.reshape(_NW, _NB2, _KB2)
    pd2 = pd2f.reshape(_NW, _NB2, _KB2)

    dego = _sc_degree(dst, zh)
    dega = dego[0].reshape(_NP)[:_N, None]
    degb = dego[1].reshape(_NP)[:_N, None]

    h1p = _tc_scale_matmul(dega, degb, x, W1)
    a1 = _sc_aggregate(h1p, ps1, pd1, ps2, pd2, cnt, zrows)
    h2p = _tc_layer(dega, degb, a1[0, :_N], a1[1, :_N], h1p, b1r, W2)
    a2 = _sc_aggregate(h2p, ps1, pd1, ps2, pd2, cnt, zrows)
    out = _tc_final(dega, degb, a2[0, :_N], a2[1, :_N], h2p, b2r)
    return out

# --- scband reference (transcript-rebuilt; emitter-appended) ---
"""Pipeline reference for scband-grafo-neuronal-38594576122420 (READ-ONLY COPY).

The authoritative reference and input builder live on the scoring server;
editing this copy changes nothing except your own understanding.
"""

import jax, jax.numpy as jnp
import numpy as np

N = 10000
E = 320000
D = 128
H = 128


def setup_inputs(seed: int = 0) -> dict:
    key = jax.random.key(seed)
    k1, k2, k3, k4 = jax.random.split(key, 4)
    x = jax.random.normal(k1, (N, D), dtype=jnp.float32)
    edge_index = jax.random.randint(k2, (2, E), 0, N, dtype=jnp.int32)
    W1 = jax.random.normal(k3, (D, H), dtype=jnp.float32) * 0.05
    b1 = jnp.zeros((H,), dtype=jnp.float32)
    W2 = jax.random.normal(k4, (H, H), dtype=jnp.float32) * 0.05
    b2 = jnp.zeros((H,), dtype=jnp.float32)
    return {"x": x, "edge_index": edge_index, "W1": W1, "b1": b1, "W2": W2, "b2": b2}


def _gcn_layer(x, src, dst, W, b):
    # GCNConv: relu( D^{-1/2} (A + I) D^{-1/2} X W + b ), edge-list formulation
    n = x.shape[0]
    loop = jnp.arange(n, dtype=src.dtype)
    s = jnp.concatenate([src, loop])
    d = jnp.concatenate([dst, loop])
    deg = jnp.zeros((n,), dtype=x.dtype).at[d].add(1.0)
    norm = jax.lax.rsqrt(deg[s] * deg[d])
    h = x @ W  # dense transform
    msg = h[s] * norm[:, None]  # gather + scale
    agg = jax.ops.segment_sum(msg, d, num_segments=n)  # scatter-add aggregation
    return jax.nn.relu(agg + b)


def reference(x, edge_index, W1, b1, W2, b2):
    src = edge_index[0]
    dst = edge_index[1]
    h = _gcn_layer(x, src, dst, W1, b1)
    out = _gcn_layer(h, src, dst, W2, b2)
    return out

if __name__ == "__main__":
    import jax
    _d = setup_inputs()
    print(jax.jit(kernel)(*tuple(_d.values())))

</pallas_src>

<mosaic_0001>
#map = affine_map<(d0, d1) -> (0, 0, 0)>
#map1 = affine_map<(d0, d1) -> (0, 0)>
module attributes {stable_mosaic.version = 14 : i64} {
  func.func @_sc_degree_body(%arg0: i32, %arg1: i32, %arg2: memref<32x125x80xi32, #tpu.memory_space<hbm>>, %arg3: memref<80x128xf32, #tpu.memory_space<hbm>>, %arg4: memref<2x80x128xf32, #tpu.memory_space<hbm>>, %arg5: memref<125x80xi32, #tpu.memory_space<vmem>>, %arg6: memref<80x128xf32, #tpu.memory_space<vmem>>, %arg7: memref<1x80xi32, #tpu.memory_space<vmem>>, %arg8: memref<80x128xf32, #tpu.memory_space<vmem_shared>>) attributes {dimension_semantics = [#tpu.dimension_semantics<core_parallel>, #tpu.dimension_semantics<subcore_parallel>], iteration_bounds = array<i64: 2, 16>, scalar_prefetch = 0 : i64, scratch_operands = 4 : i64, tpu.core_type = #tpu.core_type<sc_vector_subcore>, window_params = [{transform_indices = #map}, {transform_indices = #map1}, {transform_indices = #map}]} {
    %mul3A = arith.constant 16 : i32
    %mul3A_0 = arith.muli %arg0, %mul3A : i32
    %add3A = arith.addi %mul3A_0, %arg1 : i32
    "tpu.region"() ({
      %run_scoped3A_20 = tpu.sem_alloc : memref<!tpu.dma_semaphore, #tpu.memory_space<semaphore_mem>>
      %dma_start3A = arith.constant 0 : i32
      %dma_start3A_21 = arith.constant 0 : i32
      %dma_start3A_22 = tpu.memref_slice %arg2[%add3A, %dma_start3A, %dma_start3A_21] : memref<32x125x80xi32, #tpu.memory_space<hbm>> -> memref<1x125x80xi32, #tpu.memory_space<hbm>>
      %dma_start3A_23 = tpu.memref_squeeze %dma_start3A_22 : memref<1x125x80xi32, #tpu.memory_space<hbm>> -> memref<125x80xi32, #tpu.memory_space<hbm>>
      %dma_start3A_24 = arith.constant 0 : i32
      %dma_start3A_25 = arith.constant 0 : i32
      %dma_start3A_26 = tpu.memref_slice %arg2[%add3A, %dma_start3A_24, %dma_start3A_25] : memref<32x125x80xi32, #tpu.memory_space<hbm>> -> memref<1x125x80xi32, #tpu.memory_space<hbm>>
      %dma_start3A_27 = tpu.memref_squeeze %dma_start3A_26 : memref<1x125x80xi32, #tpu.memory_space<hbm>> -> memref<125x80xi32, #tpu.memory_space<hbm>>
      tpu.enqueue_dma source(%dma_start3A_27 : memref<125x80xi32, #tpu.memory_space<hbm>>) target(%arg5 : memref<125x80xi32, #tpu.memory_space<vmem>>) target_semaphore(%run_scoped3A_20 : memref<!tpu.dma_semaphore, #tpu.memory_space<semaphore_mem>>)
      %dma_wait3A = arith.constant 0 : i32
      %dma_wait3A_28 = arith.constant 0 : i32
      %dma_wait3A_29 = tpu.memref_slice %arg2[%add3A, %dma_wait3A, %dma_wait3A_28] : memref<32x125x80xi32, #tpu.memory_space<hbm>> -> memref<1x125x80xi32, #tpu.memory_space<hbm>>
      %dma_wait3A_30 = tpu.memref_squeeze %dma_wait3A_29 : memref<1x125x80xi32, #tpu.memory_space<hbm>> -> memref<125x80xi32, #tpu.memory_space<hbm>>
      %dma_wait3A_31 = arith.constant 0 : i32
      %dma_wait3A_32 = arith.constant 0 : i32
      %dma_wait3A_33 = tpu.memref_slice %arg2[%add3A, %dma_wait3A_31, %dma_wait3A_32] : memref<32x125x80xi32, #tpu.memory_space<hbm>> -> memref<1x125x80xi32, #tpu.memory_space<hbm>>
      %dma_wait3A_34 = tpu.memref_squeeze %dma_wait3A_33 : memref<1x125x80xi32, #tpu.memory_space<hbm>> -> memref<125x80xi32, #tpu.memory_space<hbm>>
      tpu.wait_dma2 semaphore(%run_scoped3A_20 : memref<!tpu.dma_semaphore, #tpu.memory_space<semaphore_mem>>) src(%dma_wait3A_34 : memref<125x80xi32, #tpu.memory_space<hbm>>) dst(%arg5 : memref<125x80xi32, #tpu.memory_space<vmem>>)
      tpu.yield
    }) : () -> ()
    "tpu.region"() ({
      %run_scoped3A_20 = tpu.sem_alloc : memref<!tpu.dma_semaphore, #tpu.memory_space<semaphore_mem>>
      tpu.enqueue_dma source(%arg3 : memref<80x128xf32, #tpu.memory_space<hbm>>) target(%arg6 : memref<80x128xf32, #tpu.memory_space<vmem>>) target_semaphore(%run_scoped3A_20 : memref<!tpu.dma_semaphore, #tpu.memory_space<semaphore_mem>>)
      tpu.wait_dma2 semaphore(%run_scoped3A_20 : memref<!tpu.dma_semaphore, #tpu.memory_space<semaphore_mem>>) src(%arg3 : memref<80x128xf32, #tpu.memory_space<hbm>>) dst(%arg6 : memref<80x128xf32, #tpu.memory_space<vmem>>)
      tpu.yield
    }) : () -> ()
    %eq3A = arith.constant 0 : i32
    %eq3A_1 = arith.cmpi eq, %arg1, %eq3A : i32
    %convert_element_type3A = arith.extui %eq3A_1 : i1 to i32
    %cond3A = arith.constant 0 : i32
    %cond3A_2 = arith.cmpi ne, %convert_element_type3A, %cond3A : i32
    scf.if %cond3A_2 {
      "tpu.region"() ({
        %run_scoped3A_20 = tpu.sem_alloc : memref<!tpu.dma_semaphore, #tpu.memory_space<semaphore_mem>>
        tpu.enqueue_dma source(%arg3 : memref<80x128xf32, #tpu.memory_space<hbm>>) target(%arg8 : memref<80x128xf32, #tpu.memory_space<vmem_shared>>) target_semaphore(%run_scoped3A_20 : memref<!tpu.dma_semaphore, #tpu.memory_space<semaphore_mem>>)
        tpu.wait_dma2 semaphore(%run_scoped3A_20 : memref<!tpu.dma_semaphore, #tpu.memory_space<semaphore_mem>>) src(%arg3 : memref<80x128xf32, #tpu.memory_space<hbm>>) dst(%arg8 : memref<80x128xf32, #tpu.memory_space<vmem_shared>>)
        tpu.yield
      }) : () -> ()
    } else {
    }
    %scan3A = arith.constant 0 : i32
    %scan3A_3 = arith.constant 0 : i32
    %scan3A_4 = arith.constant 5 : i32
    %scan3A_5 = arith.addi %scan3A_3, %scan3A_4 : i32
    %scan3A_6 = arith.constant 1 : i32
    scf.for %scan3A_20 = %scan3A_3 to %scan3A_5 step %scan3A_6  : i32 {
      %iota3A = tpu.iota {dimensions = array<i32: 0>} : vector<16xi32>
      %mul3A_21 = arith.constant 16 : i32
      %mul3A_22 = arith.muli %scan3A_20, %mul3A_21 : i32
      %add3A_23 = vector.broadcast %mul3A_22 : i32 to vector<16xi32>
      %add3A_24 = arith.addi %iota3A, %add3A_23 : vector<16xi32>
      %mul3A_25 = arith.constant 16 : i32
      %mul3A_26 = arith.muli %scan3A_20, %mul3A_25 : i32
      %swap3A = arith.constant 0 : i32
      %swap3A_27 = arith.index_cast %swap3A : i32 to index
      %swap3A_28 = arith.index_cast %mul3A_26 : i32 to index
      %swap3A_29 = tpu.vector_load %arg7[%swap3A_27, %swap3A_28] {strides = array<i32>} : memref<1x80xi32, #tpu.memory_space<vmem>>, vector<16xi32>,
      tpu.vector_store %arg7[%swap3A_27, %swap3A_28], %add3A_24 {strides = array<i32>} : memref<1x80xi32, #tpu.memory_space<vmem>>, vector<16xi32>,
    }
    %scan3A_7 = arith.constant 5 : i32
    %broadcast_in_dim3A = arith.constant 1.000000e+00 : f32
    %broadcast_in_dim3A_8 = vector.broadcast %broadcast_in_dim3A : f32 to vector<16xf32>
    %scan3A_9 = arith.constant 0 : i32
    %scan3A_10 = arith.constant 0 : i32
    %scan3A_11 = arith.constant 125 : i32
    %scan3A_12 = arith.addi %scan3A_10, %scan3A_11 : i32
    %scan3A_13 = arith.constant 1 : i32
    scf.for %scan3A_20 = %scan3A_10 to %scan3A_12 step %scan3A_13  : i32 {
      %get3A = arith.index_cast %scan3A_20 : i32 to index
      %get3A_21 = arith.constant 0 : index
      %get3A_22 = tpu.vector_load %arg5[%get3A, %get3A_21] {strides = array<i32>} : memref<125x80xi32, #tpu.memory_space<vmem>>, vector<16xi32>,
      %shift_right_arithmetic3A = arith.constant 7 : i32
      %shift_right_arithmetic3A_23 = vector.broadcast %shift_right_arithmetic3A : i32 to vector<16xi32>
      %shift_right_arithmetic3A_24 = arith.shrsi %get3A_22, %shift_right_arithmetic3A_23 : vector<16xi32>
      %and3A = arith.constant 127 : i32
      %and3A_25 = vector.broadcast %and3A : i32 to vector<16xi32>
      %and3A_26 = arith.andi %get3A_22, %and3A_25 : vector<16xi32>
      tpu.vector_store_idx %arg6[%shift_right_arithmetic3A_24, %and3A_26], %broadcast_in_dim3A_8 {add = true} : memref<80x128xf32, #tpu.memory_space<vmem>>[vector<16xi32>, vector<16xi32>], vector<16xf32>,
      %get3A_27 = arith.index_cast %scan3A_20 : i32 to index
      %get3A_28 = arith.constant 16 : index
      %get3A_29 = tpu.vector_load %arg5[%get3A_27, %get3A_28] {strides = array<i32>} : memref<125x80xi32, #tpu.memory_space<vmem>>, vector<16xi32>,
      %shift_right_arithmetic3A_30 = arith.constant 7 : i32
      %shift_right_arithmetic3A_31 = vector.broadcast %shift_right_arithmetic3A_30 : i32 to vector<16xi32>
      %shift_right_arithmetic3A_32 = arith.shrsi %get3A_29, %shift_right_arithmetic3A_31 : vector<16xi32>
      %and3A_33 = arith.constant 127 : i32
      %and3A_34 = vector.broadcast %and3A_33 : i32 to vector<16xi32>
      %and3A_35 = arith.andi %get3A_29, %and3A_34 : vector<16xi32>
      tpu.vector_store_idx %arg6[%shift_right_arithmetic3A_32, %and3A_35], %broadcast_in_dim3A_8 {add = true} : memref<80x128xf32, #tpu.memory_space<vmem>>[vector<16xi32>, vector<16xi32>], vector<16xf32>,
      %get3A_36 = arith.index_cast %scan3A_20 : i32 to index
      %get3A_37 = arith.constant 32 : index
      %get3A_38 = tpu.vector_load %arg5[%get3A_36, %get3A_37] {strides = array<i32>} : memref<125x80xi32, #tpu.memory_space<vmem>>, vector<16xi32>,
      %shift_right_arithmetic3A_39 = arith.constant 7 : i32
      %shift_right_arithmetic3A_40 = vector.broadcast %shift_right_arithmetic3A_39 : i32 to vector<16xi32>
      %shift_right_arithmetic3A_41 = arith.shrsi %get3A_38, %shift_right_arithmetic3A_40 : vector<16xi32>
      %and3A_42 = arith.constant 127 : i32
      %and3A_43 = vector.broadcast %and3A_42 : i32 to vector<16xi32>
      %and3A_44 = arith.andi %get3A_38, %and3A_43 : vector<16xi32>
      tpu.vector_store_idx %arg6[%shift_right_arithmetic3A_41, %and3A_44], %broadcast_in_dim3A_8 {add = true} : memref<80x128xf32, #tpu.memory_space<vmem>>[vector<16xi32>, vector<16xi32>], vector<16xf32>,
      %get3A_45 = arith.index_cast %scan3A_20 : i32 to index
      %get3A_46 = arith.constant 48 : index
      %get3A_47 = tpu.vector_load %arg5[%get3A_45, %get3A_46] {strides = array<i32>} : memref<125x80xi32, #tpu.memory_space<vmem>>, vector<16xi32>,
      %shift_right_arithmetic3A_48 = arith.constant 7 : i32
      %shift_right_arithmetic3A_49 = vector.broadcast %shift_right_arithmetic3A_48 : i32 to vector<16xi32>
      %shift_right_arithmetic3A_50 = arith.shrsi %get3A_47, %shift_right_arithmetic3A_49 : vector<16xi32>
      %and3A_51 = arith.constant 127 : i32
      %and3A_52 = vector.broadcast %and3A_51 : i32 to vector<16xi32>
      %and3A_53 = arith.andi %get3A_47, %and3A_52 : vector<16xi32>
      tpu.vector_store_idx %arg6[%shift_right_arithmetic3A_50, %and3A_53], %broadcast_in_dim3A_8 {add = true} : memref<80x128xf32, #tpu.memory_space<vmem>>[vector<16xi32>, vector<16xi32>], vector<16xf32>,
      %get3A_54 = arith.index_cast %scan3A_20 : i32 to index
      %get3A_55 = arith.constant 64 : index
      %get3A_56 = tpu.vector_load %arg5[%get3A_54, %get3A_55] {strides = array<i32>} : memref<125x80xi32, #tpu.memory_space<vmem>>, vector<16xi32>,
      %shift_right_arithmetic3A_57 = arith.constant 7 : i32
      %shift_right_arithmetic3A_58 = vector.broadcast %shift_right_arithmetic3A_57 : i32 to vector<16xi32>
      %shift_right_arithmetic3A_59 = arith.shrsi %get3A_56, %shift_right_arithmetic3A_58 : vector<16xi32>
      %and3A_60 = arith.constant 127 : i32
      %and3A_61 = vector.broadcast %and3A_60 : i32 to vector<16xi32>
      %and3A_62 = arith.andi %get3A_56, %and3A_61 : vector<16xi32>
      tpu.vector_store_idx %arg6[%shift_right_arithmetic3A_59, %and3A_62], %broadcast_in_dim3A_8 {add = true} : memref<80x128xf32, #tpu.memory_space<vmem>>[vector<16xi32>, vector<16xi32>], vector<16xf32>,
    }
    %scan3A_14 = arith.constant 125 : i32
    %barrier3A = arith.constant 0 : index
    tpu.barrier barrier_id(%barrier3A)
    %run_scoped3A = arith.constant 0 : i32
    "tpu.region"() ({
      %run_scoped3A_20 = tpu.sem_alloc : memref<!tpu.dma_semaphore, #tpu.memory_space<semaphore_mem>>
      %dma_start3A = arith.constant 0 : i32
      %dma_start3A_21 = tpu.memref_slice %arg7[%run_scoped3A, %dma_start3A] : memref<1x80xi32, #tpu.memory_space<vmem>> -> memref<1x80xi32, #tpu.memory_space<vmem>>
      %dma_start3A_22 = tpu.memref_squeeze %dma_start3A_21 : memref<1x80xi32, #tpu.memory_space<vmem>> -> memref<80xi32, #tpu.memory_space<vmem>>
      %dma_start3A_23 = arith.constant 0 : i32
      %dma_start3A_24 = arith.constant 0 : i32
      %dma_start3A_25 = tpu.memref_slice %arg8[%dma_start3A_23, %dma_start3A_24] : memref<80x128xf32, #tpu.memory_space<vmem_shared>> -> memref<80x128xf32, #tpu.memory_space<vmem_shared>>
      tpu.enqueue_indirect_dma source(%arg6 : memref<80x128xf32, #tpu.memory_space<vmem>>) target(%dma_start3A_25 : memref<80x128xf32, #tpu.memory_space<vmem_shared>>) offsets(%dma_start3A_22 : memref<80xi32, #tpu.memory_space<vmem>>) semaphore(%run_scoped3A_20 : memref<!tpu.dma_semaphore, #tpu.memory_space<semaphore_mem>>) {add = true}
      %dma_wait3A = arith.constant 0 : i32
      %dma_wait3A_26 = tpu.memref_slice %arg7[%run_scoped3A, %dma_wait3A] : memref<1x80xi32, #tpu.memory_space<vmem>> -> memref<1x80xi32, #tpu.memory_space<vmem>>
      %dma_wait3A_27 = tpu.memref_squeeze %dma_wait3A_26 : memref<1x80xi32, #tpu.memory_space<vmem>> -> memref<80xi32, #tpu.memory_space<vmem>>
      %dma_wait3A_28 = arith.constant 0 : i32
      %dma_wait3A_29 = arith.constant 0 : i32
      %dma_wait3A_30 = tpu.memref_slice %arg8[%dma_wait3A_28, %dma_wait3A_29] : memref<80x128xf32, #tpu.memory_space<vmem_shared>> -> memref<80x128xf32, #tpu.memory_space<vmem_shared>>
      tpu.wait_indirect_dma semaphore(%run_scoped3A_20 : memref<!tpu.dma_semaphore, #tpu.memory_space<semaphore_mem>>) src(%arg6 : memref<80x128xf32, #tpu.memory_space<vmem>>) dst(%dma_wait3A_30 : memref<80x128xf32, #tpu.memory_space<vmem_shared>>)
      tpu.yield
    }) : () -> ()
    %barrier3A_15 = arith.constant 0 : index
    tpu.barrier barrier_id(%barrier3A_15)
    %lt3A = arith.constant 10 : i32
    %lt3A_16 = arith.cmpi slt, %arg1, %lt3A : i32
    %convert_element_type3A_17 = arith.extui %lt3A_16 : i1 to i32
    %cond3A_18 = arith.constant 0 : i32
    %cond3A_19 = arith.cmpi ne, %convert_element_type3A_17, %cond3A_18 : i32
    scf.if %cond3A_19 {
      %mul3A_20 = arith.constant 8 : i32
      %mul3A_21 = arith.muli %arg1, %mul3A_20 : i32
      %mul3A_22 = arith.constant 8 : i32
      %mul3A_23 = arith.muli %arg1, %mul3A_22 : i32
      "tpu.region"() ({
        %run_scoped3A_24 = tpu.sem_alloc : memref<!tpu.dma_semaphore, #tpu.memory_space<semaphore_mem>>
        %dma_start3A = arith.constant 0 : i32
        %dma_start3A_25 = tpu.memref_slice %arg4[%arg0, %mul3A_23, %dma_start3A] : memref<2x80x128xf32, #tpu.memory_space<hbm>> -> memref<1x8x128xf32, #tpu.memory_space<hbm>>
        %dma_start3A_26 = tpu.memref_squeeze %dma_start3A_25 : memref<1x8x128xf32, #tpu.memory_space<hbm>> -> memref<8x128xf32, #tpu.memory_space<hbm>>
        %dma_start3A_27 = arith.constant 0 : i32
        %dma_start3A_28 = tpu.memref_slice %arg8[%mul3A_21, %dma_start3A_27] : memref<80x128xf32, #tpu.memory_space<vmem_shared>> -> memref<8x128xf32, #tpu.memory_space<vmem_shared>>
        tpu.enqueue_dma source(%dma_start3A_28 : memref<8x128xf32, #tpu.memory_space<vmem_shared>>) target(%dma_start3A_26 : memref<8x128xf32, #tpu.memory_space<hbm>>) target_semaphore(%run_scoped3A_24 : memref<!tpu.dma_semaphore, #tpu.memory_space<semaphore_mem>>)
        %dma_wait3A = arith.constant 0 : i32
        %dma_wait3A_29 = tpu.memref_slice %arg4[%arg0, %mul3A_23, %dma_wait3A] : memref<2x80x128xf32, #tpu.memory_space<hbm>> -> memref<1x8x128xf32, #tpu.memory_space<hbm>>
        %dma_wait3A_30 = tpu.memref_squeeze %dma_wait3A_29 : memref<1x8x128xf32, #tpu.memory_space<hbm>> -> memref<8x128xf32, #tpu.memory_space<hbm>>
        %dma_wait3A_31 = arith.constant 0 : i32
        %dma_wait3A_32 = tpu.memref_slice %arg8[%mul3A_21, %dma_wait3A_31] : memref<80x128xf32, #tpu.memory_space<vmem_shared>> -> memref<8x128xf32, #tpu.memory_space<vmem_shared>>
        tpu.wait_dma2 semaphore(%run_scoped3A_24 : memref<!tpu.dma_semaphore, #tpu.memory_space<semaphore_mem>>) src(%dma_wait3A_32 : memref<8x128xf32, #tpu.memory_space<vmem_shared>>) dst(%dma_wait3A_30 : memref<8x128xf32, #tpu.memory_space<hbm>>)
        tpu.yield
      }) : () -> ()
    } else {
    }
    return
  }
}

#map = affine_map<(d0, d1) -> (0, 0, 0)>
#map1 = affine_map<(d0, d1) -> (0)>
#map2 = affine_map<(d0, d1) -> (0, 0)>
module attributes {stable_mosaic.version = 14 : i64} {
  func.func @_sc_partition_body(%arg0: i32, %arg1: i32, %arg2: memref<32x125x80xi32, #tpu.memory_space<hbm>>, %arg3: memref<32x125x80xi32, #tpu.memory_space<hbm>>, %arg4: memref<10000xi32, #tpu.memory_space<hbm>>, %arg5: memref<10000xi32, #tpu.memory_space<hbm>>, %arg6: memref<32x10000xi32, #tpu.memory_space<hbm>>, %arg7: memref<32x10000xi32, #tpu.memory_space<hbm>>, %arg8: memref<32x10000xi32, #tpu.memory_space<hbm>>, %arg9: memref<32x10000xi32, #tpu.memory_space<hbm>>, %arg10: memref<32x1x128xi32, #tpu.memory_space<hbm>>, %arg11: memref<125x80xi32, #tpu.memory_space<vmem>>, %arg12: memref<125x80xi32, #tpu.memory_space<vmem>>, %arg13: memref<10000xi32, #tpu.memory_space<vmem>>, %arg14: memref<10000xi32, #tpu.memory_space<vmem>>, %arg15: memref<10000xi32, #tpu.memory_space<vmem>>, %arg16: memref<10000xi32, #tpu.memory_space<vmem>>, %arg17: memref<1x128xi32, #tpu.memory_space<vmem>>) attributes {dimension_semantics = [#tpu.dimension_semantics<core_parallel>, #tpu.dimension_semantics<subcore_parallel>], iteration_bounds = array<i64: 2, 16>, scalar_prefetch = 0 : i64, scratch_operands = 7 : i64, tpu.core_type = #tpu.core_type<sc_vector_subcore>, window_params = [{transform_indices = #map}, {transform_indices = #map}, {transform_indices = #map1}, {transform_indices = #map1}, {transform_indices = #map2}, {transform_indices = #map2}, {transform_indices = #map2}, {transform_indices = #map2}, {transform_indices = #map}]} {
    %mul3A = arith.constant 16 : i32
    %mul3A_0 = arith.muli %arg0, %mul3A : i32
    %add3A = arith.addi %mul3A_0, %arg1 : i32
    "tpu.region"() ({
      %run_scoped3A = tpu.sem_alloc : memref<!tpu.dma_semaphore, #tpu.memory_space<semaphore_mem>>
      %dma_start3A = arith.constant 0 : i32
      %dma_start3A_38 = arith.constant 0 : i32
      %dma_start3A_39 = tpu.memref_slice %arg2[%add3A, %dma_start3A, %dma_start3A_38] : memref<32x125x80xi32, #tpu.memory_space<hbm>> -> memref<1x125x80xi32, #tpu.memory_space<hbm>>
      %dma_start3A_40 = tpu.memref_squeeze %dma_start3A_39 : memref<1x125x80xi32, #tpu.memory_space<hbm>> -> memref<125x80xi32, #tpu.memory_space<hbm>>
      %dma_start3A_41 = arith.constant 0 : i32
      %dma_start3A_42 = arith.constant 0 : i32
      %dma_start3A_43 = tpu.memref_slice %arg2[%add3A, %dma_start3A_41, %dma_start3A_42] : memref<32x125x80xi32, #tpu.memory_space<hbm>> -> memref<1x125x80xi32, #tpu.memory_space<hbm>>
      %dma_start3A_44 = tpu.memref_squeeze %dma_start3A_43 : memref<1x125x80xi32, #tpu.memory_space<hbm>> -> memref<125x80xi32, #tpu.memory_space<hbm>>
      tpu.enqueue_dma source(%dma_start3A_44 : memref<125x80xi32, #tpu.memory_space<hbm>>) target(%arg11 : memref<125x80xi32, #tpu.memory_space<vmem>>) target_semaphore(%run_scoped3A : memref<!tpu.dma_semaphore, #tpu.memory_space<semaphore_mem>>)
      %dma_wait3A = arith.constant 0 : i32
      %dma_wait3A_45 = arith.constant 0 : i32
      %dma_wait3A_46 = tpu.memref_slice %arg2[%add3A, %dma_wait3A, %dma_wait3A_45] : memref<32x125x80xi32, #tpu.memory_space<hbm>> -> memref<1x125x80xi32, #tpu.memory_space<hbm>>
      %dma_wait3A_47 = tpu.memref_squeeze %dma_wait3A_46 : memref<1x125x80xi32, #tpu.memory_space<hbm>> -> memref<125x80xi32, #tpu.memory_space<hbm>>
      %dma_wait3A_48 = arith.constant 0 : i32
      %dma_wait3A_49 = arith.constant 0 : i32
      %dma_wait3A_50 = tpu.memref_slice %arg2[%add3A, %dma_wait3A_48, %dma_wait3A_49] : memref<32x125x80xi32, #tpu.memory_space<hbm>> -> memref<1x125x80xi32, #tpu.memory_space<hbm>>
      %dma_wait3A_51 = tpu.memref_squeeze %dma_wait3A_50 : memref<1x125x80xi32, #tpu.memory_space<hbm>> -> memref<125x80xi32, #tpu.memory_space<hbm>>
      tpu.wait_dma2 semaphore(%run_scoped3A : memref<!tpu.dma_semaphore, #tpu.memory_space<semaphore_mem>>) src(%dma_wait3A_51 : memref<125x80xi32, #tpu.memory_space<hbm>>) dst(%arg11 : memref<125x80xi32, #tpu.memory_space<vmem>>)
      tpu.yield
    }) : () -> ()
    "tpu.region"() ({
      %run_scoped3A = tpu.sem_alloc : memref<!tpu.dma_semaphore, #tpu.memory_space<semaphore_mem>>
      %dma_start3A = arith.constant 0 : i32
      %dma_start3A_38 = arith.constant 0 : i32
      %dma_start3A_39 = tpu.memref_slice %arg3[%add3A, %dma_start3A, %dma_start3A_38] : memref<32x125x80xi32, #tpu.memory_space<hbm>> -> memref<1x125x80xi32, #tpu.memory_space<hbm>>
      %dma_start3A_40 = tpu.memref_squeeze %dma_start3A_39 : memref<1x125x80xi32, #tpu.memory_space<hbm>> -> memref<125x80xi32, #tpu.memory_space<hbm>>
      %dma_start3A_41 = arith.constant 0 : i32
      %dma_start3A_42 = arith.constant 0 : i32
      %dma_start3A_43 = tpu.memref_slice %arg3[%add3A, %dma_start3A_41, %dma_start3A_42] : memref<32x125x80xi32, #tpu.memory_space<hbm>> -> memref<1x125x80xi32, #tpu.memory_space<hbm>>
      %dma_start3A_44 = tpu.memref_squeeze %dma_start3A_43 : memref<1x125x80xi32, #tpu.memory_space<hbm>> -> memref<125x80xi32, #tpu.memory_space<hbm>>
      tpu.enqueue_dma source(%dma_start3A_44 : memref<125x80xi32, #tpu.memory_space<hbm>>) target(%arg12 : memref<125x80xi32, #tpu.memory_space<vmem>>) target_semaphore(%run_scoped3A : memref<!tpu.dma_semaphore, #tpu.memory_space<semaphore_mem>>)
      %dma_wait3A = arith.constant 0 : i32
      %dma_wait3A_45 = arith.constant 0 : i32
      %dma_wait3A_46 = tpu.memref_slice %arg3[%add3A, %dma_wait3A, %dma_wait3A_45] : memref<32x125x80xi32, #tpu.memory_space<hbm>> -> memref<1x125x80xi32, #tpu.memory_space<hbm>>
      %dma_wait3A_47 = tpu.memref_squeeze %dma_wait3A_46 : memref<1x125x80xi32, #tpu.memory_space<hbm>> -> memref<125x80xi32, #tpu.memory_space<hbm>>
      %dma_wait3A_48 = arith.constant 0 : i32
      %dma_wait3A_49 = arith.constant 0 : i32
      %dma_wait3A_50 = tpu.memref_slice %arg3[%add3A, %dma_wait3A_48, %dma_wait3A_49] : memref<32x125x80xi32, #tpu.memory_space<hbm>> -> memref<1x125x80xi32, #tpu.memory_space<hbm>>
      %dma_wait3A_51 = tpu.memref_squeeze %dma_wait3A_50 : memref<1x125x80xi32, #tpu.memory_space<hbm>> -> memref<125x80xi32, #tpu.memory_space<hbm>>
      tpu.wait_dma2 semaphore(%run_scoped3A : memref<!tpu.dma_semaphore, #tpu.memory_space<semaphore_mem>>) src(%dma_wait3A_51 : memref<125x80xi32, #tpu.memory_space<hbm>>) dst(%arg12 : memref<125x80xi32, #tpu.memory_space<vmem>>)
      tpu.yield
    }) : () -> ()
    "tpu.region"() ({
      %run_scoped3A = tpu.sem_alloc : memref<!tpu.dma_semaphore, #tpu.memory_space<semaphore_mem>>
      tpu.enqueue_dma source(%arg4 : memref<10000xi32, #tpu.memory_space<hbm>>) target(%arg13 : memref<10000xi32, #tpu.memory_space<vmem>>) target_semaphore(%run_scoped3A : memref<!tpu.dma_semaphore, #tpu.memory_space<semaphore_mem>>)
      tpu.wait_dma2 semaphore(%run_scoped3A : memref<!tpu.dma_semaphore, #tpu.memory_space<semaphore_mem>>) src(%arg4 : memref<10000xi32, #tpu.memory_space<hbm>>) dst(%arg13 : memref<10000xi32, #tpu.memory_space<vmem>>)
      tpu.yield
    }) : () -> ()
    "tpu.region"() ({
      %run_scoped3A = tpu.sem_alloc : memref<!tpu.dma_semaphore, #tpu.memory_space<semaphore_mem>>
      tpu.enqueue_dma source(%arg4 : memref<10000xi32, #tpu.memory_space<hbm>>) target(%arg15 : memref<10000xi32, #tpu.memory_space<vmem>>) target_semaphore(%run_scoped3A : memref<!tpu.dma_semaphore, #tpu.memory_space<semaphore_mem>>)
      tpu.wait_dma2 semaphore(%run_scoped3A : memref<!tpu.dma_semaphore, #tpu.memory_space<semaphore_mem>>) src(%arg4 : memref<10000xi32, #tpu.memory_space<hbm>>) dst(%arg15 : memref<10000xi32, #tpu.memory_space<vmem>>)
      tpu.yield
    }) : () -> ()
    "tpu.region"() ({
      %run_scoped3A = tpu.sem_alloc : memref<!tpu.dma_semaphore, #tpu.memory_space<semaphore_mem>>
      tpu.enqueue_dma source(%arg5 : memref<10000xi32, #tpu.memory_space<hbm>>) target(%arg14 : memref<10000xi32, #tpu.memory_space<vmem>>) target_semaphore(%run_scoped3A : memref<!tpu.dma_semaphore, #tpu.memory_space<semaphore_mem>>)
      tpu.wait_dma2 semaphore(%run_scoped3A : memref<!tpu.dma_semaphore, #tpu.memory_space<semaphore_mem>>) src(%arg5 : memref<10000xi32, #tpu.memory_space<hbm>>) dst(%arg14 : memref<10000xi32, #tpu.memory_space<vmem>>)
      tpu.yield
    }) : () -> ()
    "tpu.region"() ({
      %run_scoped3A = tpu.sem_alloc : memref<!tpu.dma_semaphore, #tpu.memory_space<semaphore_mem>>
      tpu.enqueue_dma source(%arg5 : memref<10000xi32, #tpu.memory_space<hbm>>) target(%arg16 : memref<10000xi32, #tpu.memory_space<vmem>>) target_semaphore(%run_scoped3A : memref<!tpu.dma_semaphore, #tpu.memory_space<semaphore_mem>>)
      tpu.wait_dma2 semaphore(%run_scoped3A : memref<!tpu.dma_semaphore, #tpu.memory_space<semaphore_mem>>) src(%arg5 : memref<10000xi32, #tpu.memory_space<hbm>>) dst(%arg16 : memref<10000xi32, #tpu.memory_space<vmem>>)
      tpu.yield
    }) : () -> ()
    %broadcast_in_dim3A = arith.constant 0 : i32
    %broadcast_in_dim3A_1 = vector.broadcast %broadcast_in_dim3A : i32 to vector<16xi32>
    %scan3A = arith.constant 0 : i32
    %scan3A_2 = arith.constant 125 : i32
    %scan3A_3 = arith.addi %scan3A, %scan3A_2 : i32
    %scan3A_4 = arith.constant 1 : i32
    %scan3A_5:2 = scf.for %scan3A_38 = %scan3A to %scan3A_3 step %scan3A_4 iter_args(%scan3A_39 = %broadcast_in_dim3A_1, %scan3A_40 = %broadcast_in_dim3A_1) -> (vector<16xi32>, vector<16xi32>)  : i32 {
      %get3A = arith.index_cast %scan3A_38 : i32 to index
      %get3A_41 = arith.constant 0 : index
      %get3A_42 = tpu.vector_load %arg12[%get3A, %get3A_41] {strides = array<i32>} : memref<125x80xi32, #tpu.memory_space<vmem>>, vector<16xi32>,
      %get3A_43 = arith.index_cast %scan3A_38 : i32 to index
      %get3A_44 = arith.constant 0 : index
      %get3A_45 = tpu.vector_load %arg11[%get3A_43, %get3A_44] {strides = array<i32>} : memref<125x80xi32, #tpu.memory_space<vmem>>, vector<16xi32>,
      %lt3A = arith.constant 5120 : i32
      %lt3A_46 = vector.broadcast %lt3A : i32 to vector<16xi32>
      %lt3A_47 = arith.cmpi slt, %get3A_42, %lt3A_46 : vector<16xi32>
      %not3A = arith.constant dense<true> : vector<16xi1>
      %not3A_48 = arith.xori %lt3A_47, %not3A : vector<16xi1>
      %convert_element_type3A = arith.extui %lt3A_47 : vector<16xi1> to vector<16xi32>
      %broadcast_in_dim3A_49 = arith.constant true
      %broadcast_in_dim3A_50 = vector.broadcast %broadcast_in_dim3A_49 : i1 to vector<16xi1>
      %masked_cumsum3A = tpu.scan <sum>, %convert_element_type3A masked %broadcast_in_dim3A_50 : vector<16xi32>, vector<16xi1> -> vector<16xi32>
      %add3A_51 = arith.addi %scan3A_39, %masked_cumsum3A : vector<16xi32>
      %sub3A = arith.constant 1 : i32
      %sub3A_52 = vector.broadcast %sub3A : i32 to vector<16xi32>
      %sub3A_53 = arith.subi %add3A_51, %sub3A_52 : vector<16xi32>
      %convert_element_type3A_54 = arith.extui %not3A_48 : vector<16xi1> to vector<16xi32>
      %broadcast_in_dim3A_55 = arith.constant true
      %broadcast_in_dim3A_56 = vector.broadcast %broadcast_in_dim3A_55 : i1 to vector<16xi1>
      %masked_cumsum3A_57 = tpu.scan <sum>, %convert_element_type3A_54 masked %broadcast_in_dim3A_56 : vector<16xi32>, vector<16xi1> -> vector<16xi32>
      %add3A_58 = arith.addi %scan3A_40, %masked_cumsum3A_57 : vector<16xi32>
      %sub3A_59 = arith.constant 1 : i32
      %sub3A_60 = vector.broadcast %sub3A_59 : i32 to vector<16xi32>
      %sub3A_61 = arith.subi %add3A_58, %sub3A_60 : vector<16xi32>
      tpu.vector_store_idx %arg13[%sub3A_53], %get3A_45 masked %lt3A_47 : memref<10000xi32, #tpu.memory_space<vmem>>[vector<16xi32>], vector<16xi32>, vector<16xi1>
      tpu.vector_store_idx %arg14[%sub3A_53], %get3A_42 masked %lt3A_47 : memref<10000xi32, #tpu.memory_space<vmem>>[vector<16xi32>], vector<16xi32>, vector<16xi1>
      tpu.vector_store_idx %arg15[%sub3A_61], %get3A_45 masked %not3A_48 : memref<10000xi32, #tpu.memory_space<vmem>>[vector<16xi32>], vector<16xi32>, vector<16xi1>
      %sub3A_62 = arith.constant 5120 : i32
      %sub3A_63 = vector.broadcast %sub3A_62 : i32 to vector<16xi32>
      %sub3A_64 = arith.subi %get3A_42, %sub3A_63 : vector<16xi32>
      tpu.vector_store_idx %arg16[%sub3A_61], %sub3A_64 masked %not3A_48 : memref<10000xi32, #tpu.memory_space<vmem>>[vector<16xi32>], vector<16xi32>, vector<16xi1>
      %all_reduce_population_count3A = tpu.all_reduce %lt3A_47 {dim = 0 : i64, kind = #tpu.reduction_kind<sum>} : vector<16xi1> -> vector<16xi32>
      %add3A_65 = arith.addi %scan3A_39, %all_reduce_population_count3A : vector<16xi32>
      %all_reduce_population_count3A_66 = tpu.all_reduce %not3A_48 {dim = 0 : i64, kind = #tpu.reduction_kind<sum>} : vector<16xi1> -> vector<16xi32>
      %add3A_67 = arith.addi %scan3A_40, %all_reduce_population_count3A_66 : vector<16xi32>
      %get3A_68 = arith.index_cast %scan3A_38 : i32 to index
      %get3A_69 = arith.constant 16 : index
      %get3A_70 = tpu.vector_load %arg12[%get3A_68, %get3A_69] {strides = array<i32>} : memref<125x80xi32, #tpu.memory_space<vmem>>, vector<16xi32>,
      %get3A_71 = arith.index_cast %scan3A_38 : i32 to index
      %get3A_72 = arith.constant 16 : index
      %get3A_73 = tpu.vector_load %arg11[%get3A_71, %get3A_72] {strides = array<i32>} : memref<125x80xi32, #tpu.memory_space<vmem>>, vector<16xi32>,
      %lt3A_74 = arith.constant 5120 : i32
      %lt3A_75 = vector.broadcast %lt3A_74 : i32 to vector<16xi32>
      %lt3A_76 = arith.cmpi slt, %get3A_70, %lt3A_75 : vector<16xi32>
      %not3A_77 = arith.constant dense<true> : vector<16xi1>
      %not3A_78 = arith.xori %lt3A_76, %not3A_77 : vector<16xi1>
      %convert_element_type3A_79 = arith.extui %lt3A_76 : vector<16xi1> to vector<16xi32>
      %broadcast_in_dim3A_80 = arith.constant true
      %broadcast_in_dim3A_81 = vector.broadcast %broadcast_in_dim3A_80 : i1 to vector<16xi1>
      %masked_cumsum3A_82 = tpu.scan <sum>, %convert_element_type3A_79 masked %broadcast_in_dim3A_81 : vector<16xi32>, vector<16xi1> -> vector<16xi32>
      %add3A_83 = arith.addi %add3A_65, %masked_cumsum3A_82 : vector<16xi32>
      %sub3A_84 = arith.constant 1 : i32
      %sub3A_85 = vector.broadcast %sub3A_84 : i32 to vector<16xi32>
      %sub3A_86 = arith.subi %add3A_83, %sub3A_85 : vector<16xi32>
      %convert_element_type3A_87 = arith.extui %not3A_78 : vector<16xi1> to vector<16xi32>
      %broadcast_in_dim3A_88 = arith.constant true
      %broadcast_in_dim3A_89 = vector.broadcast %broadcast_in_dim3A_88 : i1 to vector<16xi1>
      %masked_cumsum3A_90 = tpu.scan <sum>, %convert_element_type3A_87 masked %broadcast_in_dim3A_89 : vector<16xi32>, vector<16xi1> -> vector<16xi32>
      %add3A_91 = arith.addi %add3A_67, %masked_cumsum3A_90 : vector<16xi32>
      %sub3A_92 = arith.constant 1 : i32
      %sub3A_93 = vector.broadcast %sub3A_92 : i32 to vector<16xi32>
      %sub3A_94 = arith.subi %add3A_91, %sub3A_93 : vector<16xi32>
      tpu.vector_store_idx %arg13[%sub3A_86], %get3A_73 masked %lt3A_76 : memref<10000xi32, #tpu.memory_space<vmem>>[vector<16xi32>], vector<16xi32>, vector<16xi1>
      tpu.vector_store_idx %arg14[%sub3A_86], %get3A_70 masked %lt3A_76 : memref<10000xi32, #tpu.memory_space<vmem>>[vector<16xi32>], vector<16xi32>, vector<16xi1>
      tpu.vector_store_idx %arg15[%sub3A_94], %get3A_73 masked %not3A_78 : memref<10000xi32, #tpu.memory_space<vmem>>[vector<16xi32>], vector<16xi32>, vector<16xi1>
      %sub3A_95 = arith.constant 5120 : i32
      %sub3A_96 = vector.broadcast %sub3A_95 : i32 to vector<16xi32>
      %sub3A_97 = arith.subi %get3A_70, %sub3A_96 : vector<16xi32>
      tpu.vector_store_idx %arg16[%sub3A_94], %sub3A_97 masked %not3A_78 : memref<10000xi32, #tpu.memory_space<vmem>>[vector<16xi32>], vector<16xi32>, vector<16xi1>
      %all_reduce_population_count3A_98 = tpu.all_reduce %lt3A_76 {dim = 0 : i64, kind = #tpu.reduction_kind<sum>} : vector<16xi1> -> vector<16xi32>
      %add3A_99 = arith.addi %add3A_65, %all_reduce_population_count3A_98 : vector<16xi32>
      %all_reduce_population_count3A_100 = tpu.all_reduce %not3A_78 {dim = 0 : i64, kind = #tpu.reduction_kind<sum>} : vector<16xi1> -> vector<16xi32>
      %add3A_101 = arith.addi %add3A_67, %all_reduce_population_count3A_100 : vector<16xi32>
      %get3A_102 = arith.index_cast %scan3A_38 : i32 to index
      %get3A_103 = arith.constant 32 : index
      %get3A_104 = tpu.vector_load %arg12[%get3A_102, %get3A_103] {strides = array<i32>} : memref<125x80xi32, #tpu.memory_space<vmem>>, vector<16xi32>,
      %get3A_105 = arith.index_cast %scan3A_38 : i32 to index
      %get3A_106 = arith.constant 32 : index
      %get3A_107 = tpu.vector_load %arg11[%get3A_105, %get3A_106] {strides = array<i32>} : memref<125x80xi32, #tpu.memory_space<vmem>>, vector<16xi32>,
      %lt3A_108 = arith.constant 5120 : i32
      %lt3A_109 = vector.broadcast %lt3A_108 : i32 to vector<16xi32>
      %lt3A_110 = arith.cmpi slt, %get3A_104, %lt3A_109 : vector<16xi32>
      %not3A_111 = arith.constant dense<true> : vector<16xi1>
      %not3A_112 = arith.xori %lt3A_110, %not3A_111 : vector<16xi1>
      %convert_element_type3A_113 = arith.extui %lt3A_110 : vector<16xi1> to vector<16xi32>
      %broadcast_in_dim3A_114 = arith.constant true
      %broadcast_in_dim3A_115 = vector.broadcast %broadcast_in_dim3A_114 : i1 to vector<16xi1>
      %masked_cumsum3A_116 = tpu.scan <sum>, %convert_element_type3A_113 masked %broadcast_in_dim3A_115 : vector<16xi32>, vector<16xi1> -> vector<16xi32>
      %add3A_117 = arith.addi %add3A_99, %masked_cumsum3A_116 : vector<16xi32>
      %sub3A_118 = arith.constant 1 : i32
      %sub3A_119 = vector.broadcast %sub3A_118 : i32 to vector<16xi32>
      %sub3A_120 = arith.subi %add3A_117, %sub3A_119 : vector<16xi32>
      %convert_element_type3A_121 = arith.extui %not3A_112 : vector<16xi1> to vector<16xi32>
      %broadcast_in_dim3A_122 = arith.constant true
      %broadcast_in_dim3A_123 = vector.broadcast %broadcast_in_dim3A_122 : i1 to vector<16xi1>
      %masked_cumsum3A_124 = tpu.scan <sum>, %convert_element_type3A_121 masked %broadcast_in_dim3A_123 : vector<16xi32>, vector<16xi1> -> vector<16xi32>
      %add3A_125 = arith.addi %add3A_101, %masked_cumsum3A_124 : vector<16xi32>
      %sub3A_126 = arith.constant 1 : i32
      %sub3A_127 = vector.broadcast %sub3A_126 : i32 to vector<16xi32>
      %sub3A_128 = arith.subi %add3A_125, %sub3A_127 : vector<16xi32>
      tpu.vector_store_idx %arg13[%sub3A_120], %get3A_107 masked %lt3A_110 : memref<10000xi32, #tpu.memory_space<vmem>>[vector<16xi32>], vector<16xi32>, vector<16xi1>
      tpu.vector_store_idx %arg14[%sub3A_120], %get3A_104 masked %lt3A_110 : memref<10000xi32, #tpu.memory_space<vmem>>[vector<16xi32>], vector<16xi32>, vector<16xi1>
      tpu.vector_store_idx %arg15[%sub3A_128], %get3A_107 masked %not3A_112 : memref<10000xi32, #tpu.memory_space<vmem>>[vector<16xi32>], vector<16xi32>, vector<16xi1>
      %sub3A_129 = arith.constant 5120 : i32
      %sub3A_130 = vector.broadcast %sub3A_129 : i32 to vector<16xi32>
      %sub3A_131 = arith.subi %get3A_104, %sub3A_130 : vector<16xi32>
      tpu.vector_store_idx %arg16[%sub3A_128], %sub3A_131 masked %not3A_112 : memref<10000xi32, #tpu.memory_space<vmem>>[vector<16xi32>], vector<16xi32>, vector<16xi1>
      %all_reduce_population_count3A_132 = tpu.all_reduce %lt3A_110 {dim = 0 : i64, kind = #tpu.reduction_kind<sum>} : vector<16xi1> -> vector<16xi32>
      %add3A_133 = arith.addi %add3A_99, %all_reduce_population_count3A_132 : vector<16xi32>
      %all_reduce_population_count3A_134 = tpu.all_reduce %not3A_112 {dim = 0 : i64, kind = #tpu.reduction_kind<sum>} : vector<16xi1> -> vector<16xi32>
      %add3A_135 = arith.addi %add3A_101, %all_reduce_population_count3A_134 : vector<16xi32>
      %get3A_136 = arith.index_cast %scan3A_38 : i32 to index
      %get3A_137 = arith.constant 48 : index
      %get3A_138 = tpu.vector_load %arg12[%get3A_136, %get3A_137] {strides = array<i32>} : memref<125x80xi32, #tpu.memory_space<vmem>>, vector<16xi32>,
      %get3A_139 = arith.index_cast %scan3A_38 : i32 to index
      %get3A_140 = arith.constant 48 : index
      %get3A_141 = tpu.vector_load %arg11[%get3A_139, %get3A_140] {strides = array<i32>} : memref<125x80xi32, #tpu.memory_space<vmem>>, vector<16xi32>,
      %lt3A_142 = arith.constant 5120 : i32
      %lt3A_143 = vector.broadcast %lt3A_142 : i32 to vector<16xi32>
      %lt3A_144 = arith.cmpi slt, %get3A_138, %lt3A_143 : vector<16xi32>
      %not3A_145 = arith.constant dense<true> : vector<16xi1>
      %not3A_146 = arith.xori %lt3A_144, %not3A_145 : vector<16xi1>
      %convert_element_type3A_147 = arith.extui %lt3A_144 : vector<16xi1> to vector<16xi32>
      %broadcast_in_dim3A_148 = arith.constant true
      %broadcast_in_dim3A_149 = vector.broadcast %broadcast_in_dim3A_148 : i1 to vector<16xi1>
      %masked_cumsum3A_150 = tpu.scan <sum>, %convert_element_type3A_147 masked %broadcast_in_dim3A_149 : vector<16xi32>, vector<16xi1> -> vector<16xi32>
      %add3A_151 = arith.addi %add3A_133, %masked_cumsum3A_150 : vector<16xi32>
      %sub3A_152 = arith.constant 1 : i32
      %sub3A_153 = vector.broadcast %sub3A_152 : i32 to vector<16xi32>
      %sub3A_154 = arith.subi %add3A_151, %sub3A_153 : vector<16xi32>
      %convert_element_type3A_155 = arith.extui %not3A_146 : vector<16xi1> to vector<16xi32>
      %broadcast_in_dim3A_156 = arith.constant true
      %broadcast_in_dim3A_157 = vector.broadcast %broadcast_in_dim3A_156 : i1 to vector<16xi1>
      %masked_cumsum3A_158 = tpu.scan <sum>, %convert_element_type3A_155 masked %broadcast_in_dim3A_157 : vector<16xi32>, vector<16xi1> -> vector<16xi32>
      %add3A_159 = arith.addi %add3A_135, %masked_cumsum3A_158 : vector<16xi32>
      %sub3A_160 = arith.constant 1 : i32
      %sub3A_161 = vector.broadcast %sub3A_160 : i32 to vector<16xi32>
      %sub3A_162 = arith.subi %add3A_159, %sub3A_161 : vector<16xi32>
      tpu.vector_store_idx %arg13[%sub3A_154], %get3A_141 masked %lt3A_144 : memref<10000xi32, #tpu.memory_space<vmem>>[vector<16xi32>], vector<16xi32>, vector<16xi1>
      tpu.vector_store_idx %arg14[%sub3A_154], %get3A_138 masked %lt3A_144 : memref<10000xi32, #tpu.memory_space<vmem>>[vector<16xi32>], vector<16xi32>, vector<16xi1>
      tpu.vector_store_idx %arg15[%sub3A_162], %get3A_141 masked %not3A_146 : memref<10000xi32, #tpu.memory_space<vmem>>[vector<16xi32>], vector<16xi32>, vector<16xi1>
      %sub3A_163 = arith.constant 5120 : i32
      %sub3A_164 = vector.broadcast %sub3A_163 : i32 to vector<16xi32>
      %sub3A_165 = arith.subi %get3A_138, %sub3A_164 : vector<16xi32>
      tpu.vector_store_idx %arg16[%sub3A_162], %sub3A_165 masked %not3A_146 : memref<10000xi32, #tpu.memory_space<vmem>>[vector<16xi32>], vector<16xi32>, vector<16xi1>
      %all_reduce_population_count3A_166 = tpu.all_reduce %lt3A_144 {dim = 0 : i64, kind = #tpu.reduction_kind<sum>} : vector<16xi1> -> vector<16xi32>
      %add3A_167 = arith.addi %add3A_133, %all_reduce_population_count3A_166 : vector<16xi32>
      %all_reduce_population_count3A_168 = tpu.all_reduce %not3A_146 {dim = 0 : i64, kind = #tpu.reduction_kind<sum>} : vector<16xi1> -> vector<16xi32>
      %add3A_169 = arith.addi %add3A_135, %all_reduce_population_count3A_168 : vector<16xi32>
      %get3A_170 = arith.index_cast %scan3A_38 : i32 to index
      %get3A_171 = arith.constant 64 : index
      %get3A_172 = tpu.vector_load %arg12[%get3A_170, %get3A_171] {strides = array<i32>} : memref<125x80xi32, #tpu.memory_space<vmem>>, vector<16xi32>,
      %get3A_173 = arith.index_cast %scan3A_38 : i32 to index
      %get3A_174 = arith.constant 64 : index
      %get3A_175 = tpu.vector_load %arg11[%get3A_173, %get3A_174] {strides = array<i32>} : memref<125x80xi32, #tpu.memory_space<vmem>>, vector<16xi32>,
      %lt3A_176 = arith.constant 5120 : i32
      %lt3A_177 = vector.broadcast %lt3A_176 : i32 to vector<16xi32>
      %lt3A_178 = arith.cmpi slt, %get3A_172, %lt3A_177 : vector<16xi32>
      %not3A_179 = arith.constant dense<true> : vector<16xi1>
      %not3A_180 = arith.xori %lt3A_178, %not3A_179 : vector<16xi1>
      %convert_element_type3A_181 = arith.extui %lt3A_178 : vector<16xi1> to vector<16xi32>
      %broadcast_in_dim3A_182 = arith.constant true
      %broadcast_in_dim3A_183 = vector.broadcast %broadcast_in_dim3A_182 : i1 to vector<16xi1>
      %masked_cumsum3A_184 = tpu.scan <sum>, %convert_element_type3A_181 masked %broadcast_in_dim3A_183 : vector<16xi32>, vector<16xi1> -> vector<16xi32>
      %add3A_185 = arith.addi %add3A_167, %masked_cumsum3A_184 : vector<16xi32>
      %sub3A_186 = arith.constant 1 : i32
      %sub3A_187 = vector.broadcast %sub3A_186 : i32 to vector<16xi32>
      %sub3A_188 = arith.subi %add3A_185, %sub3A_187 : vector<16xi32>
      %convert_element_type3A_189 = arith.extui %not3A_180 : vector<16xi1> to vector<16xi32>
      %broadcast_in_dim3A_190 = arith.constant true
      %broadcast_in_dim3A_191 = vector.broadcast %broadcast_in_dim3A_190 : i1 to vector<16xi1>
      %masked_cumsum3A_192 = tpu.scan <sum>, %convert_element_type3A_189 masked %broadcast_in_dim3A_191 : vector<16xi32>, vector<16xi1> -> vector<16xi32>
      %add3A_193 = arith.addi %add3A_169, %masked_cumsum3A_192 : vector<16xi32>
      %sub3A_194 = arith.constant 1 : i32
      %sub3A_195 = vector.broadcast %sub3A_194 : i32 to vector<16xi32>
      %sub3A_196 = arith.subi %add3A_193, %sub3A_195 : vector<16xi32>
      tpu.vector_store_idx %arg13[%sub3A_188], %get3A_175 masked %lt3A_178 : memref<10000xi32, #tpu.memory_space<vmem>>[vector<16xi32>], vector<16xi32>, vector<16xi1>
      tpu.vector_store_idx %arg14[%sub3A_188], %get3A_172 masked %lt3A_178 : memref<10000xi32, #tpu.memory_space<vmem>>[vector<16xi32>], vector<16xi32>, vector<16xi1>
      tpu.vector_store_idx %arg15[%sub3A_196], %get3A_175 masked %not3A_180 : memref<10000xi32, #tpu.memory_space<vmem>>[vector<16xi32>], vector<16xi32>, vector<16xi1>
      %sub3A_197 = arith.constant 5120 : i32
      %sub3A_198 = vector.broadcast %sub3A_197 : i32 to vector<16xi32>
      %sub3A_199 = arith.subi %get3A_172, %sub3A_198 : vector<16xi32>
      tpu.vector_store_idx %arg16[%sub3A_196], %sub3A_199 masked %not3A_180 : memref<10000xi32, #tpu.memory_space<vmem>>[vector<16xi32>], vector<16xi32>, vector<16xi1>
      %all_reduce_population_count3A_200 = tpu.all_reduce %lt3A_178 {dim = 0 : i64, kind = #tpu.reduction_kind<sum>} : vector<16xi1> -> vector<16xi32>
      %add3A_201 = arith.addi %add3A_167, %all_reduce_population_count3A_200 : vector<16xi32>
      %all_reduce_population_count3A_202 = tpu.all_reduce %not3A_180 {dim = 0 : i64, kind = #tpu.reduction_kind<sum>} : vector<16xi1> -> vector<16xi32>
      %add3A_203 = arith.addi %add3A_169, %all_reduce_population_count3A_202 : vector<16xi32>
      scf.yield %add3A_201, %add3A_203 : vector<16xi32>, vector<16xi32>
    }
    %scan3A_6 = arith.constant 125 : i32
    %swap3A = arith.constant 0 : i32
    %swap3A_7 = arith.index_cast %swap3A : i32 to index
    %swap3A_8 = arith.constant 0 : index
    %swap3A_9 = tpu.vector_load %arg17[%swap3A_7, %swap3A_8] {strides = array<i32>} : memref<1x128xi32, #tpu.memory_space<vmem>>, vector<16xi32>,
    tpu.vector_store %arg17[%swap3A_7, %swap3A_8], %scan3A_5#0 {strides = array<i32>} : memref<1x128xi32, #tpu.memory_space<vmem>>, vector<16xi32>,
    %swap3A_10 = arith.constant 0 : i32
    %swap3A_11 = arith.index_cast %swap3A_10 : i32 to index
    %swap3A_12 = arith.constant 16 : index
    %swap3A_13 = tpu.vector_load %arg17[%swap3A_11, %swap3A_12] {strides = array<i32>} : memref<1x128xi32, #tpu.memory_space<vmem>>, vector<16xi32>,
    tpu.vector_store %arg17[%swap3A_11, %swap3A_12], %scan3A_5#1 {strides = array<i32>} : memref<1x128xi32, #tpu.memory_space<vmem>>, vector<16xi32>,
    %swap3A_14 = arith.constant 0 : i32
    %swap3A_15 = arith.index_cast %swap3A_14 : i32 to index
    %swap3A_16 = arith.constant 32 : index
    %swap3A_17 = tpu.vector_load %arg17[%swap3A_15, %swap3A_16] {strides = array<i32>} : memref<1x128xi32, #tpu.memory_space<vmem>>, vector<16xi32>,
    tpu.vector_store %arg17[%swap3A_15, %swap3A_16], %broadcast_in_dim3A_1 {strides = array<i32>} : memref<1x128xi32, #tpu.memory_space<vmem>>, vector<16xi32>,
    %swap3A_18 = arith.constant 0 : i32
    %swap3A_19 = arith.index_cast %swap3A_18 : i32 to index
    %swap3A_20 = arith.constant 48 : index
    %swap3A_21 = tpu.vector_load %arg17[%swap3A_19, %swap3A_20] {strides = array<i32>} : memref<1x128xi32, #tpu.memory_space<vmem>>, vector<16xi32>,
    tpu.vector_store %arg17[%swap3A_19, %swap3A_20], %broadcast_in_dim3A_1 {strides = array<i32>} : memref<1x128xi32, #tpu.memory_space<vmem>>, vector<16xi32>,
    %swap3A_22 = arith.constant 0 : i32
    %swap3A_23 = arith.index_cast %swap3A_22 : i32 to index
    %swap3A_24 = arith.constant 64 : index
    %swap3A_25 = tpu.vector_load %arg17[%swap3A_23, %swap3A_24] {strides = array<i32>} : memref<1x128xi32, #tpu.memory_space<vmem>>, vector<16xi32>,
    tpu.vector_store %arg17[%swap3A_23, %swap3A_24], %broadcast_in_dim3A_1 {strides = array<i32>} : memref<1x128xi32, #tpu.memory_space<vmem>>, vector<16xi32>,
    %swap3A_26 = arith.constant 0 : i32
    %swap3A_27 = arith.index_cast %swap3A_26 : i32 to index
    %swap3A_28 = arith.constant 80 : index
    %swap3A_29 = tpu.vector_load %arg17[%swap3A_27, %swap3A_28] {strides = array<i32>} : memref<1x128xi32, #tpu.memory_space<vmem>>, vector<16xi32>,
    tpu.vector_store %arg17[%swap3A_27, %swap3A_28], %broadcast_in_dim3A_1 {strides = array<i32>} : memref<1x128xi32, #tpu.memory_space<vmem>>, vector<16xi32>,
    %swap3A_30 = arith.constant 0 : i32
    %swap3A_31 = arith.index_cast %swap3A_30 : i32 to index
    %swap3A_32 = arith.constant 96 : index
    %swap3A_33 = tpu.vector_load %arg17[%swap3A_31, %swap3A_32] {strides = array<i32>} : memref<1x128xi32, #tpu.memory_space<vmem>>, vector<16xi32>,
    tpu.vector_store %arg17[%swap3A_31, %swap3A_32], %broadcast_in_dim3A_1 {strides = array<i32>} : memref<1x128xi32, #tpu.memory_space<vmem>>, vector<16xi32>,
    %swap3A_34 = arith.constant 0 : i32
    %swap3A_35 = arith.index_cast %swap3A_34 : i32 to index
    %swap3A_36 = arith.constant 112 : index
    %swap3A_37 = tpu.vector_load %arg17[%swap3A_35, %swap3A_36] {strides = array<i32>} : memref<1x128xi32, #tpu.memory_space<vmem>>, vector<16xi32>,
    tpu.vector_store %arg17[%swap3A_35, %swap3A_36], %broadcast_in_dim3A_1 {strides = array<i32>} : memref<1x128xi32, #tpu.memory_space<vmem>>, vector<16xi32>,
    "tpu.region"() ({
      %run_scoped3A = tpu.sem_alloc : memref<!tpu.dma_semaphore, #tpu.memory_space<semaphore_mem>>
      %dma_start3A = arith.constant 0 : i32
      %dma_start3A_38 = tpu.memref_slice %arg6[%add3A, %dma_start3A] : memref<32x10000xi32, #tpu.memory_space<hbm>> -> memref<1x10000xi32, #tpu.memory_space<hbm>>
      %dma_start3A_39 = tpu.memref_squeeze %dma_start3A_38 : memref<1x10000xi32, #tpu.memory_space<hbm>> -> memref<10000xi32, #tpu.memory_space<hbm>>
      %dma_start3A_40 = arith.constant 0 : i32
      %dma_start3A_41 = tpu.memref_slice %arg6[%add3A, %dma_start3A_40] : memref<32x10000xi32, #tpu.memory_space<hbm>> -> memref<1x10000xi32, #tpu.memory_space<hbm>>
      %dma_start3A_42 = tpu.memref_squeeze %dma_start3A_41 : memref<1x10000xi32, #tpu.memory_space<hbm>> -> memref<10000xi32, #tpu.memory_space<hbm>>
      tpu.enqueue_dma source(%arg13 : memref<10000xi32, #tpu.memory_space<vmem>>) target(%dma_start3A_42 : memref<10000xi32, #tpu.memory_space<hbm>>) target_semaphore(%run_scoped3A : memref<!tpu.dma_semaphore, #tpu.memory_space<semaphore_mem>>)
      %dma_wait3A = arith.constant 0 : i32
      %dma_wait3A_43 = tpu.memref_slice %arg6[%add3A, %dma_wait3A] : memref<32x10000xi32, #tpu.memory_space<hbm>> -> memref<1x10000xi32, #tpu.memory_space<hbm>>
      %dma_wait3A_44 = tpu.memref_squeeze %dma_wait3A_43 : memref<1x10000xi32, #tpu.memory_space<hbm>> -> memref<10000xi32, #tpu.memory_space<hbm>>
      %dma_wait3A_45 = arith.constant 0 : i32
      %dma_wait3A_46 = tpu.memref_slice %arg6[%add3A, %dma_wait3A_45] : memref<32x10000xi32, #tpu.memory_space<hbm>> -> memref<1x10000xi32, #tpu.memory_space<hbm>>
      %dma_wait3A_47 = tpu.memref_squeeze %dma_wait3A_46 : memref<1x10000xi32, #tpu.memory_space<hbm>> -> memref<10000xi32, #tpu.memory_space<hbm>>
      tpu.wait_dma2 semaphore(%run_scoped3A : memref<!tpu.dma_semaphore, #tpu.memory_space<semaphore_mem>>) src(%arg13 : memref<10000xi32, #tpu.memory_space<vmem>>) dst(%dma_wait3A_47 : memref<10000xi32, #tpu.memory_space<hbm>>)
      tpu.yield
    }) : () -> ()
    "tpu.region"() ({
      %run_scoped3A = tpu.sem_alloc : memref<!tpu.dma_semaphore, #tpu.memory_space<semaphore_mem>>
      %dma_start3A = arith.constant 0 : i32
      %dma_start3A_38 = tpu.memref_slice %arg7[%add3A, %dma_start3A] : memref<32x10000xi32, #tpu.memory_space<hbm>> -> memref<1x10000xi32, #tpu.memory_space<hbm>>
      %dma_start3A_39 = tpu.memref_squeeze %dma_start3A_38 : memref<1x10000xi32, #tpu.memory_space<hbm>> -> memref<10000xi32, #tpu.memory_space<hbm>>
      %dma_start3A_40 = arith.constant 0 : i32
      %dma_start3A_41 = tpu.memref_slice %arg7[%add3A, %dma_start3A_40] : memref<32x10000xi32, #tpu.memory_space<hbm>> -> memref<1x10000xi32, #tpu.memory_space<hbm>>
      %dma_start3A_42 = tpu.memref_squeeze %dma_start3A_41 : memref<1x10000xi32, #tpu.memory_space<hbm>> -> memref<10000xi32, #tpu.memory_space<hbm>>
      tpu.enqueue_dma source(%arg14 : memref<10000xi32, #tpu.memory_space<vmem>>) target(%dma_start3A_42 : memref<10000xi32, #tpu.memory_space<hbm>>) target_semaphore(%run_scoped3A : memref<!tpu.dma_semaphore, #tpu.memory_space<semaphore_mem>>)
      %dma_wait3A = arith.constant 0 : i32
      %dma_wait3A_43 = tpu.memref_slice %arg7[%add3A, %dma_wait3A] : memref<32x10000xi32, #tpu.memory_space<hbm>> -> memref<1x10000xi32, #tpu.memory_space<hbm>>
      %dma_wait3A_44 = tpu.memref_squeeze %dma_wait3A_43 : memref<1x10000xi32, #tpu.memory_space<hbm>> -> memref<10000xi32, #tpu.memory_space<hbm>>
      %dma_wait3A_45 = arith.constant 0 : i32
      %dma_wait3A_46 = tpu.memref_slice %arg7[%add3A, %dma_wait3A_45] : memref<32x10000xi32, #tpu.memory_space<hbm>> -> memref<1x10000xi32, #tpu.memory_space<hbm>>
      %dma_wait3A_47 = tpu.memref_squeeze %dma_wait3A_46 : memref<1x10000xi32, #tpu.memory_space<hbm>> -> memref<10000xi32, #tpu.memory_space<hbm>>
      tpu.wait_dma2 semaphore(%run_scoped3A : memref<!tpu.dma_semaphore, #tpu.memory_space<semaphore_mem>>) src(%arg14 : memref<10000xi32, #tpu.memory_space<vmem>>) dst(%dma_wait3A_47 : memref<10000xi32, #tpu.memory_space<hbm>>)
      tpu.yield
    }) : () -> ()
    "tpu.region"() ({
      %run_scoped3A = tpu.sem_alloc : memref<!tpu.dma_semaphore, #tpu.memory_space<semaphore_mem>>
      %dma_start3A = arith.constant 0 : i32
      %dma_start3A_38 = tpu.memref_slice %arg8[%add3A, %dma_start3A] : memref<32x10000xi32, #tpu.memory_space<hbm>> -> memref<1x10000xi32, #tpu.memory_space<hbm>>
      %dma_start3A_39 = tpu.memref_squeeze %dma_start3A_38 : memref<1x10000xi32, #tpu.memory_space<hbm>> -> memref<10000xi32, #tpu.memory_space<hbm>>
      %dma_start3A_40 = arith.constant 0 : i32
      %dma_start3A_41 = tpu.memref_slice %arg8[%add3A, %dma_start3A_40] : memref<32x10000xi32, #tpu.memory_space<hbm>> -> memref<1x10000xi32, #tpu.memory_space<hbm>>
      %dma_start3A_42 = tpu.memref_squeeze %dma_start3A_41 : memref<1x10000xi32, #tpu.memory_space<hbm>> -> memref<10000xi32, #tpu.memory_space<hbm>>
      tpu.enqueue_dma source(%arg15 : memref<10000xi32, #tpu.memory_space<vmem>>) target(%dma_start3A_42 : memref<10000xi32, #tpu.memory_space<hbm>>) target_semaphore(%run_scoped3A : memref<!tpu.dma_semaphore, #tpu.memory_space<semaphore_mem>>)
      %dma_wait3A = arith.constant 0 : i32
      %dma_wait3A_43 = tpu.memref_slice %arg8[%add3A, %dma_wait3A] : memref<32x10000xi32, #tpu.memory_space<hbm>> -> memref<1x10000xi32, #tpu.memory_space<hbm>>
      %dma_wait3A_44 = tpu.memref_squeeze %dma_wait3A_43 : memref<1x10000xi32, #tpu.memory_space<hbm>> -> memref<10000xi32, #tpu.memory_space<hbm>>
      %dma_wait3A_45 = arith.constant 0 : i32
      %dma_wait3A_46 = tpu.memref_slice %arg8[%add3A, %dma_wait3A_45] : memref<32x10000xi32, #tpu.memory_space<hbm>> -> memref<1x10000xi32, #tpu.memory_space<hbm>>
      %dma_wait3A_47 = tpu.memref_squeeze %dma_wait3A_46 : memref<1x10000xi32, #tpu.memory_space<hbm>> -> memref<10000xi32, #tpu.memory_space<hbm>>
      tpu.wait_dma2 semaphore(%run_scoped3A : memref<!tpu.dma_semaphore, #tpu.memory_space<semaphore_mem>>) src(%arg15 : memref<10000xi32, #tpu.memory_space<vmem>>) dst(%dma_wait3A_47 : memref<10000xi32, #tpu.memory_space<hbm>>)
      tpu.yield
    }) : () -> ()
    "tpu.region"() ({
      %run_scoped3A = tpu.sem_alloc : memref<!tpu.dma_semaphore, #tpu.memory_space<semaphore_mem>>
      %dma_start3A = arith.constant 0 : i32
      %dma_start3A_38 = tpu.memref_slice %arg9[%add3A, %dma_start3A] : memref<32x10000xi32, #tpu.memory_space<hbm>> -> memref<1x10000xi32, #tpu.memory_space<hbm>>
      %dma_start3A_39 = tpu.memref_squeeze %dma_start3A_38 : memref<1x10000xi32, #tpu.memory_space<hbm>> -> memref<10000xi32, #tpu.memory_space<hbm>>
      %dma_start3A_40 = arith.constant 0 : i32
      %dma_start3A_41 = tpu.memref_slice %arg9[%add3A, %dma_start3A_40] : memref<32x10000xi32, #tpu.memory_space<hbm>> -> memref<1x10000xi32, #tpu.memory_space<hbm>>
      %dma_start3A_42 = tpu.memref_squeeze %dma_start3A_41 : memref<1x10000xi32, #tpu.memory_space<hbm>> -> memref<10000xi32, #tpu.memory_space<hbm>>
      tpu.enqueue_dma source(%arg16 : memref<10000xi32, #tpu.memory_space<vmem>>) target(%dma_start3A_42 : memref<10000xi32, #tpu.memory_space<hbm>>) target_semaphore(%run_scoped3A : memref<!tpu.dma_semaphore, #tpu.memory_space<semaphore_mem>>)
      %dma_wait3A = arith.constant 0 : i32
      %dma_wait3A_43 = tpu.memref_slice %arg9[%add3A, %dma_wait3A] : memref<32x10000xi32, #tpu.memory_space<hbm>> -> memref<1x10000xi32, #tpu.memory_space<hbm>>
      %dma_wait3A_44 = tpu.memref_squeeze %dma_wait3A_43 : memref<1x10000xi32, #tpu.memory_space<hbm>> -> memref<10000xi32, #tpu.memory_space<hbm>>
      %dma_wait3A_45 = arith.constant 0 : i32
      %dma_wait3A_46 = tpu.memref_slice %arg9[%add3A, %dma_wait3A_45] : memref<32x10000xi32, #tpu.memory_space<hbm>> -> memref<1x10000xi32, #tpu.memory_space<hbm>>
      %dma_wait3A_47 = tpu.memref_squeeze %dma_wait3A_46 : memref<1x10000xi32, #tpu.memory_space<hbm>> -> memref<10000xi32, #tpu.memory_space<hbm>>
      tpu.wait_dma2 semaphore(%run_scoped3A : memref<!tpu.dma_semaphore, #tpu.memory_space<semaphore_mem>>) src(%arg16 : memref<10000xi32, #tpu.memory_space<vmem>>) dst(%dma_wait3A_47 : memref<10000xi32, #tpu.memory_space<hbm>>)
      tpu.yield
    }) : () -> ()
    "tpu.region"() ({
      %run_scoped3A = tpu.sem_alloc : memref<!tpu.dma_semaphore, #tpu.memory_space<semaphore_mem>>
      %dma_start3A = arith.constant 0 : i32
      %dma_start3A_38 = arith.constant 0 : i32
      %dma_start3A_39 = tpu.memref_slice %arg10[%add3A, %dma_start3A, %dma_start3A_38] : memref<32x1x128xi32, #tpu.memory_space<hbm>> -> memref<1x1x128xi32, #tpu.memory_space<hbm>>
      %dma_start3A_40 = tpu.memref_squeeze %dma_start3A_39 : memref<1x1x128xi32, #tpu.memory_space<hbm>> -> memref<1x128xi32, #tpu.memory_space<hbm>>
      %dma_start3A_41 = arith.constant 0 : i32
      %dma_start3A_42 = arith.constant 0 : i32
      %dma_start3A_43 = tpu.memref_slice %arg10[%add3A, %dma_start3A_41, %dma_start3A_42] : memref<32x1x128xi32, #tpu.memory_space<hbm>> -> memref<1x1x128xi32, #tpu.memory_space<hbm>>
      %dma_start3A_44 = tpu.memref_squeeze %dma_start3A_43 : memref<1x1x128xi32, #tpu.memory_space<hbm>> -> memref<1x128xi32, #tpu.memory_space<hbm>>
      tpu.enqueue_dma source(%arg17 : memref<1x128xi32, #tpu.memory_space<vmem>>) target(%dma_start3A_44 : memref<1x128xi32, #tpu.memory_space<hbm>>) target_semaphore(%run_scoped3A : memref<!tpu.dma_semaphore, #tpu.memory_space<semaphore_mem>>)
      %dma_wait3A = arith.constant 0 : i32
      %dma_wait3A_45 = arith.constant 0 : i32
      %dma_wait3A_46 = tpu.memref_slice %arg10[%add3A, %dma_wait3A, %dma_wait3A_45] : memref<32x1x128xi32, #tpu.memory_space<hbm>> -> memref<1x1x128xi32, #tpu.memory_space<hbm>>
      %dma_wait3A_47 = tpu.memref_squeeze %dma_wait3A_46 : memref<1x1x128xi32, #tpu.memory_space<hbm>> -> memref<1x128xi32, #tpu.memory_space<hbm>>
      %dma_wait3A_48 = arith.constant 0 : i32
      %dma_wait3A_49 = arith.constant 0 : i32
      %dma_wait3A_50 = tpu.memref_slice %arg10[%add3A, %dma_wait3A_48, %dma_wait3A_49] : memref<32x1x128xi32, #tpu.memory_space<hbm>> -> memref<1x1x128xi32, #tpu.memory_space<hbm>>
      %dma_wait3A_51 = tpu.memref_squeeze %dma_wait3A_50 : memref<1x1x128xi32, #tpu.memory_space<hbm>> -> memref<1x128xi32, #tpu.memory_space<hbm>>
      tpu.wait_dma2 semaphore(%run_scoped3A : memref<!tpu.dma_semaphore, #tpu.memory_space<semaphore_mem>>) src(%arg17 : memref<1x128xi32, #tpu.memory_space<vmem>>) dst(%dma_wait3A_51 : memref<1x128xi32, #tpu.memory_space<hbm>>)
      tpu.yield
    }) : () -> ()
    return
  }
}

#map = affine_map<(d0, d1) -> (0, 0)>
#map1 = affine_map<(d0, d1) -> (0, 0, 0)>
module attributes {stable_mosaic.version = 14 : i64} {
  func.func @_sc_aggregate_body(%arg0: i32, %arg1: i32, %arg2: memref<10000x128xf32, #tpu.memory_space<hbm>>, %arg3: memref<32x125x80xi32, #tpu.memory_space<hbm>>, %arg4: memref<32x125x80xi32, #tpu.memory_space<hbm>>, %arg5: memref<32x125x80xi32, #tpu.memory_space<hbm>>, %arg6: memref<32x125x80xi32, #tpu.memory_space<hbm>>, %arg7: memref<32x1x128xi32, #tpu.memory_space<hbm>>, %arg8: memref<336x128xf32, #tpu.memory_space<hbm>>, %arg9: memref<2x10240x128xf32, #tpu.memory_space<hbm>>, %arg10: memref<125x80xi32, #tpu.memory_space<vmem>>, %arg11: memref<125x80xi32, #tpu.memory_space<vmem>>, %arg12: memref<1x128xi32, #tpu.memory_space<vmem>>, %arg13: memref<80x128xf32, #tpu.memory_space<vmem>>, %arg14: memref<80x128xf32, #tpu.memory_space<vmem>>, %arg15: memref<5376x128xf32, #tpu.memory_space<vmem_shared>>, %arg16: memref<!tpu.dma_semaphore, #tpu.memory_space<semaphore_mem>>, %arg17: memref<!tpu.dma_semaphore, #tpu.memory_space<semaphore_mem>>) attributes {dimension_semantics = [#tpu.dimension_semantics<core_parallel>, #tpu.dimension_semantics<subcore_parallel>], iteration_bounds = array<i64: 2, 16>, scalar_prefetch = 0 : i64, scratch_operands = 8 : i64, tpu.core_type = #tpu.core_type<sc_vector_subcore>, window_params = [{transform_indices = #map}, {transform_indices = #map1}, {transform_indices = #map1}, {transform_indices = #map1}, {transform_indices = #map1}, {transform_indices = #map1}, {transform_indices = #map}, {transform_indices = #map1}]} {
    %mul3A = arith.constant 16 : i32
    %mul3A_0 = arith.muli %arg0, %mul3A : i32
    %add3A = arith.addi %mul3A_0, %arg1 : i32
    "tpu.region"() ({
      %run_scoped3A = tpu.sem_alloc : memref<!tpu.dma_semaphore, #tpu.memory_space<semaphore_mem>>
      %dma_start3A = arith.constant 0 : i32
      %dma_start3A_193 = arith.constant 0 : i32
      %dma_start3A_194 = tpu.memref_slice %arg7[%add3A, %dma_start3A, %dma_start3A_193] : memref<32x1x128xi32, #tpu.memory_space<hbm>> -> memref<1x1x128xi32, #tpu.memory_space<hbm>>
      %dma_start3A_195 = tpu.memref_squeeze %dma_start3A_194 : memref<1x1x128xi32, #tpu.memory_space<hbm>> -> memref<1x128xi32, #tpu.memory_space<hbm>>
      %dma_start3A_196 = arith.constant 0 : i32
      %dma_start3A_197 = arith.constant 0 : i32
      %dma_start3A_198 = tpu.memref_slice %arg7[%add3A, %dma_start3A_196, %dma_start3A_197] : memref<32x1x128xi32, #tpu.memory_space<hbm>> -> memref<1x1x128xi32, #tpu.memory_space<hbm>>
      %dma_start3A_199 = tpu.memref_squeeze %dma_start3A_198 : memref<1x1x128xi32, #tpu.memory_space<hbm>> -> memref<1x128xi32, #tpu.memory_space<hbm>>
      tpu.enqueue_dma source(%dma_start3A_199 : memref<1x128xi32, #tpu.memory_space<hbm>>) target(%arg12 : memref<1x128xi32, #tpu.memory_space<vmem>>) target_semaphore(%run_scoped3A : memref<!tpu.dma_semaphore, #tpu.memory_space<semaphore_mem>>)
      %dma_wait3A = arith.constant 0 : i32
      %dma_wait3A_200 = arith.constant 0 : i32
      %dma_wait3A_201 = tpu.memref_slice %arg7[%add3A, %dma_wait3A, %dma_wait3A_200] : memref<32x1x128xi32, #tpu.memory_space<hbm>> -> memref<1x1x128xi32, #tpu.memory_space<hbm>>
      %dma_wait3A_202 = tpu.memref_squeeze %dma_wait3A_201 : memref<1x1x128xi32, #tpu.memory_space<hbm>> -> memref<1x128xi32, #tpu.memory_space<hbm>>
      %dma_wait3A_203 = arith.constant 0 : i32
      %dma_wait3A_204 = arith.constant 0 : i32
      %dma_wait3A_205 = tpu.memref_slice %arg7[%add3A, %dma_wait3A_203, %dma_wait3A_204] : memref<32x1x128xi32, #tpu.memory_space<hbm>> -> memref<1x1x128xi32, #tpu.memory_space<hbm>>
      %dma_wait3A_206 = tpu.memref_squeeze %dma_wait3A_205 : memref<1x1x128xi32, #tpu.memory_space<hbm>> -> memref<1x128xi32, #tpu.memory_space<hbm>>
      tpu.wait_dma2 semaphore(%run_scoped3A : memref<!tpu.dma_semaphore, #tpu.memory_space<semaphore_mem>>) src(%dma_wait3A_206 : memref<1x128xi32, #tpu.memory_space<hbm>>) dst(%arg12 : memref<1x128xi32, #tpu.memory_space<vmem>>)
      tpu.yield
    }) : () -> ()
    "tpu.region"() ({
      %run_scoped3A = tpu.sem_alloc : memref<!tpu.dma_semaphore, #tpu.memory_space<semaphore_mem>>
      %dma_start3A = arith.constant 0 : i32
      %dma_start3A_193 = arith.constant 0 : i32
      %dma_start3A_194 = tpu.memref_slice %arg3[%add3A, %dma_start3A, %dma_start3A_193] : memref<32x125x80xi32, #tpu.memory_space<hbm>> -> memref<1x125x80xi32, #tpu.memory_space<hbm>>
      %dma_start3A_195 = tpu.memref_squeeze %dma_start3A_194 : memref<1x125x80xi32, #tpu.memory_space<hbm>> -> memref<125x80xi32, #tpu.memory_space<hbm>>
      %dma_start3A_196 = arith.constant 0 : i32
      %dma_start3A_197 = arith.constant 0 : i32
      %dma_start3A_198 = tpu.memref_slice %arg3[%add3A, %dma_start3A_196, %dma_start3A_197] : memref<32x125x80xi32, #tpu.memory_space<hbm>> -> memref<1x125x80xi32, #tpu.memory_space<hbm>>
      %dma_start3A_199 = tpu.memref_squeeze %dma_start3A_198 : memref<1x125x80xi32, #tpu.memory_space<hbm>> -> memref<125x80xi32, #tpu.memory_space<hbm>>
      tpu.enqueue_dma source(%dma_start3A_199 : memref<125x80xi32, #tpu.memory_space<hbm>>) target(%arg10 : memref<125x80xi32, #tpu.memory_space<vmem>>) target_semaphore(%run_scoped3A : memref<!tpu.dma_semaphore, #tpu.memory_space<semaphore_mem>>)
      %dma_wait3A = arith.constant 0 : i32
      %dma_wait3A_200 = arith.constant 0 : i32
      %dma_wait3A_201 = tpu.memref_slice %arg3[%add3A, %dma_wait3A, %dma_wait3A_200] : memref<32x125x80xi32, #tpu.memory_space<hbm>> -> memref<1x125x80xi32, #tpu.memory_space<hbm>>
      %dma_wait3A_202 = tpu.memref_squeeze %dma_wait3A_201 : memref<1x125x80xi32, #tpu.memory_space<hbm>> -> memref<125x80xi32, #tpu.memory_space<hbm>>
      %dma_wait3A_203 = arith.constant 0 : i32
      %dma_wait3A_204 = arith.constant 0 : i32
      %dma_wait3A_205 = tpu.memref_slice %arg3[%add3A, %dma_wait3A_203, %dma_wait3A_204] : memref<32x125x80xi32, #tpu.memory_space<hbm>> -> memref<1x125x80xi32, #tpu.memory_space<hbm>>
      %dma_wait3A_206 = tpu.memref_squeeze %dma_wait3A_205 : memref<1x125x80xi32, #tpu.memory_space<hbm>> -> memref<125x80xi32, #tpu.memory_space<hbm>>
      tpu.wait_dma2 semaphore(%run_scoped3A : memref<!tpu.dma_semaphore, #tpu.memory_space<semaphore_mem>>) src(%dma_wait3A_206 : memref<125x80xi32, #tpu.memory_space<hbm>>) dst(%arg10 : memref<125x80xi32, #tpu.memory_space<vmem>>)
      tpu.yield
    }) : () -> ()
    "tpu.region"() ({
      %run_scoped3A = tpu.sem_alloc : memref<!tpu.dma_semaphore, #tpu.memory_space<semaphore_mem>>
      %dma_start3A = arith.constant 0 : i32
      %dma_start3A_193 = arith.constant 0 : i32
      %dma_start3A_194 = tpu.memref_slice %arg4[%add3A, %dma_start3A, %dma_start3A_193] : memref<32x125x80xi32, #tpu.memory_space<hbm>> -> memref<1x125x80xi32, #tpu.memory_space<hbm>>
      %dma_start3A_195 = tpu.memref_squeeze %dma_start3A_194 : memref<1x125x80xi32, #tpu.memory_space<hbm>> -> memref<125x80xi32, #tpu.memory_space<hbm>>
      %dma_start3A_196 = arith.constant 0 : i32
      %dma_start3A_197 = arith.constant 0 : i32
      %dma_start3A_198 = tpu.memref_slice %arg4[%add3A, %dma_start3A_196, %dma_start3A_197] : memref<32x125x80xi32, #tpu.memory_space<hbm>> -> memref<1x125x80xi32, #tpu.memory_space<hbm>>
      %dma_start3A_199 = tpu.memref_squeeze %dma_start3A_198 : memref<1x125x80xi32, #tpu.memory_space<hbm>> -> memref<125x80xi32, #tpu.memory_space<hbm>>
      tpu.enqueue_dma source(%dma_start3A_199 : memref<125x80xi32, #tpu.memory_space<hbm>>) target(%arg11 : memref<125x80xi32, #tpu.memory_space<vmem>>) target_semaphore(%run_scoped3A : memref<!tpu.dma_semaphore, #tpu.memory_space<semaphore_mem>>)
      %dma_wait3A = arith.constant 0 : i32
      %dma_wait3A_200 = arith.constant 0 : i32
      %dma_wait3A_201 = tpu.memref_slice %arg4[%add3A, %dma_wait3A, %dma_wait3A_200] : memref<32x125x80xi32, #tpu.memory_space<hbm>> -> memref<1x125x80xi32, #tpu.memory_space<hbm>>
      %dma_wait3A_202 = tpu.memref_squeeze %dma_wait3A_201 : memref<1x125x80xi32, #tpu.memory_space<hbm>> -> memref<125x80xi32, #tpu.memory_space<hbm>>
      %dma_wait3A_203 = arith.constant 0 : i32
      %dma_wait3A_204 = arith.constant 0 : i32
      %dma_wait3A_205 = tpu.memref_slice %arg4[%add3A, %dma_wait3A_203, %dma_wait3A_204] : memref<32x125x80xi32, #tpu.memory_space<hbm>> -> memref<1x125x80xi32, #tpu.memory_space<hbm>>
      %dma_wait3A_206 = tpu.memref_squeeze %dma_wait3A_205 : memref<1x125x80xi32, #tpu.memory_space<hbm>> -> memref<125x80xi32, #tpu.memory_space<hbm>>
      tpu.wait_dma2 semaphore(%run_scoped3A : memref<!tpu.dma_semaphore, #tpu.memory_space<semaphore_mem>>) src(%dma_wait3A_206 : memref<125x80xi32, #tpu.memory_space<hbm>>) dst(%arg11 : memref<125x80xi32, #tpu.memory_space<vmem>>)
      tpu.yield
    }) : () -> ()
    %mul3A_1 = arith.constant 336 : i32
    %mul3A_2 = arith.muli %arg1, %mul3A_1 : i32
    "tpu.region"() ({
      %run_scoped3A = tpu.sem_alloc : memref<!tpu.dma_semaphore, #tpu.memory_space<semaphore_mem>>
      %dma_start3A = arith.constant 0 : i32
      %dma_start3A_193 = tpu.memref_slice %arg15[%mul3A_2, %dma_start3A] : memref<5376x128xf32, #tpu.memory_space<vmem_shared>> -> memref<336x128xf32, #tpu.memory_space<vmem_shared>>
      tpu.enqueue_dma source(%arg8 : memref<336x128xf32, #tpu.memory_space<hbm>>) target(%dma_start3A_193 : memref<336x128xf32, #tpu.memory_space<vmem_shared>>) target_semaphore(%run_scoped3A : memref<!tpu.dma_semaphore, #tpu.memory_space<semaphore_mem>>)
      %dma_wait3A = arith.constant 0 : i32
      %dma_wait3A_194 = tpu.memref_slice %arg15[%mul3A_2, %dma_wait3A] : memref<5376x128xf32, #tpu.memory_space<vmem_shared>> -> memref<336x128xf32, #tpu.memory_space<vmem_shared>>
      tpu.wait_dma2 semaphore(%run_scoped3A : memref<!tpu.dma_semaphore, #tpu.memory_space<semaphore_mem>>) src(%arg8 : memref<336x128xf32, #tpu.memory_space<hbm>>) dst(%dma_wait3A_194 : memref<336x128xf32, #tpu.memory_space<vmem_shared>>)
      tpu.yield
    }) : () -> ()
    %barrier3A = arith.constant 0 : index
    tpu.barrier barrier_id(%barrier3A)
    %get3A = arith.constant 0 : i32
    %get3A_3 = arith.index_cast %get3A : i32 to index
    %get3A_4 = arith.constant 0 : index
    %get3A_5 = tpu.vector_load %arg12[%get3A_3, %get3A_4] {strides = array<i32>} : memref<1x128xi32, #tpu.memory_space<vmem>>, vector<16xi32>,
    %reduce_max3A = arith.constant true
    %reduce_max3A_6 = vector.broadcast %reduce_max3A : i1 to vector<16xi1>
    %reduce_max3A_7 = arith.constant -2147483648 : i32
    %reduce_max3A_8 = vector.broadcast %reduce_max3A_7 : i32 to vector<16xi32>
    %reduce_max3A_9 = arith.xori %get3A_5, %reduce_max3A_8 : vector<16xi32>
    %reduce_max3A_10 = tpu.scan <max>, %reduce_max3A_9 masked %reduce_max3A_6 : vector<16xi32>, vector<16xi1> -> vector<16xi32>
    %reduce_max3A_11 = arith.xori %reduce_max3A_10, %reduce_max3A_8 : vector<16xi32>
    %reduce_max3A_12 = vector.extract %reduce_max3A_11[15] : i32 from vector<16xi32>
    %add3A_13 = arith.constant 79 : i32
    %add3A_14 = arith.addi %reduce_max3A_12, %add3A_13 : i32
    %jit3A = arith.constant 80 : i32
    %div3A = arith.divsi %add3A_14, %jit3A : i32
    %sign3A = arith.constant 0 : i32
    %sign3A_15 = arith.cmpi sgt, %add3A_14, %sign3A : i32
    %sign3A_16 = arith.extui %sign3A_15 : i1 to i32
    %sign3A_17 = arith.constant 0 : i32
    %sign3A_18 = arith.cmpi slt, %add3A_14, %sign3A_17 : i32
    %sign3A_19 = arith.extui %sign3A_18 : i1 to i32
    %sign3A_20 = arith.subi %sign3A_16, %sign3A_19 : i32
    %sign3A_21 = arith.constant 0 : i32
    %sign3A_22 = arith.cmpi sgt, %jit3A, %sign3A_21 : i32
    %sign3A_23 = arith.extui %sign3A_22 : i1 to i32
    %sign3A_24 = arith.constant 0 : i32
    %sign3A_25 = arith.cmpi slt, %jit3A, %sign3A_24 : i32
    %sign3A_26 = arith.extui %sign3A_25 : i1 to i32
    %sign3A_27 = arith.subi %sign3A_23, %sign3A_26 : i32
    %ne3A = arith.cmpi ne, %sign3A_20, %sign3A_27 : i32
    %rem3A = arith.remsi %add3A_14, %jit3A : i32
    %ne3A_28 = arith.constant 0 : i32
    %ne3A_29 = arith.cmpi ne, %rem3A, %ne3A_28 : i32
    %and3A = arith.andi %ne3A, %ne3A_29 : i1
    %sub3A = arith.constant 1 : i32
    %sub3A_30 = arith.subi %div3A, %sub3A : i32
    %select_n3A = arith.select %and3A, %sub3A_30, %div3A : i32
    %jit3A_31 = arith.constant 2 : i32
    %div3A_32 = arith.divsi %select_n3A, %jit3A_31 : i32
    %sign3A_33 = arith.constant 0 : i32
    %sign3A_34 = arith.cmpi sgt, %select_n3A, %sign3A_33 : i32
    %sign3A_35 = arith.extui %sign3A_34 : i1 to i32
    %sign3A_36 = arith.constant 0 : i32
    %sign3A_37 = arith.cmpi slt, %select_n3A, %sign3A_36 : i32
    %sign3A_38 = arith.extui %sign3A_37 : i1 to i32
    %sign3A_39 = arith.subi %sign3A_35, %sign3A_38 : i32
    %sign3A_40 = arith.constant 0 : i32
    %sign3A_41 = arith.cmpi sgt, %jit3A_31, %sign3A_40 : i32
    %sign3A_42 = arith.extui %sign3A_41 : i1 to i32
    %sign3A_43 = arith.constant 0 : i32
    %sign3A_44 = arith.cmpi slt, %jit3A_31, %sign3A_43 : i32
    %sign3A_45 = arith.extui %sign3A_44 : i1 to i32
    %sign3A_46 = arith.subi %sign3A_42, %sign3A_45 : i32
    %ne3A_47 = arith.cmpi ne, %sign3A_39, %sign3A_46 : i32
    %rem3A_48 = arith.remsi %select_n3A, %jit3A_31 : i32
    %ne3A_49 = arith.constant 0 : i32
    %ne3A_50 = arith.cmpi ne, %rem3A_48, %ne3A_49 : i32
    %and3A_51 = arith.andi %ne3A_47, %ne3A_50 : i1
    %sub3A_52 = arith.constant 1 : i32
    %sub3A_53 = arith.subi %div3A_32, %sub3A_52 : i32
    %select_n3A_54 = arith.select %and3A_51, %sub3A_53, %div3A_32 : i32
    %while3A = arith.constant 0 : i32
    %while3A_55 = arith.constant 0 : i32
    %while3A_56 = arith.subi %select_n3A_54, %while3A_55 : i32
    %while3A_57 = arith.addi %while3A_55, %while3A_56 : i32
    %while3A_58 = arith.constant 1 : i32
    %while3A_59 = arith.divsi %while3A_56, %while3A_58 : i32
    %while3A_60 = arith.muli %while3A_59, %while3A_58 : i32
    %while3A_61 = arith.addi %while3A_55, %while3A_60 : i32
    %while3A_62 = arith.constant 1 : i32
    scf.for %while3A_193 = %while3A_55 to %while3A_61 step %while3A_62  : i32 {
      %mul3A_194 = arith.constant 2 : i32
      %mul3A_195 = arith.muli %while3A_193, %mul3A_194 : i32
      %dma_start3A = arith.constant 0 : i32
      %dma_start3A_196 = tpu.memref_slice %arg10[%mul3A_195, %dma_start3A] : memref<125x80xi32, #tpu.memory_space<vmem>> -> memref<1x80xi32, #tpu.memory_space<vmem>>
      %dma_start3A_197 = tpu.memref_squeeze %dma_start3A_196 : memref<1x80xi32, #tpu.memory_space<vmem>> -> memref<80xi32, #tpu.memory_space<vmem>>
      %dma_start3A_198 = arith.constant 0 : i32
      %dma_start3A_199 = arith.constant 0 : i32
      %dma_start3A_200 = tpu.memref_slice %arg2[%dma_start3A_198, %dma_start3A_199] : memref<10000x128xf32, #tpu.memory_space<hbm>> -> memref<10000x128xf32, #tpu.memory_space<hbm>>
      tpu.enqueue_indirect_dma source(%dma_start3A_200 : memref<10000x128xf32, #tpu.memory_space<hbm>>) target(%arg13 : memref<80x128xf32, #tpu.memory_space<vmem>>) offsets(%dma_start3A_197 : memref<80xi32, #tpu.memory_space<vmem>>) semaphore(%arg16 : memref<!tpu.dma_semaphore, #tpu.memory_space<semaphore_mem>>)
      %add3A_201 = arith.constant 1 : i32
      %add3A_202 = arith.addi %mul3A_195, %add3A_201 : i32
      %dma_start3A_203 = arith.constant 0 : i32
      %dma_start3A_204 = tpu.memref_slice %arg10[%add3A_202, %dma_start3A_203] : memref<125x80xi32, #tpu.memory_space<vmem>> -> memref<1x80xi32, #tpu.memory_space<vmem>>
      %dma_start3A_205 = tpu.memref_squeeze %dma_start3A_204 : memref<1x80xi32, #tpu.memory_space<vmem>> -> memref<80xi32, #tpu.memory_space<vmem>>
      %dma_start3A_206 = arith.constant 0 : i32
      %dma_start3A_207 = arith.constant 0 : i32
      %dma_start3A_208 = tpu.memref_slice %arg2[%dma_start3A_206, %dma_start3A_207] : memref<10000x128xf32, #tpu.memory_space<hbm>> -> memref<10000x128xf32, #tpu.memory_space<hbm>>
      tpu.enqueue_indirect_dma source(%dma_start3A_208 : memref<10000x128xf32, #tpu.memory_space<hbm>>) target(%arg14 : memref<80x128xf32, #tpu.memory_space<vmem>>) offsets(%dma_start3A_205 : memref<80xi32, #tpu.memory_space<vmem>>) semaphore(%arg17 : memref<!tpu.dma_semaphore, #tpu.memory_space<semaphore_mem>>)
      %dma_wait3A = arith.constant 0 : i32
      %dma_wait3A_209 = tpu.memref_slice %arg10[%mul3A_195, %dma_wait3A] : memref<125x80xi32, #tpu.memory_space<vmem>> -> memref<1x80xi32, #tpu.memory_space<vmem>>
      %dma_wait3A_210 = tpu.memref_squeeze %dma_wait3A_209 : memref<1x80xi32, #tpu.memory_space<vmem>> -> memref<80xi32, #tpu.memory_space<vmem>>
      %dma_wait3A_211 = arith.constant 0 : i32
      %dma_wait3A_212 = arith.constant 0 : i32
      %dma_wait3A_213 = tpu.memref_slice %arg2[%dma_wait3A_211, %dma_wait3A_212] : memref<10000x128xf32, #tpu.memory_space<hbm>> -> memref<10000x128xf32, #tpu.memory_space<hbm>>
      tpu.wait_indirect_dma semaphore(%arg16 : memref<!tpu.dma_semaphore, #tpu.memory_space<semaphore_mem>>) src(%dma_wait3A_213 : memref<10000x128xf32, #tpu.memory_space<hbm>>) dst(%arg13 : memref<80x128xf32, #tpu.memory_space<vmem>>)
      "tpu.region"() ({
        %run_scoped3A = tpu.sem_alloc : memref<!tpu.dma_semaphore, #tpu.memory_space<semaphore_mem>>
        %dma_start3A_222 = arith.constant 0 : i32
        %dma_start3A_223 = tpu.memref_slice %arg11[%mul3A_195, %dma_start3A_222] : memref<125x80xi32, #tpu.memory_space<vmem>> -> memref<1x80xi32, #tpu.memory_space<vmem>>
        %dma_start3A_224 = tpu.memref_squeeze %dma_start3A_223 : memref<1x80xi32, #tpu.memory_space<vmem>> -> memref<80xi32, #tpu.memory_space<vmem>>
        %dma_start3A_225 = arith.constant 0 : i32
        %dma_start3A_226 = arith.constant 0 : i32
        %dma_start3A_227 = tpu.memref_slice %arg15[%dma_start3A_225, %dma_start3A_226] : memref<5376x128xf32, #tpu.memory_space<vmem_shared>> -> memref<5376x128xf32, #tpu.memory_space<vmem_shared>>
        tpu.enqueue_indirect_dma source(%arg13 : memref<80x128xf32, #tpu.memory_space<vmem>>) target(%dma_start3A_227 : memref<5376x128xf32, #tpu.memory_space<vmem_shared>>) offsets(%dma_start3A_224 : memref<80xi32, #tpu.memory_space<vmem>>) semaphore(%run_scoped3A : memref<!tpu.dma_semaphore, #tpu.memory_space<semaphore_mem>>) {add = true}
        %dma_wait3A_228 = arith.constant 0 : i32
        %dma_wait3A_229 = tpu.memref_slice %arg11[%mul3A_195, %dma_wait3A_228] : memref<125x80xi32, #tpu.memory_space<vmem>> -> memref<1x80xi32, #tpu.memory_space<vmem>>
        %dma_wait3A_230 = tpu.memref_squeeze %dma_wait3A_229 : memref<1x80xi32, #tpu.memory_space<vmem>> -> memref<80xi32, #tpu.memory_space<vmem>>
        %dma_wait3A_231 = arith.constant 0 : i32
        %dma_wait3A_232 = arith.constant 0 : i32
        %dma_wait3A_233 = tpu.memref_slice %arg15[%dma_wait3A_231, %dma_wait3A_232] : memref<5376x128xf32, #tpu.memory_space<vmem_shared>> -> memref<5376x128xf32, #tpu.memory_space<vmem_shared>>
        tpu.wait_indirect_dma semaphore(%run_scoped3A : memref<!tpu.dma_semaphore, #tpu.memory_space<semaphore_mem>>) src(%arg13 : memref<80x128xf32, #tpu.memory_space<vmem>>) dst(%dma_wait3A_233 : memref<5376x128xf32, #tpu.memory_space<vmem_shared>>)
        tpu.yield
      }) : () -> ()
      %dma_wait3A_214 = arith.constant 0 : i32
      %dma_wait3A_215 = tpu.memref_slice %arg10[%add3A_202, %dma_wait3A_214] : memref<125x80xi32, #tpu.memory_space<vmem>> -> memref<1x80xi32, #tpu.memory_space<vmem>>
      %dma_wait3A_216 = tpu.memref_squeeze %dma_wait3A_215 : memref<1x80xi32, #tpu.memory_space<vmem>> -> memref<80xi32, #tpu.memory_space<vmem>>
      %dma_wait3A_217 = arith.constant 0 : i32
      %dma_wait3A_218 = arith.constant 0 : i32
      %dma_wait3A_219 = tpu.memref_slice %arg2[%dma_wait3A_217, %dma_wait3A_218] : memref<10000x128xf32, #tpu.memory_space<hbm>> -> memref<10000x128xf32, #tpu.memory_space<hbm>>
      tpu.wait_indirect_dma semaphore(%arg17 : memref<!tpu.dma_semaphore, #tpu.memory_space<semaphore_mem>>) src(%dma_wait3A_219 : memref<10000x128xf32, #tpu.memory_space<hbm>>) dst(%arg14 : memref<80x128xf32, #tpu.memory_space<vmem>>)
      %add3A_220 = arith.constant 1 : i32
      %add3A_221 = arith.addi %mul3A_195, %add3A_220 : i32
      "tpu.region"() ({
        %run_scoped3A = tpu.sem_alloc : memref<!tpu.dma_semaphore, #tpu.memory_space<semaphore_mem>>
        %dma_start3A_222 = arith.constant 0 : i32
        %dma_start3A_223 = tpu.memref_slice %arg11[%add3A_221, %dma_start3A_222] : memref<125x80xi32, #tpu.memory_space<vmem>> -> memref<1x80xi32, #tpu.memory_space<vmem>>
        %dma_start3A_224 = tpu.memref_squeeze %dma_start3A_223 : memref<1x80xi32, #tpu.memory_space<vmem>> -> memref<80xi32, #tpu.memory_space<vmem>>
        %dma_start3A_225 = arith.constant 0 : i32
        %dma_start3A_226 = arith.constant 0 : i32
        %dma_start3A_227 = tpu.memref_slice %arg15[%dma_start3A_225, %dma_start3A_226] : memref<5376x128xf32, #tpu.memory_space<vmem_shared>> -> memref<5376x128xf32, #tpu.memory_space<vmem_shared>>
        tpu.enqueue_indirect_dma source(%arg14 : memref<80x128xf32, #tpu.memory_space<vmem>>) target(%dma_start3A_227 : memref<5376x128xf32, #tpu.memory_space<vmem_shared>>) offsets(%dma_start3A_224 : memref<80xi32, #tpu.memory_space<vmem>>) semaphore(%run_scoped3A : memref<!tpu.dma_semaphore, #tpu.memory_space<semaphore_mem>>) {add = true}
        %dma_wait3A_228 = arith.constant 0 : i32
        %dma_wait3A_229 = tpu.memref_slice %arg11[%add3A_221, %dma_wait3A_228] : memref<125x80xi32, #tpu.memory_space<vmem>> -> memref<1x80xi32, #tpu.memory_space<vmem>>
        %dma_wait3A_230 = tpu.memref_squeeze %dma_wait3A_229 : memref<1x80xi32, #tpu.memory_space<vmem>> -> memref<80xi32, #tpu.memory_space<vmem>>
        %dma_wait3A_231 = arith.constant 0 : i32
        %dma_wait3A_232 = arith.constant 0 : i32
        %dma_wait3A_233 = tpu.memref_slice %arg15[%dma_wait3A_231, %dma_wait3A_232] : memref<5376x128xf32, #tpu.memory_space<vmem_shared>> -> memref<5376x128xf32, #tpu.memory_space<vmem_shared>>
        tpu.wait_indirect_dma semaphore(%run_scoped3A : memref<!tpu.dma_semaphore, #tpu.memory_space<semaphore_mem>>) src(%arg14 : memref<80x128xf32, #tpu.memory_space<vmem>>) dst(%dma_wait3A_233 : memref<5376x128xf32, #tpu.memory_space<vmem_shared>>)
        tpu.yield
      }) : () -> ()
    }
    %while3A_63 = arith.constant 1 : i32
    scf.for %while3A_193 = %while3A_61 to %while3A_57 step %while3A_63  : i32 {
      %mul3A_194 = arith.constant 2 : i32
      %mul3A_195 = arith.muli %while3A_193, %mul3A_194 : i32
      %dma_start3A = arith.constant 0 : i32
      %dma_start3A_196 = tpu.memref_slice %arg10[%mul3A_195, %dma_start3A] : memref<125x80xi32, #tpu.memory_space<vmem>> -> memref<1x80xi32, #tpu.memory_space<vmem>>
      %dma_start3A_197 = tpu.memref_squeeze %dma_start3A_196 : memref<1x80xi32, #tpu.memory_space<vmem>> -> memref<80xi32, #tpu.memory_space<vmem>>
      %dma_start3A_198 = arith.constant 0 : i32
      %dma_start3A_199 = arith.constant 0 : i32
      %dma_start3A_200 = tpu.memref_slice %arg2[%dma_start3A_198, %dma_start3A_199] : memref<10000x128xf32, #tpu.memory_space<hbm>> -> memref<10000x128xf32, #tpu.memory_space<hbm>>
      tpu.enqueue_indirect_dma source(%dma_start3A_200 : memref<10000x128xf32, #tpu.memory_space<hbm>>) target(%arg13 : memref<80x128xf32, #tpu.memory_space<vmem>>) offsets(%dma_start3A_197 : memref<80xi32, #tpu.memory_space<vmem>>) semaphore(%arg16 : memref<!tpu.dma_semaphore, #tpu.memory_space<semaphore_mem>>)
      %add3A_201 = arith.constant 1 : i32
      %add3A_202 = arith.addi %mul3A_195, %add3A_201 : i32
      %dma_start3A_203 = arith.constant 0 : i32
      %dma_start3A_204 = tpu.memref_slice %arg10[%add3A_202, %dma_start3A_203] : memref<125x80xi32, #tpu.memory_space<vmem>> -> memref<1x80xi32, #tpu.memory_space<vmem>>
      %dma_start3A_205 = tpu.memref_squeeze %dma_start3A_204 : memref<1x80xi32, #tpu.memory_space<vmem>> -> memref<80xi32, #tpu.memory_space<vmem>>
      %dma_start3A_206 = arith.constant 0 : i32
      %dma_start3A_207 = arith.constant 0 : i32
      %dma_start3A_208 = tpu.memref_slice %arg2[%dma_start3A_206, %dma_start3A_207] : memref<10000x128xf32, #tpu.memory_space<hbm>> -> memref<10000x128xf32, #tpu.memory_space<hbm>>
      tpu.enqueue_indirect_dma source(%dma_start3A_208 : memref<10000x128xf32, #tpu.memory_space<hbm>>) target(%arg14 : memref<80x128xf32, #tpu.memory_space<vmem>>) offsets(%dma_start3A_205 : memref<80xi32, #tpu.memory_space<vmem>>) semaphore(%arg17 : memref<!tpu.dma_semaphore, #tpu.memory_space<semaphore_mem>>)
      %dma_wait3A = arith.constant 0 : i32
      %dma_wait3A_209 = tpu.memref_slice %arg10[%mul3A_195, %dma_wait3A] : memref<125x80xi32, #tpu.memory_space<vmem>> -> memref<1x80xi32, #tpu.memory_space<vmem>>
      %dma_wait3A_210 = tpu.memref_squeeze %dma_wait3A_209 : memref<1x80xi32, #tpu.memory_space<vmem>> -> memref<80xi32, #tpu.memory_space<vmem>>
      %dma_wait3A_211 = arith.constant 0 : i32
      %dma_wait3A_212 = arith.constant 0 : i32
      %dma_wait3A_213 = tpu.memref_slice %arg2[%dma_wait3A_211, %dma_wait3A_212] : memref<10000x128xf32, #tpu.memory_space<hbm>> -> memref<10000x128xf32, #tpu.memory_space<hbm>>
      tpu.wait_indirect_dma semaphore(%arg16 : memref<!tpu.dma_semaphore, #tpu.memory_space<semaphore_mem>>) src(%dma_wait3A_213 : memref<10000x128xf32, #tpu.memory_space<hbm>>) dst(%arg13 : memref<80x128xf32, #tpu.memory_space<vmem>>)
      "tpu.region"() ({
        %run_scoped3A = tpu.sem_alloc : memref<!tpu.dma_semaphore, #tpu.memory_space<semaphore_mem>>
        %dma_start3A_222 = arith.constant 0 : i32
        %dma_start3A_223 = tpu.memref_slice %arg11[%mul3A_195, %dma_start3A_222] : memref<125x80xi32, #tpu.memory_space<vmem>> -> memref<1x80xi32, #tpu.memory_space<vmem>>
        %dma_start3A_224 = tpu.memref_squeeze %dma_start3A_223 : memref<1x80xi32, #tpu.memory_space<vmem>> -> memref<80xi32, #tpu.memory_space<vmem>>
        %dma_start3A_225 = arith.constant 0 : i32
        %dma_start3A_226 = arith.constant 0 : i32
        %dma_start3A_227 = tpu.memref_slice %arg15[%dma_start3A_225, %dma_start3A_226] : memref<5376x128xf32, #tpu.memory_space<vmem_shared>> -> memref<5376x128xf32, #tpu.memory_space<vmem_shared>>
        tpu.enqueue_indirect_dma source(%arg13 : memref<80x128xf32, #tpu.memory_space<vmem>>) target(%dma_start3A_227 : memref<5376x128xf32, #tpu.memory_space<vmem_shared>>) offsets(%dma_start3A_224 : memref<80xi32, #tpu.memory_space<vmem>>) semaphore(%run_scoped3A : memref<!tpu.dma_semaphore, #tpu.memory_space<semaphore_mem>>) {add = true}
        %dma_wait3A_228 = arith.constant 0 : i32
        %dma_wait3A_229 = tpu.memref_slice %arg11[%mul3A_195, %dma_wait3A_228] : memref<125x80xi32, #tpu.memory_space<vmem>> -> memref<1x80xi32, #tpu.memory_space<vmem>>
        %dma_wait3A_230 = tpu.memref_squeeze %dma_wait3A_229 : memref<1x80xi32, #tpu.memory_space<vmem>> -> memref<80xi32, #tpu.memory_space<vmem>>
        %dma_wait3A_231 = arith.constant 0 : i32
        %dma_wait3A_232 = arith.constant 0 : i32
        %dma_wait3A_233 = tpu.memref_slice %arg15[%dma_wait3A_231, %dma_wait3A_232] : memref<5376x128xf32, #tpu.memory_space<vmem_shared>> -> memref<5376x128xf32, #tpu.memory_space<vmem_shared>>
        tpu.wait_indirect_dma semaphore(%run_scoped3A : memref<!tpu.dma_semaphore, #tpu.memory_space<semaphore_mem>>) src(%arg13 : memref<80x128xf32, #tpu.memory_space<vmem>>) dst(%dma_wait3A_233 : memref<5376x128xf32, #tpu.memory_space<vmem_shared>>)
        tpu.yield
      }) : () -> ()
      %dma_wait3A_214 = arith.constant 0 : i32
      %dma_wait3A_215 = tpu.memref_slice %arg10[%add3A_202, %dma_wait3A_214] : memref<125x80xi32, #tpu.memory_space<vmem>> -> memref<1x80xi32, #tpu.memory_space<vmem>>
      %dma_wait3A_216 = tpu.memref_squeeze %dma_wait3A_215 : memref<1x80xi32, #tpu.memory_space<vmem>> -> memref<80xi32, #tpu.memory_space<vmem>>
      %dma_wait3A_217 = arith.constant 0 : i32
      %dma_wait3A_218 = arith.constant 0 : i32
      %dma_wait3A_219 = tpu.memref_slice %arg2[%dma_wait3A_217, %dma_wait3A_218] : memref<10000x128xf32, #tpu.memory_space<hbm>> -> memref<10000x128xf32, #tpu.memory_space<hbm>>
      tpu.wait_indirect_dma semaphore(%arg17 : memref<!tpu.dma_semaphore, #tpu.memory_space<semaphore_mem>>) src(%dma_wait3A_219 : memref<10000x128xf32, #tpu.memory_space<hbm>>) dst(%arg14 : memref<80x128xf32, #tpu.memory_space<vmem>>)
      %add3A_220 = arith.constant 1 : i32
      %add3A_221 = arith.addi %mul3A_195, %add3A_220 : i32
      "tpu.region"() ({
        %run_scoped3A = tpu.sem_alloc : memref<!tpu.dma_semaphore, #tpu.memory_space<semaphore_mem>>
        %dma_start3A_222 = arith.constant 0 : i32
        %dma_start3A_223 = tpu.memref_slice %arg11[%add3A_221, %dma_start3A_222] : memref<125x80xi32, #tpu.memory_space<vmem>> -> memref<1x80xi32, #tpu.memory_space<vmem>>
        %dma_start3A_224 = tpu.memref_squeeze %dma_start3A_223 : memref<1x80xi32, #tpu.memory_space<vmem>> -> memref<80xi32, #tpu.memory_space<vmem>>
        %dma_start3A_225 = arith.constant 0 : i32
        %dma_start3A_226 = arith.constant 0 : i32
        %dma_start3A_227 = tpu.memref_slice %arg15[%dma_start3A_225, %dma_start3A_226] : memref<5376x128xf32, #tpu.memory_space<vmem_shared>> -> memref<5376x128xf32, #tpu.memory_space<vmem_shared>>
        tpu.enqueue_indirect_dma source(%arg14 : memref<80x128xf32, #tpu.memory_space<vmem>>) target(%dma_start3A_227 : memref<5376x128xf32, #tpu.memory_space<vmem_shared>>) offsets(%dma_start3A_224 : memref<80xi32, #tpu.memory_space<vmem>>) semaphore(%run_scoped3A : memref<!tpu.dma_semaphore, #tpu.memory_space<semaphore_mem>>) {add = true}
        %dma_wait3A_228 = arith.constant 0 : i32
        %dma_wait3A_229 = tpu.memref_slice %arg11[%add3A_221, %dma_wait3A_228] : memref<125x80xi32, #tpu.memory_space<vmem>> -> memref<1x80xi32, #tpu.memory_space<vmem>>
        %dma_wait3A_230 = tpu.memref_squeeze %dma_wait3A_229 : memref<1x80xi32, #tpu.memory_space<vmem>> -> memref<80xi32, #tpu.memory_space<vmem>>
        %dma_wait3A_231 = arith.constant 0 : i32
        %dma_wait3A_232 = arith.constant 0 : i32
        %dma_wait3A_233 = tpu.memref_slice %arg15[%dma_wait3A_231, %dma_wait3A_232] : memref<5376x128xf32, #tpu.memory_space<vmem_shared>> -> memref<5376x128xf32, #tpu.memory_space<vmem_shared>>
        tpu.wait_indirect_dma semaphore(%run_scoped3A : memref<!tpu.dma_semaphore, #tpu.memory_space<semaphore_mem>>) src(%arg14 : memref<80x128xf32, #tpu.memory_space<vmem>>) dst(%dma_wait3A_233 : memref<5376x128xf32, #tpu.memory_space<vmem_shared>>)
        tpu.yield
      }) : () -> ()
    }
    %jit3A_64 = arith.constant 2 : i32
    %eq3A = arith.constant 0 : i32
    %eq3A_65 = arith.cmpi eq, %jit3A_64, %eq3A : i32
    %jit3A_66 = arith.constant 1 : i32
    %select_n3A_67 = arith.select %eq3A_65, %jit3A_66, %jit3A_64 : i32
    %rem3A_68 = arith.remsi %select_n3A, %select_n3A_67 : i32
    %ne3A_69 = arith.constant 0 : i32
    %ne3A_70 = arith.cmpi ne, %rem3A_68, %ne3A_69 : i32
    %lt3A = arith.constant 0 : i32
    %lt3A_71 = arith.cmpi slt, %rem3A_68, %lt3A : i32
    %lt3A_72 = arith.constant 0 : i32
    %lt3A_73 = arith.cmpi slt, %select_n3A_67, %lt3A_72 : i32
    %ne3A_74 = arith.xori %lt3A_71, %lt3A_73 : i1
    %and3A_75 = arith.andi %ne3A_74, %ne3A_70 : i1
    %add3A_76 = arith.addi %rem3A_68, %select_n3A_67 : i32
    %select_n3A_77 = arith.select %and3A_75, %add3A_76, %rem3A_68 : i32
    %eq3A_78 = arith.constant 1 : i32
    %eq3A_79 = arith.cmpi eq, %select_n3A_77, %eq3A_78 : i32
    %convert_element_type3A = arith.extui %eq3A_79 : i1 to i32
    %cond3A = arith.constant 0 : i32
    %cond3A_80 = arith.cmpi ne, %convert_element_type3A, %cond3A : i32
    scf.if %cond3A_80 {
      %sub3A_193 = arith.constant 1 : i32
      %sub3A_194 = arith.subi %select_n3A, %sub3A_193 : i32
      %dma_start3A = arith.constant 0 : i32
      %dma_start3A_195 = tpu.memref_slice %arg10[%sub3A_194, %dma_start3A] : memref<125x80xi32, #tpu.memory_space<vmem>> -> memref<1x80xi32, #tpu.memory_space<vmem>>
      %dma_start3A_196 = tpu.memref_squeeze %dma_start3A_195 : memref<1x80xi32, #tpu.memory_space<vmem>> -> memref<80xi32, #tpu.memory_space<vmem>>
      %dma_start3A_197 = arith.constant 0 : i32
      %dma_start3A_198 = arith.constant 0 : i32
      %dma_start3A_199 = tpu.memref_slice %arg2[%dma_start3A_197, %dma_start3A_198] : memref<10000x128xf32, #tpu.memory_space<hbm>> -> memref<10000x128xf32, #tpu.memory_space<hbm>>
      tpu.enqueue_indirect_dma source(%dma_start3A_199 : memref<10000x128xf32, #tpu.memory_space<hbm>>) target(%arg13 : memref<80x128xf32, #tpu.memory_space<vmem>>) offsets(%dma_start3A_196 : memref<80xi32, #tpu.memory_space<vmem>>) semaphore(%arg16 : memref<!tpu.dma_semaphore, #tpu.memory_space<semaphore_mem>>)
      %dma_wait3A = arith.constant 0 : i32
      %dma_wait3A_200 = tpu.memref_slice %arg10[%sub3A_194, %dma_wait3A] : memref<125x80xi32, #tpu.memory_space<vmem>> -> memref<1x80xi32, #tpu.memory_space<vmem>>
      %dma_wait3A_201 = tpu.memref_squeeze %dma_wait3A_200 : memref<1x80xi32, #tpu.memory_space<vmem>> -> memref<80xi32, #tpu.memory_space<vmem>>
      %dma_wait3A_202 = arith.constant 0 : i32
      %dma_wait3A_203 = arith.constant 0 : i32
      %dma_wait3A_204 = tpu.memref_slice %arg2[%dma_wait3A_202, %dma_wait3A_203] : memref<10000x128xf32, #tpu.memory_space<hbm>> -> memref<10000x128xf32, #tpu.memory_space<hbm>>
      tpu.wait_indirect_dma semaphore(%arg16 : memref<!tpu.dma_semaphore, #tpu.memory_space<semaphore_mem>>) src(%dma_wait3A_204 : memref<10000x128xf32, #tpu.memory_space<hbm>>) dst(%arg13 : memref<80x128xf32, #tpu.memory_space<vmem>>)
      %sub3A_205 = arith.constant 1 : i32
      %sub3A_206 = arith.subi %select_n3A, %sub3A_205 : i32
      "tpu.region"() ({
        %run_scoped3A = tpu.sem_alloc : memref<!tpu.dma_semaphore, #tpu.memory_space<semaphore_mem>>
        %dma_start3A_207 = arith.constant 0 : i32
        %dma_start3A_208 = tpu.memref_slice %arg11[%sub3A_206, %dma_start3A_207] : memref<125x80xi32, #tpu.memory_space<vmem>> -> memref<1x80xi32, #tpu.memory_space<vmem>>
        %dma_start3A_209 = tpu.memref_squeeze %dma_start3A_208 : memref<1x80xi32, #tpu.memory_space<vmem>> -> memref<80xi32, #tpu.memory_space<vmem>>
        %dma_start3A_210 = arith.constant 0 : i32
        %dma_start3A_211 = arith.constant 0 : i32
        %dma_start3A_212 = tpu.memref_slice %arg15[%dma_start3A_210, %dma_start3A_211] : memref<5376x128xf32, #tpu.memory_space<vmem_shared>> -> memref<5376x128xf32, #tpu.memory_space<vmem_shared>>
        tpu.enqueue_indirect_dma source(%arg13 : memref<80x128xf32, #tpu.memory_space<vmem>>) target(%dma_start3A_212 : memref<5376x128xf32, #tpu.memory_space<vmem_shared>>) offsets(%dma_start3A_209 : memref<80xi32, #tpu.memory_space<vmem>>) semaphore(%run_scoped3A : memref<!tpu.dma_semaphore, #tpu.memory_space<semaphore_mem>>) {add = true}
        %dma_wait3A_213 = arith.constant 0 : i32
        %dma_wait3A_214 = tpu.memref_slice %arg11[%sub3A_206, %dma_wait3A_213] : memref<125x80xi32, #tpu.memory_space<vmem>> -> memref<1x80xi32, #tpu.memory_space<vmem>>
        %dma_wait3A_215 = tpu.memref_squeeze %dma_wait3A_214 : memref<1x80xi32, #tpu.memory_space<vmem>> -> memref<80xi32, #tpu.memory_space<vmem>>
        %dma_wait3A_216 = arith.constant 0 : i32
        %dma_wait3A_217 = arith.constant 0 : i32
        %dma_wait3A_218 = tpu.memref_slice %arg15[%dma_wait3A_216, %dma_wait3A_217] : memref<5376x128xf32, #tpu.memory_space<vmem_shared>> -> memref<5376x128xf32, #tpu.memory_space<vmem_shared>>
        tpu.wait_indirect_dma semaphore(%run_scoped3A : memref<!tpu.dma_semaphore, #tpu.memory_space<semaphore_mem>>) src(%arg13 : memref<80x128xf32, #tpu.memory_space<vmem>>) dst(%dma_wait3A_218 : memref<5376x128xf32, #tpu.memory_space<vmem_shared>>)
        tpu.yield
      }) : () -> ()
    } else {
    }
    %barrier3A_81 = arith.constant 0 : index
    tpu.barrier barrier_id(%barrier3A_81)
    %mul3A_82 = arith.constant 320 : i32
    %mul3A_83 = arith.muli %arg1, %mul3A_82 : i32
    %mul3A_84 = arith.constant 320 : i32
    %mul3A_85 = arith.muli %arg1, %mul3A_84 : i32
    %add3A_86 = arith.constant 0 : i32
    %add3A_87 = arith.addi %add3A_86, %mul3A_85 : i32
    "tpu.region"() ({
      %run_scoped3A = tpu.sem_alloc : memref<!tpu.dma_semaphore, #tpu.memory_space<semaphore_mem>>
      %dma_start3A = arith.constant 0 : i32
      %dma_start3A_193 = tpu.memref_slice %arg9[%arg0, %add3A_87, %dma_start3A] : memref<2x10240x128xf32, #tpu.memory_space<hbm>> -> memref<1x320x128xf32, #tpu.memory_space<hbm>>
      %dma_start3A_194 = tpu.memref_squeeze %dma_start3A_193 : memref<1x320x128xf32, #tpu.memory_space<hbm>> -> memref<320x128xf32, #tpu.memory_space<hbm>>
      %dma_start3A_195 = arith.constant 0 : i32
      %dma_start3A_196 = tpu.memref_slice %arg15[%mul3A_83, %dma_start3A_195] : memref<5376x128xf32, #tpu.memory_space<vmem_shared>> -> memref<320x128xf32, #tpu.memory_space<vmem_shared>>
      tpu.enqueue_dma source(%dma_start3A_196 : memref<320x128xf32, #tpu.memory_space<vmem_shared>>) target(%dma_start3A_194 : memref<320x128xf32, #tpu.memory_space<hbm>>) target_semaphore(%run_scoped3A : memref<!tpu.dma_semaphore, #tpu.memory_space<semaphore_mem>>)
      %dma_wait3A = arith.constant 0 : i32
      %dma_wait3A_197 = tpu.memref_slice %arg9[%arg0, %add3A_87, %dma_wait3A] : memref<2x10240x128xf32, #tpu.memory_space<hbm>> -> memref<1x320x128xf32, #tpu.memory_space<hbm>>
      %dma_wait3A_198 = tpu.memref_squeeze %dma_wait3A_197 : memref<1x320x128xf32, #tpu.memory_space<hbm>> -> memref<320x128xf32, #tpu.memory_space<hbm>>
      %dma_wait3A_199 = arith.constant 0 : i32
      %dma_wait3A_200 = tpu.memref_slice %arg15[%mul3A_83, %dma_wait3A_199] : memref<5376x128xf32, #tpu.memory_space<vmem_shared>> -> memref<320x128xf32, #tpu.memory_space<vmem_shared>>
      tpu.wait_dma2 semaphore(%run_scoped3A : memref<!tpu.dma_semaphore, #tpu.memory_space<semaphore_mem>>) src(%dma_wait3A_200 : memref<320x128xf32, #tpu.memory_space<vmem_shared>>) dst(%dma_wait3A_198 : memref<320x128xf32, #tpu.memory_space<hbm>>)
      tpu.yield
    }) : () -> ()
    %barrier3A_88 = arith.constant 0 : index
    tpu.barrier barrier_id(%barrier3A_88)
    "tpu.region"() ({
      %run_scoped3A = tpu.sem_alloc : memref<!tpu.dma_semaphore, #tpu.memory_space<semaphore_mem>>
      %dma_start3A = arith.constant 0 : i32
      %dma_start3A_193 = arith.constant 0 : i32
      %dma_start3A_194 = tpu.memref_slice %arg5[%add3A, %dma_start3A, %dma_start3A_193] : memref<32x125x80xi32, #tpu.memory_space<hbm>> -> memref<1x125x80xi32, #tpu.memory_space<hbm>>
      %dma_start3A_195 = tpu.memref_squeeze %dma_start3A_194 : memref<1x125x80xi32, #tpu.memory_space<hbm>> -> memref<125x80xi32, #tpu.memory_space<hbm>>
      %dma_start3A_196 = arith.constant 0 : i32
      %dma_start3A_197 = arith.constant 0 : i32
      %dma_start3A_198 = tpu.memref_slice %arg5[%add3A, %dma_start3A_196, %dma_start3A_197] : memref<32x125x80xi32, #tpu.memory_space<hbm>> -> memref<1x125x80xi32, #tpu.memory_space<hbm>>
      %dma_start3A_199 = tpu.memref_squeeze %dma_start3A_198 : memref<1x125x80xi32, #tpu.memory_space<hbm>> -> memref<125x80xi32, #tpu.memory_space<hbm>>
      tpu.enqueue_dma source(%dma_start3A_199 : memref<125x80xi32, #tpu.memory_space<hbm>>) target(%arg10 : memref<125x80xi32, #tpu.memory_space<vmem>>) target_semaphore(%run_scoped3A : memref<!tpu.dma_semaphore, #tpu.memory_space<semaphore_mem>>)
      %dma_wait3A = arith.constant 0 : i32
      %dma_wait3A_200 = arith.constant 0 : i32
      %dma_wait3A_201 = tpu.memref_slice %arg5[%add3A, %dma_wait3A, %dma_wait3A_200] : memref<32x125x80xi32, #tpu.memory_space<hbm>> -> memref<1x125x80xi32, #tpu.memory_space<hbm>>
      %dma_wait3A_202 = tpu.memref_squeeze %dma_wait3A_201 : memref<1x125x80xi32, #tpu.memory_space<hbm>> -> memref<125x80xi32, #tpu.memory_space<hbm>>
      %dma_wait3A_203 = arith.constant 0 : i32
      %dma_wait3A_204 = arith.constant 0 : i32
      %dma_wait3A_205 = tpu.memref_slice %arg5[%add3A, %dma_wait3A_203, %dma_wait3A_204] : memref<32x125x80xi32, #tpu.memory_space<hbm>> -> memref<1x125x80xi32, #tpu.memory_space<hbm>>
      %dma_wait3A_206 = tpu.memref_squeeze %dma_wait3A_205 : memref<1x125x80xi32, #tpu.memory_space<hbm>> -> memref<125x80xi32, #tpu.memory_space<hbm>>
      tpu.wait_dma2 semaphore(%run_scoped3A : memref<!tpu.dma_semaphore, #tpu.memory_space<semaphore_mem>>) src(%dma_wait3A_206 : memref<125x80xi32, #tpu.memory_space<hbm>>) dst(%arg10 : memref<125x80xi32, #tpu.memory_space<vmem>>)
      tpu.yield
    }) : () -> ()
    "tpu.region"() ({
      %run_scoped3A = tpu.sem_alloc : memref<!tpu.dma_semaphore, #tpu.memory_space<semaphore_mem>>
      %dma_start3A = arith.constant 0 : i32
      %dma_start3A_193 = arith.constant 0 : i32
      %dma_start3A_194 = tpu.memref_slice %arg6[%add3A, %dma_start3A, %dma_start3A_193] : memref<32x125x80xi32, #tpu.memory_space<hbm>> -> memref<1x125x80xi32, #tpu.memory_space<hbm>>
      %dma_start3A_195 = tpu.memref_squeeze %dma_start3A_194 : memref<1x125x80xi32, #tpu.memory_space<hbm>> -> memref<125x80xi32, #tpu.memory_space<hbm>>
      %dma_start3A_196 = arith.constant 0 : i32
      %dma_start3A_197 = arith.constant 0 : i32
      %dma_start3A_198 = tpu.memref_slice %arg6[%add3A, %dma_start3A_196, %dma_start3A_197] : memref<32x125x80xi32, #tpu.memory_space<hbm>> -> memref<1x125x80xi32, #tpu.memory_space<hbm>>
      %dma_start3A_199 = tpu.memref_squeeze %dma_start3A_198 : memref<1x125x80xi32, #tpu.memory_space<hbm>> -> memref<125x80xi32, #tpu.memory_space<hbm>>
      tpu.enqueue_dma source(%dma_start3A_199 : memref<125x80xi32, #tpu.memory_space<hbm>>) target(%arg11 : memref<125x80xi32, #tpu.memory_space<vmem>>) target_semaphore(%run_scoped3A : memref<!tpu.dma_semaphore, #tpu.memory_space<semaphore_mem>>)
      %dma_wait3A = arith.constant 0 : i32
      %dma_wait3A_200 = arith.constant 0 : i32
      %dma_wait3A_201 = tpu.memref_slice %arg6[%add3A, %dma_wait3A, %dma_wait3A_200] : memref<32x125x80xi32, #tpu.memory_space<hbm>> -> memref<1x125x80xi32, #tpu.memory_space<hbm>>
      %dma_wait3A_202 = tpu.memref_squeeze %dma_wait3A_201 : memref<1x125x80xi32, #tpu.memory_space<hbm>> -> memref<125x80xi32, #tpu.memory_space<hbm>>
      %dma_wait3A_203 = arith.constant 0 : i32
      %dma_wait3A_204 = arith.constant 0 : i32
      %dma_wait3A_205 = tpu.memref_slice %arg6[%add3A, %dma_wait3A_203, %dma_wait3A_204] : memref<32x125x80xi32, #tpu.memory_space<hbm>> -> memref<1x125x80xi32, #tpu.memory_space<hbm>>
      %dma_wait3A_206 = tpu.memref_squeeze %dma_wait3A_205 : memref<1x125x80xi32, #tpu.memory_space<hbm>> -> memref<125x80xi32, #tpu.memory_space<hbm>>
      tpu.wait_dma2 semaphore(%run_scoped3A : memref<!tpu.dma_semaphore, #tpu.memory_space<semaphore_mem>>) src(%dma_wait3A_206 : memref<125x80xi32, #tpu.memory_space<hbm>>) dst(%arg11 : memref<125x80xi32, #tpu.memory_space<vmem>>)
      tpu.yield
    }) : () -> ()
    %mul3A_89 = arith.constant 336 : i32
    %mul3A_90 = arith.muli %arg1, %mul3A_89 : i32
    "tpu.region"() ({
      %run_scoped3A = tpu.sem_alloc : memref<!tpu.dma_semaphore, #tpu.memory_space<semaphore_mem>>
      %dma_start3A = arith.constant 0 : i32
      %dma_start3A_193 = tpu.memref_slice %arg15[%mul3A_90, %dma_start3A] : memref<5376x128xf32, #tpu.memory_space<vmem_shared>> -> memref<336x128xf32, #tpu.memory_space<vmem_shared>>
      tpu.enqueue_dma source(%arg8 : memref<336x128xf32, #tpu.memory_space<hbm>>) target(%dma_start3A_193 : memref<336x128xf32, #tpu.memory_space<vmem_shared>>) target_semaphore(%run_scoped3A : memref<!tpu.dma_semaphore, #tpu.memory_space<semaphore_mem>>)
      %dma_wait3A = arith.constant 0 : i32
      %dma_wait3A_194 = tpu.memref_slice %arg15[%mul3A_90, %dma_wait3A] : memref<5376x128xf32, #tpu.memory_space<vmem_shared>> -> memref<336x128xf32, #tpu.memory_space<vmem_shared>>
      tpu.wait_dma2 semaphore(%run_scoped3A : memref<!tpu.dma_semaphore, #tpu.memory_space<semaphore_mem>>) src(%arg8 : memref<336x128xf32, #tpu.memory_space<hbm>>) dst(%dma_wait3A_194 : memref<336x128xf32, #tpu.memory_space<vmem_shared>>)
      tpu.yield
    }) : () -> ()
    %barrier3A_91 = arith.constant 0 : index
    tpu.barrier barrier_id(%barrier3A_91)
    %get3A_92 = arith.constant 0 : i32
    %get3A_93 = arith.index_cast %get3A_92 : i32 to index
    %get3A_94 = arith.constant 16 : index
    %get3A_95 = tpu.vector_load %arg12[%get3A_93, %get3A_94] {strides = array<i32>} : memref<1x128xi32, #tpu.memory_space<vmem>>, vector<16xi32>,
    %reduce_max3A_96 = arith.constant true
    %reduce_max3A_97 = vector.broadcast %reduce_max3A_96 : i1 to vector<16xi1>
    %reduce_max3A_98 = arith.constant -2147483648 : i32
    %reduce_max3A_99 = vector.broadcast %reduce_max3A_98 : i32 to vector<16xi32>
    %reduce_max3A_100 = arith.xori %get3A_95, %reduce_max3A_99 : vector<16xi32>
    %reduce_max3A_101 = tpu.scan <max>, %reduce_max3A_100 masked %reduce_max3A_97 : vector<16xi32>, vector<16xi1> -> vector<16xi32>
    %reduce_max3A_102 = arith.xori %reduce_max3A_101, %reduce_max3A_99 : vector<16xi32>
    %reduce_max3A_103 = vector.extract %reduce_max3A_102[15] : i32 from vector<16xi32>
    %add3A_104 = arith.constant 79 : i32
    %add3A_105 = arith.addi %reduce_max3A_103, %add3A_104 : i32
    %jit3A_106 = arith.constant 80 : i32
    %div3A_107 = arith.divsi %add3A_105, %jit3A_106 : i32
    %sign3A_108 = arith.constant 0 : i32
    %sign3A_109 = arith.cmpi sgt, %add3A_105, %sign3A_108 : i32
    %sign3A_110 = arith.extui %sign3A_109 : i1 to i32
    %sign3A_111 = arith.constant 0 : i32
    %sign3A_112 = arith.cmpi slt, %add3A_105, %sign3A_111 : i32
    %sign3A_113 = arith.extui %sign3A_112 : i1 to i32
    %sign3A_114 = arith.subi %sign3A_110, %sign3A_113 : i32
    %sign3A_115 = arith.constant 0 : i32
    %sign3A_116 = arith.cmpi sgt, %jit3A_106, %sign3A_115 : i32
    %sign3A_117 = arith.extui %sign3A_116 : i1 to i32
    %sign3A_118 = arith.constant 0 : i32
    %sign3A_119 = arith.cmpi slt, %jit3A_106, %sign3A_118 : i32
    %sign3A_120 = arith.extui %sign3A_119 : i1 to i32
    %sign3A_121 = arith.subi %sign3A_117, %sign3A_120 : i32
    %ne3A_122 = arith.cmpi ne, %sign3A_114, %sign3A_121 : i32
    %rem3A_123 = arith.remsi %add3A_105, %jit3A_106 : i32
    %ne3A_124 = arith.constant 0 : i32
    %ne3A_125 = arith.cmpi ne, %rem3A_123, %ne3A_124 : i32
    %and3A_126 = arith.andi %ne3A_122, %ne3A_125 : i1
    %sub3A_127 = arith.constant 1 : i32
    %sub3A_128 = arith.subi %div3A_107, %sub3A_127 : i32
    %select_n3A_129 = arith.select %and3A_126, %sub3A_128, %div3A_107 : i32
    %jit3A_130 = arith.constant 2 : i32
    %div3A_131 = arith.divsi %select_n3A_129, %jit3A_130 : i32
    %sign3A_132 = arith.constant 0 : i32
    %sign3A_133 = arith.cmpi sgt, %select_n3A_129, %sign3A_132 : i32
    %sign3A_134 = arith.extui %sign3A_133 : i1 to i32
    %sign3A_135 = arith.constant 0 : i32
    %sign3A_136 = arith.cmpi slt, %select_n3A_129, %sign3A_135 : i32
    %sign3A_137 = arith.extui %sign3A_136 : i1 to i32
    %sign3A_138 = arith.subi %sign3A_134, %sign3A_137 : i32
    %sign3A_139 = arith.constant 0 : i32
    %sign3A_140 = arith.cmpi sgt, %jit3A_130, %sign3A_139 : i32
    %sign3A_141 = arith.extui %sign3A_140 : i1 to i32
    %sign3A_142 = arith.constant 0 : i32
    %sign3A_143 = arith.cmpi slt, %jit3A_130, %sign3A_142 : i32
    %sign3A_144 = arith.extui %sign3A_143 : i1 to i32
    %sign3A_145 = arith.subi %sign3A_141, %sign3A_144 : i32
    %ne3A_146 = arith.cmpi ne, %sign3A_138, %sign3A_145 : i32
    %rem3A_147 = arith.remsi %select_n3A_129, %jit3A_130 : i32
    %ne3A_148 = arith.constant 0 : i32
    %ne3A_149 = arith.cmpi ne, %rem3A_147, %ne3A_148 : i32
    %and3A_150 = arith.andi %ne3A_146, %ne3A_149 : i1
    %sub3A_151 = arith.constant 1 : i32
    %sub3A_152 = arith.subi %div3A_131, %sub3A_151 : i32
    %select_n3A_153 = arith.select %and3A_150, %sub3A_152, %div3A_131 : i32
    %while3A_154 = arith.constant 0 : i32
    %while3A_155 = arith.constant 0 : i32
    %while3A_156 = arith.subi %select_n3A_153, %while3A_155 : i32
    %while3A_157 = arith.addi %while3A_155, %while3A_156 : i32
    %while3A_158 = arith.constant 1 : i32
    %while3A_159 = arith.divsi %while3A_156, %while3A_158 : i32
    %while3A_160 = arith.muli %while3A_159, %while3A_158 : i32
    %while3A_161 = arith.addi %while3A_155, %while3A_160 : i32
    %while3A_162 = arith.constant 1 : i32
    scf.for %while3A_193 = %while3A_155 to %while3A_161 step %while3A_162  : i32 {
      %mul3A_194 = arith.constant 2 : i32
      %mul3A_195 = arith.muli %while3A_193, %mul3A_194 : i32
      %dma_start3A = arith.constant 0 : i32
      %dma_start3A_196 = tpu.memref_slice %arg10[%mul3A_195, %dma_start3A] : memref<125x80xi32, #tpu.memory_space<vmem>> -> memref<1x80xi32, #tpu.memory_space<vmem>>
      %dma_start3A_197 = tpu.memref_squeeze %dma_start3A_196 : memref<1x80xi32, #tpu.memory_space<vmem>> -> memref<80xi32, #tpu.memory_space<vmem>>
      %dma_start3A_198 = arith.constant 0 : i32
      %dma_start3A_199 = arith.constant 0 : i32
      %dma_start3A_200 = tpu.memref_slice %arg2[%dma_start3A_198, %dma_start3A_199] : memref<10000x128xf32, #tpu.memory_space<hbm>> -> memref<10000x128xf32, #tpu.memory_space<hbm>>
      tpu.enqueue_indirect_dma source(%dma_start3A_200 : memref<10000x128xf32, #tpu.memory_space<hbm>>) target(%arg13 : memref<80x128xf32, #tpu.memory_space<vmem>>) offsets(%dma_start3A_197 : memref<80xi32, #tpu.memory_space<vmem>>) semaphore(%arg16 : memref<!tpu.dma_semaphore, #tpu.memory_space<semaphore_mem>>)
      %add3A_201 = arith.constant 1 : i32
      %add3A_202 = arith.addi %mul3A_195, %add3A_201 : i32
      %dma_start3A_203 = arith.constant 0 : i32
      %dma_start3A_204 = tpu.memref_slice %arg10[%add3A_202, %dma_start3A_203] : memref<125x80xi32, #tpu.memory_space<vmem>> -> memref<1x80xi32, #tpu.memory_space<vmem>>
      %dma_start3A_205 = tpu.memref_squeeze %dma_start3A_204 : memref<1x80xi32, #tpu.memory_space<vmem>> -> memref<80xi32, #tpu.memory_space<vmem>>
      %dma_start3A_206 = arith.constant 0 : i32
      %dma_start3A_207 = arith.constant 0 : i32
      %dma_start3A_208 = tpu.memref_slice %arg2[%dma_start3A_206, %dma_start3A_207] : memref<10000x128xf32, #tpu.memory_space<hbm>> -> memref<10000x128xf32, #tpu.memory_space<hbm>>
      tpu.enqueue_indirect_dma source(%dma_start3A_208 : memref<10000x128xf32, #tpu.memory_space<hbm>>) target(%arg14 : memref<80x128xf32, #tpu.memory_space<vmem>>) offsets(%dma_start3A_205 : memref<80xi32, #tpu.memory_space<vmem>>) semaphore(%arg17 : memref<!tpu.dma_semaphore, #tpu.memory_space<semaphore_mem>>)
      %dma_wait3A = arith.constant 0 : i32
      %dma_wait3A_209 = tpu.memref_slice %arg10[%mul3A_195, %dma_wait3A] : memref<125x80xi32, #tpu.memory_space<vmem>> -> memref<1x80xi32, #tpu.memory_space<vmem>>
      %dma_wait3A_210 = tpu.memref_squeeze %dma_wait3A_209 : memref<1x80xi32, #tpu.memory_space<vmem>> -> memref<80xi32, #tpu.memory_space<vmem>>
      %dma_wait3A_211 = arith.constant 0 : i32
      %dma_wait3A_212 = arith.constant 0 : i32
      %dma_wait3A_213 = tpu.memref_slice %arg2[%dma_wait3A_211, %dma_wait3A_212] : memref<10000x128xf32, #tpu.memory_space<hbm>> -> memref<10000x128xf32, #tpu.memory_space<hbm>>
      tpu.wait_indirect_dma semaphore(%arg16 : memref<!tpu.dma_semaphore, #tpu.memory_space<semaphore_mem>>) src(%dma_wait3A_213 : memref<10000x128xf32, #tpu.memory_space<hbm>>) dst(%arg13 : memref<80x128xf32, #tpu.memory_space<vmem>>)
      "tpu.region"() ({
        %run_scoped3A = tpu.sem_alloc : memref<!tpu.dma_semaphore, #tpu.memory_space<semaphore_mem>>
        %dma_start3A_222 = arith.constant 0 : i32
        %dma_start3A_223 = tpu.memref_slice %arg11[%mul3A_195, %dma_start3A_222] : memref<125x80xi32, #tpu.memory_space<vmem>> -> memref<1x80xi32, #tpu.memory_space<vmem>>
        %dma_start3A_224 = tpu.memref_squeeze %dma_start3A_223 : memref<1x80xi32, #tpu.memory_space<vmem>> -> memref<80xi32, #tpu.memory_space<vmem>>
        %dma_start3A_225 = arith.constant 0 : i32
        %dma_start3A_226 = arith.constant 0 : i32
        %dma_start3A_227 = tpu.memref_slice %arg15[%dma_start3A_225, %dma_start3A_226] : memref<5376x128xf32, #tpu.memory_space<vmem_shared>> -> memref<5376x128xf32, #tpu.memory_space<vmem_shared>>
        tpu.enqueue_indirect_dma source(%arg13 : memref<80x128xf32, #tpu.memory_space<vmem>>) target(%dma_start3A_227 : memref<5376x128xf32, #tpu.memory_space<vmem_shared>>) offsets(%dma_start3A_224 : memref<80xi32, #tpu.memory_space<vmem>>) semaphore(%run_scoped3A : memref<!tpu.dma_semaphore, #tpu.memory_space<semaphore_mem>>) {add = true}
        %dma_wait3A_228 = arith.constant 0 : i32
        %dma_wait3A_229 = tpu.memref_slice %arg11[%mul3A_195, %dma_wait3A_228] : memref<125x80xi32, #tpu.memory_space<vmem>> -> memref<1x80xi32, #tpu.memory_space<vmem>>
        %dma_wait3A_230 = tpu.memref_squeeze %dma_wait3A_229 : memref<1x80xi32, #tpu.memory_space<vmem>> -> memref<80xi32, #tpu.memory_space<vmem>>
        %dma_wait3A_231 = arith.constant 0 : i32
        %dma_wait3A_232 = arith.constant 0 : i32
        %dma_wait3A_233 = tpu.memref_slice %arg15[%dma_wait3A_231, %dma_wait3A_232] : memref<5376x128xf32, #tpu.memory_space<vmem_shared>> -> memref<5376x128xf32, #tpu.memory_space<vmem_shared>>
        tpu.wait_indirect_dma semaphore(%run_scoped3A : memref<!tpu.dma_semaphore, #tpu.memory_space<semaphore_mem>>) src(%arg13 : memref<80x128xf32, #tpu.memory_space<vmem>>) dst(%dma_wait3A_233 : memref<5376x128xf32, #tpu.memory_space<vmem_shared>>)
        tpu.yield
      }) : () -> ()
      %dma_wait3A_214 = arith.constant 0 : i32
      %dma_wait3A_215 = tpu.memref_slice %arg10[%add3A_202, %dma_wait3A_214] : memref<125x80xi32, #tpu.memory_space<vmem>> -> memref<1x80xi32, #tpu.memory_space<vmem>>
      %dma_wait3A_216 = tpu.memref_squeeze %dma_wait3A_215 : memref<1x80xi32, #tpu.memory_space<vmem>> -> memref<80xi32, #tpu.memory_space<vmem>>
      %dma_wait3A_217 = arith.constant 0 : i32
      %dma_wait3A_218 = arith.constant 0 : i32
      %dma_wait3A_219 = tpu.memref_slice %arg2[%dma_wait3A_217, %dma_wait3A_218] : memref<10000x128xf32, #tpu.memory_space<hbm>> -> memref<10000x128xf32, #tpu.memory_space<hbm>>
      tpu.wait_indirect_dma semaphore(%arg17 : memref<!tpu.dma_semaphore, #tpu.memory_space<semaphore_mem>>) src(%dma_wait3A_219 : memref<10000x128xf32, #tpu.memory_space<hbm>>) dst(%arg14 : memref<80x128xf32, #tpu.memory_space<vmem>>)
      %add3A_220 = arith.constant 1 : i32
      %add3A_221 = arith.addi %mul3A_195, %add3A_220 : i32
      "tpu.region"() ({
        %run_scoped3A = tpu.sem_alloc : memref<!tpu.dma_semaphore, #tpu.memory_space<semaphore_mem>>
        %dma_start3A_222 = arith.constant 0 : i32
        %dma_start3A_223 = tpu.memref_slice %arg11[%add3A_221, %dma_start3A_222] : memref<125x80xi32, #tpu.memory_space<vmem>> -> memref<1x80xi32, #tpu.memory_space<vmem>>
        %dma_start3A_224 = tpu.memref_squeeze %dma_start3A_223 : memref<1x80xi32, #tpu.memory_space<vmem>> -> memref<80xi32, #tpu.memory_space<vmem>>
        %dma_start3A_225 = arith.constant 0 : i32
        %dma_start3A_226 = arith.constant 0 : i32
        %dma_start3A_227 = tpu.memref_slice %arg15[%dma_start3A_225, %dma_start3A_226] : memref<5376x128xf32, #tpu.memory_space<vmem_shared>> -> memref<5376x128xf32, #tpu.memory_space<vmem_shared>>
        tpu.enqueue_indirect_dma source(%arg14 : memref<80x128xf32, #tpu.memory_space<vmem>>) target(%dma_start3A_227 : memref<5376x128xf32, #tpu.memory_space<vmem_shared>>) offsets(%dma_start3A_224 : memref<80xi32, #tpu.memory_space<vmem>>) semaphore(%run_scoped3A : memref<!tpu.dma_semaphore, #tpu.memory_space<semaphore_mem>>) {add = true}
        %dma_wait3A_228 = arith.constant 0 : i32
        %dma_wait3A_229 = tpu.memref_slice %arg11[%add3A_221, %dma_wait3A_228] : memref<125x80xi32, #tpu.memory_space<vmem>> -> memref<1x80xi32, #tpu.memory_space<vmem>>
        %dma_wait3A_230 = tpu.memref_squeeze %dma_wait3A_229 : memref<1x80xi32, #tpu.memory_space<vmem>> -> memref<80xi32, #tpu.memory_space<vmem>>
        %dma_wait3A_231 = arith.constant 0 : i32
        %dma_wait3A_232 = arith.constant 0 : i32
        %dma_wait3A_233 = tpu.memref_slice %arg15[%dma_wait3A_231, %dma_wait3A_232] : memref<5376x128xf32, #tpu.memory_space<vmem_shared>> -> memref<5376x128xf32, #tpu.memory_space<vmem_shared>>
        tpu.wait_indirect_dma semaphore(%run_scoped3A : memref<!tpu.dma_semaphore, #tpu.memory_space<semaphore_mem>>) src(%arg14 : memref<80x128xf32, #tpu.memory_space<vmem>>) dst(%dma_wait3A_233 : memref<5376x128xf32, #tpu.memory_space<vmem_shared>>)
        tpu.yield
      }) : () -> ()
    }
    %while3A_163 = arith.constant 1 : i32
    scf.for %while3A_193 = %while3A_161 to %while3A_157 step %while3A_163  : i32 {
      %mul3A_194 = arith.constant 2 : i32
      %mul3A_195 = arith.muli %while3A_193, %mul3A_194 : i32
      %dma_start3A = arith.constant 0 : i32
      %dma_start3A_196 = tpu.memref_slice %arg10[%mul3A_195, %dma_start3A] : memref<125x80xi32, #tpu.memory_space<vmem>> -> memref<1x80xi32, #tpu.memory_space<vmem>>
      %dma_start3A_197 = tpu.memref_squeeze %dma_start3A_196 : memref<1x80xi32, #tpu.memory_space<vmem>> -> memref<80xi32, #tpu.memory_space<vmem>>
      %dma_start3A_198 = arith.constant 0 : i32
      %dma_start3A_199 = arith.constant 0 : i32
      %dma_start3A_200 = tpu.memref_slice %arg2[%dma_start3A_198, %dma_start3A_199] : memref<10000x128xf32, #tpu.memory_space<hbm>> -> memref<10000x128xf32, #tpu.memory_space<hbm>>
      tpu.enqueue_indirect_dma source(%dma_start3A_200 : memref<10000x128xf32, #tpu.memory_space<hbm>>) target(%arg13 : memref<80x128xf32, #tpu.memory_space<vmem>>) offsets(%dma_start3A_197 : memref<80xi32, #tpu.memory_space<vmem>>) semaphore(%arg16 : memref<!tpu.dma_semaphore, #tpu.memory_space<semaphore_mem>>)
      %add3A_201 = arith.constant 1 : i32
      %add3A_202 = arith.addi %mul3A_195, %add3A_201 : i32
      %dma_start3A_203 = arith.constant 0 : i32
      %dma_start3A_204 = tpu.memref_slice %arg10[%add3A_202, %dma_start3A_203] : memref<125x80xi32, #tpu.memory_space<vmem>> -> memref<1x80xi32, #tpu.memory_space<vmem>>
      %dma_start3A_205 = tpu.memref_squeeze %dma_start3A_204 : memref<1x80xi32, #tpu.memory_space<vmem>> -> memref<80xi32, #tpu.memory_space<vmem>>
      %dma_start3A_206 = arith.constant 0 : i32
      %dma_start3A_207 = arith.constant 0 : i32
      %dma_start3A_208 = tpu.memref_slice %arg2[%dma_start3A_206, %dma_start3A_207] : memref<10000x128xf32, #tpu.memory_space<hbm>> -> memref<10000x128xf32, #tpu.memory_space<hbm>>
      tpu.enqueue_indirect_dma source(%dma_start3A_208 : memref<10000x128xf32, #tpu.memory_space<hbm>>) target(%arg14 : memref<80x128xf32, #tpu.memory_space<vmem>>) offsets(%dma_start3A_205 : memref<80xi32, #tpu.memory_space<vmem>>) semaphore(%arg17 : memref<!tpu.dma_semaphore, #tpu.memory_space<semaphore_mem>>)
      %dma_wait3A = arith.constant 0 : i32
      %dma_wait3A_209 = tpu.memref_slice %arg10[%mul3A_195, %dma_wait3A] : memref<125x80xi32, #tpu.memory_space<vmem>> -> memref<1x80xi32, #tpu.memory_space<vmem>>
      %dma_wait3A_210 = tpu.memref_squeeze %dma_wait3A_209 : memref<1x80xi32, #tpu.memory_space<vmem>> -> memref<80xi32, #tpu.memory_space<vmem>>
      %dma_wait3A_211 = arith.constant 0 : i32
      %dma_wait3A_212 = arith.constant 0 : i32
      %dma_wait3A_213 = tpu.memref_slice %arg2[%dma_wait3A_211, %dma_wait3A_212] : memref<10000x128xf32, #tpu.memory_space<hbm>> -> memref<10000x128xf32, #tpu.memory_space<hbm>>
      tpu.wait_indirect_dma semaphore(%arg16 : memref<!tpu.dma_semaphore, #tpu.memory_space<semaphore_mem>>) src(%dma_wait3A_213 : memref<10000x128xf32, #tpu.memory_space<hbm>>) dst(%arg13 : memref<80x128xf32, #tpu.memory_space<vmem>>)
      "tpu.region"() ({
        %run_scoped3A = tpu.sem_alloc : memref<!tpu.dma_semaphore, #tpu.memory_space<semaphore_mem>>
        %dma_start3A_222 = arith.constant 0 : i32
        %dma_start3A_223 = tpu.memref_slice %arg11[%mul3A_195, %dma_start3A_222] : memref<125x80xi32, #tpu.memory_space<vmem>> -> memref<1x80xi32, #tpu.memory_space<vmem>>
        %dma_start3A_224 = tpu.memref_squeeze %dma_start3A_223 : memref<1x80xi32, #tpu.memory_space<vmem>> -> memref<80xi32, #tpu.memory_space<vmem>>
        %dma_start3A_225 = arith.constant 0 : i32
        %dma_start3A_226 = arith.constant 0 : i32
        %dma_start3A_227 = tpu.memref_slice %arg15[%dma_start3A_225, %dma_start3A_226] : memref<5376x128xf32, #tpu.memory_space<vmem_shared>> -> memref<5376x128xf32, #tpu.memory_space<vmem_shared>>
        tpu.enqueue_indirect_dma source(%arg13 : memref<80x128xf32, #tpu.memory_space<vmem>>) target(%dma_start3A_227 : memref<5376x128xf32, #tpu.memory_space<vmem_shared>>) offsets(%dma_start3A_224 : memref<80xi32, #tpu.memory_space<vmem>>) semaphore(%run_scoped3A : memref<!tpu.dma_semaphore, #tpu.memory_space<semaphore_mem>>) {add = true}
        %dma_wait3A_228 = arith.constant 0 : i32
        %dma_wait3A_229 = tpu.memref_slice %arg11[%mul3A_195, %dma_wait3A_228] : memref<125x80xi32, #tpu.memory_space<vmem>> -> memref<1x80xi32, #tpu.memory_space<vmem>>
        %dma_wait3A_230 = tpu.memref_squeeze %dma_wait3A_229 : memref<1x80xi32, #tpu.memory_space<vmem>> -> memref<80xi32, #tpu.memory_space<vmem>>
        %dma_wait3A_231 = arith.constant 0 : i32
        %dma_wait3A_232 = arith.constant 0 : i32
        %dma_wait3A_233 = tpu.memref_slice %arg15[%dma_wait3A_231, %dma_wait3A_232] : memref<5376x128xf32, #tpu.memory_space<vmem_shared>> -> memref<5376x128xf32, #tpu.memory_space<vmem_shared>>
        tpu.wait_indirect_dma semaphore(%run_scoped3A : memref<!tpu.dma_semaphore, #tpu.memory_space<semaphore_mem>>) src(%arg13 : memref<80x128xf32, #tpu.memory_space<vmem>>) dst(%dma_wait3A_233 : memref<5376x128xf32, #tpu.memory_space<vmem_shared>>)
        tpu.yield
      }) : () -> ()
      %dma_wait3A_214 = arith.constant 0 : i32
      %dma_wait3A_215 = tpu.memref_slice %arg10[%add3A_202, %dma_wait3A_214] : memref<125x80xi32, #tpu.memory_space<vmem>> -> memref<1x80xi32, #tpu.memory_space<vmem>>
      %dma_wait3A_216 = tpu.memref_squeeze %dma_wait3A_215 : memref<1x80xi32, #tpu.memory_space<vmem>> -> memref<80xi32, #tpu.memory_space<vmem>>
      %dma_wait3A_217 = arith.constant 0 : i32
      %dma_wait3A_218 = arith.constant 0 : i32
      %dma_wait3A_219 = tpu.memref_slice %arg2[%dma_wait3A_217, %dma_wait3A_218] : memref<10000x128xf32, #tpu.memory_space<hbm>> -> memref<10000x128xf32, #tpu.memory_space<hbm>>
      tpu.wait_indirect_dma semaphore(%arg17 : memref<!tpu.dma_semaphore, #tpu.memory_space<semaphore_mem>>) src(%dma_wait3A_219 : memref<10000x128xf32, #tpu.memory_space<hbm>>) dst(%arg14 : memref<80x128xf32, #tpu.memory_space<vmem>>)
      %add3A_220 = arith.constant 1 : i32
      %add3A_221 = arith.addi %mul3A_195, %add3A_220 : i32
      "tpu.region"() ({
        %run_scoped3A = tpu.sem_alloc : memref<!tpu.dma_semaphore, #tpu.memory_space<semaphore_mem>>
        %dma_start3A_222 = arith.constant 0 : i32
        %dma_start3A_223 = tpu.memref_slice %arg11[%add3A_221, %dma_start3A_222] : memref<125x80xi32, #tpu.memory_space<vmem>> -> memref<1x80xi32, #tpu.memory_space<vmem>>
        %dma_start3A_224 = tpu.memref_squeeze %dma_start3A_223 : memref<1x80xi32, #tpu.memory_space<vmem>> -> memref<80xi32, #tpu.memory_space<vmem>>
        %dma_start3A_225 = arith.constant 0 : i32
        %dma_start3A_226 = arith.constant 0 : i32
        %dma_start3A_227 = tpu.memref_slice %arg15[%dma_start3A_225, %dma_start3A_226] : memref<5376x128xf32, #tpu.memory_space<vmem_shared>> -> memref<5376x128xf32, #tpu.memory_space<vmem_shared>>
        tpu.enqueue_indirect_dma source(%arg14 : memref<80x128xf32, #tpu.memory_space<vmem>>) target(%dma_start3A_227 : memref<5376x128xf32, #tpu.memory_space<vmem_shared>>) offsets(%dma_start3A_224 : memref<80xi32, #tpu.memory_space<vmem>>) semaphore(%run_scoped3A : memref<!tpu.dma_semaphore, #tpu.memory_space<semaphore_mem>>) {add = true}
        %dma_wait3A_228 = arith.constant 0 : i32
        %dma_wait3A_229 = tpu.memref_slice %arg11[%add3A_221, %dma_wait3A_228] : memref<125x80xi32, #tpu.memory_space<vmem>> -> memref<1x80xi32, #tpu.memory_space<vmem>>
        %dma_wait3A_230 = tpu.memref_squeeze %dma_wait3A_229 : memref<1x80xi32, #tpu.memory_space<vmem>> -> memref<80xi32, #tpu.memory_space<vmem>>
        %dma_wait3A_231 = arith.constant 0 : i32
        %dma_wait3A_232 = arith.constant 0 : i32
        %dma_wait3A_233 = tpu.memref_slice %arg15[%dma_wait3A_231, %dma_wait3A_232] : memref<5376x128xf32, #tpu.memory_space<vmem_shared>> -> memref<5376x128xf32, #tpu.memory_space<vmem_shared>>
        tpu.wait_indirect_dma semaphore(%run_scoped3A : memref<!tpu.dma_semaphore, #tpu.memory_space<semaphore_mem>>) src(%arg14 : memref<80x128xf32, #tpu.memory_space<vmem>>) dst(%dma_wait3A_233 : memref<5376x128xf32, #tpu.memory_space<vmem_shared>>)
        tpu.yield
      }) : () -> ()
    }
    %jit3A_164 = arith.constant 2 : i32
    %eq3A_165 = arith.constant 0 : i32
    %eq3A_166 = arith.cmpi eq, %jit3A_164, %eq3A_165 : i32
    %jit3A_167 = arith.constant 1 : i32
    %select_n3A_168 = arith.select %eq3A_166, %jit3A_167, %jit3A_164 : i32
    %rem3A_169 = arith.remsi %select_n3A_129, %select_n3A_168 : i32
    %ne3A_170 = arith.constant 0 : i32
    %ne3A_171 = arith.cmpi ne, %rem3A_169, %ne3A_170 : i32
    %lt3A_172 = arith.constant 0 : i32
    %lt3A_173 = arith.cmpi slt, %rem3A_169, %lt3A_172 : i32
    %lt3A_174 = arith.constant 0 : i32
    %lt3A_175 = arith.cmpi slt, %select_n3A_168, %lt3A_174 : i32
    %ne3A_176 = arith.xori %lt3A_173, %lt3A_175 : i1
    %and3A_177 = arith.andi %ne3A_176, %ne3A_171 : i1
    %add3A_178 = arith.addi %rem3A_169, %select_n3A_168 : i32
    %select_n3A_179 = arith.select %and3A_177, %add3A_178, %rem3A_169 : i32
    %eq3A_180 = arith.constant 1 : i32
    %eq3A_181 = arith.cmpi eq, %select_n3A_179, %eq3A_180 : i32
    %convert_element_type3A_182 = arith.extui %eq3A_181 : i1 to i32
    %cond3A_183 = arith.constant 0 : i32
    %cond3A_184 = arith.cmpi ne, %convert_element_type3A_182, %cond3A_183 : i32
    scf.if %cond3A_184 {
      %sub3A_193 = arith.constant 1 : i32
      %sub3A_194 = arith.subi %select_n3A_129, %sub3A_193 : i32
      %dma_start3A = arith.constant 0 : i32
      %dma_start3A_195 = tpu.memref_slice %arg10[%sub3A_194, %dma_start3A] : memref<125x80xi32, #tpu.memory_space<vmem>> -> memref<1x80xi32, #tpu.memory_space<vmem>>
      %dma_start3A_196 = tpu.memref_squeeze %dma_start3A_195 : memref<1x80xi32, #tpu.memory_space<vmem>> -> memref<80xi32, #tpu.memory_space<vmem>>
      %dma_start3A_197 = arith.constant 0 : i32
      %dma_start3A_198 = arith.constant 0 : i32
      %dma_start3A_199 = tpu.memref_slice %arg2[%dma_start3A_197, %dma_start3A_198] : memref<10000x128xf32, #tpu.memory_space<hbm>> -> memref<10000x128xf32, #tpu.memory_space<hbm>>
      tpu.enqueue_indirect_dma source(%dma_start3A_199 : memref<10000x128xf32, #tpu.memory_space<hbm>>) target(%arg13 : memref<80x128xf32, #tpu.memory_space<vmem>>) offsets(%dma_start3A_196 : memref<80xi32, #tpu.memory_space<vmem>>) semaphore(%arg16 : memref<!tpu.dma_semaphore, #tpu.memory_space<semaphore_mem>>)
      %dma_wait3A = arith.constant 0 : i32
      %dma_wait3A_200 = tpu.memref_slice %arg10[%sub3A_194, %dma_wait3A] : memref<125x80xi32, #tpu.memory_space<vmem>> -> memref<1x80xi32, #tpu.memory_space<vmem>>
      %dma_wait3A_201 = tpu.memref_squeeze %dma_wait3A_200 : memref<1x80xi32, #tpu.memory_space<vmem>> -> memref<80xi32, #tpu.memory_space<vmem>>
      %dma_wait3A_202 = arith.constant 0 : i32
      %dma_wait3A_203 = arith.constant 0 : i32
      %dma_wait3A_204 = tpu.memref_slice %arg2[%dma_wait3A_202, %dma_wait3A_203] : memref<10000x128xf32, #tpu.memory_space<hbm>> -> memref<10000x128xf32, #tpu.memory_space<hbm>>
      tpu.wait_indirect_dma semaphore(%arg16 : memref<!tpu.dma_semaphore, #tpu.memory_space<semaphore_mem>>) src(%dma_wait3A_204 : memref<10000x128xf32, #tpu.memory_space<hbm>>) dst(%arg13 : memref<80x128xf32, #tpu.memory_space<vmem>>)
      %sub3A_205 = arith.constant 1 : i32
      %sub3A_206 = arith.subi %select_n3A_129, %sub3A_205 : i32
      "tpu.region"() ({
        %run_scoped3A = tpu.sem_alloc : memref<!tpu.dma_semaphore, #tpu.memory_space<semaphore_mem>>
        %dma_start3A_207 = arith.constant 0 : i32
        %dma_start3A_208 = tpu.memref_slice %arg11[%sub3A_206, %dma_start3A_207] : memref<125x80xi32, #tpu.memory_space<vmem>> -> memref<1x80xi32, #tpu.memory_space<vmem>>
        %dma_start3A_209 = tpu.memref_squeeze %dma_start3A_208 : memref<1x80xi32, #tpu.memory_space<vmem>> -> memref<80xi32, #tpu.memory_space<vmem>>
        %dma_start3A_210 = arith.constant 0 : i32
        %dma_start3A_211 = arith.constant 0 : i32
        %dma_start3A_212 = tpu.memref_slice %arg15[%dma_start3A_210, %dma_start3A_211] : memref<5376x128xf32, #tpu.memory_space<vmem_shared>> -> memref<5376x128xf32, #tpu.memory_space<vmem_shared>>
        tpu.enqueue_indirect_dma source(%arg13 : memref<80x128xf32, #tpu.memory_space<vmem>>) target(%dma_start3A_212 : memref<5376x128xf32, #tpu.memory_space<vmem_shared>>) offsets(%dma_start3A_209 : memref<80xi32, #tpu.memory_space<vmem>>) semaphore(%run_scoped3A : memref<!tpu.dma_semaphore, #tpu.memory_space<semaphore_mem>>) {add = true}
        %dma_wait3A_213 = arith.constant 0 : i32
        %dma_wait3A_214 = tpu.memref_slice %arg11[%sub3A_206, %dma_wait3A_213] : memref<125x80xi32, #tpu.memory_space<vmem>> -> memref<1x80xi32, #tpu.memory_space<vmem>>
        %dma_wait3A_215 = tpu.memref_squeeze %dma_wait3A_214 : memref<1x80xi32, #tpu.memory_space<vmem>> -> memref<80xi32, #tpu.memory_space<vmem>>
        %dma_wait3A_216 = arith.constant 0 : i32
        %dma_wait3A_217 = arith.constant 0 : i32
        %dma_wait3A_218 = tpu.memref_slice %arg15[%dma_wait3A_216, %dma_wait3A_217] : memref<5376x128xf32, #tpu.memory_space<vmem_shared>> -> memref<5376x128xf32, #tpu.memory_space<vmem_shared>>
        tpu.wait_indirect_dma semaphore(%run_scoped3A : memref<!tpu.dma_semaphore, #tpu.memory_space<semaphore_mem>>) src(%arg13 : memref<80x128xf32, #tpu.memory_space<vmem>>) dst(%dma_wait3A_218 : memref<5376x128xf32, #tpu.memory_space<vmem_shared>>)
        tpu.yield
      }) : () -> ()
    } else {
    }
    %barrier3A_185 = arith.constant 0 : index
    tpu.barrier barrier_id(%barrier3A_185)
    %mul3A_186 = arith.constant 320 : i32
    %mul3A_187 = arith.muli %arg1, %mul3A_186 : i32
    %mul3A_188 = arith.constant 320 : i32
    %mul3A_189 = arith.muli %arg1, %mul3A_188 : i32
    %add3A_190 = arith.constant 5120 : i32
    %add3A_191 = arith.addi %add3A_190, %mul3A_189 : i32
    "tpu.region"() ({
      %run_scoped3A = tpu.sem_alloc : memref<!tpu.dma_semaphore, #tpu.memory_space<semaphore_mem>>
      %dma_start3A = arith.constant 0 : i32
      %dma_start3A_193 = tpu.memref_slice %arg9[%arg0, %add3A_191, %dma_start3A] : memref<2x10240x128xf32, #tpu.memory_space<hbm>> -> memref<1x320x128xf32, #tpu.memory_space<hbm>>
      %dma_start3A_194 = tpu.memref_squeeze %dma_start3A_193 : memref<1x320x128xf32, #tpu.memory_space<hbm>> -> memref<320x128xf32, #tpu.memory_space<hbm>>
      %dma_start3A_195 = arith.constant 0 : i32
      %dma_start3A_196 = tpu.memref_slice %arg15[%mul3A_187, %dma_start3A_195] : memref<5376x128xf32, #tpu.memory_space<vmem_shared>> -> memref<320x128xf32, #tpu.memory_space<vmem_shared>>
      tpu.enqueue_dma source(%dma_start3A_196 : memref<320x128xf32, #tpu.memory_space<vmem_shared>>) target(%dma_start3A_194 : memref<320x128xf32, #tpu.memory_space<hbm>>) target_semaphore(%run_scoped3A : memref<!tpu.dma_semaphore, #tpu.memory_space<semaphore_mem>>)
      %dma_wait3A = arith.constant 0 : i32
      %dma_wait3A_197 = tpu.memref_slice %arg9[%arg0, %add3A_191, %dma_wait3A] : memref<2x10240x128xf32, #tpu.memory_space<hbm>> -> memref<1x320x128xf32, #tpu.memory_space<hbm>>
      %dma_wait3A_198 = tpu.memref_squeeze %dma_wait3A_197 : memref<1x320x128xf32, #tpu.memory_space<hbm>> -> memref<320x128xf32, #tpu.memory_space<hbm>>
      %dma_wait3A_199 = arith.constant 0 : i32
      %dma_wait3A_200 = tpu.memref_slice %arg15[%mul3A_187, %dma_wait3A_199] : memref<5376x128xf32, #tpu.memory_space<vmem_shared>> -> memref<320x128xf32, #tpu.memory_space<vmem_shared>>
      tpu.wait_dma2 semaphore(%run_scoped3A : memref<!tpu.dma_semaphore, #tpu.memory_space<semaphore_mem>>) src(%dma_wait3A_200 : memref<320x128xf32, #tpu.memory_space<vmem_shared>>) dst(%dma_wait3A_198 : memref<320x128xf32, #tpu.memory_space<hbm>>)
      tpu.yield
    }) : () -> ()
    %barrier3A_192 = arith.constant 0 : index
    tpu.barrier barrier_id(%barrier3A_192)
    return
  }
}

#map = affine_map<(d0, d1) -> (0, 0)>
#map1 = affine_map<(d0, d1) -> (0, 0, 0)>
module attributes {stable_mosaic.version = 14 : i64} {
  func.func @_sc_aggregate_body(%arg0: i32, %arg1: i32, %arg2: memref<10000x128xf32, #tpu.memory_space<hbm>>, %arg3: memref<32x125x80xi32, #tpu.memory_space<hbm>>, %arg4: memref<32x125x80xi32, #tpu.memory_space<hbm>>, %arg5: memref<32x125x80xi32, #tpu.memory_space<hbm>>, %arg6: memref<32x125x80xi32, #tpu.memory_space<hbm>>, %arg7: memref<32x1x128xi32, #tpu.memory_space<hbm>>, %arg8: memref<336x128xf32, #tpu.memory_space<hbm>>, %arg9: memref<2x10240x128xf32, #tpu.memory_space<hbm>>, %arg10: memref<125x80xi32, #tpu.memory_space<vmem>>, %arg11: memref<125x80xi32, #tpu.memory_space<vmem>>, %arg12: memref<1x128xi32, #tpu.memory_space<vmem>>, %arg13: memref<80x128xf32, #tpu.memory_space<vmem>>, %arg14: memref<80x128xf32, #tpu.memory_space<vmem>>, %arg15: memref<5376x128xf32, #tpu.memory_space<vmem_shared>>, %arg16: memref<!tpu.dma_semaphore, #tpu.memory_space<semaphore_mem>>, %arg17: memref<!tpu.dma_semaphore, #tpu.memory_space<semaphore_mem>>) attributes {dimension_semantics = [#tpu.dimension_semantics<core_parallel>, #tpu.dimension_semantics<subcore_parallel>], iteration_bounds = array<i64: 2, 16>, scalar_prefetch = 0 : i64, scratch_operands = 8 : i64, tpu.core_type = #tpu.core_type<sc_vector_subcore>, window_params = [{transform_indices = #map}, {transform_indices = #map1}, {transform_indices = #map1}, {transform_indices = #map1}, {transform_indices = #map1}, {transform_indices = #map1}, {transform_indices = #map}, {transform_indices = #map1}]} {
    %mul3A = arith.constant 16 : i32
    %mul3A_0 = arith.muli %arg0, %mul3A : i32
    %add3A = arith.addi %mul3A_0, %arg1 : i32
    "tpu.region"() ({
      %run_scoped3A = tpu.sem_alloc : memref<!tpu.dma_semaphore, #tpu.memory_space<semaphore_mem>>
      %dma_start3A = arith.constant 0 : i32
      %dma_start3A_193 = arith.constant 0 : i32
      %dma_start3A_194 = tpu.memref_slice %arg7[%add3A, %dma_start3A, %dma_start3A_193] : memref<32x1x128xi32, #tpu.memory_space<hbm>> -> memref<1x1x128xi32, #tpu.memory_space<hbm>>
      %dma_start3A_195 = tpu.memref_squeeze %dma_start3A_194 : memref<1x1x128xi32, #tpu.memory_space<hbm>> -> memref<1x128xi32, #tpu.memory_space<hbm>>
      %dma_start3A_196 = arith.constant 0 : i32
      %dma_start3A_197 = arith.constant 0 : i32
      %dma_start3A_198 = tpu.memref_slice %arg7[%add3A, %dma_start3A_196, %dma_start3A_197] : memref<32x1x128xi32, #tpu.memory_space<hbm>> -> memref<1x1x128xi32, #tpu.memory_space<hbm>>
      %dma_start3A_199 = tpu.memref_squeeze %dma_start3A_198 : memref<1x1x128xi32, #tpu.memory_space<hbm>> -> memref<1x128xi32, #tpu.memory_space<hbm>>
      tpu.enqueue_dma source(%dma_start3A_199 : memref<1x128xi32, #tpu.memory_space<hbm>>) target(%arg12 : memref<1x128xi32, #tpu.memory_space<vmem>>) target_semaphore(%run_scoped3A : memref<!tpu.dma_semaphore, #tpu.memory_space<semaphore_mem>>)
      %dma_wait3A = arith.constant 0 : i32
      %dma_wait3A_200 = arith.constant 0 : i32
      %dma_wait3A_201 = tpu.memref_slice %arg7[%add3A, %dma_wait3A, %dma_wait3A_200] : memref<32x1x128xi32, #tpu.memory_space<hbm>> -> memref<1x1x128xi32, #tpu.memory_space<hbm>>
      %dma_wait3A_202 = tpu.memref_squeeze %dma_wait3A_201 : memref<1x1x128xi32, #tpu.memory_space<hbm>> -> memref<1x128xi32, #tpu.memory_space<hbm>>
      %dma_wait3A_203 = arith.constant 0 : i32
      %dma_wait3A_204 = arith.constant 0 : i32
      %dma_wait3A_205 = tpu.memref_slice %arg7[%add3A, %dma_wait3A_203, %dma_wait3A_204] : memref<32x1x128xi32, #tpu.memory_space<hbm>> -> memref<1x1x128xi32, #tpu.memory_space<hbm>>
      %dma_wait3A_206 = tpu.memref_squeeze %dma_wait3A_205 : memref<1x1x128xi32, #tpu.memory_space<hbm>> -> memref<1x128xi32, #tpu.memory_space<hbm>>
      tpu.wait_dma2 semaphore(%run_scoped3A : memref<!tpu.dma_semaphore, #tpu.memory_space<semaphore_mem>>) src(%dma_wait3A_206 : memref<1x128xi32, #tpu.memory_space<hbm>>) dst(%arg12 : memref<1x128xi32, #tpu.memory_space<vmem>>)
      tpu.yield
    }) : () -> ()
    "tpu.region"() ({
      %run_scoped3A = tpu.sem_alloc : memref<!tpu.dma_semaphore, #tpu.memory_space<semaphore_mem>>
      %dma_start3A = arith.constant 0 : i32
      %dma_start3A_193 = arith.constant 0 : i32
      %dma_start3A_194 = tpu.memref_slice %arg3[%add3A, %dma_start3A, %dma_start3A_193] : memref<32x125x80xi32, #tpu.memory_space<hbm>> -> memref<1x125x80xi32, #tpu.memory_space<hbm>>
      %dma_start3A_195 = tpu.memref_squeeze %dma_start3A_194 : memref<1x125x80xi32, #tpu.memory_space<hbm>> -> memref<125x80xi32, #tpu.memory_space<hbm>>
      %dma_start3A_196 = arith.constant 0 : i32
      %dma_start3A_197 = arith.constant 0 : i32
      %dma_start3A_198 = tpu.memref_slice %arg3[%add3A, %dma_start3A_196, %dma_start3A_197] : memref<32x125x80xi32, #tpu.memory_space<hbm>> -> memref<1x125x80xi32, #tpu.memory_space<hbm>>
      %dma_start3A_199 = tpu.memref_squeeze %dma_start3A_198 : memref<1x125x80xi32, #tpu.memory_space<hbm>> -> memref<125x80xi32, #tpu.memory_space<hbm>>
      tpu.enqueue_dma source(%dma_start3A_199 : memref<125x80xi32, #tpu.memory_space<hbm>>) target(%arg10 : memref<125x80xi32, #tpu.memory_space<vmem>>) target_semaphore(%run_scoped3A : memref<!tpu.dma_semaphore, #tpu.memory_space<semaphore_mem>>)
      %dma_wait3A = arith.constant 0 : i32
      %dma_wait3A_200 = arith.constant 0 : i32
      %dma_wait3A_201 = tpu.memref_slice %arg3[%add3A, %dma_wait3A, %dma_wait3A_200] : memref<32x125x80xi32, #tpu.memory_space<hbm>> -> memref<1x125x80xi32, #tpu.memory_space<hbm>>
      %dma_wait3A_202 = tpu.memref_squeeze %dma_wait3A_201 : memref<1x125x80xi32, #tpu.memory_space<hbm>> -> memref<125x80xi32, #tpu.memory_space<hbm>>
      %dma_wait3A_203 = arith.constant 0 : i32
      %dma_wait3A_204 = arith.constant 0 : i32
      %dma_wait3A_205 = tpu.memref_slice %arg3[%add3A, %dma_wait3A_203, %dma_wait3A_204] : memref<32x125x80xi32, #tpu.memory_space<hbm>> -> memref<1x125x80xi32, #tpu.memory_space<hbm>>
      %dma_wait3A_206 = tpu.memref_squeeze %dma_wait3A_205 : memref<1x125x80xi32, #tpu.memory_space<hbm>> -> memref<125x80xi32, #tpu.memory_space<hbm>>
      tpu.wait_dma2 semaphore(%run_scoped3A : memref<!tpu.dma_semaphore, #tpu.memory_space<semaphore_mem>>) src(%dma_wait3A_206 : memref<125x80xi32, #tpu.memory_space<hbm>>) dst(%arg10 : memref<125x80xi32, #tpu.memory_space<vmem>>)
      tpu.yield
    }) : () -> ()
    "tpu.region"() ({
      %run_scoped3A = tpu.sem_alloc : memref<!tpu.dma_semaphore, #tpu.memory_space<semaphore_mem>>
      %dma_start3A = arith.constant 0 : i32
      %dma_start3A_193 = arith.constant 0 : i32
      %dma_start3A_194 = tpu.memref_slice %arg4[%add3A, %dma_start3A, %dma_start3A_193] : memref<32x125x80xi32, #tpu.memory_space<hbm>> -> memref<1x125x80xi32, #tpu.memory_space<hbm>>
      %dma_start3A_195 = tpu.memref_squeeze %dma_start3A_194 : memref<1x125x80xi32, #tpu.memory_space<hbm>> -> memref<125x80xi32, #tpu.memory_space<hbm>>
      %dma_start3A_196 = arith.constant 0 : i32
      %dma_start3A_197 = arith.constant 0 : i32
      %dma_start3A_198 = tpu.memref_slice %arg4[%add3A, %dma_start3A_196, %dma_start3A_197] : memref<32x125x80xi32, #tpu.memory_space<hbm>> -> memref<1x125x80xi32, #tpu.memory_space<hbm>>
      %dma_start3A_199 = tpu.memref_squeeze %dma_start3A_198 : memref<1x125x80xi32, #tpu.memory_space<hbm>> -> memref<125x80xi32, #tpu.memory_space<hbm>>
      tpu.enqueue_dma source(%dma_start3A_199 : memref<125x80xi32, #tpu.memory_space<hbm>>) target(%arg11 : memref<125x80xi32, #tpu.memory_space<vmem>>) target_semaphore(%run_scoped3A : memref<!tpu.dma_semaphore, #tpu.memory_space<semaphore_mem>>)
      %dma_wait3A = arith.constant 0 : i32
      %dma_wait3A_200 = arith.constant 0 : i32
      %dma_wait3A_201 = tpu.memref_slice %arg4[%add3A, %dma_wait3A, %dma_wait3A_200] : memref<32x125x80xi32, #tpu.memory_space<hbm>> -> memref<1x125x80xi32, #tpu.memory_space<hbm>>
      %dma_wait3A_202 = tpu.memref_squeeze %dma_wait3A_201 : memref<1x125x80xi32, #tpu.memory_space<hbm>> -> memref<125x80xi32, #tpu.memory_space<hbm>>
      %dma_wait3A_203 = arith.constant 0 : i32
      %dma_wait3A_204 = arith.constant 0 : i32
      %dma_wait3A_205 = tpu.memref_slice %arg4[%add3A, %dma_wait3A_203, %dma_wait3A_204] : memref<32x125x80xi32, #tpu.memory_space<hbm>> -> memref<1x125x80xi32, #tpu.memory_space<hbm>>
      %dma_wait3A_206 = tpu.memref_squeeze %dma_wait3A_205 : memref<1x125x80xi32, #tpu.memory_space<hbm>> -> memref<125x80xi32, #tpu.memory_space<hbm>>
      tpu.wait_dma2 semaphore(%run_scoped3A : memref<!tpu.dma_semaphore, #tpu.memory_space<semaphore_mem>>) src(%dma_wait3A_206 : memref<125x80xi32, #tpu.memory_space<hbm>>) dst(%arg11 : memref<125x80xi32, #tpu.memory_space<vmem>>)
      tpu.yield
    }) : () -> ()
    %mul3A_1 = arith.constant 336 : i32
    %mul3A_2 = arith.muli %arg1, %mul3A_1 : i32
    "tpu.region"() ({
      %run_scoped3A = tpu.sem_alloc : memref<!tpu.dma_semaphore, #tpu.memory_space<semaphore_mem>>
      %dma_start3A = arith.constant 0 : i32
      %dma_start3A_193 = tpu.memref_slice %arg15[%mul3A_2, %dma_start3A] : memref<5376x128xf32, #tpu.memory_space<vmem_shared>> -> memref<336x128xf32, #tpu.memory_space<vmem_shared>>
      tpu.enqueue_dma source(%arg8 : memref<336x128xf32, #tpu.memory_space<hbm>>) target(%dma_start3A_193 : memref<336x128xf32, #tpu.memory_space<vmem_shared>>) target_semaphore(%run_scoped3A : memref<!tpu.dma_semaphore, #tpu.memory_space<semaphore_mem>>)
      %dma_wait3A = arith.constant 0 : i32
      %dma_wait3A_194 = tpu.memref_slice %arg15[%mul3A_2, %dma_wait3A] : memref<5376x128xf32, #tpu.memory_space<vmem_shared>> -> memref<336x128xf32, #tpu.memory_space<vmem_shared>>
      tpu.wait_dma2 semaphore(%run_scoped3A : memref<!tpu.dma_semaphore, #tpu.memory_space<semaphore_mem>>) src(%arg8 : memref<336x128xf32, #tpu.memory_space<hbm>>) dst(%dma_wait3A_194 : memref<336x128xf32, #tpu.memory_space<vmem_shared>>)
      tpu.yield
    }) : () -> ()
    %barrier3A = arith.constant 0 : index
    tpu.barrier barrier_id(%barrier3A)
    %get3A = arith.constant 0 : i32
    %get3A_3 = arith.index_cast %get3A : i32 to index
    %get3A_4 = arith.constant 0 : index
    %get3A_5 = tpu.vector_load %arg12[%get3A_3, %get3A_4] {strides = array<i32>} : memref<1x128xi32, #tpu.memory_space<vmem>>, vector<16xi32>,
    %reduce_max3A = arith.constant true
    %reduce_max3A_6 = vector.broadcast %reduce_max3A : i1 to vector<16xi1>
    %reduce_max3A_7 = arith.constant -2147483648 : i32
    %reduce_max3A_8 = vector.broadcast %reduce_max3A_7 : i32 to vector<16xi32>
    %reduce_max3A_9 = arith.xori %get3A_5, %reduce_max3A_8 : vector<16xi32>
    %reduce_max3A_10 = tpu.scan <max>, %reduce_max3A_9 masked %reduce_max3A_6 : vector<16xi32>, vector<16xi1> -> vector<16xi32>
    %reduce_max3A_11 = arith.xori %reduce_max3A_10, %reduce_max3A_8 : vector<16xi32>
    %reduce_max3A_12 = vector.extract %reduce_max3A_11[15] : i32 from vector<16xi32>
    %add3A_13 = arith.constant 79 : i32
    %add3A_14 = arith.addi %reduce_max3A_12, %add3A_13 : i32
    %jit3A = arith.constant 80 : i32
    %div3A = arith.divsi %add3A_14, %jit3A : i32
    %sign3A = arith.constant 0 : i32
    %sign3A_15 = arith.cmpi sgt, %add3A_14, %sign3A : i32
    %sign3A_16 = arith.extui %sign3A_15 : i1 to i32
    %sign3A_17 = arith.constant 0 : i32
    %sign3A_18 = arith.cmpi slt, %add3A_14, %sign3A_17 : i32
    %sign3A_19 = arith.extui %sign3A_18 : i1 to i32
    %sign3A_20 = arith.subi %sign3A_16, %sign3A_19 : i32
    %sign3A_21 = arith.constant 0 : i32
    %sign3A_22 = arith.cmpi sgt, %jit3A, %sign3A_21 : i32
    %sign3A_23 = arith.extui %sign3A_22 : i1 to i32
    %sign3A_24 = arith.constant 0 : i32
    %sign3A_25 = arith.cmpi slt, %jit3A, %sign3A_24 : i32
    %sign3A_26 = arith.extui %sign3A_25 : i1 to i32
    %sign3A_27 = arith.subi %sign3A_23, %sign3A_26 : i32
    %ne3A = arith.cmpi ne, %sign3A_20, %sign3A_27 : i32
    %rem3A = arith.remsi %add3A_14, %jit3A : i32
    %ne3A_28 = arith.constant 0 : i32
    %ne3A_29 = arith.cmpi ne, %rem3A, %ne3A_28 : i32
    %and3A = arith.andi %ne3A, %ne3A_29 : i1
    %sub3A = arith.constant 1 : i32
    %sub3A_30 = arith.subi %div3A, %sub3A : i32
    %select_n3A = arith.select %and3A, %sub3A_30, %div3A : i32
    %jit3A_31 = arith.constant 2 : i32
    %div3A_32 = arith.divsi %select_n3A, %jit3A_31 : i32
    %sign3A_33 = arith.constant 0 : i32
    %sign3A_34 = arith.cmpi sgt, %select_n3A, %sign3A_33 : i32
    %sign3A_35 = arith.extui %sign3A_34 : i1 to i32
    %sign3A_36 = arith.constant 0 : i32
    %sign3A_37 = arith.cmpi slt, %select_n3A, %sign3A_36 : i32
    %sign3A_38 = arith.extui %sign3A_37 : i1 to i32
    %sign3A_39 = arith.subi %sign3A_35, %sign3A_38 : i32
    %sign3A_40 = arith.constant 0 : i32
    %sign3A_41 = arith.cmpi sgt, %jit3A_31, %sign3A_40 : i32
    %sign3A_42 = arith.extui %sign3A_41 : i1 to i32
    %sign3A_43 = arith.constant 0 : i32
    %sign3A_44 = arith.cmpi slt, %jit3A_31, %sign3A_43 : i32
    %sign3A_45 = arith.extui %sign3A_44 : i1 to i32
    %sign3A_46 = arith.subi %sign3A_42, %sign3A_45 : i32
    %ne3A_47 = arith.cmpi ne, %sign3A_39, %sign3A_46 : i32
    %rem3A_48 = arith.remsi %select_n3A, %jit3A_31 : i32
    %ne3A_49 = arith.constant 0 : i32
    %ne3A_50 = arith.cmpi ne, %rem3A_48, %ne3A_49 : i32
    %and3A_51 = arith.andi %ne3A_47, %ne3A_50 : i1
    %sub3A_52 = arith.constant 1 : i32
    %sub3A_53 = arith.subi %div3A_32, %sub3A_52 : i32
    %select_n3A_54 = arith.select %and3A_51, %sub3A_53, %div3A_32 : i32
    %while3A = arith.constant 0 : i32
    %while3A_55 = arith.constant 0 : i32
    %while3A_56 = arith.subi %select_n3A_54, %while3A_55 : i32
    %while3A_57 = arith.addi %while3A_55, %while3A_56 : i32
    %while3A_58 = arith.constant 1 : i32
    %while3A_59 = arith.divsi %while3A_56, %while3A_58 : i32
    %while3A_60 = arith.muli %while3A_59, %while3A_58 : i32
    %while3A_61 = arith.addi %while3A_55, %while3A_60 : i32
    %while3A_62 = arith.constant 1 : i32
    scf.for %while3A_193 = %while3A_55 to %while3A_61 step %while3A_62  : i32 {
      %mul3A_194 = arith.constant 2 : i32
      %mul3A_195 = arith.muli %while3A_193, %mul3A_194 : i32
      %dma_start3A = arith.constant 0 : i32
      %dma_start3A_196 = tpu.memref_slice %arg10[%mul3A_195, %dma_start3A] : memref<125x80xi32, #tpu.memory_space<vmem>> -> memref<1x80xi32, #tpu.memory_space<vmem>>
      %dma_start3A_197 = tpu.memref_squeeze %dma_start3A_196 : memref<1x80xi32, #tpu.memory_space<vmem>> -> memref<80xi32, #tpu.memory_space<vmem>>
      %dma_start3A_198 = arith.constant 0 : i32
      %dma_start3A_199 = arith.constant 0 : i32
      %dma_start3A_200 = tpu.memref_slice %arg2[%dma_start3A_198, %dma_start3A_199] : memref<10000x128xf32, #tpu.memory_space<hbm>> -> memref<10000x128xf32, #tpu.memory_space<hbm>>
      tpu.enqueue_indirect_dma source(%dma_start3A_200 : memref<10000x128xf32, #tpu.memory_space<hbm>>) target(%arg13 : memref<80x128xf32, #tpu.memory_space<vmem>>) offsets(%dma_start3A_197 : memref<80xi32, #tpu.memory_space<vmem>>) semaphore(%arg16 : memref<!tpu.dma_semaphore, #tpu.memory_space<semaphore_mem>>)
      %add3A_201 = arith.constant 1 : i32
      %add3A_202 = arith.addi %mul3A_195, %add3A_201 : i32
      %dma_start3A_203 = arith.constant 0 : i32
      %dma_start3A_204 = tpu.memref_slice %arg10[%add3A_202, %dma_start3A_203] : memref<125x80xi32, #tpu.memory_space<vmem>> -> memref<1x80xi32, #tpu.memory_space<vmem>>
      %dma_start3A_205 = tpu.memref_squeeze %dma_start3A_204 : memref<1x80xi32, #tpu.memory_space<vmem>> -> memref<80xi32, #tpu.memory_space<vmem>>
      %dma_start3A_206 = arith.constant 0 : i32
      %dma_start3A_207 = arith.constant 0 : i32
      %dma_start3A_208 = tpu.memref_slice %arg2[%dma_start3A_206, %dma_start3A_207] : memref<10000x128xf32, #tpu.memory_space<hbm>> -> memref<10000x128xf32, #tpu.memory_space<hbm>>
      tpu.enqueue_indirect_dma source(%dma_start3A_208 : memref<10000x128xf32, #tpu.memory_space<hbm>>) target(%arg14 : memref<80x128xf32, #tpu.memory_space<vmem>>) offsets(%dma_start3A_205 : memref<80xi32, #tpu.memory_space<vmem>>) semaphore(%arg17 : memref<!tpu.dma_semaphore, #tpu.memory_space<semaphore_mem>>)
      %dma_wait3A = arith.constant 0 : i32
      %dma_wait3A_209 = tpu.memref_slice %arg10[%mul3A_195, %dma_wait3A] : memref<125x80xi32, #tpu.memory_space<vmem>> -> memref<1x80xi32, #tpu.memory_space<vmem>>
      %dma_wait3A_210 = tpu.memref_squeeze %dma_wait3A_209 : memref<1x80xi32, #tpu.memory_space<vmem>> -> memref<80xi32, #tpu.memory_space<vmem>>
      %dma_wait3A_211 = arith.constant 0 : i32
      %dma_wait3A_212 = arith.constant 0 : i32
      %dma_wait3A_213 = tpu.memref_slice %arg2[%dma_wait3A_211, %dma_wait3A_212] : memref<10000x128xf32, #tpu.memory_space<hbm>> -> memref<10000x128xf32, #tpu.memory_space<hbm>>
      tpu.wait_indirect_dma semaphore(%arg16 : memref<!tpu.dma_semaphore, #tpu.memory_space<semaphore_mem>>) src(%dma_wait3A_213 : memref<10000x128xf32, #tpu.memory_space<hbm>>) dst(%arg13 : memref<80x128xf32, #tpu.memory_space<vmem>>)
      "tpu.region"() ({
        %run_scoped3A = tpu.sem_alloc : memref<!tpu.dma_semaphore, #tpu.memory_space<semaphore_mem>>
        %dma_start3A_222 = arith.constant 0 : i32
        %dma_start3A_223 = tpu.memref_slice %arg11[%mul3A_195, %dma_start3A_222] : memref<125x80xi32, #tpu.memory_space<vmem>> -> memref<1x80xi32, #tpu.memory_space<vmem>>
        %dma_start3A_224 = tpu.memref_squeeze %dma_start3A_223 : memref<1x80xi32, #tpu.memory_space<vmem>> -> memref<80xi32, #tpu.memory_space<vmem>>
        %dma_start3A_225 = arith.constant 0 : i32
        %dma_start3A_226 = arith.constant 0 : i32
        %dma_start3A_227 = tpu.memref_slice %arg15[%dma_start3A_225, %dma_start3A_226] : memref<5376x128xf32, #tpu.memory_space<vmem_shared>> -> memref<5376x128xf32, #tpu.memory_space<vmem_shared>>
        tpu.enqueue_indirect_dma source(%arg13 : memref<80x128xf32, #tpu.memory_space<vmem>>) target(%dma_start3A_227 : memref<5376x128xf32, #tpu.memory_space<vmem_shared>>) offsets(%dma_start3A_224 : memref<80xi32, #tpu.memory_space<vmem>>) semaphore(%run_scoped3A : memref<!tpu.dma_semaphore, #tpu.memory_space<semaphore_mem>>) {add = true}
        %dma_wait3A_228 = arith.constant 0 : i32
        %dma_wait3A_229 = tpu.memref_slice %arg11[%mul3A_195, %dma_wait3A_228] : memref<125x80xi32, #tpu.memory_space<vmem>> -> memref<1x80xi32, #tpu.memory_space<vmem>>
        %dma_wait3A_230 = tpu.memref_squeeze %dma_wait3A_229 : memref<1x80xi32, #tpu.memory_space<vmem>> -> memref<80xi32, #tpu.memory_space<vmem>>
        %dma_wait3A_231 = arith.constant 0 : i32
        %dma_wait3A_232 = arith.constant 0 : i32
        %dma_wait3A_233 = tpu.memref_slice %arg15[%dma_wait3A_231, %dma_wait3A_232] : memref<5376x128xf32, #tpu.memory_space<vmem_shared>> -> memref<5376x128xf32, #tpu.memory_space<vmem_shared>>
        tpu.wait_indirect_dma semaphore(%run_scoped3A : memref<!tpu.dma_semaphore, #tpu.memory_space<semaphore_mem>>) src(%arg13 : memref<80x128xf32, #tpu.memory_space<vmem>>) dst(%dma_wait3A_233 : memref<5376x128xf32, #tpu.memory_space<vmem_shared>>)
        tpu.yield
      }) : () -> ()
      %dma_wait3A_214 = arith.constant 0 : i32
      %dma_wait3A_215 = tpu.memref_slice %arg10[%add3A_202, %dma_wait3A_214] : memref<125x80xi32, #tpu.memory_space<vmem>> -> memref<1x80xi32, #tpu.memory_space<vmem>>
      %dma_wait3A_216 = tpu.memref_squeeze %dma_wait3A_215 : memref<1x80xi32, #tpu.memory_space<vmem>> -> memref<80xi32, #tpu.memory_space<vmem>>
      %dma_wait3A_217 = arith.constant 0 : i32
      %dma_wait3A_218 = arith.constant 0 : i32
      %dma_wait3A_219 = tpu.memref_slice %arg2[%dma_wait3A_217, %dma_wait3A_218] : memref<10000x128xf32, #tpu.memory_space<hbm>> -> memref<10000x128xf32, #tpu.memory_space<hbm>>
      tpu.wait_indirect_dma semaphore(%arg17 : memref<!tpu.dma_semaphore, #tpu.memory_space<semaphore_mem>>) src(%dma_wait3A_219 : memref<10000x128xf32, #tpu.memory_space<hbm>>) dst(%arg14 : memref<80x128xf32, #tpu.memory_space<vmem>>)
      %add3A_220 = arith.constant 1 : i32
      %add3A_221 = arith.addi %mul3A_195, %add3A_220 : i32
      "tpu.region"() ({
        %run_scoped3A = tpu.sem_alloc : memref<!tpu.dma_semaphore, #tpu.memory_space<semaphore_mem>>
        %dma_start3A_222 = arith.constant 0 : i32
        %dma_start3A_223 = tpu.memref_slice %arg11[%add3A_221, %dma_start3A_222] : memref<125x80xi32, #tpu.memory_space<vmem>> -> memref<1x80xi32, #tpu.memory_space<vmem>>
        %dma_start3A_224 = tpu.memref_squeeze %dma_start3A_223 : memref<1x80xi32, #tpu.memory_space<vmem>> -> memref<80xi32, #tpu.memory_space<vmem>>
        %dma_start3A_225 = arith.constant 0 : i32
        %dma_start3A_226 = arith.constant 0 : i32
        %dma_start3A_227 = tpu.memref_slice %arg15[%dma_start3A_225, %dma_start3A_226] : memref<5376x128xf32, #tpu.memory_space<vmem_shared>> -> memref<5376x128xf32, #tpu.memory_space<vmem_shared>>
        tpu.enqueue_indirect_dma source(%arg14 : memref<80x128xf32, #tpu.memory_space<vmem>>) target(%dma_start3A_227 : memref<5376x128xf32, #tpu.memory_space<vmem_shared>>) offsets(%dma_start3A_224 : memref<80xi32, #tpu.memory_space<vmem>>) semaphore(%run_scoped3A : memref<!tpu.dma_semaphore, #tpu.memory_space<semaphore_mem>>) {add = true}
        %dma_wait3A_228 = arith.constant 0 : i32
        %dma_wait3A_229 = tpu.memref_slice %arg11[%add3A_221, %dma_wait3A_228] : memref<125x80xi32, #tpu.memory_space<vmem>> -> memref<1x80xi32, #tpu.memory_space<vmem>>
        %dma_wait3A_230 = tpu.memref_squeeze %dma_wait3A_229 : memref<1x80xi32, #tpu.memory_space<vmem>> -> memref<80xi32, #tpu.memory_space<vmem>>
        %dma_wait3A_231 = arith.constant 0 : i32
        %dma_wait3A_232 = arith.constant 0 : i32
        %dma_wait3A_233 = tpu.memref_slice %arg15[%dma_wait3A_231, %dma_wait3A_232] : memref<5376x128xf32, #tpu.memory_space<vmem_shared>> -> memref<5376x128xf32, #tpu.memory_space<vmem_shared>>
        tpu.wait_indirect_dma semaphore(%run_scoped3A : memref<!tpu.dma_semaphore, #tpu.memory_space<semaphore_mem>>) src(%arg14 : memref<80x128xf32, #tpu.memory_space<vmem>>) dst(%dma_wait3A_233 : memref<5376x128xf32, #tpu.memory_space<vmem_shared>>)
        tpu.yield
      }) : () -> ()
    }
    %while3A_63 = arith.constant 1 : i32
    scf.for %while3A_193 = %while3A_61 to %while3A_57 step %while3A_63  : i32 {
      %mul3A_194 = arith.constant 2 : i32
      %mul3A_195 = arith.muli %while3A_193, %mul3A_194 : i32
      %dma_start3A = arith.constant 0 : i32
      %dma_start3A_196 = tpu.memref_slice %arg10[%mul3A_195, %dma_start3A] : memref<125x80xi32, #tpu.memory_space<vmem>> -> memref<1x80xi32, #tpu.memory_space<vmem>>
      %dma_start3A_197 = tpu.memref_squeeze %dma_start3A_196 : memref<1x80xi32, #tpu.memory_space<vmem>> -> memref<80xi32, #tpu.memory_space<vmem>>
      %dma_start3A_198 = arith.constant 0 : i32
      %dma_start3A_199 = arith.constant 0 : i32
      %dma_start3A_200 = tpu.memref_slice %arg2[%dma_start3A_198, %dma_start3A_199] : memref<10000x128xf32, #tpu.memory_space<hbm>> -> memref<10000x128xf32, #tpu.memory_space<hbm>>
      tpu.enqueue_indirect_dma source(%dma_start3A_200 : memref<10000x128xf32, #tpu.memory_space<hbm>>) target(%arg13 : memref<80x128xf32, #tpu.memory_space<vmem>>) offsets(%dma_start3A_197 : memref<80xi32, #tpu.memory_space<vmem>>) semaphore(%arg16 : memref<!tpu.dma_semaphore, #tpu.memory_space<semaphore_mem>>)
      %add3A_201 = arith.constant 1 : i32
      %add3A_202 = arith.addi %mul3A_195, %add3A_201 : i32
      %dma_start3A_203 = arith.constant 0 : i32
      %dma_start3A_204 = tpu.memref_slice %arg10[%add3A_202, %dma_start3A_203] : memref<125x80xi32, #tpu.memory_space<vmem>> -> memref<1x80xi32, #tpu.memory_space<vmem>>
      %dma_start3A_205 = tpu.memref_squeeze %dma_start3A_204 : memref<1x80xi32, #tpu.memory_space<vmem>> -> memref<80xi32, #tpu.memory_space<vmem>>
      %dma_start3A_206 = arith.constant 0 : i32
      %dma_start3A_207 = arith.constant 0 : i32
      %dma_start3A_208 = tpu.memref_slice %arg2[%dma_start3A_206, %dma_start3A_207] : memref<10000x128xf32, #tpu.memory_space<hbm>> -> memref<10000x128xf32, #tpu.memory_space<hbm>>
      tpu.enqueue_indirect_dma source(%dma_start3A_208 : memref<10000x128xf32, #tpu.memory_space<hbm>>) target(%arg14 : memref<80x128xf32, #tpu.memory_space<vmem>>) offsets(%dma_start3A_205 : memref<80xi32, #tpu.memory_space<vmem>>) semaphore(%arg17 : memref<!tpu.dma_semaphore, #tpu.memory_space<semaphore_mem>>)
      %dma_wait3A = arith.constant 0 : i32
      %dma_wait3A_209 = tpu.memref_slice %arg10[%mul3A_195, %dma_wait3A] : memref<125x80xi32, #tpu.memory_space<vmem>> -> memref<1x80xi32, #tpu.memory_space<vmem>>
      %dma_wait3A_210 = tpu.memref_squeeze %dma_wait3A_209 : memref<1x80xi32, #tpu.memory_space<vmem>> -> memref<80xi32, #tpu.memory_space<vmem>>
      %dma_wait3A_211 = arith.constant 0 : i32
      %dma_wait3A_212 = arith.constant 0 : i32
      %dma_wait3A_213 = tpu.memref_slice %arg2[%dma_wait3A_211, %dma_wait3A_212] : memref<10000x128xf32, #tpu.memory_space<hbm>> -> memref<10000x128xf32, #tpu.memory_space<hbm>>
      tpu.wait_indirect_dma semaphore(%arg16 : memref<!tpu.dma_semaphore, #tpu.memory_space<semaphore_mem>>) src(%dma_wait3A_213 : memref<10000x128xf32, #tpu.memory_space<hbm>>) dst(%arg13 : memref<80x128xf32, #tpu.memory_space<vmem>>)
      "tpu.region"() ({
        %run_scoped3A = tpu.sem_alloc : memref<!tpu.dma_semaphore, #tpu.memory_space<semaphore_mem>>
        %dma_start3A_222 = arith.constant 0 : i32
        %dma_start3A_223 = tpu.memref_slice %arg11[%mul3A_195, %dma_start3A_222] : memref<125x80xi32, #tpu.memory_space<vmem>> -> memref<1x80xi32, #tpu.memory_space<vmem>>
        %dma_start3A_224 = tpu.memref_squeeze %dma_start3A_223 : memref<1x80xi32, #tpu.memory_space<vmem>> -> memref<80xi32, #tpu.memory_space<vmem>>
        %dma_start3A_225 = arith.constant 0 : i32
        %dma_start3A_226 = arith.constant 0 : i32
        %dma_start3A_227 = tpu.memref_slice %arg15[%dma_start3A_225, %dma_start3A_226] : memref<5376x128xf32, #tpu.memory_space<vmem_shared>> -> memref<5376x128xf32, #tpu.memory_space<vmem_shared>>
        tpu.enqueue_indirect_dma source(%arg13 : memref<80x128xf32, #tpu.memory_space<vmem>>) target(%dma_start3A_227 : memref<5376x128xf32, #tpu.memory_space<vmem_shared>>) offsets(%dma_start3A_224 : memref<80xi32, #tpu.memory_space<vmem>>) semaphore(%run_scoped3A : memref<!tpu.dma_semaphore, #tpu.memory_space<semaphore_mem>>) {add = true}
        %dma_wait3A_228 = arith.constant 0 : i32
        %dma_wait3A_229 = tpu.memref_slice %arg11[%mul3A_195, %dma_wait3A_228] : memref<125x80xi32, #tpu.memory_space<vmem>> -> memref<1x80xi32, #tpu.memory_space<vmem>>
        %dma_wait3A_230 = tpu.memref_squeeze %dma_wait3A_229 : memref<1x80xi32, #tpu.memory_space<vmem>> -> memref<80xi32, #tpu.memory_space<vmem>>
        %dma_wait3A_231 = arith.constant 0 : i32
        %dma_wait3A_232 = arith.constant 0 : i32
        %dma_wait3A_233 = tpu.memref_slice %arg15[%dma_wait3A_231, %dma_wait3A_232] : memref<5376x128xf32, #tpu.memory_space<vmem_shared>> -> memref<5376x128xf32, #tpu.memory_space<vmem_shared>>
        tpu.wait_indirect_dma semaphore(%run_scoped3A : memref<!tpu.dma_semaphore, #tpu.memory_space<semaphore_mem>>) src(%arg13 : memref<80x128xf32, #tpu.memory_space<vmem>>) dst(%dma_wait3A_233 : memref<5376x128xf32, #tpu.memory_space<vmem_shared>>)
        tpu.yield
      }) : () -> ()
      %dma_wait3A_214 = arith.constant 0 : i32
      %dma_wait3A_215 = tpu.memref_slice %arg10[%add3A_202, %dma_wait3A_214] : memref<125x80xi32, #tpu.memory_space<vmem>> -> memref<1x80xi32, #tpu.memory_space<vmem>>
      %dma_wait3A_216 = tpu.memref_squeeze %dma_wait3A_215 : memref<1x80xi32, #tpu.memory_space<vmem>> -> memref<80xi32, #tpu.memory_space<vmem>>
      %dma_wait3A_217 = arith.constant 0 : i32
      %dma_wait3A_218 = arith.constant 0 : i32
      %dma_wait3A_219 = tpu.memref_slice %arg2[%dma_wait3A_217, %dma_wait3A_218] : memref<10000x128xf32, #tpu.memory_space<hbm>> -> memref<10000x128xf32, #tpu.memory_space<hbm>>
      tpu.wait_indirect_dma semaphore(%arg17 : memref<!tpu.dma_semaphore, #tpu.memory_space<semaphore_mem>>) src(%dma_wait3A_219 : memref<10000x128xf32, #tpu.memory_space<hbm>>) dst(%arg14 : memref<80x128xf32, #tpu.memory_space<vmem>>)
      %add3A_220 = arith.constant 1 : i32
      %add3A_221 = arith.addi %mul3A_195, %add3A_220 : i32
      "tpu.region"() ({
        %run_scoped3A = tpu.sem_alloc : memref<!tpu.dma_semaphore, #tpu.memory_space<semaphore_mem>>
        %dma_start3A_222 = arith.constant 0 : i32
        %dma_start3A_223 = tpu.memref_slice %arg11[%add3A_221, %dma_start3A_222] : memref<125x80xi32, #tpu.memory_space<vmem>> -> memref<1x80xi32, #tpu.memory_space<vmem>>
        %dma_start3A_224 = tpu.memref_squeeze %dma_start3A_223 : memref<1x80xi32, #tpu.memory_space<vmem>> -> memref<80xi32, #tpu.memory_space<vmem>>
        %dma_start3A_225 = arith.constant 0 : i32
        %dma_start3A_226 = arith.constant 0 : i32
        %dma_start3A_227 = tpu.memref_slice %arg15[%dma_start3A_225, %dma_start3A_226] : memref<5376x128xf32, #tpu.memory_space<vmem_shared>> -> memref<5376x128xf32, #tpu.memory_space<vmem_shared>>
        tpu.enqueue_indirect_dma source(%arg14 : memref<80x128xf32, #tpu.memory_space<vmem>>) target(%dma_start3A_227 : memref<5376x128xf32, #tpu.memory_space<vmem_shared>>) offsets(%dma_start3A_224 : memref<80xi32, #tpu.memory_space<vmem>>) semaphore(%run_scoped3A : memref<!tpu.dma_semaphore, #tpu.memory_space<semaphore_mem>>) {add = true}
        %dma_wait3A_228 = arith.constant 0 : i32
        %dma_wait3A_229 = tpu.memref_slice %arg11[%add3A_221, %dma_wait3A_228] : memref<125x80xi32, #tpu.memory_space<vmem>> -> memref<1x80xi32, #tpu.memory_space<vmem>>
        %dma_wait3A_230 = tpu.memref_squeeze %dma_wait3A_229 : memref<1x80xi32, #tpu.memory_space<vmem>> -> memref<80xi32, #tpu.memory_space<vmem>>
        %dma_wait3A_231 = arith.constant 0 : i32
        %dma_wait3A_232 = arith.constant 0 : i32
        %dma_wait3A_233 = tpu.memref_slice %arg15[%dma_wait3A_231, %dma_wait3A_232] : memref<5376x128xf32, #tpu.memory_space<vmem_shared>> -> memref<5376x128xf32, #tpu.memory_space<vmem_shared>>
        tpu.wait_indirect_dma semaphore(%run_scoped3A : memref<!tpu.dma_semaphore, #tpu.memory_space<semaphore_mem>>) src(%arg14 : memref<80x128xf32, #tpu.memory_space<vmem>>) dst(%dma_wait3A_233 : memref<5376x128xf32, #tpu.memory_space<vmem_shared>>)
        tpu.yield
      }) : () -> ()
    }
    %jit3A_64 = arith.constant 2 : i32
    %eq3A = arith.constant 0 : i32
    %eq3A_65 = arith.cmpi eq, %jit3A_64, %eq3A : i32
    %jit3A_66 = arith.constant 1 : i32
    %select_n3A_67 = arith.select %eq3A_65, %jit3A_66, %jit3A_64 : i32
    %rem3A_68 = arith.remsi %select_n3A, %select_n3A_67 : i32
    %ne3A_69 = arith.constant 0 : i32
    %ne3A_70 = arith.cmpi ne, %rem3A_68, %ne3A_69 : i32
    %lt3A = arith.constant 0 : i32
    %lt3A_71 = arith.cmpi slt, %rem3A_68, %lt3A : i32
    %lt3A_72 = arith.constant 0 : i32
    %lt3A_73 = arith.cmpi slt, %select_n3A_67, %lt3A_72 : i32
    %ne3A_74 = arith.xori %lt3A_71, %lt3A_73 : i1
    %and3A_75 = arith.andi %ne3A_74, %ne3A_70 : i1
    %add3A_76 = arith.addi %rem3A_68, %select_n3A_67 : i32
    %select_n3A_77 = arith.select %and3A_75, %add3A_76, %rem3A_68 : i32
    %eq3A_78 = arith.constant 1 : i32
    %eq3A_79 = arith.cmpi eq, %select_n3A_77, %eq3A_78 : i32
    %convert_element_type3A = arith.extui %eq3A_79 : i1 to i32
    %cond3A = arith.constant 0 : i32
    %cond3A_80 = arith.cmpi ne, %convert_element_type3A, %cond3A : i32
    scf.if %cond3A_80 {
      %sub3A_193 = arith.constant 1 : i32
      %sub3A_194 = arith.subi %select_n3A, %sub3A_193 : i32
      %dma_start3A = arith.constant 0 : i32
      %dma_start3A_195 = tpu.memref_slice %arg10[%sub3A_194, %dma_start3A] : memref<125x80xi32, #tpu.memory_space<vmem>> -> memref<1x80xi32, #tpu.memory_space<vmem>>
      %dma_start3A_196 = tpu.memref_squeeze %dma_start3A_195 : memref<1x80xi32, #tpu.memory_space<vmem>> -> memref<80xi32, #tpu.memory_space<vmem>>
      %dma_start3A_197 = arith.constant 0 : i32
      %dma_start3A_198 = arith.constant 0 : i32
      %dma_start3A_199 = tpu.memref_slice %arg2[%dma_start3A_197, %dma_start3A_198] : memref<10000x128xf32, #tpu.memory_space<hbm>> -> memref<10000x128xf32, #tpu.memory_space<hbm>>
      tpu.enqueue_indirect_dma source(%dma_start3A_199 : memref<10000x128xf32, #tpu.memory_space<hbm>>) target(%arg13 : memref<80x128xf32, #tpu.memory_space<vmem>>) offsets(%dma_start3A_196 : memref<80xi32, #tpu.memory_space<vmem>>) semaphore(%arg16 : memref<!tpu.dma_semaphore, #tpu.memory_space<semaphore_mem>>)
      %dma_wait3A = arith.constant 0 : i32
      %dma_wait3A_200 = tpu.memref_slice %arg10[%sub3A_194, %dma_wait3A] : memref<125x80xi32, #tpu.memory_space<vmem>> -> memref<1x80xi32, #tpu.memory_space<vmem>>
      %dma_wait3A_201 = tpu.memref_squeeze %dma_wait3A_200 : memref<1x80xi32, #tpu.memory_space<vmem>> -> memref<80xi32, #tpu.memory_space<vmem>>
      %dma_wait3A_202 = arith.constant 0 : i32
      %dma_wait3A_203 = arith.constant 0 : i32
      %dma_wait3A_204 = tpu.memref_slice %arg2[%dma_wait3A_202, %dma_wait3A_203] : memref<10000x128xf32, #tpu.memory_space<hbm>> -> memref<10000x128xf32, #tpu.memory_space<hbm>>
      tpu.wait_indirect_dma semaphore(%arg16 : memref<!tpu.dma_semaphore, #tpu.memory_space<semaphore_mem>>) src(%dma_wait3A_204 : memref<10000x128xf32, #tpu.memory_space<hbm>>) dst(%arg13 : memref<80x128xf32, #tpu.memory_space<vmem>>)
      %sub3A_205 = arith.constant 1 : i32
      %sub3A_206 = arith.subi %select_n3A, %sub3A_205 : i32
      "tpu.region"() ({
        %run_scoped3A = tpu.sem_alloc : memref<!tpu.dma_semaphore, #tpu.memory_space<semaphore_mem>>
        %dma_start3A_207 = arith.constant 0 : i32
        %dma_start3A_208 = tpu.memref_slice %arg11[%sub3A_206, %dma_start3A_207] : memref<125x80xi32, #tpu.memory_space<vmem>> -> memref<1x80xi32, #tpu.memory_space<vmem>>
        %dma_start3A_209 = tpu.memref_squeeze %dma_start3A_208 : memref<1x80xi32, #tpu.memory_space<vmem>> -> memref<80xi32, #tpu.memory_space<vmem>>
        %dma_start3A_210 = arith.constant 0 : i32
        %dma_start3A_211 = arith.constant 0 : i32
        %dma_start3A_212 = tpu.memref_slice %arg15[%dma_start3A_210, %dma_start3A_211] : memref<5376x128xf32, #tpu.memory_space<vmem_shared>> -> memref<5376x128xf32, #tpu.memory_space<vmem_shared>>
        tpu.enqueue_indirect_dma source(%arg13 : memref<80x128xf32, #tpu.memory_space<vmem>>) target(%dma_start3A_212 : memref<5376x128xf32, #tpu.memory_space<vmem_shared>>) offsets(%dma_start3A_209 : memref<80xi32, #tpu.memory_space<vmem>>) semaphore(%run_scoped3A : memref<!tpu.dma_semaphore, #tpu.memory_space<semaphore_mem>>) {add = true}
        %dma_wait3A_213 = arith.constant 0 : i32
        %dma_wait3A_214 = tpu.memref_slice %arg11[%sub3A_206, %dma_wait3A_213] : memref<125x80xi32, #tpu.memory_space<vmem>> -> memref<1x80xi32, #tpu.memory_space<vmem>>
        %dma_wait3A_215 = tpu.memref_squeeze %dma_wait3A_214 : memref<1x80xi32, #tpu.memory_space<vmem>> -> memref<80xi32, #tpu.memory_space<vmem>>
        %dma_wait3A_216 = arith.constant 0 : i32
        %dma_wait3A_217 = arith.constant 0 : i32
        %dma_wait3A_218 = tpu.memref_slice %arg15[%dma_wait3A_216, %dma_wait3A_217] : memref<5376x128xf32, #tpu.memory_space<vmem_shared>> -> memref<5376x128xf32, #tpu.memory_space<vmem_shared>>
        tpu.wait_indirect_dma semaphore(%run_scoped3A : memref<!tpu.dma_semaphore, #tpu.memory_space<semaphore_mem>>) src(%arg13 : memref<80x128xf32, #tpu.memory_space<vmem>>) dst(%dma_wait3A_218 : memref<5376x128xf32, #tpu.memory_space<vmem_shared>>)
        tpu.yield
      }) : () -> ()
    } else {
    }
    %barrier3A_81 = arith.constant 0 : index
    tpu.barrier barrier_id(%barrier3A_81)
    %mul3A_82 = arith.constant 320 : i32
    %mul3A_83 = arith.muli %arg1, %mul3A_82 : i32
    %mul3A_84 = arith.constant 320 : i32
    %mul3A_85 = arith.muli %arg1, %mul3A_84 : i32
    %add3A_86 = arith.constant 0 : i32
    %add3A_87 = arith.addi %add3A_86, %mul3A_85 : i32
    "tpu.region"() ({
      %run_scoped3A = tpu.sem_alloc : memref<!tpu.dma_semaphore, #tpu.memory_space<semaphore_mem>>
      %dma_start3A = arith.constant 0 : i32
      %dma_start3A_193 = tpu.memref_slice %arg9[%arg0, %add3A_87, %dma_start3A] : memref<2x10240x128xf32, #tpu.memory_space<hbm>> -> memref<1x320x128xf32, #tpu.memory_space<hbm>>
      %dma_start3A_194 = tpu.memref_squeeze %dma_start3A_193 : memref<1x320x128xf32, #tpu.memory_space<hbm>> -> memref<320x128xf32, #tpu.memory_space<hbm>>
      %dma_start3A_195 = arith.constant 0 : i32
      %dma_start3A_196 = tpu.memref_slice %arg15[%mul3A_83, %dma_start3A_195] : memref<5376x128xf32, #tpu.memory_space<vmem_shared>> -> memref<320x128xf32, #tpu.memory_space<vmem_shared>>
      tpu.enqueue_dma source(%dma_start3A_196 : memref<320x128xf32, #tpu.memory_space<vmem_shared>>) target(%dma_start3A_194 : memref<320x128xf32, #tpu.memory_space<hbm>>) target_semaphore(%run_scoped3A : memref<!tpu.dma_semaphore, #tpu.memory_space<semaphore_mem>>)
      %dma_wait3A = arith.constant 0 : i32
      %dma_wait3A_197 = tpu.memref_slice %arg9[%arg0, %add3A_87, %dma_wait3A] : memref<2x10240x128xf32, #tpu.memory_space<hbm>> -> memref<1x320x128xf32, #tpu.memory_space<hbm>>
      %dma_wait3A_198 = tpu.memref_squeeze %dma_wait3A_197 : memref<1x320x128xf32, #tpu.memory_space<hbm>> -> memref<320x128xf32, #tpu.memory_space<hbm>>
      %dma_wait3A_199 = arith.constant 0 : i32
      %dma_wait3A_200 = tpu.memref_slice %arg15[%mul3A_83, %dma_wait3A_199] : memref<5376x128xf32, #tpu.memory_space<vmem_shared>> -> memref<320x128xf32, #tpu.memory_space<vmem_shared>>
      tpu.wait_dma2 semaphore(%run_scoped3A : memref<!tpu.dma_semaphore, #tpu.memory_space<semaphore_mem>>) src(%dma_wait3A_200 : memref<320x128xf32, #tpu.memory_space<vmem_shared>>) dst(%dma_wait3A_198 : memref<320x128xf32, #tpu.memory_space<hbm>>)
      tpu.yield
    }) : () -> ()
    %barrier3A_88 = arith.constant 0 : index
    tpu.barrier barrier_id(%barrier3A_88)
    "tpu.region"() ({
      %run_scoped3A = tpu.sem_alloc : memref<!tpu.dma_semaphore, #tpu.memory_space<semaphore_mem>>
      %dma_start3A = arith.constant 0 : i32
      %dma_start3A_193 = arith.constant 0 : i32
      %dma_start3A_194 = tpu.memref_slice %arg5[%add3A, %dma_start3A, %dma_start3A_193] : memref<32x125x80xi32, #tpu.memory_space<hbm>> -> memref<1x125x80xi32, #tpu.memory_space<hbm>>
      %dma_start3A_195 = tpu.memref_squeeze %dma_start3A_194 : memref<1x125x80xi32, #tpu.memory_space<hbm>> -> memref<125x80xi32, #tpu.memory_space<hbm>>
      %dma_start3A_196 = arith.constant 0 : i32
      %dma_start3A_197 = arith.constant 0 : i32
      %dma_start3A_198 = tpu.memref_slice %arg5[%add3A, %dma_start3A_196, %dma_start3A_197] : memref<32x125x80xi32, #tpu.memory_space<hbm>> -> memref<1x125x80xi32, #tpu.memory_space<hbm>>
      %dma_start3A_199 = tpu.memref_squeeze %dma_start3A_198 : memref<1x125x80xi32, #tpu.memory_space<hbm>> -> memref<125x80xi32, #tpu.memory_space<hbm>>
      tpu.enqueue_dma source(%dma_start3A_199 : memref<125x80xi32, #tpu.memory_space<hbm>>) target(%arg10 : memref<125x80xi32, #tpu.memory_space<vmem>>) target_semaphore(%run_scoped3A : memref<!tpu.dma_semaphore, #tpu.memory_space<semaphore_mem>>)
      %dma_wait3A = arith.constant 0 : i32
      %dma_wait3A_200 = arith.constant 0 : i32
      %dma_wait3A_201 = tpu.memref_slice %arg5[%add3A, %dma_wait3A, %dma_wait3A_200] : memref<32x125x80xi32, #tpu.memory_space<hbm>> -> memref<1x125x80xi32, #tpu.memory_space<hbm>>
      %dma_wait3A_202 = tpu.memref_squeeze %dma_wait3A_201 : memref<1x125x80xi32, #tpu.memory_space<hbm>> -> memref<125x80xi32, #tpu.memory_space<hbm>>
      %dma_wait3A_203 = arith.constant 0 : i32
      %dma_wait3A_204 = arith.constant 0 : i32
      %dma_wait3A_205 = tpu.memref_slice %arg5[%add3A, %dma_wait3A_203, %dma_wait3A_204] : memref<32x125x80xi32, #tpu.memory_space<hbm>> -> memref<1x125x80xi32, #tpu.memory_space<hbm>>
      %dma_wait3A_206 = tpu.memref_squeeze %dma_wait3A_205 : memref<1x125x80xi32, #tpu.memory_space<hbm>> -> memref<125x80xi32, #tpu.memory_space<hbm>>
      tpu.wait_dma2 semaphore(%run_scoped3A : memref<!tpu.dma_semaphore, #tpu.memory_space<semaphore_mem>>) src(%dma_wait3A_206 : memref<125x80xi32, #tpu.memory_space<hbm>>) dst(%arg10 : memref<125x80xi32, #tpu.memory_space<vmem>>)
      tpu.yield
    }) : () -> ()
    "tpu.region"() ({
      %run_scoped3A = tpu.sem_alloc : memref<!tpu.dma_semaphore, #tpu.memory_space<semaphore_mem>>
      %dma_start3A = arith.constant 0 : i32
      %dma_start3A_193 = arith.constant 0 : i32
      %dma_start3A_194 = tpu.memref_slice %arg6[%add3A, %dma_start3A, %dma_start3A_193] : memref<32x125x80xi32, #tpu.memory_space<hbm>> -> memref<1x125x80xi32, #tpu.memory_space<hbm>>
      %dma_start3A_195 = tpu.memref_squeeze %dma_start3A_194 : memref<1x125x80xi32, #tpu.memory_space<hbm>> -> memref<125x80xi32, #tpu.memory_space<hbm>>
      %dma_start3A_196 = arith.constant 0 : i32
      %dma_start3A_197 = arith.constant 0 : i32
      %dma_start3A_198 = tpu.memref_slice %arg6[%add3A, %dma_start3A_196, %dma_start3A_197] : memref<32x125x80xi32, #tpu.memory_space<hbm>> -> memref<1x125x80xi32, #tpu.memory_space<hbm>>
      %dma_start3A_199 = tpu.memref_squeeze %dma_start3A_198 : memref<1x125x80xi32, #tpu.memory_space<hbm>> -> memref<125x80xi32, #tpu.memory_space<hbm>>
      tpu.enqueue_dma source(%dma_start3A_199 : memref<125x80xi32, #tpu.memory_space<hbm>>) target(%arg11 : memref<125x80xi32, #tpu.memory_space<vmem>>) target_semaphore(%run_scoped3A : memref<!tpu.dma_semaphore, #tpu.memory_space<semaphore_mem>>)
      %dma_wait3A = arith.constant 0 : i32
      %dma_wait3A_200 = arith.constant 0 : i32
      %dma_wait3A_201 = tpu.memref_slice %arg6[%add3A, %dma_wait3A, %dma_wait3A_200] : memref<32x125x80xi32, #tpu.memory_space<hbm>> -> memref<1x125x80xi32, #tpu.memory_space<hbm>>
      %dma_wait3A_202 = tpu.memref_squeeze %dma_wait3A_201 : memref<1x125x80xi32, #tpu.memory_space<hbm>> -> memref<125x80xi32, #tpu.memory_space<hbm>>
      %dma_wait3A_203 = arith.constant 0 : i32
      %dma_wait3A_204 = arith.constant 0 : i32
      %dma_wait3A_205 = tpu.memref_slice %arg6[%add3A, %dma_wait3A_203, %dma_wait3A_204] : memref<32x125x80xi32, #tpu.memory_space<hbm>> -> memref<1x125x80xi32, #tpu.memory_space<hbm>>
      %dma_wait3A_206 = tpu.memref_squeeze %dma_wait3A_205 : memref<1x125x80xi32, #tpu.memory_space<hbm>> -> memref<125x80xi32, #tpu.memory_space<hbm>>
      tpu.wait_dma2 semaphore(%run_scoped3A : memref<!tpu.dma_semaphore, #tpu.memory_space<semaphore_mem>>) src(%dma_wait3A_206 : memref<125x80xi32, #tpu.memory_space<hbm>>) dst(%arg11 : memref<125x80xi32, #tpu.memory_space<vmem>>)
      tpu.yield
    }) : () -> ()
    %mul3A_89 = arith.constant 336 : i32
    %mul3A_90 = arith.muli %arg1, %mul3A_89 : i32
    "tpu.region"() ({
      %run_scoped3A = tpu.sem_alloc : memref<!tpu.dma_semaphore, #tpu.memory_space<semaphore_mem>>
      %dma_start3A = arith.constant 0 : i32
      %dma_start3A_193 = tpu.memref_slice %arg15[%mul3A_90, %dma_start3A] : memref<5376x128xf32, #tpu.memory_space<vmem_shared>> -> memref<336x128xf32, #tpu.memory_space<vmem_shared>>
      tpu.enqueue_dma source(%arg8 : memref<336x128xf32, #tpu.memory_space<hbm>>) target(%dma_start3A_193 : memref<336x128xf32, #tpu.memory_space<vmem_shared>>) target_semaphore(%run_scoped3A : memref<!tpu.dma_semaphore, #tpu.memory_space<semaphore_mem>>)
      %dma_wait3A = arith.constant 0 : i32
      %dma_wait3A_194 = tpu.memref_slice %arg15[%mul3A_90, %dma_wait3A] : memref<5376x128xf32, #tpu.memory_space<vmem_shared>> -> memref<336x128xf32, #tpu.memory_space<vmem_shared>>
      tpu.wait_dma2 semaphore(%run_scoped3A : memref<!tpu.dma_semaphore, #tpu.memory_space<semaphore_mem>>) src(%arg8 : memref<336x128xf32, #tpu.memory_space<hbm>>) dst(%dma_wait3A_194 : memref<336x128xf32, #tpu.memory_space<vmem_shared>>)
      tpu.yield
    }) : () -> ()
    %barrier3A_91 = arith.constant 0 : index
    tpu.barrier barrier_id(%barrier3A_91)
    %get3A_92 = arith.constant 0 : i32
    %get3A_93 = arith.index_cast %get3A_92 : i32 to index
    %get3A_94 = arith.constant 16 : index
    %get3A_95 = tpu.vector_load %arg12[%get3A_93, %get3A_94] {strides = array<i32>} : memref<1x128xi32, #tpu.memory_space<vmem>>, vector<16xi32>,
    %reduce_max3A_96 = arith.constant true
    %reduce_max3A_97 = vector.broadcast %reduce_max3A_96 : i1 to vector<16xi1>
    %reduce_max3A_98 = arith.constant -2147483648 : i32
    %reduce_max3A_99 = vector.broadcast %reduce_max3A_98 : i32 to vector<16xi32>
    %reduce_max3A_100 = arith.xori %get3A_95, %reduce_max3A_99 : vector<16xi32>
    %reduce_max3A_101 = tpu.scan <max>, %reduce_max3A_100 masked %reduce_max3A_97 : vector<16xi32>, vector<16xi1> -> vector<16xi32>
    %reduce_max3A_102 = arith.xori %reduce_max3A_101, %reduce_max3A_99 : vector<16xi32>
    %reduce_max3A_103 = vector.extract %reduce_max3A_102[15] : i32 from vector<16xi32>
    %add3A_104 = arith.constant 79 : i32
    %add3A_105 = arith.addi %reduce_max3A_103, %add3A_104 : i32
    %jit3A_106 = arith.constant 80 : i32
    %div3A_107 = arith.divsi %add3A_105, %jit3A_106 : i32
    %sign3A_108 = arith.constant 0 : i32
    %sign3A_109 = arith.cmpi sgt, %add3A_105, %sign3A_108 : i32
    %sign3A_110 = arith.extui %sign3A_109 : i1 to i32
    %sign3A_111 = arith.constant 0 : i32
    %sign3A_112 = arith.cmpi slt, %add3A_105, %sign3A_111 : i32
    %sign3A_113 = arith.extui %sign3A_112 : i1 to i32
    %sign3A_114 = arith.subi %sign3A_110, %sign3A_113 : i32
    %sign3A_115 = arith.constant 0 : i32
    %sign3A_116 = arith.cmpi sgt, %jit3A_106, %sign3A_115 : i32
    %sign3A_117 = arith.extui %sign3A_116 : i1 to i32
    %sign3A_118 = arith.constant 0 : i32
    %sign3A_119 = arith.cmpi slt, %jit3A_106, %sign3A_118 : i32
    %sign3A_120 = arith.extui %sign3A_119 : i1 to i32
    %sign3A_121 = arith.subi %sign3A_117, %sign3A_120 : i32
    %ne3A_122 = arith.cmpi ne, %sign3A_114, %sign3A_121 : i32
    %rem3A_123 = arith.remsi %add3A_105, %jit3A_106 : i32
    %ne3A_124 = arith.constant 0 : i32
    %ne3A_125 = arith.cmpi ne, %rem3A_123, %ne3A_124 : i32
    %and3A_126 = arith.andi %ne3A_122, %ne3A_125 : i1
    %sub3A_127 = arith.constant 1 : i32
    %sub3A_128 = arith.subi %div3A_107, %sub3A_127 : i32
    %select_n3A_129 = arith.select %and3A_126, %sub3A_128, %div3A_107 : i32
    %jit3A_130 = arith.constant 2 : i32
    %div3A_131 = arith.divsi %select_n3A_129, %jit3A_130 : i32
    %sign3A_132 = arith.constant 0 : i32
    %sign3A_133 = arith.cmpi sgt, %select_n3A_129, %sign3A_132 : i32
    %sign3A_134 = arith.extui %sign3A_133 : i1 to i32
    %sign3A_135 = arith.constant 0 : i32
    %sign3A_136 = arith.cmpi slt, %select_n3A_129, %sign3A_135 : i32
    %sign3A_137 = arith.extui %sign3A_136 : i1 to i32
    %sign3A_138 = arith.subi %sign3A_134, %sign3A_137 : i32
    %sign3A_139 = arith.constant 0 : i32
    %sign3A_140 = arith.cmpi sgt, %jit3A_130, %sign3A_139 : i32
    %sign3A_141 = arith.extui %sign3A_140 : i1 to i32
    %sign3A_142 = arith.constant 0 : i32
    %sign3A_143 = arith.cmpi slt, %jit3A_130, %sign3A_142 : i32
    %sign3A_144 = arith.extui %sign3A_143 : i1 to i32
    %sign3A_145 = arith.subi %sign3A_141, %sign3A_144 : i32
    %ne3A_146 = arith.cmpi ne, %sign3A_138, %sign3A_145 : i32
    %rem3A_147 = arith.remsi %select_n3A_129, %jit3A_130 : i32
    %ne3A_148 = arith.constant 0 : i32
    %ne3A_149 = arith.cmpi ne, %rem3A_147, %ne3A_148 : i32
    %and3A_150 = arith.andi %ne3A_146, %ne3A_149 : i1
    %sub3A_151 = arith.constant 1 : i32
    %sub3A_152 = arith.subi %div3A_131, %sub3A_151 : i32
    %select_n3A_153 = arith.select %and3A_150, %sub3A_152, %div3A_131 : i32
    %while3A_154 = arith.constant 0 : i32
    %while3A_155 = arith.constant 0 : i32
    %while3A_156 = arith.subi %select_n3A_153, %while3A_155 : i32
    %while3A_157 = arith.addi %while3A_155, %while3A_156 : i32
    %while3A_158 = arith.constant 1 : i32
    %while3A_159 = arith.divsi %while3A_156, %while3A_158 : i32
    %while3A_160 = arith.muli %while3A_159, %while3A_158 : i32
    %while3A_161 = arith.addi %while3A_155, %while3A_160 : i32
    %while3A_162 = arith.constant 1 : i32
    scf.for %while3A_193 = %while3A_155 to %while3A_161 step %while3A_162  : i32 {
      %mul3A_194 = arith.constant 2 : i32
      %mul3A_195 = arith.muli %while3A_193, %mul3A_194 : i32
      %dma_start3A = arith.constant 0 : i32
      %dma_start3A_196 = tpu.memref_slice %arg10[%mul3A_195, %dma_start3A] : memref<125x80xi32, #tpu.memory_space<vmem>> -> memref<1x80xi32, #tpu.memory_space<vmem>>
      %dma_start3A_197 = tpu.memref_squeeze %dma_start3A_196 : memref<1x80xi32, #tpu.memory_space<vmem>> -> memref<80xi32, #tpu.memory_space<vmem>>
      %dma_start3A_198 = arith.constant 0 : i32
      %dma_start3A_199 = arith.constant 0 : i32
      %dma_start3A_200 = tpu.memref_slice %arg2[%dma_start3A_198, %dma_start3A_199] : memref<10000x128xf32, #tpu.memory_space<hbm>> -> memref<10000x128xf32, #tpu.memory_space<hbm>>
      tpu.enqueue_indirect_dma source(%dma_start3A_200 : memref<10000x128xf32, #tpu.memory_space<hbm>>) target(%arg13 : memref<80x128xf32, #tpu.memory_space<vmem>>) offsets(%dma_start3A_197 : memref<80xi32, #tpu.memory_space<vmem>>) semaphore(%arg16 : memref<!tpu.dma_semaphore, #tpu.memory_space<semaphore_mem>>)
      %add3A_201 = arith.constant 1 : i32
      %add3A_202 = arith.addi %mul3A_195, %add3A_201 : i32
      %dma_start3A_203 = arith.constant 0 : i32
      %dma_start3A_204 = tpu.memref_slice %arg10[%add3A_202, %dma_start3A_203] : memref<125x80xi32, #tpu.memory_space<vmem>> -> memref<1x80xi32, #tpu.memory_space<vmem>>
      %dma_start3A_205 = tpu.memref_squeeze %dma_start3A_204 : memref<1x80xi32, #tpu.memory_space<vmem>> -> memref<80xi32, #tpu.memory_space<vmem>>
      %dma_start3A_206 = arith.constant 0 : i32
      %dma_start3A_207 = arith.constant 0 : i32
      %dma_start3A_208 = tpu.memref_slice %arg2[%dma_start3A_206, %dma_start3A_207] : memref<10000x128xf32, #tpu.memory_space<hbm>> -> memref<10000x128xf32, #tpu.memory_space<hbm>>
      tpu.enqueue_indirect_dma source(%dma_start3A_208 : memref<10000x128xf32, #tpu.memory_space<hbm>>) target(%arg14 : memref<80x128xf32, #tpu.memory_space<vmem>>) offsets(%dma_start3A_205 : memref<80xi32, #tpu.memory_space<vmem>>) semaphore(%arg17 : memref<!tpu.dma_semaphore, #tpu.memory_space<semaphore_mem>>)
      %dma_wait3A = arith.constant 0 : i32
      %dma_wait3A_209 = tpu.memref_slice %arg10[%mul3A_195, %dma_wait3A] : memref<125x80xi32, #tpu.memory_space<vmem>> -> memref<1x80xi32, #tpu.memory_space<vmem>>
      %dma_wait3A_210 = tpu.memref_squeeze %dma_wait3A_209 : memref<1x80xi32, #tpu.memory_space<vmem>> -> memref<80xi32, #tpu.memory_space<vmem>>
      %dma_wait3A_211 = arith.constant 0 : i32
      %dma_wait3A_212 = arith.constant 0 : i32
      %dma_wait3A_213 = tpu.memref_slice %arg2[%dma_wait3A_211, %dma_wait3A_212] : memref<10000x128xf32, #tpu.memory_space<hbm>> -> memref<10000x128xf32, #tpu.memory_space<hbm>>
      tpu.wait_indirect_dma semaphore(%arg16 : memref<!tpu.dma_semaphore, #tpu.memory_space<semaphore_mem>>) src(%dma_wait3A_213 : memref<10000x128xf32, #tpu.memory_space<hbm>>) dst(%arg13 : memref<80x128xf32, #tpu.memory_space<vmem>>)
      "tpu.region"() ({
        %run_scoped3A = tpu.sem_alloc : memref<!tpu.dma_semaphore, #tpu.memory_space<semaphore_mem>>
        %dma_start3A_222 = arith.constant 0 : i32
        %dma_start3A_223 = tpu.memref_slice %arg11[%mul3A_195, %dma_start3A_222] : memref<125x80xi32, #tpu.memory_space<vmem>> -> memref<1x80xi32, #tpu.memory_space<vmem>>
        %dma_start3A_224 = tpu.memref_squeeze %dma_start3A_223 : memref<1x80xi32, #tpu.memory_space<vmem>> -> memref<80xi32, #tpu.memory_space<vmem>>
        %dma_start3A_225 = arith.constant 0 : i32
        %dma_start3A_226 = arith.constant 0 : i32
        %dma_start3A_227 = tpu.memref_slice %arg15[%dma_start3A_225, %dma_start3A_226] : memref<5376x128xf32, #tpu.memory_space<vmem_shared>> -> memref<5376x128xf32, #tpu.memory_space<vmem_shared>>
        tpu.enqueue_indirect_dma source(%arg13 : memref<80x128xf32, #tpu.memory_space<vmem>>) target(%dma_start3A_227 : memref<5376x128xf32, #tpu.memory_space<vmem_shared>>) offsets(%dma_start3A_224 : memref<80xi32, #tpu.memory_space<vmem>>) semaphore(%run_scoped3A : memref<!tpu.dma_semaphore, #tpu.memory_space<semaphore_mem>>) {add = true}
        %dma_wait3A_228 = arith.constant 0 : i32
        %dma_wait3A_229 = tpu.memref_slice %arg11[%mul3A_195, %dma_wait3A_228] : memref<125x80xi32, #tpu.memory_space<vmem>> -> memref<1x80xi32, #tpu.memory_space<vmem>>
        %dma_wait3A_230 = tpu.memref_squeeze %dma_wait3A_229 : memref<1x80xi32, #tpu.memory_space<vmem>> -> memref<80xi32, #tpu.memory_space<vmem>>
        %dma_wait3A_231 = arith.constant 0 : i32
        %dma_wait3A_232 = arith.constant 0 : i32
        %dma_wait3A_233 = tpu.memref_slice %arg15[%dma_wait3A_231, %dma_wait3A_232] : memref<5376x128xf32, #tpu.memory_space<vmem_shared>> -> memref<5376x128xf32, #tpu.memory_space<vmem_shared>>
        tpu.wait_indirect_dma semaphore(%run_scoped3A : memref<!tpu.dma_semaphore, #tpu.memory_space<semaphore_mem>>) src(%arg13 : memref<80x128xf32, #tpu.memory_space<vmem>>) dst(%dma_wait3A_233 : memref<5376x128xf32, #tpu.memory_space<vmem_shared>>)
        tpu.yield
      }) : () -> ()
      %dma_wait3A_214 = arith.constant 0 : i32
      %dma_wait3A_215 = tpu.memref_slice %arg10[%add3A_202, %dma_wait3A_214] : memref<125x80xi32, #tpu.memory_space<vmem>> -> memref<1x80xi32, #tpu.memory_space<vmem>>
      %dma_wait3A_216 = tpu.memref_squeeze %dma_wait3A_215 : memref<1x80xi32, #tpu.memory_space<vmem>> -> memref<80xi32, #tpu.memory_space<vmem>>
      %dma_wait3A_217 = arith.constant 0 : i32
      %dma_wait3A_218 = arith.constant 0 : i32
      %dma_wait3A_219 = tpu.memref_slice %arg2[%dma_wait3A_217, %dma_wait3A_218] : memref<10000x128xf32, #tpu.memory_space<hbm>> -> memref<10000x128xf32, #tpu.memory_space<hbm>>
      tpu.wait_indirect_dma semaphore(%arg17 : memref<!tpu.dma_semaphore, #tpu.memory_space<semaphore_mem>>) src(%dma_wait3A_219 : memref<10000x128xf32, #tpu.memory_space<hbm>>) dst(%arg14 : memref<80x128xf32, #tpu.memory_space<vmem>>)
      %add3A_220 = arith.constant 1 : i32
      %add3A_221 = arith.addi %mul3A_195, %add3A_220 : i32
      "tpu.region"() ({
        %run_scoped3A = tpu.sem_alloc : memref<!tpu.dma_semaphore, #tpu.memory_space<semaphore_mem>>
        %dma_start3A_222 = arith.constant 0 : i32
        %dma_start3A_223 = tpu.memref_slice %arg11[%add3A_221, %dma_start3A_222] : memref<125x80xi32, #tpu.memory_space<vmem>> -> memref<1x80xi32, #tpu.memory_space<vmem>>
        %dma_start3A_224 = tpu.memref_squeeze %dma_start3A_223 : memref<1x80xi32, #tpu.memory_space<vmem>> -> memref<80xi32, #tpu.memory_space<vmem>>
        %dma_start3A_225 = arith.constant 0 : i32
        %dma_start3A_226 = arith.constant 0 : i32
        %dma_start3A_227 = tpu.memref_slice %arg15[%dma_start3A_225, %dma_start3A_226] : memref<5376x128xf32, #tpu.memory_space<vmem_shared>> -> memref<5376x128xf32, #tpu.memory_space<vmem_shared>>
        tpu.enqueue_indirect_dma source(%arg14 : memref<80x128xf32, #tpu.memory_space<vmem>>) target(%dma_start3A_227 : memref<5376x128xf32, #tpu.memory_space<vmem_shared>>) offsets(%dma_start3A_224 : memref<80xi32, #tpu.memory_space<vmem>>) semaphore(%run_scoped3A : memref<!tpu.dma_semaphore, #tpu.memory_space<semaphore_mem>>) {add = true}
        %dma_wait3A_228 = arith.constant 0 : i32
        %dma_wait3A_229 = tpu.memref_slice %arg11[%add3A_221, %dma_wait3A_228] : memref<125x80xi32, #tpu.memory_space<vmem>> -> memref<1x80xi32, #tpu.memory_space<vmem>>
        %dma_wait3A_230 = tpu.memref_squeeze %dma_wait3A_229 : memref<1x80xi32, #tpu.memory_space<vmem>> -> memref<80xi32, #tpu.memory_space<vmem>>
        %dma_wait3A_231 = arith.constant 0 : i32
        %dma_wait3A_232 = arith.constant 0 : i32
        %dma_wait3A_233 = tpu.memref_slice %arg15[%dma_wait3A_231, %dma_wait3A_232] : memref<5376x128xf32, #tpu.memory_space<vmem_shared>> -> memref<5376x128xf32, #tpu.memory_space<vmem_shared>>
        tpu.wait_indirect_dma semaphore(%run_scoped3A : memref<!tpu.dma_semaphore, #tpu.memory_space<semaphore_mem>>) src(%arg14 : memref<80x128xf32, #tpu.memory_space<vmem>>) dst(%dma_wait3A_233 : memref<5376x128xf32, #tpu.memory_space<vmem_shared>>)
        tpu.yield
      }) : () -> ()
    }
    %while3A_163 = arith.constant 1 : i32
    scf.for %while3A_193 = %while3A_161 to %while3A_157 step %while3A_163  : i32 {
      %mul3A_194 = arith.constant 2 : i32
      %mul3A_195 = arith.muli %while3A_193, %mul3A_194 : i32
      %dma_start3A = arith.constant 0 : i32
      %dma_start3A_196 = tpu.memref_slice %arg10[%mul3A_195, %dma_start3A] : memref<125x80xi32, #tpu.memory_space<vmem>> -> memref<1x80xi32, #tpu.memory_space<vmem>>
      %dma_start3A_197 = tpu.memref_squeeze %dma_start3A_196 : memref<1x80xi32, #tpu.memory_space<vmem>> -> memref<80xi32, #tpu.memory_space<vmem>>
      %dma_start3A_198 = arith.constant 0 : i32
      %dma_start3A_199 = arith.constant 0 : i32
      %dma_start3A_200 = tpu.memref_slice %arg2[%dma_start3A_198, %dma_start3A_199] : memref<10000x128xf32, #tpu.memory_space<hbm>> -> memref<10000x128xf32, #tpu.memory_space<hbm>>
      tpu.enqueue_indirect_dma source(%dma_start3A_200 : memref<10000x128xf32, #tpu.memory_space<hbm>>) target(%arg13 : memref<80x128xf32, #tpu.memory_space<vmem>>) offsets(%dma_start3A_197 : memref<80xi32, #tpu.memory_space<vmem>>) semaphore(%arg16 : memref<!tpu.dma_semaphore, #tpu.memory_space<semaphore_mem>>)
      %add3A_201 = arith.constant 1 : i32
      %add3A_202 = arith.addi %mul3A_195, %add3A_201 : i32
      %dma_start3A_203 = arith.constant 0 : i32
      %dma_start3A_204 = tpu.memref_slice %arg10[%add3A_202, %dma_start3A_203] : memref<125x80xi32, #tpu.memory_space<vmem>> -> memref<1x80xi32, #tpu.memory_space<vmem>>
      %dma_start3A_205 = tpu.memref_squeeze %dma_start3A_204 : memref<1x80xi32, #tpu.memory_space<vmem>> -> memref<80xi32, #tpu.memory_space<vmem>>
      %dma_start3A_206 = arith.constant 0 : i32
      %dma_start3A_207 = arith.constant 0 : i32
      %dma_start3A_208 = tpu.memref_slice %arg2[%dma_start3A_206, %dma_start3A_207] : memref<10000x128xf32, #tpu.memory_space<hbm>> -> memref<10000x128xf32, #tpu.memory_space<hbm>>
      tpu.enqueue_indirect_dma source(%dma_start3A_208 : memref<10000x128xf32, #tpu.memory_space<hbm>>) target(%arg14 : memref<80x128xf32, #tpu.memory_space<vmem>>) offsets(%dma_start3A_205 : memref<80xi32, #tpu.memory_space<vmem>>) semaphore(%arg17 : memref<!tpu.dma_semaphore, #tpu.memory_space<semaphore_mem>>)
      %dma_wait3A = arith.constant 0 : i32
      %dma_wait3A_209 = tpu.memref_slice %arg10[%mul3A_195, %dma_wait3A] : memref<125x80xi32, #tpu.memory_space<vmem>> -> memref<1x80xi32, #tpu.memory_space<vmem>>
      %dma_wait3A_210 = tpu.memref_squeeze %dma_wait3A_209 : memref<1x80xi32, #tpu.memory_space<vmem>> -> memref<80xi32, #tpu.memory_space<vmem>>
      %dma_wait3A_211 = arith.constant 0 : i32
      %dma_wait3A_212 = arith.constant 0 : i32
      %dma_wait3A_213 = tpu.memref_slice %arg2[%dma_wait3A_211, %dma_wait3A_212] : memref<10000x128xf32, #tpu.memory_space<hbm>> -> memref<10000x128xf32, #tpu.memory_space<hbm>>
      tpu.wait_indirect_dma semaphore(%arg16 : memref<!tpu.dma_semaphore, #tpu.memory_space<semaphore_mem>>) src(%dma_wait3A_213 : memref<10000x128xf32, #tpu.memory_space<hbm>>) dst(%arg13 : memref<80x128xf32, #tpu.memory_space<vmem>>)
      "tpu.region"() ({
        %run_scoped3A = tpu.sem_alloc : memref<!tpu.dma_semaphore, #tpu.memory_space<semaphore_mem>>
        %dma_start3A_222 = arith.constant 0 : i32
        %dma_start3A_223 = tpu.memref_slice %arg11[%mul3A_195, %dma_start3A_222] : memref<125x80xi32, #tpu.memory_space<vmem>> -> memref<1x80xi32, #tpu.memory_space<vmem>>
        %dma_start3A_224 = tpu.memref_squeeze %dma_start3A_223 : memref<1x80xi32, #tpu.memory_space<vmem>> -> memref<80xi32, #tpu.memory_space<vmem>>
        %dma_start3A_225 = arith.constant 0 : i32
        %dma_start3A_226 = arith.constant 0 : i32
        %dma_start3A_227 = tpu.memref_slice %arg15[%dma_start3A_225, %dma_start3A_226] : memref<5376x128xf32, #tpu.memory_space<vmem_shared>> -> memref<5376x128xf32, #tpu.memory_space<vmem_shared>>
        tpu.enqueue_indirect_dma source(%arg13 : memref<80x128xf32, #tpu.memory_space<vmem>>) target(%dma_start3A_227 : memref<5376x128xf32, #tpu.memory_space<vmem_shared>>) offsets(%dma_start3A_224 : memref<80xi32, #tpu.memory_space<vmem>>) semaphore(%run_scoped3A : memref<!tpu.dma_semaphore, #tpu.memory_space<semaphore_mem>>) {add = true}
        %dma_wait3A_228 = arith.constant 0 : i32
        %dma_wait3A_229 = tpu.memref_slice %arg11[%mul3A_195, %dma_wait3A_228] : memref<125x80xi32, #tpu.memory_space<vmem>> -> memref<1x80xi32, #tpu.memory_space<vmem>>
        %dma_wait3A_230 = tpu.memref_squeeze %dma_wait3A_229 : memref<1x80xi32, #tpu.memory_space<vmem>> -> memref<80xi32, #tpu.memory_space<vmem>>
        %dma_wait3A_231 = arith.constant 0 : i32
        %dma_wait3A_232 = arith.constant 0 : i32
        %dma_wait3A_233 = tpu.memref_slice %arg15[%dma_wait3A_231, %dma_wait3A_232] : memref<5376x128xf32, #tpu.memory_space<vmem_shared>> -> memref<5376x128xf32, #tpu.memory_space<vmem_shared>>
        tpu.wait_indirect_dma semaphore(%run_scoped3A : memref<!tpu.dma_semaphore, #tpu.memory_space<semaphore_mem>>) src(%arg13 : memref<80x128xf32, #tpu.memory_space<vmem>>) dst(%dma_wait3A_233 : memref<5376x128xf32, #tpu.memory_space<vmem_shared>>)
        tpu.yield
      }) : () -> ()
      %dma_wait3A_214 = arith.constant 0 : i32
      %dma_wait3A_215 = tpu.memref_slice %arg10[%add3A_202, %dma_wait3A_214] : memref<125x80xi32, #tpu.memory_space<vmem>> -> memref<1x80xi32, #tpu.memory_space<vmem>>
      %dma_wait3A_216 = tpu.memref_squeeze %dma_wait3A_215 : memref<1x80xi32, #tpu.memory_space<vmem>> -> memref<80xi32, #tpu.memory_space<vmem>>
      %dma_wait3A_217 = arith.constant 0 : i32
      %dma_wait3A_218 = arith.constant 0 : i32
      %dma_wait3A_219 = tpu.memref_slice %arg2[%dma_wait3A_217, %dma_wait3A_218] : memref<10000x128xf32, #tpu.memory_space<hbm>> -> memref<10000x128xf32, #tpu.memory_space<hbm>>
      tpu.wait_indirect_dma semaphore(%arg17 : memref<!tpu.dma_semaphore, #tpu.memory_space<semaphore_mem>>) src(%dma_wait3A_219 : memref<10000x128xf32, #tpu.memory_space<hbm>>) dst(%arg14 : memref<80x128xf32, #tpu.memory_space<vmem>>)
      %add3A_220 = arith.constant 1 : i32
      %add3A_221 = arith.addi %mul3A_195, %add3A_220 : i32
      "tpu.region"() ({
        %run_scoped3A = tpu.sem_alloc : memref<!tpu.dma_semaphore, #tpu.memory_space<semaphore_mem>>
        %dma_start3A_222 = arith.constant 0 : i32
        %dma_start3A_223 = tpu.memref_slice %arg11[%add3A_221, %dma_start3A_222] : memref<125x80xi32, #tpu.memory_space<vmem>> -> memref<1x80xi32, #tpu.memory_space<vmem>>
        %dma_start3A_224 = tpu.memref_squeeze %dma_start3A_223 : memref<1x80xi32, #tpu.memory_space<vmem>> -> memref<80xi32, #tpu.memory_space<vmem>>
        %dma_start3A_225 = arith.constant 0 : i32
        %dma_start3A_226 = arith.constant 0 : i32
        %dma_start3A_227 = tpu.memref_slice %arg15[%dma_start3A_225, %dma_start3A_226] : memref<5376x128xf32, #tpu.memory_space<vmem_shared>> -> memref<5376x128xf32, #tpu.memory_space<vmem_shared>>
        tpu.enqueue_indirect_dma source(%arg14 : memref<80x128xf32, #tpu.memory_space<vmem>>) target(%dma_start3A_227 : memref<5376x128xf32, #tpu.memory_space<vmem_shared>>) offsets(%dma_start3A_224 : memref<80xi32, #tpu.memory_space<vmem>>) semaphore(%run_scoped3A : memref<!tpu.dma_semaphore, #tpu.memory_space<semaphore_mem>>) {add = true}
        %dma_wait3A_228 = arith.constant 0 : i32
        %dma_wait3A_229 = tpu.memref_slice %arg11[%add3A_221, %dma_wait3A_228] : memref<125x80xi32, #tpu.memory_space<vmem>> -> memref<1x80xi32, #tpu.memory_space<vmem>>
        %dma_wait3A_230 = tpu.memref_squeeze %dma_wait3A_229 : memref<1x80xi32, #tpu.memory_space<vmem>> -> memref<80xi32, #tpu.memory_space<vmem>>
        %dma_wait3A_231 = arith.constant 0 : i32
        %dma_wait3A_232 = arith.constant 0 : i32
        %dma_wait3A_233 = tpu.memref_slice %arg15[%dma_wait3A_231, %dma_wait3A_232] : memref<5376x128xf32, #tpu.memory_space<vmem_shared>> -> memref<5376x128xf32, #tpu.memory_space<vmem_shared>>
        tpu.wait_indirect_dma semaphore(%run_scoped3A : memref<!tpu.dma_semaphore, #tpu.memory_space<semaphore_mem>>) src(%arg14 : memref<80x128xf32, #tpu.memory_space<vmem>>) dst(%dma_wait3A_233 : memref<5376x128xf32, #tpu.memory_space<vmem_shared>>)
        tpu.yield
      }) : () -> ()
    }
    %jit3A_164 = arith.constant 2 : i32
    %eq3A_165 = arith.constant 0 : i32
    %eq3A_166 = arith.cmpi eq, %jit3A_164, %eq3A_165 : i32
    %jit3A_167 = arith.constant 1 : i32
    %select_n3A_168 = arith.select %eq3A_166, %jit3A_167, %jit3A_164 : i32
    %rem3A_169 = arith.remsi %select_n3A_129, %select_n3A_168 : i32
    %ne3A_170 = arith.constant 0 : i32
    %ne3A_171 = arith.cmpi ne, %rem3A_169, %ne3A_170 : i32
    %lt3A_172 = arith.constant 0 : i32
    %lt3A_173 = arith.cmpi slt, %rem3A_169, %lt3A_172 : i32
    %lt3A_174 = arith.constant 0 : i32
    %lt3A_175 = arith.cmpi slt, %select_n3A_168, %lt3A_174 : i32
    %ne3A_176 = arith.xori %lt3A_173, %lt3A_175 : i1
    %and3A_177 = arith.andi %ne3A_176, %ne3A_171 : i1
    %add3A_178 = arith.addi %rem3A_169, %select_n3A_168 : i32
    %select_n3A_179 = arith.select %and3A_177, %add3A_178, %rem3A_169 : i32
    %eq3A_180 = arith.constant 1 : i32
    %eq3A_181 = arith.cmpi eq, %select_n3A_179, %eq3A_180 : i32
    %convert_element_type3A_182 = arith.extui %eq3A_181 : i1 to i32
    %cond3A_183 = arith.constant 0 : i32
    %cond3A_184 = arith.cmpi ne, %convert_element_type3A_182, %cond3A_183 : i32
    scf.if %cond3A_184 {
      %sub3A_193 = arith.constant 1 : i32
      %sub3A_194 = arith.subi %select_n3A_129, %sub3A_193 : i32
      %dma_start3A = arith.constant 0 : i32
      %dma_start3A_195 = tpu.memref_slice %arg10[%sub3A_194, %dma_start3A] : memref<125x80xi32, #tpu.memory_space<vmem>> -> memref<1x80xi32, #tpu.memory_space<vmem>>
      %dma_start3A_196 = tpu.memref_squeeze %dma_start3A_195 : memref<1x80xi32, #tpu.memory_space<vmem>> -> memref<80xi32, #tpu.memory_space<vmem>>
      %dma_start3A_197 = arith.constant 0 : i32
      %dma_start3A_198 = arith.constant 0 : i32
      %dma_start3A_199 = tpu.memref_slice %arg2[%dma_start3A_197, %dma_start3A_198] : memref<10000x128xf32, #tpu.memory_space<hbm>> -> memref<10000x128xf32, #tpu.memory_space<hbm>>
      tpu.enqueue_indirect_dma source(%dma_start3A_199 : memref<10000x128xf32, #tpu.memory_space<hbm>>) target(%arg13 : memref<80x128xf32, #tpu.memory_space<vmem>>) offsets(%dma_start3A_196 : memref<80xi32, #tpu.memory_space<vmem>>) semaphore(%arg16 : memref<!tpu.dma_semaphore, #tpu.memory_space<semaphore_mem>>)
      %dma_wait3A = arith.constant 0 : i32
      %dma_wait3A_200 = tpu.memref_slice %arg10[%sub3A_194, %dma_wait3A] : memref<125x80xi32, #tpu.memory_space<vmem>> -> memref<1x80xi32, #tpu.memory_space<vmem>>
      %dma_wait3A_201 = tpu.memref_squeeze %dma_wait3A_200 : memref<1x80xi32, #tpu.memory_space<vmem>> -> memref<80xi32, #tpu.memory_space<vmem>>
      %dma_wait3A_202 = arith.constant 0 : i32
      %dma_wait3A_203 = arith.constant 0 : i32
      %dma_wait3A_204 = tpu.memref_slice %arg2[%dma_wait3A_202, %dma_wait3A_203] : memref<10000x128xf32, #tpu.memory_space<hbm>> -> memref<10000x128xf32, #tpu.memory_space<hbm>>
      tpu.wait_indirect_dma semaphore(%arg16 : memref<!tpu.dma_semaphore, #tpu.memory_space<semaphore_mem>>) src(%dma_wait3A_204 : memref<10000x128xf32, #tpu.memory_space<hbm>>) dst(%arg13 : memref<80x128xf32, #tpu.memory_space<vmem>>)
      %sub3A_205 = arith.constant 1 : i32
      %sub3A_206 = arith.subi %select_n3A_129, %sub3A_205 : i32
      "tpu.region"() ({
        %run_scoped3A = tpu.sem_alloc : memref<!tpu.dma_semaphore, #tpu.memory_space<semaphore_mem>>
        %dma_start3A_207 = arith.constant 0 : i32
        %dma_start3A_208 = tpu.memref_slice %arg11[%sub3A_206, %dma_start3A_207] : memref<125x80xi32, #tpu.memory_space<vmem>> -> memref<1x80xi32, #tpu.memory_space<vmem>>
        %dma_start3A_209 = tpu.memref_squeeze %dma_start3A_208 : memref<1x80xi32, #tpu.memory_space<vmem>> -> memref<80xi32, #tpu.memory_space<vmem>>
        %dma_start3A_210 = arith.constant 0 : i32
        %dma_start3A_211 = arith.constant 0 : i32
        %dma_start3A_212 = tpu.memref_slice %arg15[%dma_start3A_210, %dma_start3A_211] : memref<5376x128xf32, #tpu.memory_space<vmem_shared>> -> memref<5376x128xf32, #tpu.memory_space<vmem_shared>>
        tpu.enqueue_indirect_dma source(%arg13 : memref<80x128xf32, #tpu.memory_space<vmem>>) target(%dma_start3A_212 : memref<5376x128xf32, #tpu.memory_space<vmem_shared>>) offsets(%dma_start3A_209 : memref<80xi32, #tpu.memory_space<vmem>>) semaphore(%run_scoped3A : memref<!tpu.dma_semaphore, #tpu.memory_space<semaphore_mem>>) {add = true}
        %dma_wait3A_213 = arith.constant 0 : i32
        %dma_wait3A_214 = tpu.memref_slice %arg11[%sub3A_206, %dma_wait3A_213] : memref<125x80xi32, #tpu.memory_space<vmem>> -> memref<1x80xi32, #tpu.memory_space<vmem>>
        %dma_wait3A_215 = tpu.memref_squeeze %dma_wait3A_214 : memref<1x80xi32, #tpu.memory_space<vmem>> -> memref<80xi32, #tpu.memory_space<vmem>>
        %dma_wait3A_216 = arith.constant 0 : i32
        %dma_wait3A_217 = arith.constant 0 : i32
        %dma_wait3A_218 = tpu.memref_slice %arg15[%dma_wait3A_216, %dma_wait3A_217] : memref<5376x128xf32, #tpu.memory_space<vmem_shared>> -> memref<5376x128xf32, #tpu.memory_space<vmem_shared>>
        tpu.wait_indirect_dma semaphore(%run_scoped3A : memref<!tpu.dma_semaphore, #tpu.memory_space<semaphore_mem>>) src(%arg13 : memref<80x128xf32, #tpu.memory_space<vmem>>) dst(%dma_wait3A_218 : memref<5376x128xf32, #tpu.memory_space<vmem_shared>>)
        tpu.yield
      }) : () -> ()
    } else {
    }
    %barrier3A_185 = arith.constant 0 : index
    tpu.barrier barrier_id(%barrier3A_185)
    %mul3A_186 = arith.constant 320 : i32
    %mul3A_187 = arith.muli %arg1, %mul3A_186 : i32
    %mul3A_188 = arith.constant 320 : i32
    %mul3A_189 = arith.muli %arg1, %mul3A_188 : i32
    %add3A_190 = arith.constant 5120 : i32
    %add3A_191 = arith.addi %add3A_190, %mul3A_189 : i32
    "tpu.region"() ({
      %run_scoped3A = tpu.sem_alloc : memref<!tpu.dma_semaphore, #tpu.memory_space<semaphore_mem>>
      %dma_start3A = arith.constant 0 : i32
      %dma_start3A_193 = tpu.memref_slice %arg9[%arg0, %add3A_191, %dma_start3A] : memref<2x10240x128xf32, #tpu.memory_space<hbm>> -> memref<1x320x128xf32, #tpu.memory_space<hbm>>
      %dma_start3A_194 = tpu.memref_squeeze %dma_start3A_193 : memref<1x320x128xf32, #tpu.memory_space<hbm>> -> memref<320x128xf32, #tpu.memory_space<hbm>>
      %dma_start3A_195 = arith.constant 0 : i32
      %dma_start3A_196 = tpu.memref_slice %arg15[%mul3A_187, %dma_start3A_195] : memref<5376x128xf32, #tpu.memory_space<vmem_shared>> -> memref<320x128xf32, #tpu.memory_space<vmem_shared>>
      tpu.enqueue_dma source(%dma_start3A_196 : memref<320x128xf32, #tpu.memory_space<vmem_shared>>) target(%dma_start3A_194 : memref<320x128xf32, #tpu.memory_space<hbm>>) target_semaphore(%run_scoped3A : memref<!tpu.dma_semaphore, #tpu.memory_space<semaphore_mem>>)
      %dma_wait3A = arith.constant 0 : i32
      %dma_wait3A_197 = tpu.memref_slice %arg9[%arg0, %add3A_191, %dma_wait3A] : memref<2x10240x128xf32, #tpu.memory_space<hbm>> -> memref<1x320x128xf32, #tpu.memory_space<hbm>>
      %dma_wait3A_198 = tpu.memref_squeeze %dma_wait3A_197 : memref<1x320x128xf32, #tpu.memory_space<hbm>> -> memref<320x128xf32, #tpu.memory_space<hbm>>
      %dma_wait3A_199 = arith.constant 0 : i32
      %dma_wait3A_200 = tpu.memref_slice %arg15[%mul3A_187, %dma_wait3A_199] : memref<5376x128xf32, #tpu.memory_space<vmem_shared>> -> memref<320x128xf32, #tpu.memory_space<vmem_shared>>
      tpu.wait_dma2 semaphore(%run_scoped3A : memref<!tpu.dma_semaphore, #tpu.memory_space<semaphore_mem>>) src(%dma_wait3A_200 : memref<320x128xf32, #tpu.memory_space<vmem_shared>>) dst(%dma_wait3A_198 : memref<320x128xf32, #tpu.memory_space<hbm>>)
      tpu.yield
    }) : () -> ()
    %barrier3A_192 = arith.constant 0 : index
    tpu.barrier barrier_id(%barrier3A_192)
    return
  }
}

module attributes {stable_mosaic.version = 14 : i64} {
  func.func @_tc_scale_matmul_body(%arg0: i32, %arg1: memref<1000x1xf32, #tpu.memory_space<vmem>>, %arg2: memref<1000x1xf32, #tpu.memory_space<vmem>>, %arg3: memref<1000x128xf32, #tpu.memory_space<vmem>>, %arg4: memref<128x128xf32, #tpu.memory_space<vmem>>, %arg5: memref<1000x128xf32, #tpu.memory_space<vmem>>) attributes {dimension_semantics = [#tpu.dimension_semantics<arbitrary>], iteration_bounds = array<i64: 10>, scalar_prefetch = 0 : i64, scratch_operands = 0 : i64, tpu.core_type = #tpu.core_type<tc>, window_params = [{transform_indices = @transform_0, window_bounds = array<i64: 1000, 1>}, {transform_indices = @transform_1, window_bounds = array<i64: 1000, 1>}, {transform_indices = @transform_2, window_bounds = array<i64: 1000, 128>}, {pipeline_mode = #tpu.pipeline_mode<synchronous>, transform_indices = @transform_3, window_bounds = array<i64: 128, 128>}, {transform_indices = @transform_4, window_bounds = array<i64: 1000, 128>}]} {
    %get3A = arith.constant 0 : index
    %get3A_0 = arith.constant 0 : index
    %get3A_1 = vector.load %arg1[%get3A, %get3A_0] : memref<1000x1xf32, #tpu.memory_space<vmem>>, vector<1000x1xf32>
    %get3A_2 = arith.constant 0 : index
    %get3A_3 = arith.constant 0 : index
    %get3A_4 = vector.load %arg2[%get3A_2, %get3A_3] : memref<1000x1xf32, #tpu.memory_space<vmem>>, vector<1000x1xf32>
    %add3A = arith.addf %get3A_1, %get3A_4 : vector<1000x1xf32>
    %add3A_5 = arith.constant 1.000000e+00 : f32
    %add3A_6 = vector.broadcast %add3A_5 : f32 to vector<1000x1xf32>
    %add3A_7 = arith.addf %add3A, %add3A_6 : vector<1000x1xf32>
    %rsqrt3A = math.rsqrt %add3A_7 : vector<1000x1xf32>
    %get3A_8 = arith.constant 0 : index
    %get3A_9 = arith.constant 0 : index
    %get3A_10 = vector.load %arg3[%get3A_8, %get3A_9] : memref<1000x128xf32, #tpu.memory_space<vmem>>, vector<1000x128xf32>
    %get3A_11 = arith.constant 0 : index
    %get3A_12 = arith.constant 0 : index
    %get3A_13 = vector.load %arg4[%get3A_11, %get3A_12] : memref<128x128xf32, #tpu.memory_space<vmem>>, vector<128x128xf32>
    %dot_general3A = arith.constant dense<0.000000e+00> : vector<1000x128xf32>
    %dot_general3A_14 = tpu.matmul %get3A_10, %get3A_13, %dot_general3A {dimension_numbers = #tpu.dot_dimension_numbers<[1], [0], [0], [1], [0, 0, 1, 1], [], []>, precision = #tpu.contract_precision<fp32>, transpose_lhs_hint = false} : vector<1000x128xf32>, vector<128x128xf32>, vector<1000x128xf32> -> vector<1000x128xf32>
    %mul3A = vector.broadcast %rsqrt3A : vector<1000x1xf32> to vector<1000x128xf32>
    %mul3A_15 = arith.mulf %dot_general3A_14, %mul3A : vector<1000x128xf32>
    %swap3A = arith.constant 0 : index
    %swap3A_16 = arith.constant 0 : index
    %swap3A_17 = vector.load %arg5[%swap3A, %swap3A_16] : memref<1000x128xf32, #tpu.memory_space<vmem>>, vector<1000x128xf32>
    tpu.vector_store %arg5[%swap3A, %swap3A_16], %mul3A_15 {strides = array<i32>} : memref<1000x128xf32, #tpu.memory_space<vmem>>, vector<1000x128xf32>,
    return
  }
  func.func @transform_0(%arg0: i32) -> (i32, i32) {
    %c0_i32 = arith.constant 0 : i32
    %c0_i32_0 = arith.constant 0 : i32
    return %arg0, %c0_i32 : i32, i32
  }
  func.func @transform_1(%arg0: i32) -> (i32, i32) {
    %c0_i32 = arith.constant 0 : i32
    %c0_i32_0 = arith.constant 0 : i32
    return %arg0, %c0_i32 : i32, i32
  }
  func.func @transform_2(%arg0: i32) -> (i32, i32) {
    %c0_i32 = arith.constant 0 : i32
    %c0_i32_0 = arith.constant 0 : i32
    return %arg0, %c0_i32 : i32, i32
  }
  func.func @transform_3(%arg0: i32) -> (i32, i32) {
    %c0_i32 = arith.constant 0 : i32
    %c0_i32_0 = arith.constant 0 : i32
    %c0_i32_1 = arith.constant 0 : i32
    return %c0_i32, %c0_i32_0 : i32, i32
  }
  func.func @transform_4(%arg0: i32) -> (i32, i32) {
    %c0_i32 = arith.constant 0 : i32
    %c0_i32_0 = arith.constant 0 : i32
    return %arg0, %c0_i32 : i32, i32
  }
}

module attributes {stable_mosaic.version = 14 : i64} {
  func.func @_tc_layer_body(%arg0: i32, %arg1: memref<1000x1xf32, #tpu.memory_space<vmem>>, %arg2: memref<1000x1xf32, #tpu.memory_space<vmem>>, %arg3: memref<1000x128xf32, #tpu.memory_space<vmem>>, %arg4: memref<1000x128xf32, #tpu.memory_space<vmem>>, %arg5: memref<1000x128xf32, #tpu.memory_space<vmem>>, %arg6: memref<1x128xf32, #tpu.memory_space<vmem>>, %arg7: memref<128x128xf32, #tpu.memory_space<vmem>>, %arg8: memref<1000x128xf32, #tpu.memory_space<vmem>>) attributes {dimension_semantics = [#tpu.dimension_semantics<arbitrary>], iteration_bounds = array<i64: 10>, scalar_prefetch = 0 : i64, scratch_operands = 0 : i64, tpu.core_type = #tpu.core_type<tc>, window_params = [{transform_indices = @transform_0, window_bounds = array<i64: 1000, 1>}, {transform_indices = @transform_1, window_bounds = array<i64: 1000, 1>}, {transform_indices = @transform_2, window_bounds = array<i64: 1000, 128>}, {transform_indices = @transform_3, window_bounds = array<i64: 1000, 128>}, {transform_indices = @transform_4, window_bounds = array<i64: 1000, 128>}, {pipeline_mode = #tpu.pipeline_mode<synchronous>, transform_indices = @transform_5, window_bounds = array<i64: 1, 128>}, {pipeline_mode = #tpu.pipeline_mode<synchronous>, transform_indices = @transform_6, window_bounds = array<i64: 128, 128>}, {transform_indices = @transform_7, window_bounds = array<i64: 1000, 128>}]} {
    %get3A = arith.constant 0 : index
    %get3A_0 = arith.constant 0 : index
    %get3A_1 = vector.load %arg1[%get3A, %get3A_0] : memref<1000x1xf32, #tpu.memory_space<vmem>>, vector<1000x1xf32>
    %get3A_2 = arith.constant 0 : index
    %get3A_3 = arith.constant 0 : index
    %get3A_4 = vector.load %arg2[%get3A_2, %get3A_3] : memref<1000x1xf32, #tpu.memory_space<vmem>>, vector<1000x1xf32>
    %add3A = arith.addf %get3A_1, %get3A_4 : vector<1000x1xf32>
    %add3A_5 = arith.constant 1.000000e+00 : f32
    %add3A_6 = vector.broadcast %add3A_5 : f32 to vector<1000x1xf32>
    %add3A_7 = arith.addf %add3A, %add3A_6 : vector<1000x1xf32>
    %rsqrt3A = math.rsqrt %add3A_7 : vector<1000x1xf32>
    %get3A_8 = arith.constant 0 : index
    %get3A_9 = arith.constant 0 : index
    %get3A_10 = vector.load %arg3[%get3A_8, %get3A_9] : memref<1000x128xf32, #tpu.memory_space<vmem>>, vector<1000x128xf32>
    %get3A_11 = arith.constant 0 : index
    %get3A_12 = arith.constant 0 : index
    %get3A_13 = vector.load %arg4[%get3A_11, %get3A_12] : memref<1000x128xf32, #tpu.memory_space<vmem>>, vector<1000x128xf32>
    %add3A_14 = arith.addf %get3A_10, %get3A_13 : vector<1000x128xf32>
    %get3A_15 = arith.constant 0 : index
    %get3A_16 = arith.constant 0 : index
    %get3A_17 = vector.load %arg5[%get3A_15, %get3A_16] : memref<1000x128xf32, #tpu.memory_space<vmem>>, vector<1000x128xf32>
    %add3A_18 = arith.addf %add3A_14, %get3A_17 : vector<1000x128xf32>
    %mul3A = vector.broadcast %rsqrt3A : vector<1000x1xf32> to vector<1000x128xf32>
    %mul3A_19 = arith.mulf %mul3A, %add3A_18 : vector<1000x128xf32>
    %get3A_20 = arith.constant 0 : index
    %get3A_21 = arith.constant 0 : index
    %get3A_22 = vector.load %arg6[%get3A_20, %get3A_21] : memref<1x128xf32, #tpu.memory_space<vmem>>, vector<1x128xf32>
    %add3A_23 = vector.broadcast %get3A_22 : vector<1x128xf32> to vector<1000x128xf32>
    %add3A_24 = arith.addf %mul3A_19, %add3A_23 : vector<1000x128xf32>
    %max3A = arith.constant 0.000000e+00 : f32
    %max3A_25 = vector.broadcast %max3A : f32 to vector<1000x128xf32>
    %max3A_26 = arith.maximumf %add3A_24, %max3A_25 : vector<1000x128xf32>
    %get3A_27 = arith.constant 0 : index
    %get3A_28 = arith.constant 0 : index
    %get3A_29 = vector.load %arg7[%get3A_27, %get3A_28] : memref<128x128xf32, #tpu.memory_space<vmem>>, vector<128x128xf32>
    %dot_general3A = arith.constant dense<0.000000e+00> : vector<1000x128xf32>
    %dot_general3A_30 = tpu.matmul %max3A_26, %get3A_29, %dot_general3A {dimension_numbers = #tpu.dot_dimension_numbers<[1], [0], [0], [1], [0, 0, 1, 1], [], []>, precision = #tpu.contract_precision<fp32>, transpose_lhs_hint = false} : vector<1000x128xf32>, vector<128x128xf32>, vector<1000x128xf32> -> vector<1000x128xf32>
    %mul3A_31 = vector.broadcast %rsqrt3A : vector<1000x1xf32> to vector<1000x128xf32>
    %mul3A_32 = arith.mulf %dot_general3A_30, %mul3A_31 : vector<1000x128xf32>
    %swap3A = arith.constant 0 : index
    %swap3A_33 = arith.constant 0 : index
    %swap3A_34 = vector.load %arg8[%swap3A, %swap3A_33] : memref<1000x128xf32, #tpu.memory_space<vmem>>, vector<1000x128xf32>
    tpu.vector_store %arg8[%swap3A, %swap3A_33], %mul3A_32 {strides = array<i32>} : memref<1000x128xf32, #tpu.memory_space<vmem>>, vector<1000x128xf32>,
    return
  }
  func.func @transform_0(%arg0: i32) -> (i32, i32) {
    %c0_i32 = arith.constant 0 : i32
    %c0_i32_0 = arith.constant 0 : i32
    return %arg0, %c0_i32 : i32, i32
  }
  func.func @transform_1(%arg0: i32) -> (i32, i32) {
    %c0_i32 = arith.constant 0 : i32
    %c0_i32_0 = arith.constant 0 : i32
    return %arg0, %c0_i32 : i32, i32
  }
  func.func @transform_2(%arg0: i32) -> (i32, i32) {
    %c0_i32 = arith.constant 0 : i32
    %c0_i32_0 = arith.constant 0 : i32
    return %arg0, %c0_i32 : i32, i32
  }
  func.func @transform_3(%arg0: i32) -> (i32, i32) {
    %c0_i32 = arith.constant 0 : i32
    %c0_i32_0 = arith.constant 0 : i32
    return %arg0, %c0_i32 : i32, i32
  }
  func.func @transform_4(%arg0: i32) -> (i32, i32) {
    %c0_i32 = arith.constant 0 : i32
    %c0_i32_0 = arith.constant 0 : i32
    return %arg0, %c0_i32 : i32, i32
  }
  func.func @transform_5(%arg0: i32) -> (i32, i32) {
    %c0_i32 = arith.constant 0 : i32
    %c0_i32_0 = arith.constant 0 : i32
    %c0_i32_1 = arith.constant 0 : i32
    return %c0_i32, %c0_i32_0 : i32, i32
  }
  func.func @transform_6(%arg0: i32) -> (i32, i32) {
    %c0_i32 = arith.constant 0 : i32
    %c0_i32_0 = arith.constant 0 : i32
    %c0_i32_1 = arith.constant 0 : i32
    return %c0_i32, %c0_i32_0 : i32, i32
  }
  func.func @transform_7(%arg0: i32) -> (i32, i32) {
    %c0_i32 = arith.constant 0 : i32
    %c0_i32_0 = arith.constant 0 : i32
    return %arg0, %c0_i32 : i32, i32
  }
}

module attributes {stable_mosaic.version = 14 : i64} {
  func.func @_tc_final_body(%arg0: i32, %arg1: memref<1000x1xf32, #tpu.memory_space<vmem>>, %arg2: memref<1000x1xf32, #tpu.memory_space<vmem>>, %arg3: memref<1000x128xf32, #tpu.memory_space<vmem>>, %arg4: memref<1000x128xf32, #tpu.memory_space<vmem>>, %arg5: memref<1000x128xf32, #tpu.memory_space<vmem>>, %arg6: memref<1x128xf32, #tpu.memory_space<vmem>>, %arg7: memref<1000x128xf32, #tpu.memory_space<vmem>>) attributes {dimension_semantics = [#tpu.dimension_semantics<arbitrary>], iteration_bounds = array<i64: 10>, scalar_prefetch = 0 : i64, scratch_operands = 0 : i64, tpu.core_type = #tpu.core_type<tc>, window_params = [{transform_indices = @transform_0, window_bounds = array<i64: 1000, 1>}, {transform_indices = @transform_1, window_bounds = array<i64: 1000, 1>}, {transform_indices = @transform_2, window_bounds = array<i64: 1000, 128>}, {transform_indices = @transform_3, window_bounds = array<i64: 1000, 128>}, {transform_indices = @transform_4, window_bounds = array<i64: 1000, 128>}, {pipeline_mode = #tpu.pipeline_mode<synchronous>, transform_indices = @transform_5, window_bounds = array<i64: 1, 128>}, {transform_indices = @transform_6, window_bounds = array<i64: 1000, 128>}]} {
    %get3A = arith.constant 0 : index
    %get3A_0 = arith.constant 0 : index
    %get3A_1 = vector.load %arg1[%get3A, %get3A_0] : memref<1000x1xf32, #tpu.memory_space<vmem>>, vector<1000x1xf32>
    %get3A_2 = arith.constant 0 : index
    %get3A_3 = arith.constant 0 : index
    %get3A_4 = vector.load %arg2[%get3A_2, %get3A_3] : memref<1000x1xf32, #tpu.memory_space<vmem>>, vector<1000x1xf32>
    %add3A = arith.addf %get3A_1, %get3A_4 : vector<1000x1xf32>
    %add3A_5 = arith.constant 1.000000e+00 : f32
    %add3A_6 = vector.broadcast %add3A_5 : f32 to vector<1000x1xf32>
    %add3A_7 = arith.addf %add3A, %add3A_6 : vector<1000x1xf32>
    %rsqrt3A = math.rsqrt %add3A_7 : vector<1000x1xf32>
    %get3A_8 = arith.constant 0 : index
    %get3A_9 = arith.constant 0 : index
    %get3A_10 = vector.load %arg3[%get3A_8, %get3A_9] : memref<1000x128xf32, #tpu.memory_space<vmem>>, vector<1000x128xf32>
    %get3A_11 = arith.constant 0 : index
    %get3A_12 = arith.constant 0 : index
    %get3A_13 = vector.load %arg4[%get3A_11, %get3A_12] : memref<1000x128xf32, #tpu.memory_space<vmem>>, vector<1000x128xf32>
    %add3A_14 = arith.addf %get3A_10, %get3A_13 : vector<1000x128xf32>
    %get3A_15 = arith.constant 0 : index
    %get3A_16 = arith.constant 0 : index
    %get3A_17 = vector.load %arg5[%get3A_15, %get3A_16] : memref<1000x128xf32, #tpu.memory_space<vmem>>, vector<1000x128xf32>
    %add3A_18 = arith.addf %add3A_14, %get3A_17 : vector<1000x128xf32>
    %mul3A = vector.broadcast %rsqrt3A : vector<1000x1xf32> to vector<1000x128xf32>
    %mul3A_19 = arith.mulf %mul3A, %add3A_18 : vector<1000x128xf32>
    %get3A_20 = arith.constant 0 : index
    %get3A_21 = arith.constant 0 : index
    %get3A_22 = vector.load %arg6[%get3A_20, %get3A_21] : memref<1x128xf32, #tpu.memory_space<vmem>>, vector<1x128xf32>
    %add3A_23 = vector.broadcast %get3A_22 : vector<1x128xf32> to vector<1000x128xf32>
    %add3A_24 = arith.addf %mul3A_19, %add3A_23 : vector<1000x128xf32>
    %max3A = arith.constant 0.000000e+00 : f32
    %max3A_25 = vector.broadcast %max3A : f32 to vector<1000x128xf32>
    %max3A_26 = arith.maximumf %add3A_24, %max3A_25 : vector<1000x128xf32>
    %swap3A = arith.constant 0 : index
    %swap3A_27 = arith.constant 0 : index
    %swap3A_28 = vector.load %arg7[%swap3A, %swap3A_27] : memref<1000x128xf32, #tpu.memory_space<vmem>>, vector<1000x128xf32>
    tpu.vector_store %arg7[%swap3A, %swap3A_27], %max3A_26 {strides = array<i32>} : memref<1000x128xf32, #tpu.memory_space<vmem>>, vector<1000x128xf32>,
    return
  }
  func.func @transform_0(%arg0: i32) -> (i32, i32) {
    %c0_i32 = arith.constant 0 : i32
    %c0_i32_0 = arith.constant 0 : i32
    return %arg0, %c0_i32 : i32, i32
  }
  func.func @transform_1(%arg0: i32) -> (i32, i32) {
    %c0_i32 = arith.constant 0 : i32
    %c0_i32_0 = arith.constant 0 : i32
    return %arg0, %c0_i32 : i32, i32
  }
  func.func @transform_2(%arg0: i32) -> (i32, i32) {
    %c0_i32 = arith.constant 0 : i32
    %c0_i32_0 = arith.constant 0 : i32
    return %arg0, %c0_i32 : i32, i32
  }
  func.func @transform_3(%arg0: i32) -> (i32, i32) {
    %c0_i32 = arith.constant 0 : i32
    %c0_i32_0 = arith.constant 0 : i32
    return %arg0, %c0_i32 : i32, i32
  }
  func.func @transform_4(%arg0: i32) -> (i32, i32) {
    %c0_i32 = arith.constant 0 : i32
    %c0_i32_0 = arith.constant 0 : i32
    return %arg0, %c0_i32 : i32, i32
  }
  func.func @transform_5(%arg0: i32) -> (i32, i32) {
    %c0_i32 = arith.constant 0 : i32
    %c0_i32_0 = arith.constant 0 : i32
    %c0_i32_1 = arith.constant 0 : i32
    return %c0_i32, %c0_i32_0 : i32, i32
  }
  func.func @transform_6(%arg0: i32) -> (i32, i32) {
    %c0_i32 = arith.constant 0 : i32
    %c0_i32_0 = arith.constant 0 : i32
    return %arg0, %c0_i32 : i32, i32
  }
}

</mosaic_0001>

<sc_bundles>
// kernel: kernel.12.cloned.1.call-start
scs
__scs_entry_jumppad:
0x0: {  	(pc) =	sbr.rel $0x88, $3  }
0x1: {  	(tag) =	ssettag $0x0;
	lr =	simm.s32 $0x1  }
0x2: {  	[smem:$0x3F9B] =	sst lr;
	_ =	strace $0xD0000000  }
0x3: {  	_ = 	snop  }
0x4: {  	_ = 	snop  }
0x5: {  	_ = 	snop  }
0x6: {  	_ = 	snop  }
0x7: {  	_ = 	snop  }
__scs_overlays_trampoline_lowered:
0x8: {  	[smem:$0x3FAA] =	sst s0  }
0x9: {  	[smem:$0x3FAB] =	sst s1  }
0xa: {  	[smem:$0x3FAC] =	sst s2  }
0xb: {  	[smem:$0x3FAD] =	sst s3  }
0xc: {  	[smem:$0x3FAE] =	sst s4  }
0xd: {  	[smem:$0x3FAF] =	sst s5  }
0xe: {  	[smem:$0x3FB0] =	sst s6  }
0xf: {  	[smem:$0x3FB1] =	sst s7  }
0x10: {  	[smem:$0x3FB2] =	sst s8  }
0x11: {  	[smem:$0x3FB3] =	sst s9;
	s0 =	simm.s32 @!p0 $0x0  }
0x12: {  	s1 =	sld [smem:$0x3F99];
	s0 =	simm.s32 @p0 $0x1  }
0x13: {  	[smem:$0x3FB4] =	sst s0;
	s0 =	simm.s32 @!p1 $0x0  }
0x14: {  	s2 =	sld [smem:$0x3F98];
	s0 =	simm.s32 @p1 $0x1  }
0x15: {  	[smem:$0x3FB5] =	sst s0;
	s0 =	simm.s32 @!p2 $0x0  }
0x16: {  	s3 =	sld [smem:$0x3FDB];
	s0 =	simm.s32 @p2 $0x1  }
0x17: {  	s4 =	simm.s32 $0x1BF5;
	[smem:$0x3FB7] =	sst s0  }
0x18: {  	s0 =	sld [smem:$0x3F9A];
	_ =	swait.ge [sflag:s4], $0x0  }
0x19: {  	s7 =	sld [smem:$0x3F9B]  }
0x1a: {  	s8 =	sadd.s32 $0xFFFFE003, lr  }
0x1b: {  	s9 =	sadd.s32 $0xFFFFFEF7, lr;
	s5 =	simm.s32 $0xFFFFFFFF;
	p2 =	slt.u32 s8, $0xFFFFF086  }
0x1c: {  	p1 =	slt.u32 s9, $0xF7A;
	s5 =	simm.s32 @!p2 $0x0  }
0x1d: {  	s5 =	simm.s32 @p1 $0x1;
	p0 =	seq.s32 s7, s2  }
0x1e: {  	s7 =	smul.u32 @!p0 $0xF7A, s2;
	p2 =	seq.s32 @!p0 s5, $0x0  }
0x1f: {  	s9 =	smul.u32 $0xF7A, s1;
	s8 =	simm.s32 @!p0 $0x1BF5;
	p2 =	por !p2, p0  }
0x20: {  	[sflag:s8] =	ssyncset.s32 @!p0 $0xFFFFF086;
	s6 =	sadd.s32 @!p0 s3, s7;
	s7 =	simm.s32 @!p0 $0x108  }
0x21: {  	s3 =	sadd.s32 s3, s9;
	s6 =	sadd.s32 @!p0 $0x88, s6;
	s7 =	simm.s32 @p2 $0x1082  }
0x22: {  	[simem:s7], [sflag:s8] =	dma.local @!p0 [hbm:s6], $0xF7A  }
0x23: {  	s9 =	sor.u32 $0xD0000000, s2;
	s6 =	simm.s32 $0x108;
	_ =	swait.ge @!p0 [sflag:s8], $0x0  }
0x24: {  	s3 =	sadd.s32 $0x88, s3;
	s6 =	simm.s32 @!p1 $0x1082;
	[sflag:s4] =	ssyncset.s32 $0xFFFFF086  }
0x25: {  	[simem:s6], [sflag:s4] =	dma.local [hbm:s3], $0xF7A  }
0x26: {  	[smem:$0x3F9B] =	sst s1;
	(tag) =	ssettag s2;
	_ =	strace s9  }
0x27: {  	s1 =	sld [smem:$0x3FAB]  }
0x28: {  	s2 =	sld [smem:$0x3FAC]  }
0x29: {  	s4 =	sld [smem:$0x3FAE]  }
0x2a: {  	p0 =	seq.s32 s5, $0x0;
	s5 =	sld [smem:$0x3FAF]  }
0x2b: {  	s6 =	sld [smem:$0x3FB0]  }
0x2c: {  	s7 =	sld [smem:$0x3FB1]  }
0x2d: {  	s3 =	simm.s32 $0x108;
	s8 =	sld [smem:$0x3FB2]  }
0x2e: {  	s3 =	simm.s32 @!p0 $0x1082;
	s9 =	sld [smem:$0x3FB3]  }
0x2f: {  	lr =	sadd.s32 s0, s3;
	s0 =	sld [smem:$0x3FAA]  }
0x30: {  	s3 =	sld [smem:$0x3FAD]  }
0x31: {  	[smem:$0x3FB6] =	sst s10  }
0x32: {  	s10 =	sld [smem:$0x3FB4];
	_ =	sdelay $0x3  }
0x33: {  	p0 =	seq.s32 s10, $0x1;
	s10 =	sld [smem:$0x3FB6];
	_ =	sdelay $0x3  }
0x34: {  	[smem:$0x3FB6] =	sst s10  }
0x35: {  	s10 =	sld [smem:$0x3FB5];
	_ =	sdelay $0x3  }
0x36: {  	p1 =	seq.s32 s10, $0x1;
	s10 =	sld [smem:$0x3FB6];
	_ =	sdelay $0x3  }
0x37: {  	[smem:$0x3FB6] =	sst s10  }
0x38: {  	s10 =	sld [smem:$0x3FB7]  }
0x39: {  	_ = 	snop;
	(pc) =	sbr.ind lr, $3  }
0x3a: {  	_ = 	snop  }
0x3b: {  	_ = 	snop  }
0x3c: {  	p2 =	seq.s32 s10, $0x1;
	s10 =	sld [smem:$0x3FB6]  }
0x3d: {  	_ =	shalt  }
0x3e: {  	_ =	shalt  }
0x3f: {  	_ =	shalt  }
0x40: {  	_ =	shalt  }
0x41: {  	_ =	shalt  }
0x42: {  	_ =	shalt  }
0x43: {  	_ =	shalt  }
0x44: {  	_ =	shalt  }
0x45: {  	_ =	shalt  }
0x46: {  	_ =	shalt  }
0x47: {  	_ =	shalt  }
0x48: {  	_ =	shalt  }
0x49: {  	_ =	shalt  }
0x4a: {  	_ =	shalt  }
0x4b: {  	_ =	shalt  }
0x4c: {  	_ =	shalt  }
0x4d: {  	_ =	shalt  }
0x4e: {  	_ =	shalt  }
0x4f: {  	_ =	shalt  }
0x50: {  	_ =	shalt  }
0x51: {  	_ =	shalt  }
0x52: {  	_ =	shalt  }
0x53: {  	_ =	shalt  }
0x54: {  	_ =	shalt  }
0x55: {  	_ =	shalt  }
0x56: {  	_ =	shalt  }
0x57: {  	_ =	shalt  }
0x58: {  	_ =	shalt  }
0x59: {  	_ =	shalt  }
0x5a: {  	_ =	shalt  }
0x5b: {  	_ =	shalt  }
0x5c: {  	_ =	shalt  }
0x5d: {  	_ =	shalt  }
0x5e: {  	_ =	shalt  }
0x5f: {  	_ =	shalt  }
0x60: {  	_ =	shalt  }
0x61: {  	_ =	shalt  }
0x62: {  	_ =	shalt  }
0x63: {  	_ =	shalt  }
0x64: {  	_ =	shalt  }
0x65: {  	_ =	shalt  }
0x66: {  	_ =	shalt  }
0x67: {  	_ =	shalt  }
0x68: {  	_ =	shalt  }
0x69: {  	_ =	shalt  }
0x6a: {  	_ =	shalt  }
0x6b: {  	_ =	shalt  }
0x6c: {  	_ =	shalt  }
0x6d: {  	_ =	shalt  }
0x6e: {  	_ =	shalt  }
0x6f: {  	_ =	shalt  }
0x70: {  	_ =	shalt  }
0x71: {  	_ =	shalt  }
0x72: {  	_ =	shalt  }
0x73: {  	_ =	shalt  }
0x74: {  	_ =	shalt  }
0x75: {  	_ =	shalt  }
0x76: {  	_ =	shalt  }
0x77: {  	_ =	shalt  }
0x78: {  	_ =	shalt  }
0x79: {  	_ =	shalt  }
0x7a: {  	_ =	shalt  }
0x7b: {  	_ =	shalt  }
0x7c: {  	_ =	shalt  }
0x7d: {  	_ =	shalt  }
0x7e: {  	_ =	shalt  }
0x7f: {  	_ =	shalt  }
0x80: {  	_ =	shalt  }
0x81: {  	_ =	shalt  }
0x82: {  	_ =	shalt  }
0x83: {  	_ =	shalt  }
0x84: {  	_ =	shalt  }
0x85: {  	_ =	shalt  }
0x86: {  	_ =	shalt  }
0x87: {  	_ =	shalt  }
.Lfunc_end0:
.L_simem_size_0:
called_computation.1_lowered:
.L_overlay_start_0:
0x88: {  	s2 =	sld [smem:$0x3FD9]  }
0x89: {  	s3 =	sld [smem:$0x3FFE];
	_ =	sdelay $0x1  }
0x8a: {  	s1 =	srdreg.scid  }
0x8b: {  	s0 =	sand.u32 $0x1, s1  }
0x8c: {  	s17 =	sshll.u32 s0, $0xA;
	s2 =	sadd.s32 s3, s2  }
0x8d: {  	s2 =	sadd.s32 s2, s17  }
0x8e: {  	[smem:$0x3FC2] =	sst s2  }
0x8f: {  	_ = 	snop  }
0x90: {  	s2 =	sld [smem:$0x3FD0];
	(tm) =	ssettm $0x1  }
0x91: {  	s18 =	sld [smem:$0x3FFB];
	_ =	sdelay $0x3  }
0x92: {  	_ =	strace s18  }
0x93: {  	s3 =	sld [smem:$0x3FFC];
	_ =	sdelay $0x3  }
0x94: {  	_ =	strace s3  }
0x95: {  	s3 =	sld [smem:$0x3FFD];
	_ =	sdelay $0x3  }
0x96: {  	_ =	strace s3  }
0x97: {  	_ =	strace $0x8FFFFFFF  }
0x98: {  	s19 =	sld [smem:$0x3FDB];
	_ =	sdelay $0x1  }
0x99: {  	s4 =	simm.s32 $_scs_section_size  }
0x9a: {  	s5 =	simm.s32 $_size__tile_overlayer_lowered;
	s6 =	simm.s32 $_tile_overlayer_lowered  }
0x9b: {  	s22 =	simm.s32 $0x1BFF;
	s21 =	sshll.u32 s6, $0x1;
	s3 =	sadd.s32 s4, s19  }
0x9c: {  	s7 =	simm.s32 $0x0;
	s20 =	sshll.u32 s5, $0x1;
	s5 =	sadd.s32 s21, s3  }
0x9d: {  	[timem:s7], [sflag:s22] =	dma.local [hbm:s5], s20  }
0x9e: {  	_ =	swait.ge [sflag:s22], s20  }
0x9f: {  	s4 =	ssub.s32 $0x0, s20;
	[sflag:s22] =	ssyncset.done $0x0  }
0xa0: {  	[sflag:s22] =	ssyncadd.s32 s4;
	_ =	sdelay $0x1  }
0xa1: {  	s23 =	simm.s32 $0x1B8B  }
0xa2: {  	_ =	swait.ge [sflag:s23], $0x1  }
0xa3: {  	[sflag:s23] =	ssyncset.done $0x0  }
0xa4: {  	s25 =	simm.s32 $0x1B8E;
	s24 =	sld [smem:$0x3FFE];
	[sflag:s23] =	ssyncadd.s32 $0xFFFFFFFF  }
0xa5: {  	s26 =	simm.s32 $execute0_lowered;
	[smem:$0x3FD2] =	sst s25  }
0xa6: {  	s5 =	sshll.u32 s26, $0x1;
	_ =	strace $0x80000046;
	[dreg:$0x1] =	wrdreg $0xFFFFFFFF  }
0xa7: {  	s28 =	simm.s32 $_size_execute0_lowered;
	s3 =	sadd.s32 s3, s5;
	[dreg:$0x0] =	wrdreg $0x0  }
0xa8: {  	s5 =	sshll.u32 s28, $0x1;
	[dreg:$0x2] =	wrdreg s3  }
0xa9: {  	[dreg:$0x3] =	wrdreg s5  }
0xaa: {  	[dreg:$0x4] =	wrdreg $0xC0  }
0xab: {  	_ =	task [dreg:s7], $0x5FFFF  }
0xac: {  	[dreg:$0x1] =	wrdreg $0xFFFFFFFF  }
0xad: {  	[dreg:$0x0] =	wrdreg $0x60  }
0xae: {  	[dreg:$0x2] =	wrdreg s2  }
0xaf: {  	[dreg:$0x3] =	wrdreg s24  }
0xb0: {  	[dreg:$0x4] =	wrdreg $0x68800  }
0xb1: {  	[dreg:$0x5] =	wrdreg $0xA  }
0xb2: {  	_ =	task.clear_ibuf [dreg:s7], $0x6FFFF;
	_ =	strace $0x90000046  }
0xb3: {  	s29 =	simm.s32 $0xA;
	_ =	strace $0x80000048  }
0xb4: {  	_ =	swait.ge [sflag:s29], $0x1  }
0xb5: {  	[sflag:s29] =	ssyncadd.s32 $0xFFFFFFFF  }
0xb6: {  	_ =	strace $0x90000048  }
0xb7: {  	_ =	sfence  }
0xb8: {  	s30 =	sld [smem:$0x0];
	_ =	sdelay $0x2  }
0xb9: {  	s31 =	sshll.u32 s1, $0xD;
	s1 =	sshrl.u32 s1, $0x2  }
0xba: {  	s3 =	sand.u32 $0x4000, s31;
	s1 =	sadd.s32 s1, s30  }
0xbb: {  	s0 =	sor.u32 s3, s0;
	s1 =	sshll.u32 s1, $0x11  }
0xbc: {  	s0 =	sor.u32 s1, s0  }
0xbd: {  	s0 =	sadd.s32 $0x8F2B, s0  }
0xbe: {  	[sflag:s0] =	ssyncadd.remote.s32 $0x1  }
0xbf: {  	_ =	sfence.sel $0xFFFF  }
0xc0: {  	[dreg:$0x0] =	wrdreg $0xFFFFFFFF;
	(pc) =	sbr.abs _section_cstart, $3  }
0xc1: {  	[dreg:$0x1] =	wrdreg $0xFFFFFFFF  }
0xc2: {  	_ =	task.clear_ibuf [dreg:s7], $0x2FFFF;
	_ =	strace $0x9FFFFFFF  }
0xc3: {  	(tm) =	ssettm $0x7FFFFFFF  }
tec
execute0_lowered:
.L_overlay_start_1:
0x0: {  	(tag) =	ssettag $0x1  }
0x1: {  	s4 =	rddreg [dreg:$0x0]  }
0x2: {  	s5 =	rddreg [dreg:$0x1]  }
0x3: {  	s1 =	rddreg [dreg:$0x2];
	s2 =	srdreg.scid  }
0x4: {  	s0 =	rddreg [dreg:$0x3];
	s12 =	stileid.u32;
	s11 =	simm.s32 $0x6800  }
0x5: {  	s14 =	simm.s32 $0x0;
	s6 =	sand.u32 $0x1, s2;
	s2 =	simm.s32 $0x0  }
0x6: {  	s7 =	sshll.u32 s12, $0xA;
	s10 =	sshll.u32 s12, $0xB;
	p0 =	sne.s32 s12, $0x0  }
0x7: {  	p1 =	sgt.u32 s12, $0x9;
	s3 =	smul.u32 $0x2800, s6;
	[smem:$0x7FF] =	sst s2  }
0x8: {  	s9 =	ssub.s32 $0x2, s6;
	s6 =	sshll.u32 s6, $0xF;
	s4 =	sadd.s32 s4, s10  }
0x9: {  	s13 =	sadd.s32 s7, s1;
	s10 =	simm.s32 $0x50;
	s12 =	sshll.u32 @!p1 s12, $0x6  }
0xa: {  	_ =	strace $0x80000047;
	s31 =	sshrl.u32 s9, $0x1;
	s4 =	sadd.s32 s6, s4  }
0xb: {  	s12 =	sor.u32 @!p1 $0x1C01, s12;
	s13 =	sshrl.u32 @!p1 s13, $0x3;
	s8 =	sadd.s32 s7, s3  }
0xc: {  	v0 =	vlaneseq.u32;
	s3 =	sadd.s32 $0x2A00, s5;
	s7 =	simm.s32 $0x1;
	s8 =	sshrl.u32 s8, $0x3  }
0xd: {  	v5 =	vimm.f32 $1.000000000e+00;
	v1 =	vor.u32 $0x10, v0;
	s5 =	sadd.s32 s8, s5;
	s8 =	ssub.s32 s9, s31;
	s9 =	sshrl.u32 @!p0 s1, $0x3  }
0xe: {  	v2 =	vor.u32 $0x20, v0;
	v3 =	vor.u32 $0x30, v0;
	v4 =	vor.u32 $0x40, v0;
	s5 =	sadd.s32 $0x3000, s5;
	s6 =	smax.u32 s8, $0x1;
	s8 =	simm.s32 $0x4000  }
.LBB2_1:
0xf: {  	[tilespmem:s2], [sflag:$0x1] =	stream.linear.gather [hbm4b:s4+s2], $0x3E80, $0x38;
	[tilespmem:$0x6B00] =	vst v63  }
0x10: {  	_ =	swait.ge [sflag:s7], $0x3E80  }
0x11: {  	[sflag:s7] =	ssyncset.done $0x0  }
0x12: {  	[sflag:s7] =	ssyncadd.s32 $0xFFFFC180  }
0x13: {  	[tilespmem:s8], [sflag:$0x1] =	stream.linear.gather [hbm4b:s3+s2], $0x2800, $0x38;
	[tilespmem:$0x6B00] =	vst v63  }
0x14: {  	_ =	swait.ge [sflag:s7], $0x2800  }
0x15: {  	[sflag:s7] =	ssyncset.done $0x0  }
0x16: {  	s15 =	simm.s32 @!p0 $0x1C01;
	[sflag:s7] =	ssyncadd.s32 $0xFFFFD800  }
0x17: {  	[spmem:s9], [sflag:s15] =	dma.local @!p0 [hbm:s3], $0x500  }
0x18: {  	s15 =	simm.s32 @!p0 $0x1  }
0x19: {  	_ =	swait.ge @!p0 [sflag:s15], $0x500  }
0x1a: {  	[sflag:s15] =	ssyncset.done @!p0 $0x0  }
0x1b: {  	[sflag:s15] =	ssyncadd.s32 @!p0 $0xFFFFFB00  }
0x1c: {  	[tilespmem:$0x6800] =	vst v0  }
0x1d: {  	[tilespmem:$0x6810] =	vst v1  }
0x1e: {  	[tilespmem:$0x6820] =	vst v2  }
0x1f: {  	[tilespmem:$0x6830] =	vst v3  }
0x20: {  	s15 =	simm.s32 $0x0;
	[tilespmem:$0x6840] =	vst v4  }
.LBB2_2:
0x21: {  	s16 =	sshra.s32 s15, $0x2  }
0x22: {  	v6 =	vld [tilespmem:s16+$0x0];
	_ =	sdelay $0x7  }
0x23: {  	[tilespmem:v6+s8+$0x0] =	vst.idx.add.f32.msk $0xffff, v5  }
0x24: {  	v6 =	vld [tilespmem:s16+$0x10];
	_ =	sdelay $0x7  }
0x25: {  	[tilespmem:v6+s8+$0x0] =	vst.idx.add.f32.msk $0xffff, v5  }
0x26: {  	v6 =	vld [tilespmem:s16+$0x20];
	_ =	sdelay $0x7  }
0x27: {  	[tilespmem:v6+s8+$0x0] =	vst.idx.add.f32.msk $0xffff, v5  }
0x28: {  	v6 =	vld [tilespmem:s16+$0x30];
	_ =	sdelay $0x7  }
0x29: {  	[tilespmem:v6+s8+$0x0] =	vst.idx.add.f32.msk $0xffff, v5  }
0x2a: {  	v6 =	vld [tilespmem:s16+$0x40];
	_ =	sdelay $0x2  }
0x2b: {  	p2 =	sne.s32 s15, $0xF800  }
.Ltmp0:
0x2c: {  	_ = 	snop;
	(pc) =	sbr.rel @p2 .LBB2_2-.Ltmp0, $2  }
0x2d: {  	_ =	sdelay $0x2  }
0x2e: {  	s15 =	sadd.s32 $0x200, s15;
	[tilespmem:v6+s8+$0x0] =	vst.idx.add.f32.msk $0xffff, v5  }
0x2f: {  	[bflag:$0x0] =	sbarrier.arrive $0xFFFF  }
0x30: {  	[spmem:s1] =	stream.indirect.scatter.add.f32 [tilespmem:s8], [sflag:$0x1], $0x80, s11, s10, $0xb8;
	[tilespmem:$0x6B00] =	vst v63  }
0x31: {  	_ =	swait.ge [sflag:s7], $0x2800  }
0x32: {  	s14 =	sadd.s32 $0x1, s14;
	[sflag:s7] =	ssyncset.done $0x0  }
0x33: {  	p2 =	sne.s32 s14, s6;
	[sflag:s7] =	ssyncadd.s32 $0xFFFFD800  }
.Ltmp1:
0x34: {  	s15 =	simm.s32 @!p1 $0x1;
	[bflag:$0x0] =	sbarrier.arrive $0xFFFF;
	(pc) =	sbr.rel @p2 .LBB2_1-.Ltmp1, $4  }
0x35: {  	[hbm:s5], [sflag:s12] =	dma.local @!p1 [spmem:s13], $0x80  }
0x36: {  	_ =	swait.ge @!p1 [sflag:s15], $0x80  }
0x37: {  	[sflag:s15] =	ssyncset.done @!p1 $0x0  }
0x38: {  	[sflag:s15] =	ssyncadd.s32 @!p1 $0xFFFFFF80  }
0x39: {  	_ =	sfence.sel $0x180000  }
0x3a: {  	[bflag:$0x0] =	sbarrier.arrive $0xFFFF  }
0x3b: {  	_ =	strace $0x90000047  }
0x3c: {  	s0 =	sadd.s32 @!p0 $0x100000, s0;
	[bflag:$0x2] =	sbarrier.arrive $0xFFFF  }
0x3d: {  	[sflag:s0] =	ssyncadd.tile.s32 @!p0 $0x1;
	_ =	shalt  }
.Lfunc_end2:
_tile_overlayer_lowered:
.L_overlay_start_2:
0x3e: {  	(tag) =	ssettag $0x2  }
0x3f: {  	s0 =	rddreg [dreg:$0x0];
	s2 =	stileid.u32  }
0x40: {  	s1 =	rddreg [dreg:$0x1];
	p0 =	sne.s32 s2, $0x0  }
0x41: {  	s3 =	rddreg [dreg:$0x2];
	[bflag:$0x3] =	sbarrier.arrive $0xFFFF;
	s2 =	simm.s32 @!p0 $0x1C01  }
0x42: {  	[timem:s3], [sflag:s2] =	dma.local @!p0 [hbm:s0], s1  }
0x43: {  	s0 =	simm.s32 @!p0 $0x1  }
0x44: {  	_ =	swait.ge @!p0 [sflag:s0], s1  }
0x45: {  	s1 =	ssub.s32 @!p0 $0x0, s1;
	[sflag:s0] =	ssyncset.done @!p0 $0x0  }
0x46: {  	[sflag:s0] =	ssyncadd.s32 @!p0 s1  }
0x47: {  	[bflag:$0x3] =	sbarrier.arrive $0xFFFF  }
0x48: {  	_ =	shalt  }

// kernel: kernel.15.cloned.1.call-start
scs
__scs_entry_jumppad:
0x0: {  	(pc) =	sbr.rel $0x88, $3  }
0x1: {  	(tag) =	ssettag $0x0;
	lr =	simm.s32 $0x1  }
0x2: {  	[smem:$0x3F9B] =	sst lr;
	_ =	strace $0xD0000000  }
0x3: {  	_ = 	snop  }
0x4: {  	_ = 	snop  }
0x5: {  	_ = 	snop  }
0x6: {  	_ = 	snop  }
0x7: {  	_ = 	snop  }
__scs_overlays_trampoline_lowered:
0x8: {  	[smem:$0x3FAA] =	sst s0  }
0x9: {  	[smem:$0x3FAB] =	sst s1  }
0xa: {  	[smem:$0x3FAC] =	sst s2  }
0xb: {  	[smem:$0x3FAD] =	sst s3  }
0xc: {  	[smem:$0x3FAE] =	sst s4  }
0xd: {  	[smem:$0x3FAF] =	sst s5  }
0xe: {  	[smem:$0x3FB0] =	sst s6  }
0xf: {  	[smem:$0x3FB1] =	sst s7  }
0x10: {  	[smem:$0x3FB2] =	sst s8  }
0x11: {  	[smem:$0x3FB3] =	sst s9;
	s0 =	simm.s32 @!p0 $0x0  }
0x12: {  	s1 =	sld [smem:$0x3F99];
	s0 =	simm.s32 @p0 $0x1  }
0x13: {  	[smem:$0x3FB4] =	sst s0;
	s0 =	simm.s32 @!p1 $0x0  }
0x14: {  	s2 =	sld [smem:$0x3F98];
	s0 =	simm.s32 @p1 $0x1  }
0x15: {  	[smem:$0x3FB5] =	sst s0;
	s0 =	simm.s32 @!p2 $0x0  }
0x16: {  	s3 =	sld [smem:$0x3FDB];
	s0 =	simm.s32 @p2 $0x1  }
0x17: {  	s4 =	simm.s32 $0x1BF5;
	[smem:$0x3FB7] =	sst s0  }
0x18: {  	s0 =	sld [smem:$0x3F9A];
	_ =	swait.ge [sflag:s4], $0x0  }
0x19: {  	s7 =	sld [smem:$0x3F9B]  }
0x1a: {  	s8 =	sadd.s32 $0xFFFFE003, lr  }
0x1b: {  	s9 =	sadd.s32 $0xFFFFFEF7, lr;
	s5 =	simm.s32 $0xFFFFFFFF;
	p2 =	slt.u32 s8, $0xFFFFF086  }
0x1c: {  	p1 =	slt.u32 s9, $0xF7A;
	s5 =	simm.s32 @!p2 $0x0  }
0x1d: {  	s5 =	simm.s32 @p1 $0x1;
	p0 =	seq.s32 s7, s2  }
0x1e: {  	s7 =	smul.u32 @!p0 $0xF7A, s2;
	p2 =	seq.s32 @!p0 s5, $0x0  }
0x1f: {  	s9 =	smul.u32 $0xF7A, s1;
	s8 =	simm.s32 @!p0 $0x1BF5;
	p2 =	por !p2, p0  }
0x20: {  	[sflag:s8] =	ssyncset.s32 @!p0 $0xFFFFF086;
	s6 =	sadd.s32 @!p0 s3, s7;
	s7 =	simm.s32 @!p0 $0x108  }
0x21: {  	s3 =	sadd.s32 s3, s9;
	s6 =	sadd.s32 @!p0 $0x88, s6;
	s7 =	simm.s32 @p2 $0x1082  }
0x22: {  	[simem:s7], [sflag:s8] =	dma.local @!p0 [hbm:s6], $0xF7A  }
0x23: {  	s9 =	sor.u32 $0xD0000000, s2;
	s6 =	simm.s32 $0x108;
	_ =	swait.ge @!p0 [sflag:s8], $0x0  }
0x24: {  	s3 =	sadd.s32 $0x88, s3;
	s6 =	simm.s32 @!p1 $0x1082;
	[sflag:s4] =	ssyncset.s32 $0xFFFFF086  }
0x25: {  	[simem:s6], [sflag:s4] =	dma.local [hbm:s3], $0xF7A  }
0x26: {  	[smem:$0x3F9B] =	sst s1;
	(tag) =	ssettag s2;
	_ =	strace s9  }
0x27: {  	s1 =	sld [smem:$0x3FAB]  }
0x28: {  	s2 =	sld [smem:$0x3FAC]  }
0x29: {  	s4 =	sld [smem:$0x3FAE]  }
0x2a: {  	p0 =	seq.s32 s5, $0x0;
	s5 =	sld [smem:$0x3FAF]  }
0x2b: {  	s6 =	sld [smem:$0x3FB0]  }
0x2c: {  	s7 =	sld [smem:$0x3FB1]  }
0x2d: {  	s3 =	simm.s32 $0x108;
	s8 =	sld [smem:$0x3FB2]  }
0x2e: {  	s3 =	simm.s32 @!p0 $0x1082;
	s9 =	sld [smem:$0x3FB3]  }
0x2f: {  	lr =	sadd.s32 s0, s3;
	s0 =	sld [smem:$0x3FAA]  }
0x30: {  	s3 =	sld [smem:$0x3FAD]  }
0x31: {  	[smem:$0x3FB6] =	sst s10  }
0x32: {  	s10 =	sld [smem:$0x3FB4];
	_ =	sdelay $0x3  }
0x33: {  	p0 =	seq.s32 s10, $0x1;
	s10 =	sld [smem:$0x3FB6];
	_ =	sdelay $0x3  }
0x34: {  	[smem:$0x3FB6] =	sst s10  }
0x35: {  	s10 =	sld [smem:$0x3FB5];
	_ =	sdelay $0x3  }
0x36: {  	p1 =	seq.s32 s10, $0x1;
	s10 =	sld [smem:$0x3FB6];
	_ =	sdelay $0x3  }
0x37: {  	[smem:$0x3FB6] =	sst s10  }
0x38: {  	s10 =	sld [smem:$0x3FB7]  }
0x39: {  	_ = 	snop;
	(pc) =	sbr.ind lr, $3  }
0x3a: {  	_ = 	snop  }
0x3b: {  	_ = 	snop  }
0x3c: {  	p2 =	seq.s32 s10, $0x1;
	s10 =	sld [smem:$0x3FB6]  }
0x3d: {  	_ =	shalt  }
0x3e: {  	_ =	shalt  }
0x3f: {  	_ =	shalt  }
0x40: {  	_ =	shalt  }
0x41: {  	_ =	shalt  }
0x42: {  	_ =	shalt  }
0x43: {  	_ =	shalt  }
0x44: {  	_ =	shalt  }
0x45: {  	_ =	shalt  }
0x46: {  	_ =	shalt  }
0x47: {  	_ =	shalt  }
0x48: {  	_ =	shalt  }
0x49: {  	_ =	shalt  }
0x4a: {  	_ =	shalt  }
0x4b: {  	_ =	shalt  }
0x4c: {  	_ =	shalt  }
0x4d: {  	_ =	shalt  }
0x4e: {  	_ =	shalt  }
0x4f: {  	_ =	shalt  }
0x50: {  	_ =	shalt  }
0x51: {  	_ =	shalt  }
0x52: {  	_ =	shalt  }
0x53: {  	_ =	shalt  }
0x54: {  	_ =	shalt  }
0x55: {  	_ =	shalt  }
0x56: {  	_ =	shalt  }
0x57: {  	_ =	shalt  }
0x58: {  	_ =	shalt  }
0x59: {  	_ =	shalt  }
0x5a: {  	_ =	shalt  }
0x5b: {  	_ =	shalt  }
0x5c: {  	_ =	shalt  }
0x5d: {  	_ =	shalt  }
0x5e: {  	_ =	shalt  }
0x5f: {  	_ =	shalt  }
0x60: {  	_ =	shalt  }
0x61: {  	_ =	shalt  }
0x62: {  	_ =	shalt  }
0x63: {  	_ =	shalt  }
0x64: {  	_ =	shalt  }
0x65: {  	_ =	shalt  }
0x66: {  	_ =	shalt  }
0x67: {  	_ =	shalt  }
0x68: {  	_ =	shalt  }
0x69: {  	_ =	shalt  }
0x6a: {  	_ =	shalt  }
0x6b: {  	_ =	shalt  }
0x6c: {  	_ =	shalt  }
0x6d: {  	_ =	shalt  }
0x6e: {  	_ =	shalt  }
0x6f: {  	_ =	shalt  }
0x70: {  	_ =	shalt  }
0x71: {  	_ =	shalt  }
0x72: {  	_ =	shalt  }
0x73: {  	_ =	shalt  }
0x74: {  	_ =	shalt  }
0x75: {  	_ =	shalt  }
0x76: {  	_ =	shalt  }
0x77: {  	_ =	shalt  }
0x78: {  	_ =	shalt  }
0x79: {  	_ =	shalt  }
0x7a: {  	_ =	shalt  }
0x7b: {  	_ =	shalt  }
0x7c: {  	_ =	shalt  }
0x7d: {  	_ =	shalt  }
0x7e: {  	_ =	shalt  }
0x7f: {  	_ =	shalt  }
0x80: {  	_ =	shalt  }
0x81: {  	_ =	shalt  }
0x82: {  	_ =	shalt  }
0x83: {  	_ =	shalt  }
0x84: {  	_ =	shalt  }
0x85: {  	_ =	shalt  }
0x86: {  	_ =	shalt  }
0x87: {  	_ =	shalt  }
.Lfunc_end0:
.L_simem_size_0:
called_computation.2_lowered:
.L_overlay_start_0:
0x88: {  	s2 =	sld [smem:$0x3FD9]  }
0x89: {  	s3 =	sld [smem:$0x3FFE];
	_ =	sdelay $0x1  }
0x8a: {  	s1 =	srdreg.scid  }
0x8b: {  	s0 =	sand.u32 $0x1, s1  }
0x8c: {  	s17 =	sshll.u32 s0, $0xA;
	s2 =	sadd.s32 s3, s2  }
0x8d: {  	s2 =	sadd.s32 s2, s17  }
0x8e: {  	[smem:$0x3FC2] =	sst s2  }
0x8f: {  	_ = 	snop  }
0x90: {  	s2 =	sld [smem:$0x3FD0];
	(tm) =	ssettm $0x1  }
0x91: {  	s18 =	sld [smem:$0x3FFB];
	_ =	sdelay $0x3  }
0x92: {  	_ =	strace s18  }
0x93: {  	s3 =	sld [smem:$0x3FFC];
	_ =	sdelay $0x3  }
0x94: {  	_ =	strace s3  }
0x95: {  	s3 =	sld [smem:$0x3FFD];
	_ =	sdelay $0x3  }
0x96: {  	_ =	strace s3  }
0x97: {  	_ =	strace $0x8FFFFFFF  }
0x98: {  	s19 =	sld [smem:$0x3FDB];
	_ =	sdelay $0x1  }
0x99: {  	s4 =	simm.s32 $_scs_section_size  }
0x9a: {  	s5 =	simm.s32 $_size__tile_overlayer_lowered;
	s6 =	simm.s32 $_tile_overlayer_lowered  }
0x9b: {  	s22 =	simm.s32 $0x1BFF;
	s21 =	sshll.u32 s6, $0x1;
	s3 =	sadd.s32 s4, s19  }
0x9c: {  	s7 =	simm.s32 $0x0;
	s20 =	sshll.u32 s5, $0x1;
	s5 =	sadd.s32 s21, s3  }
0x9d: {  	[timem:s7], [sflag:s22] =	dma.local [hbm:s5], s20  }
0x9e: {  	_ =	swait.ge [sflag:s22], s20  }
0x9f: {  	s4 =	ssub.s32 $0x0, s20;
	[sflag:s22] =	ssyncset.done $0x0  }
0xa0: {  	[sflag:s22] =	ssyncadd.s32 s4;
	_ =	sdelay $0x1  }
0xa1: {  	s23 =	simm.s32 $0x1B8B  }
0xa2: {  	_ =	swait.ge [sflag:s23], $0x1  }
0xa3: {  	[sflag:s23] =	ssyncset.done $0x0  }
0xa4: {  	s25 =	simm.s32 $0x1B8E;
	s24 =	sld [smem:$0x3FFE];
	[sflag:s23] =	ssyncadd.s32 $0xFFFFFFFF  }
0xa5: {  	s26 =	simm.s32 $execute0_lowered;
	[smem:$0x3FD2] =	sst s25  }
0xa6: {  	s5 =	sshll.u32 s26, $0x1;
	_ =	strace $0x8000004C;
	[dreg:$0x1] =	wrdreg $0xFFFFFFFF  }
0xa7: {  	s28 =	simm.s32 $_size_execute0_lowered;
	s3 =	sadd.s32 s3, s5;
	[dreg:$0x0] =	wrdreg $0x0  }
0xa8: {  	s5 =	sshll.u32 s28, $0x1;
	[dreg:$0x2] =	wrdreg s3  }
0xa9: {  	[dreg:$0x3] =	wrdreg s5  }
0xaa: {  	[dreg:$0x4] =	wrdreg $0xC0  }
0xab: {  	_ =	task [dreg:s7], $0x5FFFF  }
0xac: {  	[dreg:$0x1] =	wrdreg $0xFFFFFFFF  }
0xad: {  	[dreg:$0x0] =	wrdreg $0x60  }
0xae: {  	[dreg:$0x2] =	wrdreg s2  }
0xaf: {  	[dreg:$0x3] =	wrdreg s24  }
0xb0: {  	[dreg:$0x4] =	wrdreg $0xD0800  }
0xb1: {  	[dreg:$0x5] =	wrdreg $0x9  }
0xb2: {  	_ =	task.clear_ibuf [dreg:s7], $0x6FFFF;
	_ =	strace $0x9000004C  }
0xb3: {  	s29 =	simm.s32 $0x9;
	_ =	strace $0x8000004E  }
0xb4: {  	_ =	swait.ge [sflag:s29], $0x1  }
0xb5: {  	[sflag:s29] =	ssyncadd.s32 $0xFFFFFFFF  }
0xb6: {  	_ =	strace $0x9000004E  }
0xb7: {  	_ =	sfence  }
0xb8: {  	s30 =	sld [smem:$0x0];
	_ =	sdelay $0x2  }
0xb9: {  	s31 =	sshll.u32 s1, $0xD;
	s1 =	sshrl.u32 s1, $0x2  }
0xba: {  	s3 =	sand.u32 $0x4000, s31;
	s1 =	sadd.s32 s1, s30  }
0xbb: {  	s0 =	sor.u32 s3, s0;
	s1 =	sshll.u32 s1, $0x11  }
0xbc: {  	s0 =	sor.u32 s1, s0  }
0xbd: {  	s0 =	sadd.s32 $0x8F2B, s0  }
0xbe: {  	[sflag:s0] =	ssyncadd.remote.s32 $0x1  }
0xbf: {  	_ =	sfence.sel $0xFFFF  }
0xc0: {  	[dreg:$0x0] =	wrdreg $0xFFFFFFFF;
	(pc) =	sbr.abs _section_cstart, $3  }
0xc1: {  	[dreg:$0x1] =	wrdreg $0xFFFFFFFF  }
0xc2: {  	_ =	task.clear_ibuf [dreg:s7], $0x2FFFF;
	_ =	strace $0x9FFFFFFF  }
0xc3: {  	(tm) =	ssettm $0x7FFFFFFF  }
tec
execute0_lowered:
.L_overlay_start_1:
0x0: {  	(tag) =	ssettag $0x1  }
0x1: {  	s1 =	rddreg [dreg:$0x0]  }
0x2: {  	s6 =	rddreg [dreg:$0x1];
	s0 =	srdreg.scid  }
0x3: {  	s3 =	rddreg [dreg:$0x2];
	s2 =	stileid.u32  }
0x4: {  	s4 =	simm.s32 $0x0;
	s15 =	simm.s32 $0x8000;
	s16 =	simm.s32 $0x3  }
0x5: {  	s19 =	simm.s32 $0x1;
	s20 =	simm.s32 $0x50;
	s21 =	simm.s32 $0x8080  }
0x6: {  	s22 =	simm.s32 $0xA880;
	s23 =	simm.s32 $0x2;
	s10 =	smul.u32 $0xA000, s2  }
0x7: {  	s24 =	simm.s32 $0x0;
	s7 =	sand.u32 $0x1, s0;
	s28 =	smul.u32 $0x2A000, s2  }
0x8: {  	[smem:$0x7FF] =	sst s4;
	s11 =	smul.u32 $0x28000, s2;
	s17 =	sshll.u32 s2, $0x6  }
0x9: {  	s5 =	sshll.u32 s7, $0x4;
	s8 =	smul.u32 $0x140000, s7;
	_ =	strace $0x8000004D  }
0xa: {  	s7 =	ssub.s32 $0x2, s7;
	s17 =	sor.u32 $0x1C03, s17;
	s5 =	sor.u32 s2, s5  }
0xb: {  	s29 =	sshrl.u32 s7, $0x1;
	s30 =	sshrl.u32 s28, $0x2;
	s31 =	sshrl.u32 s11, $0x2  }
0xc: {  	s9 =	sshll.u32 s5, $0xB;
	s5 =	sshll.u32 s5, $0x4;
	s8 =	sadd.s32 s10, s8  }
0xd: {  	s14 =	ssub.s32 s7, s29;
	s18 =	sadd.s32 s30, s3;
	s10 =	sadd.s32 s31, s3  }
.Ltmp0:
0xe: {  	s12 =	sadd.s32 s9, s6;
	s26 =	sadd.s32 s5, s6;
	(pc) =	sbr.rel .LBB2_1-.Ltmp0, $4  }
0xf: {  	s5 =	sadd.s32 $0x32A00, s6;
	s8 =	sshrl.u32 s8, $0x3;
	s14 =	smax.u32 s14, $0x1  }
0x10: {  	s18 =	sshrl.u32 s18, $0x3;
	s13 =	sadd.s32 s8, s6;
	s6 =	sadd.s32 $0x3BE00, s26  }
0x11: {  	s7 =	sadd.s32 $0x2A00, s12;
	s8 =	sadd.s32 $0x3C000, s12;
	s11 =	sadd.s32 $0x12A00, s12  }
0x12: {  	s12 =	sadd.s32 $0x22A00, s12;
	s9 =	sadd.s32 $0x4C000, s13;
	s13 =	sadd.s32 $0x60000, s13  }
.LBB2_8:
0x13: {  	[sflag:s16] =	ssyncadd.s32 $0xFFFFD800  }
.LBB2_9:
0x14: {  	s0 =	sand.u32 $0x1, s29  }
0x15: {  	p0 =	seq.s32 s0, $0x0  }
0x16: {  	s0 =	sshll.u32 @!p0 s29, $0x7  }
0x17: {  	s28 =	simm.s32 @!p0 $0x50;
	s29 =	simm.s32 @!p0 $0x8080;
	s26 =	sadd.s32 @!p0 $0xFFFFFF80, s0  }
0x18: {  	[tilespmem:s29], [sflag:$0x1] =	stream.indirect.gather @!p0 [hbm4b:s1+s28], $0x80, s26, s28, $0xb8;
	[tilespmem:$0x17880] =	vst v63  }
0x19: {  	s26 =	simm.s32 @!p0 $0x1  }
0x1a: {  	_ =	swait.ge @!p0 [sflag:s26], $0x2800  }
0x1b: {  	[sflag:s26] =	ssyncset.done @!p0 $0x0  }
0x1c: {  	s0 =	sadd.s32 @!p0 $0x3F80, s0;
	[sflag:s26] =	ssyncadd.s32 @!p0 $0xFFFFD800  }
0x1d: {  	[spmem:s3] =	stream.indirect.scatter.add.f32 @!p0 [tilespmem:s29], [sflag:$0x3], $0x80, s0, s28, $0xb8;
	[tilespmem:$0x17880] =	vst v63  }
0x1e: {  	s0 =	simm.s32 @!p0 $0x3  }
0x1f: {  	_ =	swait.ge @!p0 [sflag:s0], $0x2800  }
0x20: {  	[sflag:s0] =	ssyncset.done @!p0 $0x0  }
0x21: {  	s24 =	sadd.s32 $0x1, s24;
	[sflag:s0] =	ssyncadd.s32 @!p0 $0xFFFFD800  }
0x22: {  	p0 =	sne.s32 s24, s14;
	[bflag:$0x0] =	sbarrier.arrive $0xFFFF  }
0x23: {  	[hbm:s13], [sflag:s17] =	dma.local [spmem:s25], $0x1400  }
.Ltmp1:
0x24: {  	_ =	swait.ge [sflag:s16], $0x1400;
	(pc) =	sbr.rel @!p0 .LBB2_10-.Ltmp1, $3  }
0x25: {  	[sflag:s16] =	ssyncset.done $0x0  }
0x26: {  	[sflag:s16] =	ssyncadd.s32 $0xFFFFEC00  }
0x27: {  	[bflag:$0x0] =	sbarrier.arrive $0xFFFF;
	_ =	sdelay $0x1  }
.LBB2_1:
0x28: {  	[tilespmem:s15], [sflag:$0x3] =	stream.linear.gather [hbm4b:s6+s4], $0x80, $0x38;
	[tilespmem:$0x17880] =	vst v63  }
0x29: {  	_ =	swait.ge [sflag:s16], $0x80  }
0x2a: {  	[sflag:s16] =	ssyncset.done $0x0  }
0x2b: {  	[sflag:s16] =	ssyncadd.s32 $0xFFFFFF80  }
0x2c: {  	[tilespmem:s4], [sflag:$0x3] =	stream.linear.gather [hbm4b:s7+s4], $0x3E80, $0x38;
	[tilespmem:$0x17880] =	vst v63  }
0x2d: {  	_ =	swait.ge [sflag:s16], $0x3E80  }
0x2e: {  	[sflag:s16] =	ssyncset.done $0x0  }
0x2f: {  	s25 =	simm.s32 $0x4000;
	[sflag:s16] =	ssyncadd.s32 $0xFFFFC180  }
0x30: {  	[tilespmem:s25], [sflag:$0x3] =	stream.linear.gather [hbm4b:s8+s4], $0x3E80, $0x38;
	[tilespmem:$0x17880] =	vst v63  }
0x31: {  	_ =	swait.ge [sflag:s16], $0x3E80  }
0x32: {  	[sflag:s16] =	ssyncset.done $0x0  }
0x33: {  	[sflag:s16] =	ssyncadd.s32 $0xFFFFC180  }
0x34: {  	[spmem:s18], [sflag:s17] =	dma.local [hbm:s5], $0x1500  }
0x35: {  	_ =	swait.ge [sflag:s16], $0x1500  }
0x36: {  	[sflag:s16] =	ssyncset.done $0x0  }
0x37: {  	[sflag:s16] =	ssyncadd.s32 $0xFFFFEB00  }
0x38: {  	[bflag:$0x0] =	sbarrier.arrive $0xFFFF  }
0x39: {  	v0 =	vld [tilespmem:$0x8000];
	_ =	sdelay $0x4  }
0x3a: {  	v0 =	vxor.u32 $0x80000000, v0  }
0x3b: {  	(xrf0) =	vmax.scan.msk.u32 $0xffff, v0;
	_ =	sdelay $0x5  }
0x3c: {  	v0, _, _ =	vpop (xrf0)  }
0x3d: {  	(v2sf) =	vpush v0, $0xF;
	_ =	sdelay $0xe  }
0x3e: {  	s26 =	spop (v2sf)  }
0x3f: {  	s28 =	sadd.s32 $0x8000004F, s26  }
0x40: {  	s29 =	smulhi.u32 $0x66666667, s28;
	s30 =	sshra.s32 s28, $0x1F  }
0x41: {  	s30 =	smul.u32 $0x66666667, s30;
	_ =	sdelay $0x1  }
0x42: {  	s29 =	sadd.s32 s30, s29  }
0x43: {  	s30 =	sshrl.u32 s29, $0x1F;
	s29 =	sshra.s32 s29, $0x5  }
0x44: {  	s29 =	sadd.s32 s30, s29  }
0x45: {  	s30 =	smul.u32 $0xFFFFFFB0, s29  }
0x46: {  	s26 =	ssub.s32 $0x7FFFFFB1, s26  }
0x47: {  	p0 =	slt.s32 s28, $0x1;
	p1 =	sne.s32 s30, s26  }
0x48: {  	p0 =	por !p0, !p1  }
0x49: {  	s26 =	simm.s32 $0x1;
	p0 =	por !p0, !p0  }
0x4a: {  	s26 =	simm.s32 @!p0 $0x0  }
0x4b: {  	s26 =	ssub.s32 s29, s26  }
0x4c: {  	s28 =	sshrl.u32 s26, $0x1F  }
0x4d: {  	s28 =	sadd.s32 s28, s26  }
0x4e: {  	s31 =	sand.u32 $0xFFFFFFFE, s28  }
0x4f: {  	p5 =	slt.s32 s26, $0x1;
	p6 =	sne.s32 s26, s31  }
0x50: {  	p0 =	por !p5, !p6  }
0x51: {  	s29 =	simm.s32 $0x1;
	p0 =	por !p0, !p0  }
0x52: {  	s28 =	sshra.s32 s28, $0x1;
	s29 =	simm.s32 @!p0 $0x0  }
0x53: {  	s28 =	ssub.s32 s28, s29  }
0x54: {  	p0 =	slt.s32 s28, $0x1  }
.Ltmp2:
0x55: {  	_ = 	snop;
	(pc) =	sbr.rel @p0 .LBB2_5-.Ltmp2, $1  }
0x56: {  	_ =	sdelay $0x3  }
0x57: {  	[tilespmem:s21], [sflag:$0x1] =	stream.indirect.gather [hbm4b:s1+s20], $0x80, s4, s20, $0xb8;
	[tilespmem:$0x17880] =	vst v63  }
0x58: {  	s29 =	sadd.s32 $0x80, s4  }
0x59: {  	[tilespmem:s22], [sflag:$0x2] =	stream.indirect.gather [hbm4b:s1+s20], $0x80, s29, s20, $0xb8;
	[tilespmem:$0x17880] =	vst v63  }
0x5a: {  	_ =	swait.ge [sflag:s19], $0x2800  }
0x5b: {  	[sflag:s19] =	ssyncset.done $0x0  }
0x5c: {  	[sflag:s19] =	ssyncadd.s32 $0xFFFFD800  }
0x5d: {  	[spmem:s3] =	stream.indirect.scatter.add.f32 [tilespmem:s21], [sflag:$0x3], $0x80, s25, s20, $0xb8;
	[tilespmem:$0x17880] =	vst v63  }
0x5e: {  	_ =	swait.ge [sflag:s16], $0x2800  }
0x5f: {  	[sflag:s16] =	ssyncset.done $0x0  }
0x60: {  	[sflag:s16] =	ssyncadd.s32 $0xFFFFD800  }
0x61: {  	p0 =	sne.s32 s28, $0x1;
	_ =	swait.ge [sflag:s23], $0x2800  }
.Ltmp3:
0x62: {  	[sflag:s23] =	ssyncset.done $0x0;
	(pc) =	sbr.rel @!p0 .LBB2_4-.Ltmp3, $4  }
0x63: {  	s29 =	sadd.s32 $0x80, s25;
	[sflag:s23] =	ssyncadd.s32 $0xFFFFD800  }
0x64: {  	[spmem:s3] =	stream.indirect.scatter.add.f32 [tilespmem:s22], [sflag:$0x3], $0x80, s29, s20, $0xb8;
	[tilespmem:$0x17880] =	vst v63  }
0x65: {  	_ =	swait.ge [sflag:s16], $0x2800  }
0x66: {  	s28 =	sadd.s32 $0xFFFFFFFF, s28;
	s29 =	simm.s32 $0x0;
	[sflag:s16] =	ssyncset.done $0x0  }
.LBB2_3:
0x67: {  	[sflag:s16] =	ssyncadd.s32 $0xFFFFD800;
	s29 =	sadd.s32 $0x100, s29;
	s25 =	sadd.s32 $0x100, s25  }
0x68: {  	[tilespmem:s21], [sflag:$0x1] =	stream.indirect.gather [hbm4b:s1+s20], $0x80, s29, s20, $0xb8;
	[tilespmem:$0x17880] =	vst v63  }
0x69: {  	p0 =	sne.s32 s28, $0x1;
	s28 =	sadd.s32 $0xFFFFFFFF, s28;
	s30 =	sadd.s32 $0x80, s29  }
0x6a: {  	[tilespmem:s22], [sflag:$0x2] =	stream.indirect.gather [hbm4b:s1+s20], $0x80, s30, s20, $0xb8;
	[tilespmem:$0x17880] =	vst v63  }
0x6b: {  	_ =	swait.ge [sflag:s19], $0x2800  }
0x6c: {  	[sflag:s19] =	ssyncset.done $0x0  }
0x6d: {  	[sflag:s19] =	ssyncadd.s32 $0xFFFFD800  }
0x6e: {  	[spmem:s3] =	stream.indirect.scatter.add.f32 [tilespmem:s21], [sflag:$0x3], $0x80, s25, s20, $0xb8;
	[tilespmem:$0x17880] =	vst v63  }
0x6f: {  	_ =	swait.ge [sflag:s16], $0x2800  }
0x70: {  	[sflag:s16] =	ssyncset.done $0x0  }
0x71: {  	[sflag:s16] =	ssyncadd.s32 $0xFFFFD800  }
0x72: {  	_ =	swait.ge [sflag:s23], $0x2800  }
.Ltmp4:
0x73: {  	[sflag:s23] =	ssyncset.done $0x0;
	(pc) =	sbr.rel @p0 .LBB2_3-.Ltmp4, $4  }
0x74: {  	s30 =	sadd.s32 $0x80, s25;
	[sflag:s23] =	ssyncadd.s32 $0xFFFFD800  }
0x75: {  	[spmem:s3] =	stream.indirect.scatter.add.f32 [tilespmem:s22], [sflag:$0x3], $0x80, s30, s20, $0xb8;
	[tilespmem:$0x17880] =	vst v63  }
0x76: {  	_ =	swait.ge [sflag:s16], $0x2800  }
0x77: {  	[sflag:s16] =	ssyncset.done $0x0  }
.LBB2_4:
0x78: {  	[sflag:s16] =	ssyncadd.s32 $0xFFFFD800  }
.LBB2_5:
0x79: {  	s25 =	sand.u32 $0x1, s26  }
0x7a: {  	p0 =	seq.s32 s25, $0x0  }
0x7b: {  	s25 =	sshll.u32 @!p0 s26, $0x7  }
0x7c: {  	s28 =	simm.s32 @!p0 $0x50;
	s29 =	simm.s32 @!p0 $0x8080;
	s26 =	sadd.s32 @!p0 $0xFFFFFF80, s25  }
0x7d: {  	[tilespmem:s29], [sflag:$0x1] =	stream.indirect.gather @!p0 [hbm4b:s1+s28], $0x80, s26, s28, $0xb8;
	[tilespmem:$0x17880] =	vst v63  }
0x7e: {  	s26 =	simm.s32 @!p0 $0x1  }
0x7f: {  	_ =	swait.ge @!p0 [sflag:s26], $0x2800  }
0x80: {  	[sflag:s26] =	ssyncset.done @!p0 $0x0  }
0x81: {  	s25 =	sadd.s32 @!p0 $0x3F80, s25;
	[sflag:s26] =	ssyncadd.s32 @!p0 $0xFFFFD800  }
0x82: {  	[spmem:s3] =	stream.indirect.scatter.add.f32 @!p0 [tilespmem:s29], [sflag:$0x3], $0x80, s25, s28, $0xb8;
	[tilespmem:$0x17880] =	vst v63  }
0x83: {  	s25 =	simm.s32 @!p0 $0x3  }
0x84: {  	_ =	swait.ge @!p0 [sflag:s25], $0x2800  }
0x85: {  	[sflag:s25] =	ssyncset.done @!p0 $0x0  }
0x86: {  	[sflag:s25] =	ssyncadd.s32 @!p0 $0xFFFFD800  }
0x87: {  	s25 =	sshrl.u32 s10, $0x3;
	[bflag:$0x0] =	sbarrier.arrive $0xFFFF  }
0x88: {  	[hbm:s9], [sflag:s17] =	dma.local [spmem:s25], $0x1400  }
0x89: {  	_ =	swait.ge [sflag:s16], $0x1400  }
0x8a: {  	[sflag:s16] =	ssyncset.done $0x0  }
0x8b: {  	[sflag:s16] =	ssyncadd.s32 $0xFFFFEC00  }
0x8c: {  	s26 =	simm.s32 $0x0;
	[bflag:$0x0] =	sbarrier.arrive $0xFFFF  }
0x8d: {  	[tilespmem:s26], [sflag:$0x3] =	stream.linear.gather [hbm4b:s11+s26], $0x3E80, $0x38;
	[tilespmem:$0x17880] =	vst v63  }
0x8e: {  	_ =	swait.ge [sflag:s16], $0x3E80  }
0x8f: {  	[sflag:s16] =	ssyncset.done $0x0  }
0x90: {  	s28 =	simm.s32 $0x4000;
	[sflag:s16] =	ssyncadd.s32 $0xFFFFC180  }
0x91: {  	[tilespmem:s28], [sflag:$0x3] =	stream.linear.gather [hbm4b:s12+s26], $0x3E80, $0x38;
	[tilespmem:$0x17880] =	vst v63  }
0x92: {  	_ =	swait.ge [sflag:s16], $0x3E80  }
0x93: {  	[sflag:s16] =	ssyncset.done $0x0  }
0x94: {  	[sflag:s16] =	ssyncadd.s32 $0xFFFFC180  }
0x95: {  	[spmem:s18], [sflag:s17] =	dma.local [hbm:s5], $0x1500  }
0x96: {  	_ =	swait.ge [sflag:s16], $0x1500  }
0x97: {  	[sflag:s16] =	ssyncset.done $0x0  }
0x98: {  	[sflag:s16] =	ssyncadd.s32 $0xFFFFEB00  }
0x99: {  	[bflag:$0x0] =	sbarrier.arrive $0xFFFF  }
0x9a: {  	v0 =	vld [tilespmem:$0x8010];
	_ =	sdelay $0x4  }
0x9b: {  	v0 =	vxor.u32 $0x80000000, v0  }
0x9c: {  	(xrf0) =	vmax.scan.msk.u32 $0xffff, v0;
	_ =	sdelay $0x5  }
0x9d: {  	v0, _, _ =	vpop (xrf0)  }
0x9e: {  	(v2sf) =	vpush v0, $0xF;
	_ =	sdelay $0xe  }
0x9f: {  	s29 =	spop (v2sf)  }
0xa0: {  	s30 =	sadd.s32 $0x8000004F, s29  }
0xa1: {  	s31 =	smulhi.u32 $0x66666667, s30;
	s0 =	sshra.s32 s30, $0x1F  }
0xa2: {  	s0 =	smul.u32 $0x66666667, s0;
	_ =	sdelay $0x1  }
0xa3: {  	s0 =	sadd.s32 s0, s31  }
0xa4: {  	s31 =	sshrl.u32 s0, $0x1F;
	s0 =	sshra.s32 s0, $0x5  }
0xa5: {  	s0 =	sadd.s32 s31, s0  }
0xa6: {  	s31 =	smul.u32 $0xFFFFFFB0, s0  }
0xa7: {  	s29 =	ssub.s32 $0x7FFFFFB1, s29  }
0xa8: {  	p4 =	slt.s32 s30, $0x1;
	p1 =	sne.s32 s31, s29  }
0xa9: {  	p0 =	por !p4, !p1  }
0xaa: {  	s29 =	simm.s32 $0x1;
	p0 =	por !p0, !p0  }
0xab: {  	s29 =	simm.s32 @!p0 $0x0  }
0xac: {  	s29 =	ssub.s32 s0, s29  }
0xad: {  	s0 =	sshrl.u32 s29, $0x1F  }
0xae: {  	s0 =	sadd.s32 s0, s29  }
0xaf: {  	s30 =	sand.u32 $0xFFFFFFFE, s0  }
0xb0: {  	p5 =	slt.s32 s29, $0x1;
	p6 =	sne.s32 s29, s30  }
0xb1: {  	p0 =	por !p5, !p6  }
0xb2: {  	s30 =	simm.s32 $0x1;
	p0 =	por !p0, !p0  }
0xb3: {  	s0 =	sshra.s32 s0, $0x1;
	s30 =	simm.s32 @!p0 $0x0  }
0xb4: {  	s30 =	ssub.s32 s0, s30  }
0xb5: {  	p0 =	slt.s32 s30, $0x1  }
.Ltmp5:
0xb6: {  	_ = 	snop;
	(pc) =	sbr.rel @p0 .LBB2_9-.Ltmp5, $1  }
0xb7: {  	_ =	sdelay $0x3  }
0xb8: {  	[tilespmem:s21], [sflag:$0x1] =	stream.indirect.gather [hbm4b:s1+s20], $0x80, s26, s20, $0xb8;
	[tilespmem:$0x17880] =	vst v63  }
0xb9: {  	s0 =	sadd.s32 $0x80, s26  }
0xba: {  	[tilespmem:s22], [sflag:$0x2] =	stream.indirect.gather [hbm4b:s1+s20], $0x80, s0, s20, $0xb8;
	[tilespmem:$0x17880] =	vst v63  }
0xbb: {  	_ =	swait.ge [sflag:s19], $0x2800  }
0xbc: {  	[sflag:s19] =	ssyncset.done $0x0  }
0xbd: {  	[sflag:s19] =	ssyncadd.s32 $0xFFFFD800  }
0xbe: {  	[spmem:s3] =	stream.indirect.scatter.add.f32 [tilespmem:s21], [sflag:$0x3], $0x80, s28, s20, $0xb8;
	[tilespmem:$0x17880] =	vst v63  }
0xbf: {  	_ =	swait.ge [sflag:s16], $0x2800  }
0xc0: {  	[sflag:s16] =	ssyncset.done $0x0  }
0xc1: {  	[sflag:s16] =	ssyncadd.s32 $0xFFFFD800  }
0xc2: {  	p0 =	sne.s32 s30, $0x1;
	_ =	swait.ge [sflag:s23], $0x2800  }
.Ltmp6:
0xc3: {  	[sflag:s23] =	ssyncset.done $0x0;
	(pc) =	sbr.rel @!p0 .LBB2_8-.Ltmp6, $4  }
0xc4: {  	s31 =	sadd.s32 $0x80, s28;
	[sflag:s23] =	ssyncadd.s32 $0xFFFFD800  }
0xc5: {  	[spmem:s3] =	stream.indirect.scatter.add.f32 [tilespmem:s22], [sflag:$0x3], $0x80, s31, s20, $0xb8;
	[tilespmem:$0x17880] =	vst v63  }
0xc6: {  	_ =	swait.ge [sflag:s16], $0x2800  }
0xc7: {  	s30 =	sadd.s32 $0xFFFFFFFF, s30;
	[sflag:s16] =	ssyncset.done $0x0  }
.LBB2_7:
0xc8: {  	[sflag:s16] =	ssyncadd.s32 $0xFFFFD800;
	s26 =	sadd.s32 $0x100, s26;
	s28 =	sadd.s32 $0x100, s28  }
0xc9: {  	[tilespmem:s21], [sflag:$0x1] =	stream.indirect.gather [hbm4b:s1+s20], $0x80, s26, s20, $0xb8;
	[tilespmem:$0x17880] =	vst v63  }
0xca: {  	p0 =	sne.s32 s30, $0x1;
	s30 =	sadd.s32 $0xFFFFFFFF, s30;
	s0 =	sadd.s32 $0x80, s26  }
0xcb: {  	[tilespmem:s22], [sflag:$0x2] =	stream.indirect.gather [hbm4b:s1+s20], $0x80, s0, s20, $0xb8;
	[tilespmem:$0x17880] =	vst v63  }
0xcc: {  	_ =	swait.ge [sflag:s19], $0x2800  }
0xcd: {  	[sflag:s19] =	ssyncset.done $0x0  }
0xce: {  	[sflag:s19] =	ssyncadd.s32 $0xFFFFD800  }
0xcf: {  	[spmem:s3] =	stream.indirect.scatter.add.f32 [tilespmem:s21], [sflag:$0x3], $0x80, s28, s20, $0xb8;
	[tilespmem:$0x17880] =	vst v63  }
0xd0: {  	_ =	swait.ge [sflag:s16], $0x2800  }
0xd1: {  	[sflag:s16] =	ssyncset.done $0x0  }
0xd2: {  	[sflag:s16] =	ssyncadd.s32 $0xFFFFD800  }
0xd3: {  	_ =	swait.ge [sflag:s23], $0x2800  }
.Ltmp7:
0xd4: {  	[sflag:s23] =	ssyncset.done $0x0;
	(pc) =	sbr.rel @p0 .LBB2_7-.Ltmp7, $4  }
0xd5: {  	s0 =	sadd.s32 $0x80, s28;
	[sflag:s23] =	ssyncadd.s32 $0xFFFFD800  }
0xd6: {  	[spmem:s3] =	stream.indirect.scatter.add.f32 [tilespmem:s22], [sflag:$0x3], $0x80, s0, s20, $0xb8;
	[tilespmem:$0x17880] =	vst v63  }
0xd7: {  	_ =	swait.ge [sflag:s16], $0x2800  }
0xd8: {  	[sflag:s16] =	ssyncset.done $0x0  }
.Ltmp8:
0xd9: {  	_ = 	snop;
	(pc) =	sbr.rel .LBB2_8-.Ltmp8, $1  }
0xda: {  	_ =	sdelay $0x3  }
.LBB2_10:
0xdb: {  	_ =	sfence.sel $0x180000  }
0xdc: {  	[bflag:$0x0] =	sbarrier.arrive $0xFFFF  }
0xdd: {  	_ =	strace $0x9000004D  }
0xde: {  	[bflag:$0x2] =	sbarrier.arrive $0xFFFF  }
0xdf: {  	p0 =	sne.s32 s2, $0x0;
	s0 =	rddreg [dreg:$0x3]  }
0xe0: {  	s0 =	sadd.s32 @!p0 $0x100000, s0  }
0xe1: {  	[sflag:s0] =	ssyncadd.tile.s32 @!p0 $0x1;
	_ =	shalt  }
.Lfunc_end2:
_tile_overlayer_lowered:
.L_overlay_start_2:
0xe2: {  	(tag) =	ssettag $0x2  }
0xe3: {  	s0 =	rddreg [dreg:$0x0];
	s2 =	stileid.u32  }
0xe4: {  	s1 =	rddreg [dreg:$0x1];
	p0 =	sne.s32 s2, $0x0  }
0xe5: {  	s3 =	rddreg [dreg:$0x2];
	[bflag:$0x3] =	sbarrier.arrive $0xFFFF;
	s2 =	simm.s32 @!p0 $0x1C03  }
0xe6: {  	[timem:s3], [sflag:s2] =	dma.local @!p0 [hbm:s0], s1  }
0xe7: {  	s0 =	simm.s32 @!p0 $0x3  }
0xe8: {  	_ =	swait.ge @!p0 [sflag:s0], s1  }
0xe9: {  	s1 =	ssub.s32 @!p0 $0x0, s1;
	[sflag:s0] =	ssyncset.done @!p0 $0x0  }
0xea: {  	[sflag:s0] =	ssyncadd.s32 @!p0 s1  }
0xeb: {  	[bflag:$0x3] =	sbarrier.arrive $0xFFFF  }
0xec: {  	_ =	shalt  }

// kernel: kernel.18.cloned.1.call-start
scs
__scs_entry_jumppad:
0x0: {  	(pc) =	sbr.rel $0x88, $3  }
0x1: {  	(tag) =	ssettag $0x0;
	lr =	simm.s32 $0x1  }
0x2: {  	[smem:$0x3F9B] =	sst lr;
	_ =	strace $0xD0000000  }
0x3: {  	_ = 	snop  }
0x4: {  	_ = 	snop  }
0x5: {  	_ = 	snop  }
0x6: {  	_ = 	snop  }
0x7: {  	_ = 	snop  }
__scs_overlays_trampoline_lowered:
0x8: {  	[smem:$0x3FAA] =	sst s0  }
0x9: {  	[smem:$0x3FAB] =	sst s1  }
0xa: {  	[smem:$0x3FAC] =	sst s2  }
0xb: {  	[smem:$0x3FAD] =	sst s3  }
0xc: {  	[smem:$0x3FAE] =	sst s4  }
0xd: {  	[smem:$0x3FAF] =	sst s5  }
0xe: {  	[smem:$0x3FB0] =	sst s6  }
0xf: {  	[smem:$0x3FB1] =	sst s7  }
0x10: {  	[smem:$0x3FB2] =	sst s8  }
0x11: {  	[smem:$0x3FB3] =	sst s9;
	s0 =	simm.s32 @!p0 $0x0  }
0x12: {  	s1 =	sld [smem:$0x3F99];
	s0 =	simm.s32 @p0 $0x1  }
0x13: {  	[smem:$0x3FB4] =	sst s0;
	s0 =	simm.s32 @!p1 $0x0  }
0x14: {  	s2 =	sld [smem:$0x3F98];
	s0 =	simm.s32 @p1 $0x1  }
0x15: {  	[smem:$0x3FB5] =	sst s0;
	s0 =	simm.s32 @!p2 $0x0  }
0x16: {  	s3 =	sld [smem:$0x3FDB];
	s0 =	simm.s32 @p2 $0x1  }
0x17: {  	s4 =	simm.s32 $0x1BF5;
	[smem:$0x3FB7] =	sst s0  }
0x18: {  	s0 =	sld [smem:$0x3F9A];
	_ =	swait.ge [sflag:s4], $0x0  }
0x19: {  	s7 =	sld [smem:$0x3F9B]  }
0x1a: {  	s8 =	sadd.s32 $0xFFFFE003, lr  }
0x1b: {  	s9 =	sadd.s32 $0xFFFFFEF7, lr;
	s5 =	simm.s32 $0xFFFFFFFF;
	p2 =	slt.u32 s8, $0xFFFFF086  }
0x1c: {  	p1 =	slt.u32 s9, $0xF7A;
	s5 =	simm.s32 @!p2 $0x0  }
0x1d: {  	s5 =	simm.s32 @p1 $0x1;
	p0 =	seq.s32 s7, s2  }
0x1e: {  	s7 =	smul.u32 @!p0 $0xF7A, s2;
	p2 =	seq.s32 @!p0 s5, $0x0  }
0x1f: {  	s9 =	smul.u32 $0xF7A, s1;
	s8 =	simm.s32 @!p0 $0x1BF5;
	p2 =	por !p2, p0  }
0x20: {  	[sflag:s8] =	ssyncset.s32 @!p0 $0xFFFFF086;
	s6 =	sadd.s32 @!p0 s3, s7;
	s7 =	simm.s32 @!p0 $0x108  }
0x21: {  	s3 =	sadd.s32 s3, s9;
	s6 =	sadd.s32 @!p0 $0x88, s6;
	s7 =	simm.s32 @p2 $0x1082  }
0x22: {  	[simem:s7], [sflag:s8] =	dma.local @!p0 [hbm:s6], $0xF7A  }
0x23: {  	s9 =	sor.u32 $0xD0000000, s2;
	s6 =	simm.s32 $0x108;
	_ =	swait.ge @!p0 [sflag:s8], $0x0  }
0x24: {  	s3 =	sadd.s32 $0x88, s3;
	s6 =	simm.s32 @!p1 $0x1082;
	[sflag:s4] =	ssyncset.s32 $0xFFFFF086  }
0x25: {  	[simem:s6], [sflag:s4] =	dma.local [hbm:s3], $0xF7A  }
0x26: {  	[smem:$0x3F9B] =	sst s1;
	(tag) =	ssettag s2;
	_ =	strace s9  }
0x27: {  	s1 =	sld [smem:$0x3FAB]  }
0x28: {  	s2 =	sld [smem:$0x3FAC]  }
0x29: {  	s4 =	sld [smem:$0x3FAE]  }
0x2a: {  	p0 =	seq.s32 s5, $0x0;
	s5 =	sld [smem:$0x3FAF]  }
0x2b: {  	s6 =	sld [smem:$0x3FB0]  }
0x2c: {  	s7 =	sld [smem:$0x3FB1]  }
0x2d: {  	s3 =	simm.s32 $0x108;
	s8 =	sld [smem:$0x3FB2]  }
0x2e: {  	s3 =	simm.s32 @!p0 $0x1082;
	s9 =	sld [smem:$0x3FB3]  }
0x2f: {  	lr =	sadd.s32 s0, s3;
	s0 =	sld [smem:$0x3FAA]  }
0x30: {  	s3 =	sld [smem:$0x3FAD]  }
0x31: {  	[smem:$0x3FB6] =	sst s10  }
0x32: {  	s10 =	sld [smem:$0x3FB4];
	_ =	sdelay $0x3  }
0x33: {  	p0 =	seq.s32 s10, $0x1;
	s10 =	sld [smem:$0x3FB6];
	_ =	sdelay $0x3  }
0x34: {  	[smem:$0x3FB6] =	sst s10  }
0x35: {  	s10 =	sld [smem:$0x3FB5];
	_ =	sdelay $0x3  }
0x36: {  	p1 =	seq.s32 s10, $0x1;
	s10 =	sld [smem:$0x3FB6];
	_ =	sdelay $0x3  }
0x37: {  	[smem:$0x3FB6] =	sst s10  }
0x38: {  	s10 =	sld [smem:$0x3FB7]  }
0x39: {  	_ = 	snop;
	(pc) =	sbr.ind lr, $3  }
0x3a: {  	_ = 	snop  }
0x3b: {  	_ = 	snop  }
0x3c: {  	p2 =	seq.s32 s10, $0x1;
	s10 =	sld [smem:$0x3FB6]  }
0x3d: {  	_ =	shalt  }
0x3e: {  	_ =	shalt  }
0x3f: {  	_ =	shalt  }
0x40: {  	_ =	shalt  }
0x41: {  	_ =	shalt  }
0x42: {  	_ =	shalt  }
0x43: {  	_ =	shalt  }
0x44: {  	_ =	shalt  }
0x45: {  	_ =	shalt  }
0x46: {  	_ =	shalt  }
0x47: {  	_ =	shalt  }
0x48: {  	_ =	shalt  }
0x49: {  	_ =	shalt  }
0x4a: {  	_ =	shalt  }
0x4b: {  	_ =	shalt  }
0x4c: {  	_ =	shalt  }
0x4d: {  	_ =	shalt  }
0x4e: {  	_ =	shalt  }
0x4f: {  	_ =	shalt  }
0x50: {  	_ =	shalt  }
0x51: {  	_ =	shalt  }
0x52: {  	_ =	shalt  }
0x53: {  	_ =	shalt  }
0x54: {  	_ =	shalt  }
0x55: {  	_ =	shalt  }
0x56: {  	_ =	shalt  }
0x57: {  	_ =	shalt  }
0x58: {  	_ =	shalt  }
0x59: {  	_ =	shalt  }
0x5a: {  	_ =	shalt  }
0x5b: {  	_ =	shalt  }
0x5c: {  	_ =	shalt  }
0x5d: {  	_ =	shalt  }
0x5e: {  	_ =	shalt  }
0x5f: {  	_ =	shalt  }
0x60: {  	_ =	shalt  }
0x61: {  	_ =	shalt  }
0x62: {  	_ =	shalt  }
0x63: {  	_ =	shalt  }
0x64: {  	_ =	shalt  }
0x65: {  	_ =	shalt  }
0x66: {  	_ =	shalt  }
0x67: {  	_ =	shalt  }
0x68: {  	_ =	shalt  }
0x69: {  	_ =	shalt  }
0x6a: {  	_ =	shalt  }
0x6b: {  	_ =	shalt  }
0x6c: {  	_ =	shalt  }
0x6d: {  	_ =	shalt  }
0x6e: {  	_ =	shalt  }
0x6f: {  	_ =	shalt  }
0x70: {  	_ =	shalt  }
0x71: {  	_ =	shalt  }
0x72: {  	_ =	shalt  }
0x73: {  	_ =	shalt  }
0x74: {  	_ =	shalt  }
0x75: {  	_ =	shalt  }
0x76: {  	_ =	shalt  }
0x77: {  	_ =	shalt  }
0x78: {  	_ =	shalt  }
0x79: {  	_ =	shalt  }
0x7a: {  	_ =	shalt  }
0x7b: {  	_ =	shalt  }
0x7c: {  	_ =	shalt  }
0x7d: {  	_ =	shalt  }
0x7e: {  	_ =	shalt  }
0x7f: {  	_ =	shalt  }
0x80: {  	_ =	shalt  }
0x81: {  	_ =	shalt  }
0x82: {  	_ =	shalt  }
0x83: {  	_ =	shalt  }
0x84: {  	_ =	shalt  }
0x85: {  	_ =	shalt  }
0x86: {  	_ =	shalt  }
0x87: {  	_ =	shalt  }
.Lfunc_end0:
.L_simem_size_0:
called_computation.3_lowered:
.L_overlay_start_0:
0x88: {  	s2 =	sld [smem:$0x3FD9]  }
0x89: {  	s3 =	sld [smem:$0x3FFE];
	_ =	sdelay $0x1  }
0x8a: {  	s1 =	srdreg.scid  }
0x8b: {  	s0 =	sand.u32 $0x1, s1  }
0x8c: {  	s16 =	sshll.u32 s0, $0xA;
	s2 =	sadd.s32 s3, s2  }
0x8d: {  	s2 =	sadd.s32 s2, s16  }
0x8e: {  	[smem:$0x3FC2] =	sst s2  }
0x8f: {  	_ = 	snop  }
0x90: {  	(tm) =	ssettm $0x1  }
0x91: {  	s17 =	sld [smem:$0x3FFB];
	_ =	sdelay $0x3  }
0x92: {  	_ =	strace s17  }
0x93: {  	s2 =	sld [smem:$0x3FFC];
	_ =	sdelay $0x3  }
0x94: {  	_ =	strace s2  }
0x95: {  	s2 =	sld [smem:$0x3FFD];
	_ =	sdelay $0x3  }
0x96: {  	_ =	strace s2  }
0x97: {  	_ =	strace $0x8FFFFFFF  }
0x98: {  	s18 =	sld [smem:$0x3FDB];
	_ =	sdelay $0x1  }
0x99: {  	s19 =	simm.s32 $_scs_section_size  }
0x9a: {  	s4 =	simm.s32 $_size__tile_overlayer_lowered;
	s5 =	simm.s32 $_tile_overlayer_lowered  }
0x9b: {  	s22 =	simm.s32 $0x1BFF;
	s21 =	sshll.u32 s5, $0x1;
	s2 =	sadd.s32 s19, s18  }
0x9c: {  	s6 =	simm.s32 $0x0;
	s20 =	sshll.u32 s4, $0x1;
	s4 =	sadd.s32 s21, s2  }
0x9d: {  	[timem:s6], [sflag:s22] =	dma.local [hbm:s4], s20  }
0x9e: {  	_ =	swait.ge [sflag:s22], s20  }
0x9f: {  	s3 =	ssub.s32 $0x0, s20;
	[sflag:s22] =	ssyncset.done $0x0  }
0xa0: {  	[sflag:s22] =	ssyncadd.s32 s3;
	_ =	sdelay $0x1  }
0xa1: {  	s23 =	simm.s32 $0x1B8B  }
0xa2: {  	_ =	swait.ge [sflag:s23], $0x1  }
0xa3: {  	[sflag:s23] =	ssyncset.done $0x0  }
0xa4: {  	s25 =	simm.s32 $0x1B8E;
	s24 =	sld [smem:$0x3FFE];
	[sflag:s23] =	ssyncadd.s32 $0xFFFFFFFF  }
0xa5: {  	s26 =	simm.s32 $execute0_lowered;
	[smem:$0x3FD2] =	sst s25  }
0xa6: {  	s4 =	sshll.u32 s26, $0x1;
	_ =	strace $0x8000004F;
	[dreg:$0x1] =	wrdreg $0xFFFFFFFF  }
0xa7: {  	s28 =	simm.s32 $_size_execute0_lowered;
	s2 =	sadd.s32 s2, s4;
	[dreg:$0x0] =	wrdreg $0x0  }
0xa8: {  	s4 =	sshll.u32 s28, $0x1;
	[dreg:$0x2] =	wrdreg s2  }
0xa9: {  	[dreg:$0x3] =	wrdreg s4  }
0xaa: {  	[dreg:$0x4] =	wrdreg $0xC0  }
0xab: {  	_ =	task [dreg:s6], $0x5FFFF  }
0xac: {  	[dreg:$0x1] =	wrdreg $0xFFFFFFFF  }
0xad: {  	[dreg:$0x0] =	wrdreg $0x60  }
0xae: {  	[dreg:$0x2] =	wrdreg s24  }
0xaf: {  	[dreg:$0x3] =	wrdreg $0xD0800  }
0xb0: {  	[dreg:$0x4] =	wrdreg $0x9  }
0xb1: {  	_ =	task.clear_ibuf [dreg:s6], $0x5FFFF;
	_ =	strace $0x9000004F  }
0xb2: {  	s29 =	simm.s32 $0x9;
	_ =	strace $0x80000051  }
0xb3: {  	_ =	swait.ge [sflag:s29], $0x1  }
0xb4: {  	[sflag:s29] =	ssyncadd.s32 $0xFFFFFFFF  }
0xb5: {  	_ =	strace $0x90000051  }
0xb6: {  	_ =	sfence  }
0xb7: {  	s30 =	sld [smem:$0x0];
	_ =	sdelay $0x2  }
0xb8: {  	s31 =	sshll.u32 s1, $0xD;
	s1 =	sshrl.u32 s1, $0x2  }
0xb9: {  	s3 =	sand.u32 $0x4000, s31;
	s1 =	sadd.s32 s1, s30  }
0xba: {  	s0 =	sor.u32 s3, s0;
	s1 =	sshll.u32 s1, $0x11  }
0xbb: {  	s0 =	sor.u32 s1, s0  }
0xbc: {  	s0 =	sadd.s32 $0x8F2B, s0  }
0xbd: {  	[sflag:s0] =	ssyncadd.remote.s32 $0x1  }
0xbe: {  	_ =	sfence.sel $0xFFFF  }
0xbf: {  	[dreg:$0x0] =	wrdreg $0xFFFFFFFF;
	(pc) =	sbr.abs _section_cstart, $3  }
0xc0: {  	[dreg:$0x1] =	wrdreg $0xFFFFFFFF  }
0xc1: {  	_ =	task.clear_ibuf [dreg:s6], $0x2FFFF;
	_ =	strace $0x9FFFFFFF  }
0xc2: {  	(tm) =	ssettm $0x7FFFFFFF  }
0xc3: {  	_ =	shalt  }
tec
execute0_lowered:
.L_overlay_start_1:
0x0: {  	(tag) =	ssettag $0x1  }
0x1: {  	s6 =	rddreg [dreg:$0x0]  }
0x2: {  	s1 =	rddreg [dreg:$0x1]  }
0x3: {  	s2 =	srdreg.scid;
	s3 =	simm.s32 $0x0;
	s15 =	simm.s32 $0x8000  }
0x4: {  	s16 =	simm.s32 $0x3;
	s19 =	simm.s32 $0x1;
	s20 =	simm.s32 $0x50  }
0x5: {  	s21 =	simm.s32 $0x8080;
	s22 =	simm.s32 $0xA880;
	s7 =	sand.u32 $0x1, s2  }
0x6: {  	s23 =	simm.s32 $0x2;
	s2 =	stileid.u32;
	s8 =	smul.u32 $0x140000, s7  }
0x7: {  	s24 =	simm.s32 $0x0;
	[smem:$0x7FF] =	sst s3;
	s10 =	smul.u32 $0xA000, s2  }
0x8: {  	s4 =	sshll.u32 s7, $0x4;
	_ =	strace $0x80000050;
	s28 =	smul.u32 $0x2A000, s2  }
0x9: {  	s7 =	ssub.s32 $0x2, s7;
	s11 =	smul.u32 $0x28000, s2;
	s17 =	sshll.u32 s2, $0x6  }
0xa: {  	s5 =	sor.u32 s2, s4;
	s4 =	sadd.s32 $0x4C000, s6;
	s29 =	sshrl.u32 s7, $0x1  }
0xb: {  	s17 =	sor.u32 $0x1C03, s17;
	s9 =	sshll.u32 s5, $0xB;
	s5 =	sshll.u32 s5, $0x4  }
0xc: {  	s8 =	sadd.s32 s10, s8;
	s14 =	ssub.s32 s7, s29;
	s30 =	sshrl.u32 s28, $0x2  }
0xd: {  	s31 =	sshrl.u32 s11, $0x2;
	s12 =	sadd.s32 s9, s6;
	s26 =	sadd.s32 s5, s6  }
.Ltmp0:
0xe: {  	s5 =	sadd.s32 $0x32A00, s6;
	s8 =	sshrl.u32 s8, $0x3;
	(pc) =	sbr.rel .LBB2_1-.Ltmp0, $4  }
0xf: {  	s18 =	sadd.s32 s30, s1;
	s10 =	sadd.s32 s31, s1;
	s14 =	smax.u32 s14, $0x1  }
0x10: {  	s13 =	sadd.s32 s8, s6;
	s6 =	sadd.s32 $0x3BE00, s26;
	s7 =	sadd.s32 $0x2A00, s12  }
0x11: {  	s8 =	sadd.s32 $0x3C000, s12;
	s11 =	sadd.s32 $0x12A00, s12;
	s12 =	sadd.s32 $0x22A00, s12  }
0x12: {  	s18 =	sshrl.u32 s18, $0x3;
	s9 =	sadd.s32 $0x73200, s13;
	s13 =	sadd.s32 $0x87200, s13  }
.LBB2_8:
0x13: {  	[sflag:s16] =	ssyncadd.s32 $0xFFFFD800  }
.LBB2_9:
0x14: {  	s0 =	sand.u32 $0x1, s29  }
0x15: {  	p0 =	seq.s32 s0, $0x0  }
0x16: {  	s0 =	sshll.u32 @!p0 s29, $0x7  }
0x17: {  	s28 =	simm.s32 @!p0 $0x50;
	s29 =	simm.s32 @!p0 $0x8080;
	s26 =	sadd.s32 @!p0 $0xFFFFFF80, s0  }
0x18: {  	[tilespmem:s29], [sflag:$0x1] =	stream.indirect.gather @!p0 [hbm4b:s4+s28], $0x80, s26, s28, $0xb8;
	[tilespmem:$0x17880] =	vst v63  }
0x19: {  	s26 =	simm.s32 @!p0 $0x1  }
0x1a: {  	_ =	swait.ge @!p0 [sflag:s26], $0x2800  }
0x1b: {  	[sflag:s26] =	ssyncset.done @!p0 $0x0  }
0x1c: {  	s0 =	sadd.s32 @!p0 $0x3F80, s0;
	[sflag:s26] =	ssyncadd.s32 @!p0 $0xFFFFD800  }
0x1d: {  	[spmem:s1] =	stream.indirect.scatter.add.f32 @!p0 [tilespmem:s29], [sflag:$0x3], $0x80, s0, s28, $0xb8;
	[tilespmem:$0x17880] =	vst v63  }
0x1e: {  	s0 =	simm.s32 @!p0 $0x3  }
0x1f: {  	_ =	swait.ge @!p0 [sflag:s0], $0x2800  }
0x20: {  	[sflag:s0] =	ssyncset.done @!p0 $0x0  }
0x21: {  	s24 =	sadd.s32 $0x1, s24;
	[sflag:s0] =	ssyncadd.s32 @!p0 $0xFFFFD800  }
0x22: {  	p0 =	sne.s32 s24, s14;
	[bflag:$0x0] =	sbarrier.arrive $0xFFFF  }
0x23: {  	[hbm:s13], [sflag:s17] =	dma.local [spmem:s25], $0x1400  }
.Ltmp1:
0x24: {  	_ =	swait.ge [sflag:s16], $0x1400;
	(pc) =	sbr.rel @!p0 .LBB2_10-.Ltmp1, $3  }
0x25: {  	[sflag:s16] =	ssyncset.done $0x0  }
0x26: {  	[sflag:s16] =	ssyncadd.s32 $0xFFFFEC00  }
0x27: {  	[bflag:$0x0] =	sbarrier.arrive $0xFFFF;
	_ =	sdelay $0x1  }
.LBB2_1:
0x28: {  	[tilespmem:s15], [sflag:$0x3] =	stream.linear.gather [hbm4b:s6+s3], $0x80, $0x38;
	[tilespmem:$0x17880] =	vst v63  }
0x29: {  	_ =	swait.ge [sflag:s16], $0x80  }
0x2a: {  	[sflag:s16] =	ssyncset.done $0x0  }
0x2b: {  	[sflag:s16] =	ssyncadd.s32 $0xFFFFFF80  }
0x2c: {  	[tilespmem:s3], [sflag:$0x3] =	stream.linear.gather [hbm4b:s7+s3], $0x3E80, $0x38;
	[tilespmem:$0x17880] =	vst v63  }
0x2d: {  	_ =	swait.ge [sflag:s16], $0x3E80  }
0x2e: {  	[sflag:s16] =	ssyncset.done $0x0  }
0x2f: {  	s25 =	simm.s32 $0x4000;
	[sflag:s16] =	ssyncadd.s32 $0xFFFFC180  }
0x30: {  	[tilespmem:s25], [sflag:$0x3] =	stream.linear.gather [hbm4b:s8+s3], $0x3E80, $0x38;
	[tilespmem:$0x17880] =	vst v63  }
0x31: {  	_ =	swait.ge [sflag:s16], $0x3E80  }
0x32: {  	[sflag:s16] =	ssyncset.done $0x0  }
0x33: {  	[sflag:s16] =	ssyncadd.s32 $0xFFFFC180  }
0x34: {  	[spmem:s18], [sflag:s17] =	dma.local [hbm:s5], $0x1500  }
0x35: {  	_ =	swait.ge [sflag:s16], $0x1500  }
0x36: {  	[sflag:s16] =	ssyncset.done $0x0  }
0x37: {  	[sflag:s16] =	ssyncadd.s32 $0xFFFFEB00  }
0x38: {  	[bflag:$0x0] =	sbarrier.arrive $0xFFFF  }
0x39: {  	v0 =	vld [tilespmem:$0x8000];
	_ =	sdelay $0x4  }
0x3a: {  	v0 =	vxor.u32 $0x80000000, v0  }
0x3b: {  	(xrf0) =	vmax.scan.msk.u32 $0xffff, v0;
	_ =	sdelay $0x5  }
0x3c: {  	v0, _, _ =	vpop (xrf0)  }
0x3d: {  	(v2sf) =	vpush v0, $0xF;
	_ =	sdelay $0xe  }
0x3e: {  	s26 =	spop (v2sf)  }
0x3f: {  	s28 =	sadd.s32 $0x8000004F, s26  }
0x40: {  	s29 =	smulhi.u32 $0x66666667, s28;
	s30 =	sshra.s32 s28, $0x1F  }
0x41: {  	s30 =	smul.u32 $0x66666667, s30;
	_ =	sdelay $0x1  }
0x42: {  	s29 =	sadd.s32 s30, s29  }
0x43: {  	s30 =	sshrl.u32 s29, $0x1F;
	s29 =	sshra.s32 s29, $0x5  }
0x44: {  	s29 =	sadd.s32 s30, s29  }
0x45: {  	s30 =	smul.u32 $0xFFFFFFB0, s29  }
0x46: {  	s26 =	ssub.s32 $0x7FFFFFB1, s26  }
0x47: {  	p0 =	slt.s32 s28, $0x1;
	p1 =	sne.s32 s30, s26  }
0x48: {  	p0 =	por !p0, !p1  }
0x49: {  	s26 =	simm.s32 $0x1;
	p0 =	por !p0, !p0  }
0x4a: {  	s26 =	simm.s32 @!p0 $0x0  }
0x4b: {  	s26 =	ssub.s32 s29, s26  }
0x4c: {  	s28 =	sshrl.u32 s26, $0x1F  }
0x4d: {  	s28 =	sadd.s32 s28, s26  }
0x4e: {  	s31 =	sand.u32 $0xFFFFFFFE, s28  }
0x4f: {  	p5 =	slt.s32 s26, $0x1;
	p6 =	sne.s32 s26, s31  }
0x50: {  	p0 =	por !p5, !p6  }
0x51: {  	s29 =	simm.s32 $0x1;
	p0 =	por !p0, !p0  }
0x52: {  	s28 =	sshra.s32 s28, $0x1;
	s29 =	simm.s32 @!p0 $0x0  }
0x53: {  	s28 =	ssub.s32 s28, s29  }
0x54: {  	p0 =	slt.s32 s28, $0x1  }
.Ltmp2:
0x55: {  	_ = 	snop;
	(pc) =	sbr.rel @p0 .LBB2_5-.Ltmp2, $1  }
0x56: {  	_ =	sdelay $0x3  }
0x57: {  	[tilespmem:s21], [sflag:$0x1] =	stream.indirect.gather [hbm4b:s4+s20], $0x80, s3, s20, $0xb8;
	[tilespmem:$0x17880] =	vst v63  }
0x58: {  	s29 =	sadd.s32 $0x80, s3  }
0x59: {  	[tilespmem:s22], [sflag:$0x2] =	stream.indirect.gather [hbm4b:s4+s20], $0x80, s29, s20, $0xb8;
	[tilespmem:$0x17880] =	vst v63  }
0x5a: {  	_ =	swait.ge [sflag:s19], $0x2800  }
0x5b: {  	[sflag:s19] =	ssyncset.done $0x0  }
0x5c: {  	[sflag:s19] =	ssyncadd.s32 $0xFFFFD800  }
0x5d: {  	[spmem:s1] =	stream.indirect.scatter.add.f32 [tilespmem:s21], [sflag:$0x3], $0x80, s25, s20, $0xb8;
	[tilespmem:$0x17880] =	vst v63  }
0x5e: {  	_ =	swait.ge [sflag:s16], $0x2800  }
0x5f: {  	[sflag:s16] =	ssyncset.done $0x0  }
0x60: {  	[sflag:s16] =	ssyncadd.s32 $0xFFFFD800  }
0x61: {  	p0 =	sne.s32 s28, $0x1;
	_ =	swait.ge [sflag:s23], $0x2800  }
.Ltmp3:
0x62: {  	[sflag:s23] =	ssyncset.done $0x0;
	(pc) =	sbr.rel @!p0 .LBB2_4-.Ltmp3, $4  }
0x63: {  	s29 =	sadd.s32 $0x80, s25;
	[sflag:s23] =	ssyncadd.s32 $0xFFFFD800  }
0x64: {  	[spmem:s1] =	stream.indirect.scatter.add.f32 [tilespmem:s22], [sflag:$0x3], $0x80, s29, s20, $0xb8;
	[tilespmem:$0x17880] =	vst v63  }
0x65: {  	_ =	swait.ge [sflag:s16], $0x2800  }
0x66: {  	s28 =	sadd.s32 $0xFFFFFFFF, s28;
	s29 =	simm.s32 $0x0;
	[sflag:s16] =	ssyncset.done $0x0  }
.LBB2_3:
0x67: {  	[sflag:s16] =	ssyncadd.s32 $0xFFFFD800;
	s29 =	sadd.s32 $0x100, s29;
	s25 =	sadd.s32 $0x100, s25  }
0x68: {  	[tilespmem:s21], [sflag:$0x1] =	stream.indirect.gather [hbm4b:s4+s20], $0x80, s29, s20, $0xb8;
	[tilespmem:$0x17880] =	vst v63  }
0x69: {  	p0 =	sne.s32 s28, $0x1;
	s28 =	sadd.s32 $0xFFFFFFFF, s28;
	s30 =	sadd.s32 $0x80, s29  }
0x6a: {  	[tilespmem:s22], [sflag:$0x2] =	stream.indirect.gather [hbm4b:s4+s20], $0x80, s30, s20, $0xb8;
	[tilespmem:$0x17880] =	vst v63  }
0x6b: {  	_ =	swait.ge [sflag:s19], $0x2800  }
0x6c: {  	[sflag:s19] =	ssyncset.done $0x0  }
0x6d: {  	[sflag:s19] =	ssyncadd.s32 $0xFFFFD800  }
0x6e: {  	[spmem:s1] =	stream.indirect.scatter.add.f32 [tilespmem:s21], [sflag:$0x3], $0x80, s25, s20, $0xb8;
	[tilespmem:$0x17880] =	vst v63  }
0x6f: {  	_ =	swait.ge [sflag:s16], $0x2800  }
0x70: {  	[sflag:s16] =	ssyncset.done $0x0  }
0x71: {  	[sflag:s16] =	ssyncadd.s32 $0xFFFFD800  }
0x72: {  	_ =	swait.ge [sflag:s23], $0x2800  }
.Ltmp4:
0x73: {  	[sflag:s23] =	ssyncset.done $0x0;
	(pc) =	sbr.rel @p0 .LBB2_3-.Ltmp4, $4  }
0x74: {  	s30 =	sadd.s32 $0x80, s25;
	[sflag:s23] =	ssyncadd.s32 $0xFFFFD800  }
0x75: {  	[spmem:s1] =	stream.indirect.scatter.add.f32 [tilespmem:s22], [sflag:$0x3], $0x80, s30, s20, $0xb8;
	[tilespmem:$0x17880] =	vst v63  }
0x76: {  	_ =	swait.ge [sflag:s16], $0x2800  }
0x77: {  	[sflag:s16] =	ssyncset.done $0x0  }
.LBB2_4:
0x78: {  	[sflag:s16] =	ssyncadd.s32 $0xFFFFD800  }
.LBB2_5:
0x79: {  	s25 =	sand.u32 $0x1, s26  }
0x7a: {  	p0 =	seq.s32 s25, $0x0  }
0x7b: {  	s25 =	sshll.u32 @!p0 s26, $0x7  }
0x7c: {  	s28 =	simm.s32 @!p0 $0x50;
	s29 =	simm.s32 @!p0 $0x8080;
	s26 =	sadd.s32 @!p0 $0xFFFFFF80, s25  }
0x7d: {  	[tilespmem:s29], [sflag:$0x1] =	stream.indirect.gather @!p0 [hbm4b:s4+s28], $0x80, s26, s28, $0xb8;
	[tilespmem:$0x17880] =	vst v63  }
0x7e: {  	s26 =	simm.s32 @!p0 $0x1  }
0x7f: {  	_ =	swait.ge @!p0 [sflag:s26], $0x2800  }
0x80: {  	[sflag:s26] =	ssyncset.done @!p0 $0x0  }
0x81: {  	s25 =	sadd.s32 @!p0 $0x3F80, s25;
	[sflag:s26] =	ssyncadd.s32 @!p0 $0xFFFFD800  }
0x82: {  	[spmem:s1] =	stream.indirect.scatter.add.f32 @!p0 [tilespmem:s29], [sflag:$0x3], $0x80, s25, s28, $0xb8;
	[tilespmem:$0x17880] =	vst v63  }
0x83: {  	s25 =	simm.s32 @!p0 $0x3  }
0x84: {  	_ =	swait.ge @!p0 [sflag:s25], $0x2800  }
0x85: {  	[sflag:s25] =	ssyncset.done @!p0 $0x0  }
0x86: {  	[sflag:s25] =	ssyncadd.s32 @!p0 $0xFFFFD800  }
0x87: {  	s25 =	sshrl.u32 s10, $0x3;
	[bflag:$0x0] =	sbarrier.arrive $0xFFFF  }
0x88: {  	[hbm:s9], [sflag:s17] =	dma.local [spmem:s25], $0x1400  }
0x89: {  	_ =	swait.ge [sflag:s16], $0x1400  }
0x8a: {  	[sflag:s16] =	ssyncset.done $0x0  }
0x8b: {  	[sflag:s16] =	ssyncadd.s32 $0xFFFFEC00  }
0x8c: {  	s26 =	simm.s32 $0x0;
	[bflag:$0x0] =	sbarrier.arrive $0xFFFF  }
0x8d: {  	[tilespmem:s26], [sflag:$0x3] =	stream.linear.gather [hbm4b:s11+s26], $0x3E80, $0x38;
	[tilespmem:$0x17880] =	vst v63  }
0x8e: {  	_ =	swait.ge [sflag:s16], $0x3E80  }
0x8f: {  	[sflag:s16] =	ssyncset.done $0x0  }
0x90: {  	s28 =	simm.s32 $0x4000;
	[sflag:s16] =	ssyncadd.s32 $0xFFFFC180  }
0x91: {  	[tilespmem:s28], [sflag:$0x3] =	stream.linear.gather [hbm4b:s12+s26], $0x3E80, $0x38;
	[tilespmem:$0x17880] =	vst v63  }
0x92: {  	_ =	swait.ge [sflag:s16], $0x3E80  }
0x93: {  	[sflag:s16] =	ssyncset.done $0x0  }
0x94: {  	[sflag:s16] =	ssyncadd.s32 $0xFFFFC180  }
0x95: {  	[spmem:s18], [sflag:s17] =	dma.local [hbm:s5], $0x1500  }
0x96: {  	_ =	swait.ge [sflag:s16], $0x1500  }
0x97: {  	[sflag:s16] =	ssyncset.done $0x0  }
0x98: {  	[sflag:s16] =	ssyncadd.s32 $0xFFFFEB00  }
0x99: {  	[bflag:$0x0] =	sbarrier.arrive $0xFFFF  }
0x9a: {  	v0 =	vld [tilespmem:$0x8010];
	_ =	sdelay $0x4  }
0x9b: {  	v0 =	vxor.u32 $0x80000000, v0  }
0x9c: {  	(xrf0) =	vmax.scan.msk.u32 $0xffff, v0;
	_ =	sdelay $0x5  }
0x9d: {  	v0, _, _ =	vpop (xrf0)  }
0x9e: {  	(v2sf) =	vpush v0, $0xF;
	_ =	sdelay $0xe  }
0x9f: {  	s29 =	spop (v2sf)  }
0xa0: {  	s30 =	sadd.s32 $0x8000004F, s29  }
0xa1: {  	s31 =	smulhi.u32 $0x66666667, s30;
	s0 =	sshra.s32 s30, $0x1F  }
0xa2: {  	s0 =	smul.u32 $0x66666667, s0;
	_ =	sdelay $0x1  }
0xa3: {  	s0 =	sadd.s32 s0, s31  }
0xa4: {  	s31 =	sshrl.u32 s0, $0x1F;
	s0 =	sshra.s32 s0, $0x5  }
0xa5: {  	s0 =	sadd.s32 s31, s0  }
0xa6: {  	s31 =	smul.u32 $0xFFFFFFB0, s0  }
0xa7: {  	s29 =	ssub.s32 $0x7FFFFFB1, s29  }
0xa8: {  	p4 =	slt.s32 s30, $0x1;
	p1 =	sne.s32 s31, s29  }
0xa9: {  	p0 =	por !p4, !p1  }
0xaa: {  	s29 =	simm.s32 $0x1;
	p0 =	por !p0, !p0  }
0xab: {  	s29 =	simm.s32 @!p0 $0x0  }
0xac: {  	s29 =	ssub.s32 s0, s29  }
0xad: {  	s0 =	sshrl.u32 s29, $0x1F  }
0xae: {  	s0 =	sadd.s32 s0, s29  }
0xaf: {  	s30 =	sand.u32 $0xFFFFFFFE, s0  }
0xb0: {  	p5 =	slt.s32 s29, $0x1;
	p6 =	sne.s32 s29, s30  }
0xb1: {  	p0 =	por !p5, !p6  }
0xb2: {  	s30 =	simm.s32 $0x1;
	p0 =	por !p0, !p0  }
0xb3: {  	s0 =	sshra.s32 s0, $0x1;
	s30 =	simm.s32 @!p0 $0x0  }
0xb4: {  	s30 =	ssub.s32 s0, s30  }
0xb5: {  	p0 =	slt.s32 s30, $0x1  }
.Ltmp5:
0xb6: {  	_ = 	snop;
	(pc) =	sbr.rel @p0 .LBB2_9-.Ltmp5, $1  }
0xb7: {  	_ =	sdelay $0x3  }
0xb8: {  	[tilespmem:s21], [sflag:$0x1] =	stream.indirect.gather [hbm4b:s4+s20], $0x80, s26, s20, $0xb8;
	[tilespmem:$0x17880] =	vst v63  }
0xb9: {  	s0 =	sadd.s32 $0x80, s26  }
0xba: {  	[tilespmem:s22], [sflag:$0x2] =	stream.indirect.gather [hbm4b:s4+s20], $0x80, s0, s20, $0xb8;
	[tilespmem:$0x17880] =	vst v63  }
0xbb: {  	_ =	swait.ge [sflag:s19], $0x2800  }
0xbc: {  	[sflag:s19] =	ssyncset.done $0x0  }
0xbd: {  	[sflag:s19] =	ssyncadd.s32 $0xFFFFD800  }
0xbe: {  	[spmem:s1] =	stream.indirect.scatter.add.f32 [tilespmem:s21], [sflag:$0x3], $0x80, s28, s20, $0xb8;
	[tilespmem:$0x17880] =	vst v63  }
0xbf: {  	_ =	swait.ge [sflag:s16], $0x2800  }
0xc0: {  	[sflag:s16] =	ssyncset.done $0x0  }
0xc1: {  	[sflag:s16] =	ssyncadd.s32 $0xFFFFD800  }
0xc2: {  	p0 =	sne.s32 s30, $0x1;
	_ =	swait.ge [sflag:s23], $0x2800  }
.Ltmp6:
0xc3: {  	[sflag:s23] =	ssyncset.done $0x0;
	(pc) =	sbr.rel @!p0 .LBB2_8-.Ltmp6, $4  }
0xc4: {  	s31 =	sadd.s32 $0x80, s28;
	[sflag:s23] =	ssyncadd.s32 $0xFFFFD800  }
0xc5: {  	[spmem:s1] =	stream.indirect.scatter.add.f32 [tilespmem:s22], [sflag:$0x3], $0x80, s31, s20, $0xb8;
	[tilespmem:$0x17880] =	vst v63  }
0xc6: {  	_ =	swait.ge [sflag:s16], $0x2800  }
0xc7: {  	s30 =	sadd.s32 $0xFFFFFFFF, s30;
	[sflag:s16] =	ssyncset.done $0x0  }
.LBB2_7:
0xc8: {  	[sflag:s16] =	ssyncadd.s32 $0xFFFFD800;
	s26 =	sadd.s32 $0x100, s26;
	s28 =	sadd.s32 $0x100, s28  }
0xc9: {  	[tilespmem:s21], [sflag:$0x1] =	stream.indirect.gather [hbm4b:s4+s20], $0x80, s26, s20, $0xb8;
	[tilespmem:$0x17880] =	vst v63  }
0xca: {  	p0 =	sne.s32 s30, $0x1;
	s30 =	sadd.s32 $0xFFFFFFFF, s30;
	s0 =	sadd.s32 $0x80, s26  }
0xcb: {  	[tilespmem:s22], [sflag:$0x2] =	stream.indirect.gather [hbm4b:s4+s20], $0x80, s0, s20, $0xb8;
	[tilespmem:$0x17880] =	vst v63  }
0xcc: {  	_ =	swait.ge [sflag:s19], $0x2800  }
0xcd: {  	[sflag:s19] =	ssyncset.done $0x0  }
0xce: {  	[sflag:s19] =	ssyncadd.s32 $0xFFFFD800  }
0xcf: {  	[spmem:s1] =	stream.indirect.scatter.add.f32 [tilespmem:s21], [sflag:$0x3], $0x80, s28, s20, $0xb8;
	[tilespmem:$0x17880] =	vst v63  }
0xd0: {  	_ =	swait.ge [sflag:s16], $0x2800  }
0xd1: {  	[sflag:s16] =	ssyncset.done $0x0  }
0xd2: {  	[sflag:s16] =	ssyncadd.s32 $0xFFFFD800  }
0xd3: {  	_ =	swait.ge [sflag:s23], $0x2800  }
.Ltmp7:
0xd4: {  	[sflag:s23] =	ssyncset.done $0x0;
	(pc) =	sbr.rel @p0 .LBB2_7-.Ltmp7, $4  }
0xd5: {  	s0 =	sadd.s32 $0x80, s28;
	[sflag:s23] =	ssyncadd.s32 $0xFFFFD800  }
0xd6: {  	[spmem:s1] =	stream.indirect.scatter.add.f32 [tilespmem:s22], [sflag:$0x3], $0x80, s0, s20, $0xb8;
	[tilespmem:$0x17880] =	vst v63  }
0xd7: {  	_ =	swait.ge [sflag:s16], $0x2800  }
0xd8: {  	[sflag:s16] =	ssyncset.done $0x0  }
.Ltmp8:
0xd9: {  	_ = 	snop;
	(pc) =	sbr.rel .LBB2_8-.Ltmp8, $1  }
0xda: {  	_ =	sdelay $0x3  }
.LBB2_10:
0xdb: {  	_ =	sfence.sel $0x180000  }
0xdc: {  	[bflag:$0x0] =	sbarrier.arrive $0xFFFF  }
0xdd: {  	_ =	strace $0x90000050  }
0xde: {  	[bflag:$0x2] =	sbarrier.arrive $0xFFFF  }
0xdf: {  	p0 =	sne.s32 s2, $0x0;
	s0 =	rddreg [dreg:$0x2]  }
0xe0: {  	s0 =	sadd.s32 @!p0 $0x100000, s0  }
0xe1: {  	[sflag:s0] =	ssyncadd.tile.s32 @!p0 $0x1;
	_ =	shalt  }
.Lfunc_end2:
_tile_overlayer_lowered:
.L_overlay_start_2:
0xe2: {  	(tag) =	ssettag $0x2  }
0xe3: {  	s0 =	rddreg [dreg:$0x0];
	s2 =	stileid.u32  }
0xe4: {  	s1 =	rddreg [dreg:$0x1];
	p0 =	sne.s32 s2, $0x0  }
0xe5: {  	s3 =	rddreg [dreg:$0x2];
	[bflag:$0x3] =	sbarrier.arrive $0xFFFF;
	s2 =	simm.s32 @!p0 $0x1C03  }
0xe6: {  	[timem:s3], [sflag:s2] =	dma.local @!p0 [hbm:s0], s1  }
0xe7: {  	s0 =	simm.s32 @!p0 $0x3  }
0xe8: {  	_ =	swait.ge @!p0 [sflag:s0], s1  }
0xe9: {  	s1 =	ssub.s32 @!p0 $0x0, s1;
	[sflag:s0] =	ssyncset.done @!p0 $0x0  }
0xea: {  	[sflag:s0] =	ssyncadd.s32 @!p0 s1  }
0xeb: {  	[bflag:$0x3] =	sbarrier.arrive $0xFFFF  }
0xec: {  	_ =	shalt  }

// kernel: kernel.9.cloned.1.call-start
scs
__scs_entry_jumppad:
0x0: {  	(pc) =	sbr.rel $0x88, $3  }
0x1: {  	(tag) =	ssettag $0x0;
	lr =	simm.s32 $0x1  }
0x2: {  	[smem:$0x3F9B] =	sst lr;
	_ =	strace $0xD0000000  }
0x3: {  	_ = 	snop  }
0x4: {  	_ = 	snop  }
0x5: {  	_ = 	snop  }
0x6: {  	_ = 	snop  }
0x7: {  	_ = 	snop  }
__scs_overlays_trampoline_lowered:
0x8: {  	[smem:$0x3FAA] =	sst s0  }
0x9: {  	[smem:$0x3FAB] =	sst s1  }
0xa: {  	[smem:$0x3FAC] =	sst s2  }
0xb: {  	[smem:$0x3FAD] =	sst s3  }
0xc: {  	[smem:$0x3FAE] =	sst s4  }
0xd: {  	[smem:$0x3FAF] =	sst s5  }
0xe: {  	[smem:$0x3FB0] =	sst s6  }
0xf: {  	[smem:$0x3FB1] =	sst s7  }
0x10: {  	[smem:$0x3FB2] =	sst s8  }
0x11: {  	[smem:$0x3FB3] =	sst s9;
	s0 =	simm.s32 @!p0 $0x0  }
0x12: {  	s1 =	sld [smem:$0x3F99];
	s0 =	simm.s32 @p0 $0x1  }
0x13: {  	[smem:$0x3FB4] =	sst s0;
	s0 =	simm.s32 @!p1 $0x0  }
0x14: {  	s2 =	sld [smem:$0x3F98];
	s0 =	simm.s32 @p1 $0x1  }
0x15: {  	[smem:$0x3FB5] =	sst s0;
	s0 =	simm.s32 @!p2 $0x0  }
0x16: {  	s3 =	sld [smem:$0x3FDB];
	s0 =	simm.s32 @p2 $0x1  }
0x17: {  	s4 =	simm.s32 $0x1BF5;
	[smem:$0x3FB7] =	sst s0  }
0x18: {  	s0 =	sld [smem:$0x3F9A];
	_ =	swait.ge [sflag:s4], $0x0  }
0x19: {  	s7 =	sld [smem:$0x3F9B]  }
0x1a: {  	s8 =	sadd.s32 $0xFFFFE003, lr  }
0x1b: {  	s9 =	sadd.s32 $0xFFFFFEF7, lr;
	s5 =	simm.s32 $0xFFFFFFFF;
	p2 =	slt.u32 s8, $0xFFFFF086  }
0x1c: {  	p1 =	slt.u32 s9, $0xF7A;
	s5 =	simm.s32 @!p2 $0x0  }
0x1d: {  	s5 =	simm.s32 @p1 $0x1;
	p0 =	seq.s32 s7, s2  }
0x1e: {  	s7 =	smul.u32 @!p0 $0xF7A, s2;
	p2 =	seq.s32 @!p0 s5, $0x0  }
0x1f: {  	s9 =	smul.u32 $0xF7A, s1;
	s8 =	simm.s32 @!p0 $0x1BF5;
	p2 =	por !p2, p0  }
0x20: {  	[sflag:s8] =	ssyncset.s32 @!p0 $0xFFFFF086;
	s6 =	sadd.s32 @!p0 s3, s7;
	s7 =	simm.s32 @!p0 $0x108  }
0x21: {  	s3 =	sadd.s32 s3, s9;
	s6 =	sadd.s32 @!p0 $0x88, s6;
	s7 =	simm.s32 @p2 $0x1082  }
0x22: {  	[simem:s7], [sflag:s8] =	dma.local @!p0 [hbm:s6], $0xF7A  }
0x23: {  	s9 =	sor.u32 $0xD0000000, s2;
	s6 =	simm.s32 $0x108;
	_ =	swait.ge @!p0 [sflag:s8], $0x0  }
0x24: {  	s3 =	sadd.s32 $0x88, s3;
	s6 =	simm.s32 @!p1 $0x1082;
	[sflag:s4] =	ssyncset.s32 $0xFFFFF086  }
0x25: {  	[simem:s6], [sflag:s4] =	dma.local [hbm:s3], $0xF7A  }
0x26: {  	[smem:$0x3F9B] =	sst s1;
	(tag) =	ssettag s2;
	_ =	strace s9  }
0x27: {  	s1 =	sld [smem:$0x3FAB]  }
0x28: {  	s2 =	sld [smem:$0x3FAC]  }
0x29: {  	s4 =	sld [smem:$0x3FAE]  }
0x2a: {  	p0 =	seq.s32 s5, $0x0;
	s5 =	sld [smem:$0x3FAF]  }
0x2b: {  	s6 =	sld [smem:$0x3FB0]  }
0x2c: {  	s7 =	sld [smem:$0x3FB1]  }
0x2d: {  	s3 =	simm.s32 $0x108;
	s8 =	sld [smem:$0x3FB2]  }
0x2e: {  	s3 =	simm.s32 @!p0 $0x1082;
	s9 =	sld [smem:$0x3FB3]  }
0x2f: {  	lr =	sadd.s32 s0, s3;
	s0 =	sld [smem:$0x3FAA]  }
0x30: {  	s3 =	sld [smem:$0x3FAD]  }
0x31: {  	[smem:$0x3FB6] =	sst s10  }
0x32: {  	s10 =	sld [smem:$0x3FB4];
	_ =	sdelay $0x3  }
0x33: {  	p0 =	seq.s32 s10, $0x1;
	s10 =	sld [smem:$0x3FB6];
	_ =	sdelay $0x3  }
0x34: {  	[smem:$0x3FB6] =	sst s10  }
0x35: {  	s10 =	sld [smem:$0x3FB5];
	_ =	sdelay $0x3  }
0x36: {  	p1 =	seq.s32 s10, $0x1;
	s10 =	sld [smem:$0x3FB6];
	_ =	sdelay $0x3  }
0x37: {  	[smem:$0x3FB6] =	sst s10  }
0x38: {  	s10 =	sld [smem:$0x3FB7]  }
0x39: {  	_ = 	snop;
	(pc) =	sbr.ind lr, $3  }
0x3a: {  	_ = 	snop  }
0x3b: {  	_ = 	snop  }
0x3c: {  	p2 =	seq.s32 s10, $0x1;
	s10 =	sld [smem:$0x3FB6]  }
0x3d: {  	_ =	shalt  }
0x3e: {  	_ =	shalt  }
0x3f: {  	_ =	shalt  }
0x40: {  	_ =	shalt  }
0x41: {  	_ =	shalt  }
0x42: {  	_ =	shalt  }
0x43: {  	_ =	shalt  }
0x44: {  	_ =	shalt  }
0x45: {  	_ =	shalt  }
0x46: {  	_ =	shalt  }
0x47: {  	_ =	shalt  }
0x48: {  	_ =	shalt  }
0x49: {  	_ =	shalt  }
0x4a: {  	_ =	shalt  }
0x4b: {  	_ =	shalt  }
0x4c: {  	_ =	shalt  }
0x4d: {  	_ =	shalt  }
0x4e: {  	_ =	shalt  }
0x4f: {  	_ =	shalt  }
0x50: {  	_ =	shalt  }
0x51: {  	_ =	shalt  }
0x52: {  	_ =	shalt  }
0x53: {  	_ =	shalt  }
0x54: {  	_ =	shalt  }
0x55: {  	_ =	shalt  }
0x56: {  	_ =	shalt  }
0x57: {  	_ =	shalt  }
0x58: {  	_ =	shalt  }
0x59: {  	_ =	shalt  }
0x5a: {  	_ =	shalt  }
0x5b: {  	_ =	shalt  }
0x5c: {  	_ =	shalt  }
0x5d: {  	_ =	shalt  }
0x5e: {  	_ =	shalt  }
0x5f: {  	_ =	shalt  }
0x60: {  	_ =	shalt  }
0x61: {  	_ =	shalt  }
0x62: {  	_ =	shalt  }
0x63: {  	_ =	shalt  }
0x64: {  	_ =	shalt  }
0x65: {  	_ =	shalt  }
0x66: {  	_ =	shalt  }
0x67: {  	_ =	shalt  }
0x68: {  	_ =	shalt  }
0x69: {  	_ =	shalt  }
0x6a: {  	_ =	shalt  }
0x6b: {  	_ =	shalt  }
0x6c: {  	_ =	shalt  }
0x6d: {  	_ =	shalt  }
0x6e: {  	_ =	shalt  }
0x6f: {  	_ =	shalt  }
0x70: {  	_ =	shalt  }
0x71: {  	_ =	shalt  }
0x72: {  	_ =	shalt  }
0x73: {  	_ =	shalt  }
0x74: {  	_ =	shalt  }
0x75: {  	_ =	shalt  }
0x76: {  	_ =	shalt  }
0x77: {  	_ =	shalt  }
0x78: {  	_ =	shalt  }
0x79: {  	_ =	shalt  }
0x7a: {  	_ =	shalt  }
0x7b: {  	_ =	shalt  }
0x7c: {  	_ =	shalt  }
0x7d: {  	_ =	shalt  }
0x7e: {  	_ =	shalt  }
0x7f: {  	_ =	shalt  }
0x80: {  	_ =	shalt  }
0x81: {  	_ =	shalt  }
0x82: {  	_ =	shalt  }
0x83: {  	_ =	shalt  }
0x84: {  	_ =	shalt  }
0x85: {  	_ =	shalt  }
0x86: {  	_ =	shalt  }
0x87: {  	_ =	shalt  }
.Lfunc_end0:
.L_simem_size_0:
called_computation_lowered:
.L_overlay_start_0:
0x88: {  	s2 =	sld [smem:$0x3FD9]  }
0x89: {  	s3 =	sld [smem:$0x3FFE];
	_ =	sdelay $0x1  }
0x8a: {  	s1 =	srdreg.scid  }
0x8b: {  	s0 =	sand.u32 $0x1, s1  }
0x8c: {  	s17 =	sshll.u32 s0, $0xA;
	s2 =	sadd.s32 s3, s2  }
0x8d: {  	s2 =	sadd.s32 s2, s17  }
0x8e: {  	[smem:$0x3FC2] =	sst s2  }
0x8f: {  	_ = 	snop  }
0x90: {  	s18 =	sld [smem:$0x3FD0];
	(tm) =	ssettm $0x1  }
0x91: {  	s19 =	sld [smem:$0x3FFB];
	_ =	sdelay $0x3  }
0x92: {  	_ =	strace s19  }
0x93: {  	s2 =	sld [smem:$0x3FFC];
	_ =	sdelay $0x3  }
0x94: {  	_ =	strace s2  }
0x95: {  	s2 =	sld [smem:$0x3FFD];
	_ =	sdelay $0x3  }
0x96: {  	_ =	strace s2  }
0x97: {  	_ =	strace $0x8FFFFFFF  }
0x98: {  	s20 =	sld [smem:$0x3FDB];
	_ =	sdelay $0x1  }
0x99: {  	s4 =	simm.s32 $_scs_section_size  }
0x9a: {  	s5 =	simm.s32 $_size__tile_overlayer_lowered;
	s6 =	simm.s32 $_tile_overlayer_lowered  }
0x9b: {  	s7 =	simm.s32 $0x1BFF;
	s21 =	sshll.u32 s6, $0x1;
	s4 =	sadd.s32 s4, s20  }
0x9c: {  	s22 =	simm.s32 $0x0;
	s5 =	sshll.u32 s5, $0x1;
	s6 =	sadd.s32 s21, s4  }
0x9d: {  	[timem:s22], [sflag:s7] =	dma.local [hbm:s6], s5  }
0x9e: {  	_ =	swait.ge [sflag:s7], s5  }
0x9f: {  	s5 =	ssub.s32 $0x0, s5;
	[sflag:s7] =	ssyncset.done $0x0  }
0xa0: {  	[sflag:s7] =	ssyncadd.s32 s5;
	_ =	sdelay $0x1  }
0xa1: {  	s23 =	simm.s32 $0x1B8B  }
0xa2: {  	_ =	swait.ge [sflag:s23], $0x1  }
0xa3: {  	[sflag:s23] =	ssyncset.done $0x0  }
0xa4: {  	[sflag:s23] =	ssyncadd.s32 $0xFFFFFFFF  }
0xa5: {  	s5 =	sld [smem:$0x0]  }
0xa6: {  	s6 =	sand.u32 $0xFFFFFFFE, s1  }
0xa7: {  	p0 =	sne.s32 s1, s6  }
0xa8: {  	s6 =	sshll.u32 @p0 s6, $0xE  }
0xa9: {  	s6 =	sadd.s32 @p0 $0x11B8D, s6;
	s7 =	sshll.u32 @p0 s5, $0x11  }
0xaa: {  	s6 =	sor.u32 @p0 s7, s6  }
0xab: {  	[sflag:s6] =	ssyncadd.remote.s32 @p0 $0x1;
	_ =	sdelay $0x1  }
0xac: {  	s6 =	simm.s32 @p0 $0x1B8D  }
0xad: {  	_ =	swait.eq @p0 [sflag:s6], $0x1  }
0xae: {  	[sflag:s6] =	ssyncadd.s32 @p0 $0xFFFFFFFF  }
0xaf: {  	s7 =	sshll.u32 @!p0 s1, $0xE  }
0xb0: {  	s7 =	sor.u32 @!p0 $0x4000, s7;
	s6 =	simm.s32 @!p0 $0x1B8D  }
0xb1: {  	s5 =	sshll.u32 @!p0 s5, $0x11;
	s7 =	sadd.s32 @!p0 $0x11B8D, s7;
	_ =	swait.eq @!p0 [sflag:s6], $0x1  }
0xb2: {  	s5 =	sor.u32 @!p0 s5, s7;
	[sflag:s6] =	ssyncadd.s32 @!p0 $0xFFFFFFFF  }
0xb3: {  	s25 =	simm.s32 $0x1B8E;
	s24 =	sld [smem:$0x3FFE];
	[sflag:s5] =	ssyncadd.remote.s32 @!p0 $0x1  }
0xb4: {  	s26 =	simm.s32 $execute0_lowered;
	[smem:$0x3FD2] =	sst s25  }
0xb5: {  	s6 =	sshll.u32 s26, $0x1;
	_ =	strace $0x80000049;
	[dreg:$0x1] =	wrdreg $0xFFFFFFFF  }
0xb6: {  	s28 =	simm.s32 $_size_execute0_lowered;
	s4 =	sadd.s32 s4, s6;
	[dreg:$0x0] =	wrdreg $0x0  }
0xb7: {  	s6 =	sshll.u32 s28, $0x1;
	[dreg:$0x2] =	wrdreg s4  }
0xb8: {  	[dreg:$0x3] =	wrdreg s6  }
0xb9: {  	[dreg:$0x4] =	wrdreg $0xC0  }
0xba: {  	_ =	task [dreg:s22], $0x5FFFF  }
0xbb: {  	[dreg:$0x1] =	wrdreg $0xFFFFFFFF  }
0xbc: {  	[dreg:$0x0] =	wrdreg $0x60  }
0xbd: {  	[dreg:$0x2] =	wrdreg s24  }
0xbe: {  	[dreg:$0x3] =	wrdreg s18  }
0xbf: {  	[dreg:$0x4] =	wrdreg $0x9  }
0xc0: {  	_ =	task.clear_ibuf [dreg:s22], $0x5FFFF;
	_ =	strace $0x90000049  }
0xc1: {  	s29 =	simm.s32 $0x9;
	_ =	strace $0x8000004B  }
0xc2: {  	_ =	swait.ge [sflag:s29], $0x1  }
0xc3: {  	[sflag:s29] =	ssyncadd.s32 $0xFFFFFFFF  }
0xc4: {  	_ =	strace $0x9000004B  }
0xc5: {  	_ =	sfence  }
0xc6: {  	s30 =	sld [smem:$0x0];
	_ =	sdelay $0x2  }
0xc7: {  	s31 =	sshll.u32 s1, $0xD;
	s1 =	sshrl.u32 s1, $0x2  }
0xc8: {  	s4 =	sand.u32 $0x4000, s31;
	s1 =	sadd.s32 s1, s30  }
0xc9: {  	s0 =	sor.u32 s4, s0;
	s1 =	sshll.u32 s1, $0x11  }
0xca: {  	s0 =	sor.u32 s1, s0  }
0xcb: {  	s0 =	sadd.s32 $0x8F2B, s0  }
0xcc: {  	[sflag:s0] =	ssyncadd.remote.s32 $0x1  }
0xcd: {  	_ =	sfence.sel $0xFFFF  }
0xce: {  	[dreg:$0x0] =	wrdreg $0xFFFFFFFF;
	(pc) =	sbr.abs _section_cstart, $3  }
0xcf: {  	[dreg:$0x1] =	wrdreg $0xFFFFFFFF  }
0xd0: {  	_ =	task.clear_ibuf [dreg:s22], $0x2FFFF;
	_ =	strace $0x9FFFFFFF  }
0xd1: {  	(tm) =	ssettm $0x7FFFFFFF  }
tec
execute0_lowered:
.L_overlay_start_1:
0x0: {  	(tag) =	ssettag $0x1  }
0x1: {  	s5 =	rddreg [dreg:$0x0]  }
0x2: {  	s6 =	rddreg [dreg:$0x1];
	s1 =	srdreg.scid  }
0x3: {  	s0 =	rddreg [dreg:$0x2];
	s2 =	simm.s32 $0x0;
	s14 =	simm.s32 $0x4000  }
0x4: {  	s15 =	simm.s32 $0x8000;
	s16 =	simm.s32 $0xCF00;
	s17 =	simm.s32 $0xA780  }
0x5: {  	s18 =	simm.s32 $0xF680;
	s19 =	simm.s32 $0x80;
	s20 =	simm.s32 $0x400  }
0x6: {  	s21 =	simm.s32 $0x11E00;
	s22 =	simm.s32 $0x0;
	s7 =	sand.u32 $0x1, s1  }
0x7: {  	s1 =	stileid.u32;
	[smem:$0x7FF] =	sst s2;
	s3 =	sshll.u32 s7, $0x4  }
0x8: {  	_ =	strace $0x8000004A;
	s4 =	sshll.u32 s1, $0x7;
	s8 =	sor.u32 s1, s3  }
0x9: {  	s7 =	ssub.s32 $0x2, s7;
	s12 =	sand.u32 $0x380, s4;
	s3 =	sshrl.u32 s8, $0x3  }
0xa: {  	s4 =	sadd.s32 $0x13A00, s5;
	s9 =	sshll.u32 s8, $0xB;
	s10 =	smul.u32 $0x13C00, s3  }
0xb: {  	s31 =	sshrl.u32 s7, $0x1;
	s8 =	sshll.u32 s8, $0x4;
	s11 =	sadd.s32 s9, s5  }
0xc: {  	s3 =	sadd.s32 $0x14000, s5;
	s13 =	sadd.s32 s8, s5;
	s10 =	sor.u32 s12, s10  }
0xd: {  	s6 =	sadd.s32 s6, s9;
	s12 =	ssub.s32 s7, s31;
	s10 =	sshrl.u32 s10, $0x3  }
0xe: {  	s12 =	smax.u32 s12, $0x1;
	s10 =	sadd.s32 s10, s5;
	s5 =	sadd.s32 $0x3A00, s11  }
0xf: {  	s11 =	sadd.s32 $0x3BE00, s13;
	s13 =	simm.s32 $0x1;
	s7 =	sadd.s32 $0x14600, s10  }
0x10: {  	v0 =	vimm.s32 $0x0;
	s8 =	sadd.s32 $0x1E400, s10;
	s9 =	sadd.s32 $0x28200, s10;
	s10 =	sadd.s32 $0x32000, s10  }
.LBB2_1:
0x11: {  	[tilespmem:s2], [sflag:$0x1] =	stream.linear.gather [hbm4b:s5+s2], $0x3E80, $0x38;
	[tilespmem:$0x11E80] =	vst v63  }
0x12: {  	_ =	swait.ge [sflag:s13], $0x3E80  }
0x13: {  	[sflag:s13] =	ssyncset.done $0x0  }
0x14: {  	[sflag:s13] =	ssyncadd.s32 $0xFFFFC180  }
0x15: {  	[tilespmem:s14], [sflag:$0x1] =	stream.linear.gather [hbm4b:s6+s2], $0x3E80, $0x38;
	[tilespmem:$0x11E80] =	vst v63  }
0x16: {  	_ =	swait.ge [sflag:s13], $0x3E80  }
0x17: {  	[sflag:s13] =	ssyncset.done $0x0  }
0x18: {  	[sflag:s13] =	ssyncadd.s32 $0xFFFFC180  }
0x19: {  	[tilespmem:s15], [sflag:$0x1] =	stream.linear.gather [hbm4b:s3+s2], $0x2780, $0x38;
	[tilespmem:$0x11E80] =	vst v63  }
0x1a: {  	_ =	swait.ge [sflag:s13], $0x2780  }
0x1b: {  	[sflag:s13] =	ssyncset.done $0x0  }
0x1c: {  	[sflag:s13] =	ssyncadd.s32 $0xFFFFD880  }
0x1d: {  	[tilespmem:s16], [sflag:$0x1] =	stream.linear.gather [hbm4b:s3+s2], $0x2780, $0x38;
	[tilespmem:$0x11E80] =	vst v63  }
0x1e: {  	_ =	swait.ge [sflag:s13], $0x2780  }
0x1f: {  	[sflag:s13] =	ssyncset.done $0x0  }
0x20: {  	[sflag:s13] =	ssyncadd.s32 $0xFFFFD880  }
0x21: {  	[tilespmem:s17], [sflag:$0x1] =	stream.linear.gather [hbm4b:s4+s2], $0x2780, $0x38;
	[tilespmem:$0x11E80] =	vst v63  }
0x22: {  	_ =	swait.ge [sflag:s13], $0x2780  }
0x23: {  	[sflag:s13] =	ssyncset.done $0x0  }
0x24: {  	[sflag:s13] =	ssyncadd.s32 $0xFFFFD880  }
0x25: {  	[tilespmem:s18], [sflag:$0x1] =	stream.linear.gather [hbm4b:s4+s2], $0x2780, $0x38;
	[tilespmem:$0x11E80] =	vst v63  }
0x26: {  	_ =	swait.ge [sflag:s13], $0x2780  }
0x27: {  	[sflag:s13] =	ssyncset.done $0x0  }
0x28: {  	s23 =	simm.s32 $0x0;
	v1 =	vimm.s32 $0x0;
	v2 =	vimm.s32 $0x0;
	[sflag:s13] =	ssyncadd.s32 $0xFFFFD880  }
.LBB2_2:
0x29: {  	s24 =	sshra.s32 s23, $0x2  }
0x2a: {  	v3 =	vld [tilespmem:s24+$0x4000];
	_ =	sdelay $0x4  }
0x2b: {  	vm0 =	vlt.s32 v3, $0x1400  }
0x2c: {  	v4 =	vsel vm0, $0x1, v0  }
0x2d: {  	vm1 =	vge.s32 v3, $0x1400;
	(xrf0) =	vadd.scan.msk.s32 $0xffff, v4  }
0x2e: {  	v33 =	vsel vm1, $0x1, v0  }
0x2f: {  	(xrf0) =	vadd.scan.msk.s32 $0xffff, v33;
	_ =	sdelay $0x3  }
0x30: {  	v34, _, _ =	vpop (xrf0)  }
0x31: {  	v4 =	vadd.s32 v34, v2  }
0x32: {  	v5 =	vld [tilespmem:s24+$0x0];
	v6, _, _ =	vpop (xrf0);
	v4 =	vadd.s32 $0xFFFFFFFF, v4  }
0x33: {  	v6 =	vadd.s32 v6, v1  }
0x34: {  	v6 =	vadd.s32 $0xFFFFFFFF, v6;
	_ =	sdelay $0x2  }
0x35: {  	[tilespmem:v4+s15+$0x0] =	vst.idx.msk vm0, v5  }
0x36: {  	[tilespmem:v4+s17+$0x0] =	vst.idx.msk vm0, v3  }
0x37: {  	v3 =	vadd.s32 $0xFFFFEC00, v3;
	[tilespmem:v6+s16+$0x0] =	vst.idx.msk vm1, v5  }
0x38: {  	[tilespmem:v6+s18+$0x0] =	vst.idx.msk vm1, v3  }
0x39: {  	v3 =	vld [tilespmem:s24+$0x4010];
	_ =	sdelay $0x4  }
0x3a: {  	vm2 =	vlt.s32 v3, $0x1400  }
0x3b: {  	v35 =	vsel vm2, $0x1, v0  }
0x3c: {  	vm3 =	vge.s32 v3, $0x1400;
	(xrf0) =	vadd.scan.msk.s32 $0xffff, v35  }
0x3d: {  	v36 =	vsel vm3, $0x1, v0  }
0x3e: {  	(xrf0) =	vadd.scan.msk.s32 $0xffff, v36;
	_ =	sdelay $0x1  }
0x3f: {  	v37 =	vmpcnt.ones.xlane vm0;
	_ =	sdelay $0x1  }
0x40: {  	v38 =	vmpcnt.ones.xlane vm1;
	v2 =	vadd.s32 v2, v37;
	v39, _, _ =	vpop (xrf0)  }
0x41: {  	v5 =	vadd.s32 v39, v2  }
0x42: {  	v1 =	vadd.s32 v1, v38;
	v40 =	vld [tilespmem:s24+$0x10];
	v41, _, _ =	vpop (xrf0);
	v5 =	vadd.s32 $0xFFFFFFFF, v5  }
0x43: {  	v6 =	vadd.s32 v41, v1  }
0x44: {  	v6 =	vadd.s32 $0xFFFFFFFF, v6;
	_ =	sdelay $0x2  }
0x45: {  	[tilespmem:v5+s15+$0x0] =	vst.idx.msk vm2, v40  }
0x46: {  	[tilespmem:v5+s17+$0x0] =	vst.idx.msk vm2, v3  }
0x47: {  	v3 =	vadd.s32 $0xFFFFEC00, v3;
	[tilespmem:v6+s16+$0x0] =	vst.idx.msk vm3, v40  }
0x48: {  	[tilespmem:v6+s18+$0x0] =	vst.idx.msk vm3, v3  }
0x49: {  	v3 =	vld [tilespmem:s24+$0x4020];
	_ =	sdelay $0x4  }
0x4a: {  	vm10 =	vlt.s32 v3, $0x1400  }
0x4b: {  	v42 =	vsel vm10, $0x1, v0  }
0x4c: {  	vm11 =	vge.s32 v3, $0x1400;
	(xrf0) =	vadd.scan.msk.s32 $0xffff, v42  }
0x4d: {  	v43 =	vsel vm11, $0x1, v0  }
0x4e: {  	(xrf0) =	vadd.scan.msk.s32 $0xffff, v43;
	_ =	sdelay $0x1  }
0x4f: {  	v44 =	vmpcnt.ones.xlane vm2;
	_ =	sdelay $0x1  }
0x50: {  	v45 =	vmpcnt.ones.xlane vm3;
	v2 =	vadd.s32 v2, v44;
	v46, _, _ =	vpop (xrf0)  }
0x51: {  	v5 =	vadd.s32 v46, v2  }
0x52: {  	v1 =	vadd.s32 v1, v45;
	v47 =	vld [tilespmem:s24+$0x20];
	v48, _, _ =	vpop (xrf0);
	v5 =	vadd.s32 $0xFFFFFFFF, v5  }
0x53: {  	v6 =	vadd.s32 v48, v1  }
0x54: {  	v6 =	vadd.s32 $0xFFFFFFFF, v6;
	_ =	sdelay $0x2  }
0x55: {  	[tilespmem:v5+s15+$0x0] =	vst.idx.msk vm10, v47  }
0x56: {  	[tilespmem:v5+s17+$0x0] =	vst.idx.msk vm10, v3  }
0x57: {  	v3 =	vadd.s32 $0xFFFFEC00, v3;
	[tilespmem:v6+s16+$0x0] =	vst.idx.msk vm11, v47  }
0x58: {  	[tilespmem:v6+s18+$0x0] =	vst.idx.msk vm11, v3  }
0x59: {  	v3 =	vld [tilespmem:s24+$0x4030];
	_ =	sdelay $0x4  }
0x5a: {  	vm12 =	vlt.s32 v3, $0x1400  }
0x5b: {  	v49 =	vsel vm12, $0x1, v0  }
0x5c: {  	vm13 =	vge.s32 v3, $0x1400;
	(xrf0) =	vadd.scan.msk.s32 $0xffff, v49  }
0x5d: {  	v50 =	vsel vm13, $0x1, v0  }
0x5e: {  	(xrf0) =	vadd.scan.msk.s32 $0xffff, v50;
	_ =	sdelay $0x1  }
0x5f: {  	v51 =	vmpcnt.ones.xlane vm10;
	_ =	sdelay $0x1  }
0x60: {  	v52 =	vmpcnt.ones.xlane vm11;
	v2 =	vadd.s32 v2, v51;
	v53, _, _ =	vpop (xrf0)  }
0x61: {  	v5 =	vadd.s32 v53, v2  }
0x62: {  	v1 =	vadd.s32 v1, v52;
	v54 =	vld [tilespmem:s24+$0x30];
	v55, _, _ =	vpop (xrf0);
	v5 =	vadd.s32 $0xFFFFFFFF, v5  }
0x63: {  	v6 =	vadd.s32 v55, v1  }
0x64: {  	v6 =	vadd.s32 $0xFFFFFFFF, v6;
	_ =	sdelay $0x2  }
0x65: {  	[tilespmem:v5+s15+$0x0] =	vst.idx.msk vm12, v54  }
0x66: {  	[tilespmem:v5+s17+$0x0] =	vst.idx.msk vm12, v3  }
0x67: {  	v3 =	vadd.s32 $0xFFFFEC00, v3;
	[tilespmem:v6+s16+$0x0] =	vst.idx.msk vm13, v54  }
0x68: {  	[tilespmem:v6+s18+$0x0] =	vst.idx.msk vm13, v3  }
0x69: {  	v3 =	vld [tilespmem:s24+$0x4040];
	_ =	sdelay $0x4  }
0x6a: {  	vm14 =	vlt.s32 v3, $0x1400  }
0x6b: {  	v56 =	vsel vm14, $0x1, v0  }
0x6c: {  	vm15 =	vge.s32 v3, $0x1400;
	(xrf0) =	vadd.scan.msk.s32 $0xffff, v56  }
0x6d: {  	v57 =	vsel vm15, $0x1, v0  }
0x6e: {  	(xrf0) =	vadd.scan.msk.s32 $0xffff, v57;
	_ =	sdelay $0x1  }
0x6f: {  	v58 =	vmpcnt.ones.xlane vm12;
	_ =	sdelay $0x1  }
0x70: {  	v60 =	vmpcnt.ones.xlane vm13;
	v2 =	vadd.s32 v2, v58;
	v59, _, _ =	vpop (xrf0)  }
0x71: {  	v4 =	vadd.s32 v59, v2  }
0x72: {  	v1 =	vadd.s32 v1, v60;
	v61 =	vld [tilespmem:s24+$0x40];
	v62, _, _ =	vpop (xrf0);
	v4 =	vadd.s32 $0xFFFFFFFF, v4  }
0x73: {  	v6 =	vadd.s32 v62, v1  }
0x74: {  	v6 =	vadd.s32 $0xFFFFFFFF, v6  }
0x75: {  	p0 =	sne.s32 s23, $0xF800  }
.Ltmp0:
0x76: {  	_ = 	snop;
	(pc) =	sbr.rel @p0 .LBB2_2-.Ltmp0, $4  }
0x77: {  	[tilespmem:v4+s15+$0x0] =	vst.idx.msk vm14, v61  }
0x78: {  	v63 =	vmpcnt.ones.xlane vm14;
	v7 =	vmpcnt.ones.xlane vm15;
	[tilespmem:v4+s17+$0x0] =	vst.idx.msk vm14, v3  }
0x79: {  	v3 =	vadd.s32 $0xFFFFEC00, v3;
	[tilespmem:v6+s16+$0x0] =	vst.idx.msk vm15, v61  }
0x7a: {  	s23 =	sadd.s32 $0x200, s23;
	v2 =	vadd.s32 v2, v63;
	v1 =	vadd.s32 v1, v7;
	[tilespmem:v6+s18+$0x0] =	vst.idx.msk vm15, v3  }
0x7b: {  	[tilespmem:$0x11E00] =	vst v2  }
0x7c: {  	[tilespmem:$0x11E10] =	vst v1  }
0x7d: {  	[tilespmem:$0x11E20] =	vst v0  }
0x7e: {  	[tilespmem:$0x11E30] =	vst v0  }
0x7f: {  	[tilespmem:$0x11E40] =	vst v0  }
0x80: {  	[tilespmem:$0x11E50] =	vst v0  }
0x81: {  	[tilespmem:$0x11E60] =	vst v0  }
0x82: {  	[tilespmem:$0x11E70] =	vst v0  }
0x83: {  	[hbm4b:s7+s19] =	stream.strided.scatter [tilespmem:s15], [sflag:$0x1], $0x2780, s20, s19, $0x38;
	[tilespmem:$0x11E80] =	vst v63  }
0x84: {  	_ =	swait.ge [sflag:s13], $0x2780  }
0x85: {  	[sflag:s13] =	ssyncset.done $0x0  }
0x86: {  	[sflag:s13] =	ssyncadd.s32 $0xFFFFD880  }
0x87: {  	[hbm4b:s8+s19] =	stream.strided.scatter [tilespmem:s17], [sflag:$0x1], $0x2780, s20, s19, $0x38;
	[tilespmem:$0x11E80] =	vst v63  }
0x88: {  	_ =	swait.ge [sflag:s13], $0x2780  }
0x89: {  	[sflag:s13] =	ssyncset.done $0x0  }
0x8a: {  	[sflag:s13] =	ssyncadd.s32 $0xFFFFD880  }
0x8b: {  	[hbm4b:s9+s19] =	stream.strided.scatter [tilespmem:s16], [sflag:$0x1], $0x2780, s20, s19, $0x38;
	[tilespmem:$0x11E80] =	vst v63  }
0x8c: {  	_ =	swait.ge [sflag:s13], $0x2780  }
0x8d: {  	[sflag:s13] =	ssyncset.done $0x0  }
0x8e: {  	[sflag:s13] =	ssyncadd.s32 $0xFFFFD880  }
0x8f: {  	[hbm4b:s10+s19] =	stream.strided.scatter [tilespmem:s18], [sflag:$0x1], $0x2780, s20, s19, $0x38;
	[tilespmem:$0x11E80] =	vst v63  }
0x90: {  	s22 =	sadd.s32 $0x1, s22;
	_ =	swait.ge [sflag:s13], $0x2780  }
0x91: {  	p0 =	sne.s32 s22, s12;
	[sflag:s13] =	ssyncset.done $0x0  }
.Ltmp1:
0x92: {  	[sflag:s13] =	ssyncadd.s32 $0xFFFFD880;
	(pc) =	sbr.rel @p0 .LBB2_1-.Ltmp1, $4  }
0x93: {  	[hbm4b:s11+s2] =	stream.linear.scatter [tilespmem:s21], [sflag:$0x1], $0x80, $0x38;
	[tilespmem:$0x11E80] =	vst v63  }
0x94: {  	_ =	swait.ge [sflag:s13], $0x80  }
0x95: {  	[sflag:s13] =	ssyncset.done $0x0  }
0x96: {  	[sflag:s13] =	ssyncadd.s32 $0xFFFFFF80  }
0x97: {  	_ =	sfence.sel $0x180000  }
0x98: {  	[bflag:$0x0] =	sbarrier.arrive $0xFFFF  }
0x99: {  	p0 =	sne.s32 s1, $0x0;
	_ =	strace $0x9000004A  }
0x9a: {  	s0 =	sadd.s32 @!p0 $0x100000, s0;
	[bflag:$0x2] =	sbarrier.arrive $0xFFFF  }
0x9b: {  	[sflag:s0] =	ssyncadd.tile.s32 @!p0 $0x1;
	_ =	shalt  }
.Lfunc_end2:
_tile_overlayer_lowered:
.L_overlay_start_2:
0x9c: {  	(tag) =	ssettag $0x2  }
0x9d: {  	s0 =	rddreg [dreg:$0x0];
	s2 =	stileid.u32  }
0x9e: {  	s1 =	rddreg [dreg:$0x1];
	p0 =	sne.s32 s2, $0x0  }
0x9f: {  	s3 =	rddreg [dreg:$0x2];
	[bflag:$0x3] =	sbarrier.arrive $0xFFFF;
	s2 =	simm.s32 @!p0 $0x1C01  }
0xa0: {  	[timem:s3], [sflag:s2] =	dma.local @!p0 [hbm:s0], s1  }
0xa1: {  	s0 =	simm.s32 @!p0 $0x1  }
0xa2: {  	_ =	swait.ge @!p0 [sflag:s0], s1  }
0xa3: {  	s1 =	ssub.s32 @!p0 $0x0, s1;
	[sflag:s0] =	ssyncset.done @!p0 $0x0  }
0xa4: {  	[sflag:s0] =	ssyncadd.s32 @!p0 s1  }
0xa5: {  	[bflag:$0x3] =	sbarrier.arrive $0xFFFF  }
0xa6: {  	_ =	shalt  }

</sc_bundles>
